<compile_context>
chip_gen: v7x
topology: tpu7x:2x2x1
jax: 0.10.2.dev20260603
libtpu: 0.0.44.dev20260713+nightly
codegen_flags: <defaults>
</compile_context>

<pallas_src>
import jax
import jax.numpy as jnp
from jax import lax
from jax.experimental import pallas as pl
from jax.experimental.pallas import tpu as pltpu
from jax.experimental.pallas import tpu_sc as plsc

_B = 4096
_F = 26
_V = 100000
_E = 32
_DENSE = 64
_OUT = _F * _E + _DENSE

_FH = _F // 2
_NC = 2
_NS = 16
_NW = _NC * _NS
_ITEMS = _B * _FH
_IPW = _ITEMS // _NW
_CHUNK_ITEMS = 416
_NCHUNK = _IPW // _CHUNK_ITEMS
_STREAM_IDX = 128
_NSTREAM = _CHUNK_ITEMS * _E // _STREAM_IDX
_LANES = 16


def _sc_gather_body(idx_hbm, tab_hbm, emb_hbm, idx_v, ebuf, rows, sem):
    wid = lax.axis_index("s") * _NC + lax.axis_index("c")

    pltpu.sync_copy(idx_hbm.at[wid], idx_v)

    def _off_body(t, carry):
        r = t // (128 // _LANES)
        c = t % (128 // _LANES)
        p = r * 128 + c * _LANES + lax.iota(jnp.int32, _LANES)
        f = lax.rem(p, jnp.int32(_FH))
        cur = idx_v[r, pl.ds(c * _LANES, _LANES)]
        idx_v[r, pl.ds(c * _LANES, _LANES)] = cur + f * jnp.int32(_E * _V)
        return carry

    lax.fori_loop(0, _FH * (128 // _LANES), _off_body, 0)

    iota16 = lax.iota(jnp.int32, _LANES)
    e_lo = iota16 * jnp.int32(_V)
    e_hi = e_lo + jnp.int32(_LANES * _V)

    for c in range(_NCHUNK):
        def _build(g, carry):
            p0 = c * _CHUNK_ITEMS + g * _LANES
            base = idx_v[p0 // 128, pl.ds(p0 % 128, _LANES)]
            d0 = g * (_LANES * _E)
            for k in range(2 * _LANES):
                val = base[k // 2] + (e_lo if k % 2 == 0 else e_hi)
                ebuf[pl.ds(d0 + k * _LANES, _LANES)] = val
            return carry

        lax.fori_loop(0, _CHUNK_ITEMS // _LANES, _build, 0)

        def _fire(s, carry):
            pltpu.make_async_copy(
                tab_hbm.at[ebuf.at[pl.ds(s * _STREAM_IDX, _STREAM_IDX)]],
                rows.at[pl.ds(s * _STREAM_IDX, _STREAM_IDX)],
                sem,
            ).start()
            return carry

        lax.fori_loop(0, _NSTREAM, _fire, 0)

        def _drain(s, carry):
            pltpu.make_async_copy(
                tab_hbm.at[ebuf.at[pl.ds(s * _STREAM_IDX, _STREAM_IDX)]],
                rows.at[pl.ds(s * _STREAM_IDX, _STREAM_IDX)],
                sem,
            ).wait()
            return carry

        lax.fori_loop(0, _NSTREAM, _drain, 0)

        base_out = wid * _IPW * _E + c * _CHUNK_ITEMS * _E
        pltpu.sync_copy(rows, emb_hbm.at[pl.ds(base_out, _CHUNK_ITEMS * _E)])


def _make_half_gather():
    mesh = plsc.VectorSubcoreMesh(core_axis_name="c", subcore_axis_name="s")
    return pl.kernel(
        _sc_gather_body,
        mesh=mesh,
        out_type=jax.ShapeDtypeStruct((_ITEMS * _E,), jnp.float32),
        scratch_types=[
            pltpu.VMEM((_FH, 128), jnp.int32),
            pltpu.VMEM((_CHUNK_ITEMS * _E,), jnp.int32),
            pltpu.VMEM((_CHUNK_ITEMS * _E,), jnp.float32),
            pltpu.SemaphoreType.DMA,
        ],
        compiler_params=pltpu.CompilerParams(use_tc_tiling_on_sc=False),
    )


@jax.jit
def _sc_gather2(idx1, idx2, tab1, tab2):
    f = _make_half_gather()
    return f(idx1, tab1), f(idx2, tab2)


def _bn_body(e1_ref, e2_ref, dense_ref, gamma_ref, beta_ref, out_ref):
    x = jnp.concatenate([e1_ref[...], e2_ref[...], dense_ref[...]], axis=-1)
    s1 = jnp.sum(x, axis=0, keepdims=True)
    s2 = jnp.sum(x * x, axis=0, keepdims=True)
    mean = s1 * (1.0 / _B)
    var = s2 * (1.0 / _B) - mean * mean
    inv = lax.rsqrt(var + 1e-3)
    out_ref[...] = (x - mean) * (inv * gamma_ref[...]) + beta_ref[...]


def _bn(e1, e2, dense, gamma2, beta2):
    return pl.pallas_call(
        _bn_body,
        out_shape=jax.ShapeDtypeStruct((_B, _OUT), jnp.float32),
    )(e1, e2, dense, gamma2, beta2)


def kernel(indices, dense, tables, gamma, beta):
    idx1 = indices[:, :_FH].reshape(_NW, _FH, 128)
    idx2 = indices[:, _FH:].reshape(_NW, _FH, 128)
    tab1 = jnp.transpose(tables[:_FH], (0, 2, 1)).reshape(-1)
    tab2 = jnp.transpose(tables[_FH:], (0, 2, 1)).reshape(-1)
    h1, h2 = _sc_gather2(idx1, idx2, tab1, tab2)
    e1 = h1.reshape(_B, _FH * _E)
    e2 = h2.reshape(_B, _FH * _E)
    gamma2 = gamma.reshape(1, _OUT)
    beta2 = beta.reshape(1, _OUT)
    return _bn(e1, e2, dense, gamma2, beta2)

# --- scband reference (transcript-rebuilt; emitter-appended) ---
"""Pipeline reference for scband-inputs-processing-4174708211929 (READ-ONLY COPY).

The authoritative reference and input builder live on the scoring server;
editing this copy changes nothing except your own understanding.
"""

import jax, jax.numpy as jnp
import numpy as np

B = 4096
N_FIELDS = 26
VOCAB = 100000
EMB = 32
DENSE = 64
OUT_DIM = N_FIELDS * EMB + DENSE  # 896


def setup_inputs(seed: int = 0) -> dict:
    key = jax.random.key(seed)
    k1, k2, k3 = jax.random.split(key, 3)
    indices = jax.random.randint(k1, (B, N_FIELDS), 0, VOCAB, dtype=jnp.int32)
    dense = jax.random.normal(k2, (B, DENSE), dtype=jnp.float32)
    # one embedding table per categorical feature, stacked: [n_fields, vocab, emb]
    tables = jax.random.normal(k3, (N_FIELDS, VOCAB, EMB), dtype=jnp.float32) * 0.05
    # BatchNormalization params for the general_processing_layer
    gamma = jnp.ones((OUT_DIM,), dtype=jnp.float32)
    beta = jnp.zeros((OUT_DIM,), dtype=jnp.float32)
    return {"indices": indices, "dense": dense, "tables": tables, "gamma": gamma, "beta": beta}


def reference(indices, dense, tables, gamma, beta):
    # Per-field embedding lookup: inputs[feat] = embedding_layer(inputs[feat])
    # tables: [F, V, E], indices: [B, F] -> emb: [B, F, E]
    emb = jax.vmap(lambda t, i: jnp.take(t, i, axis=0), in_axes=(0, 1), out_axes=1)(tables, indices)
    emb_flat = emb.reshape(emb.shape[0], -1)  # [B, F*E]
    # tf.concat(list(inputs.values()), axis=-1)
    x = jnp.concatenate([emb_flat, dense], axis=-1)  # [B, 896]
    # general_processing_layer = BatchNormalization (training-mode batch stats)
    mean = jnp.mean(x, axis=0, keepdims=True)
    var = jnp.var(x, axis=0, keepdims=True)
    x_norm = (x - mean) / jnp.sqrt(var + 1e-3)
    return gamma * x_norm + beta

if __name__ == "__main__":
    import jax
    _d = setup_inputs()
    print(jax.jit(kernel)(*tuple(_d.values())))

</pallas_src>

<mosaic_0001>
#map = affine_map<(d0, d1) -> (0, 0, 0)>
#map1 = affine_map<(d0, d1) -> (0)>
module attributes {stable_mosaic.version = 14 : i64} {
  func.func @_sc_gather_body(%arg0: i32, %arg1: i32, %arg2: memref<32x13x128xi32, #tpu.memory_space<hbm>>, %arg3: memref<41600000xf32, #tpu.memory_space<hbm>>, %arg4: memref<1703936xf32, #tpu.memory_space<hbm>>, %arg5: memref<13x128xi32, #tpu.memory_space<vmem>>, %arg6: memref<13312xi32, #tpu.memory_space<vmem>>, %arg7: memref<13312xf32, #tpu.memory_space<vmem>>, %arg8: memref<!tpu.dma_semaphore, #tpu.memory_space<semaphore_mem>>) attributes {dimension_semantics = [#tpu.dimension_semantics<core_parallel>, #tpu.dimension_semantics<subcore_parallel>], iteration_bounds = array<i64: 2, 16>, scalar_prefetch = 0 : i64, scratch_operands = 4 : i64, tpu.core_type = #tpu.core_type<sc_vector_subcore>, window_params = [{transform_indices = #map}, {transform_indices = #map1}, {transform_indices = #map1}]} {
    %mul3A = arith.constant 2 : i32
    %mul3A_0 = arith.muli %arg1, %mul3A : i32
    %add3A = arith.addi %mul3A_0, %arg0 : i32
    "tpu.region"() ({
      %run_scoped3A = tpu.sem_alloc : memref<!tpu.dma_semaphore, #tpu.memory_space<semaphore_mem>>
      %dma_start3A = arith.constant 0 : i32
      %dma_start3A_108 = arith.constant 0 : i32
      %dma_start3A_109 = tpu.memref_slice %arg2[%add3A, %dma_start3A, %dma_start3A_108] : memref<32x13x128xi32, #tpu.memory_space<hbm>> -> memref<1x13x128xi32, #tpu.memory_space<hbm>>
      %dma_start3A_110 = tpu.memref_squeeze %dma_start3A_109 : memref<1x13x128xi32, #tpu.memory_space<hbm>> -> memref<13x128xi32, #tpu.memory_space<hbm>>
      %dma_start3A_111 = arith.constant 0 : i32
      %dma_start3A_112 = arith.constant 0 : i32
      %dma_start3A_113 = tpu.memref_slice %arg2[%add3A, %dma_start3A_111, %dma_start3A_112] : memref<32x13x128xi32, #tpu.memory_space<hbm>> -> memref<1x13x128xi32, #tpu.memory_space<hbm>>
      %dma_start3A_114 = tpu.memref_squeeze %dma_start3A_113 : memref<1x13x128xi32, #tpu.memory_space<hbm>> -> memref<13x128xi32, #tpu.memory_space<hbm>>
      tpu.enqueue_dma source(%dma_start3A_114 : memref<13x128xi32, #tpu.memory_space<hbm>>) target(%arg5 : memref<13x128xi32, #tpu.memory_space<vmem>>) target_semaphore(%run_scoped3A : memref<!tpu.dma_semaphore, #tpu.memory_space<semaphore_mem>>)
      %dma_wait3A = arith.constant 0 : i32
      %dma_wait3A_115 = arith.constant 0 : i32
      %dma_wait3A_116 = tpu.memref_slice %arg2[%add3A, %dma_wait3A, %dma_wait3A_115] : memref<32x13x128xi32, #tpu.memory_space<hbm>> -> memref<1x13x128xi32, #tpu.memory_space<hbm>>
      %dma_wait3A_117 = tpu.memref_squeeze %dma_wait3A_116 : memref<1x13x128xi32, #tpu.memory_space<hbm>> -> memref<13x128xi32, #tpu.memory_space<hbm>>
      %dma_wait3A_118 = arith.constant 0 : i32
      %dma_wait3A_119 = arith.constant 0 : i32
      %dma_wait3A_120 = tpu.memref_slice %arg2[%add3A, %dma_wait3A_118, %dma_wait3A_119] : memref<32x13x128xi32, #tpu.memory_space<hbm>> -> memref<1x13x128xi32, #tpu.memory_space<hbm>>
      %dma_wait3A_121 = tpu.memref_squeeze %dma_wait3A_120 : memref<1x13x128xi32, #tpu.memory_space<hbm>> -> memref<13x128xi32, #tpu.memory_space<hbm>>
      tpu.wait_dma2 semaphore(%run_scoped3A : memref<!tpu.dma_semaphore, #tpu.memory_space<semaphore_mem>>) src(%dma_wait3A_121 : memref<13x128xi32, #tpu.memory_space<hbm>>) dst(%arg5 : memref<13x128xi32, #tpu.memory_space<vmem>>)
      tpu.yield
    }) : () -> ()
    %scan3A = arith.constant 0 : i32
    %scan3A_1 = arith.constant 0 : i32
    %scan3A_2 = arith.constant 104 : i32
    %scan3A_3 = arith.addi %scan3A_1, %scan3A_2 : i32
    %scan3A_4 = arith.constant 1 : i32
    scf.for %scan3A_108 = %scan3A_1 to %scan3A_3 step %scan3A_4  : i32 {
      %jit3A = arith.constant 8 : i32
      %div3A = arith.divsi %scan3A_108, %jit3A : i32
      %sign3A = arith.constant 0 : i32
      %sign3A_109 = arith.cmpi sgt, %scan3A_108, %sign3A : i32
      %sign3A_110 = arith.extui %sign3A_109 : i1 to i32
      %sign3A_111 = arith.constant 0 : i32
      %sign3A_112 = arith.cmpi slt, %scan3A_108, %sign3A_111 : i32
      %sign3A_113 = arith.extui %sign3A_112 : i1 to i32
      %sign3A_114 = arith.subi %sign3A_110, %sign3A_113 : i32
      %sign3A_115 = arith.constant 0 : i32
      %sign3A_116 = arith.cmpi sgt, %jit3A, %sign3A_115 : i32
      %sign3A_117 = arith.extui %sign3A_116 : i1 to i32
      %sign3A_118 = arith.constant 0 : i32
      %sign3A_119 = arith.cmpi slt, %jit3A, %sign3A_118 : i32
      %sign3A_120 = arith.extui %sign3A_119 : i1 to i32
      %sign3A_121 = arith.subi %sign3A_117, %sign3A_120 : i32
      %ne3A = arith.cmpi ne, %sign3A_114, %sign3A_121 : i32
      %rem3A = arith.remsi %scan3A_108, %jit3A : i32
      %ne3A_122 = arith.constant 0 : i32
      %ne3A_123 = arith.cmpi ne, %rem3A, %ne3A_122 : i32
      %and3A = arith.andi %ne3A, %ne3A_123 : i1
      %sub3A = arith.constant 1 : i32
      %sub3A_124 = arith.subi %div3A, %sub3A : i32
      %select_n3A = arith.select %and3A, %sub3A_124, %div3A : i32
      %jit3A_125 = arith.constant 8 : i32
      %eq3A = arith.constant 0 : i32
      %eq3A_126 = arith.cmpi eq, %jit3A_125, %eq3A : i32
      %jit3A_127 = arith.constant 1 : i32
      %select_n3A_128 = arith.select %eq3A_126, %jit3A_127, %jit3A_125 : i32
      %rem3A_129 = arith.remsi %scan3A_108, %select_n3A_128 : i32
      %ne3A_130 = arith.constant 0 : i32
      %ne3A_131 = arith.cmpi ne, %rem3A_129, %ne3A_130 : i32
      %lt3A = arith.constant 0 : i32
      %lt3A_132 = arith.cmpi slt, %rem3A_129, %lt3A : i32
      %lt3A_133 = arith.constant 0 : i32
      %lt3A_134 = arith.cmpi slt, %select_n3A_128, %lt3A_133 : i32
      %ne3A_135 = arith.xori %lt3A_132, %lt3A_134 : i1
      %and3A_136 = arith.andi %ne3A_135, %ne3A_131 : i1
      %add3A_137 = arith.addi %rem3A_129, %select_n3A_128 : i32
      %select_n3A_138 = arith.select %and3A_136, %add3A_137, %rem3A_129 : i32
      %mul3A_139 = arith.constant 128 : i32
      %mul3A_140 = arith.muli %select_n3A, %mul3A_139 : i32
      %mul3A_141 = arith.constant 16 : i32
      %mul3A_142 = arith.muli %select_n3A_138, %mul3A_141 : i32
      %add3A_143 = arith.addi %mul3A_140, %mul3A_142 : i32
      %iota3A_144 = tpu.iota {dimensions = array<i32: 0>} : vector<16xi32>
      %add3A_145 = vector.broadcast %add3A_143 : i32 to vector<16xi32>
      %add3A_146 = arith.addi %add3A_145, %iota3A_144 : vector<16xi32>
      %rem3A_147 = arith.constant 13 : i32
      %rem3A_148 = vector.broadcast %rem3A_147 : i32 to vector<16xi32>
      %rem3A_149 = arith.remsi %add3A_146, %rem3A_148 : vector<16xi32>
      %mul3A_150 = arith.constant 16 : i32
      %mul3A_151 = arith.muli %select_n3A_138, %mul3A_150 : i32
      %get3A = arith.index_cast %select_n3A : i32 to index
      %get3A_152 = arith.index_cast %mul3A_151 : i32 to index
      %get3A_153 = tpu.vector_load %arg5[%get3A, %get3A_152] {strides = array<i32>} : memref<13x128xi32, #tpu.memory_space<vmem>>, vector<1x16xi32>,
      %get3A_154 = vector.shape_cast %get3A_153 : vector<1x16xi32> to vector<16xi32>
      %mul3A_155 = arith.constant 3200000 : i32
      %mul3A_156 = vector.broadcast %mul3A_155 : i32 to vector<16xi32>
      %mul3A_157 = arith.muli %rem3A_149, %mul3A_156 : vector<16xi32>
      %add3A_158 = arith.addi %get3A_154, %mul3A_157 : vector<16xi32>
      %mul3A_159 = arith.constant 16 : i32
      %mul3A_160 = arith.muli %select_n3A_138, %mul3A_159 : i32
      %swap3A = arith.index_cast %select_n3A : i32 to index
      %swap3A_161 = arith.index_cast %mul3A_160 : i32 to index
      %swap3A_162 = tpu.vector_load %arg5[%swap3A, %swap3A_161] {strides = array<i32>} : memref<13x128xi32, #tpu.memory_space<vmem>>, vector<1x16xi32>,
      %swap3A_163 = vector.shape_cast %swap3A_162 : vector<1x16xi32> to vector<16xi32>
      %swap3A_164 = vector.shape_cast %add3A_158 : vector<16xi32> to vector<1x16xi32>
      tpu.vector_store %arg5[%swap3A, %swap3A_161], %swap3A_164 {strides = array<i32>} : memref<13x128xi32, #tpu.memory_space<vmem>>, vector<1x16xi32>,
    }
    %scan3A_5 = arith.constant 104 : i32
    %iota3A = tpu.iota {dimensions = array<i32: 0>} : vector<16xi32>
    %mul3A_6 = arith.constant 100000 : i32
    %mul3A_7 = vector.broadcast %mul3A_6 : i32 to vector<16xi32>
    %mul3A_8 = arith.muli %iota3A, %mul3A_7 : vector<16xi32>
    %add3A_9 = arith.constant 1600000 : i32
    %add3A_10 = vector.broadcast %add3A_9 : i32 to vector<16xi32>
    %add3A_11 = arith.addi %mul3A_8, %add3A_10 : vector<16xi32>
    %scan3A_12 = arith.constant 0 : i32
    %scan3A_13 = arith.constant 0 : i32
    %scan3A_14 = arith.constant 26 : i32
    %scan3A_15 = arith.addi %scan3A_13, %scan3A_14 : i32
    %scan3A_16 = arith.constant 1 : i32
    scf.for %scan3A_108 = %scan3A_13 to %scan3A_15 step %scan3A_16  : i32 {
      %mul3A_109 = arith.constant 16 : i32
      %mul3A_110 = arith.muli %scan3A_108, %mul3A_109 : i32
      %add3A_111 = arith.constant 0 : i32
      %add3A_112 = arith.addi %add3A_111, %mul3A_110 : i32
      %jit3A = arith.constant 128 : i32
      %div3A = arith.divsi %add3A_112, %jit3A : i32
      %sign3A = arith.constant 0 : i32
      %sign3A_113 = arith.cmpi sgt, %add3A_112, %sign3A : i32
      %sign3A_114 = arith.extui %sign3A_113 : i1 to i32
      %sign3A_115 = arith.constant 0 : i32
      %sign3A_116 = arith.cmpi slt, %add3A_112, %sign3A_115 : i32
      %sign3A_117 = arith.extui %sign3A_116 : i1 to i32
      %sign3A_118 = arith.subi %sign3A_114, %sign3A_117 : i32
      %sign3A_119 = arith.constant 0 : i32
      %sign3A_120 = arith.cmpi sgt, %jit3A, %sign3A_119 : i32
      %sign3A_121 = arith.extui %sign3A_120 : i1 to i32
      %sign3A_122 = arith.constant 0 : i32
      %sign3A_123 = arith.cmpi slt, %jit3A, %sign3A_122 : i32
      %sign3A_124 = arith.extui %sign3A_123 : i1 to i32
      %sign3A_125 = arith.subi %sign3A_121, %sign3A_124 : i32
      %ne3A = arith.cmpi ne, %sign3A_118, %sign3A_125 : i32
      %rem3A = arith.remsi %add3A_112, %jit3A : i32
      %ne3A_126 = arith.constant 0 : i32
      %ne3A_127 = arith.cmpi ne, %rem3A, %ne3A_126 : i32
      %and3A = arith.andi %ne3A, %ne3A_127 : i1
      %sub3A = arith.constant 1 : i32
      %sub3A_128 = arith.subi %div3A, %sub3A : i32
      %select_n3A = arith.select %and3A, %sub3A_128, %div3A : i32
      %jit3A_129 = arith.constant 128 : i32
      %eq3A = arith.constant 0 : i32
      %eq3A_130 = arith.cmpi eq, %jit3A_129, %eq3A : i32
      %jit3A_131 = arith.constant 1 : i32
      %select_n3A_132 = arith.select %eq3A_130, %jit3A_131, %jit3A_129 : i32
      %rem3A_133 = arith.remsi %add3A_112, %select_n3A_132 : i32
      %ne3A_134 = arith.constant 0 : i32
      %ne3A_135 = arith.cmpi ne, %rem3A_133, %ne3A_134 : i32
      %lt3A = arith.constant 0 : i32
      %lt3A_136 = arith.cmpi slt, %rem3A_133, %lt3A : i32
      %lt3A_137 = arith.constant 0 : i32
      %lt3A_138 = arith.cmpi slt, %select_n3A_132, %lt3A_137 : i32
      %ne3A_139 = arith.xori %lt3A_136, %lt3A_138 : i1
      %and3A_140 = arith.andi %ne3A_139, %ne3A_135 : i1
      %add3A_141 = arith.addi %rem3A_133, %select_n3A_132 : i32
      %select_n3A_142 = arith.select %and3A_140, %add3A_141, %rem3A_133 : i32
      %get3A = arith.index_cast %select_n3A : i32 to index
      %get3A_143 = arith.index_cast %select_n3A_142 : i32 to index
      %get3A_144 = tpu.vector_load %arg5[%get3A, %get3A_143] {strides = array<i32>} : memref<13x128xi32, #tpu.memory_space<vmem>>, vector<1x16xi32>,
      %get3A_145 = vector.shape_cast %get3A_144 : vector<1x16xi32> to vector<16xi32>
      %mul3A_146 = arith.constant 512 : i32
      %mul3A_147 = arith.muli %scan3A_108, %mul3A_146 : i32
      %slice3A = vector.extract_strided_slice %get3A_145 {offsets = [0], sizes = [1], strides = [1]} : vector<16xi32> to vector<1xi32>
      %squeeze3A = vector.extract %slice3A[0] : i32 from vector<1xi32>
      %add3A_148 = vector.broadcast %squeeze3A : i32 to vector<16xi32>
      %add3A_149 = arith.addi %add3A_148, %mul3A_8 : vector<16xi32>
      %add3A_150 = arith.constant 0 : i32
      %add3A_151 = arith.addi %mul3A_147, %add3A_150 : i32
      %swap3A = arith.index_cast %add3A_151 : i32 to index
      %swap3A_152 = tpu.vector_load %arg6[%swap3A] {strides = array<i32>} : memref<13312xi32, #tpu.memory_space<vmem>>, vector<16xi32>,
      %swap3A_153 = vector.shape_cast %swap3A_152 : vector<16xi32> to vector<16xi32>
      %swap3A_154 = vector.shape_cast %add3A_149 : vector<16xi32> to vector<16xi32>
      tpu.vector_store %arg6[%swap3A], %swap3A_154 {strides = array<i32>} : memref<13312xi32, #tpu.memory_space<vmem>>, vector<16xi32>,
      %slice3A_155 = vector.extract_strided_slice %get3A_145 {offsets = [0], sizes = [1], strides = [1]} : vector<16xi32> to vector<1xi32>
      %squeeze3A_156 = vector.extract %slice3A_155[0] : i32 from vector<1xi32>
      %add3A_157 = vector.broadcast %squeeze3A_156 : i32 to vector<16xi32>
      %add3A_158 = arith.addi %add3A_157, %add3A_11 : vector<16xi32>
      %add3A_159 = arith.constant 16 : i32
      %add3A_160 = arith.addi %mul3A_147, %add3A_159 : i32
      %swap3A_161 = arith.index_cast %add3A_160 : i32 to index
      %swap3A_162 = tpu.vector_load %arg6[%swap3A_161] {strides = array<i32>} : memref<13312xi32, #tpu.memory_space<vmem>>, vector<16xi32>,
      %swap3A_163 = vector.shape_cast %swap3A_162 : vector<16xi32> to vector<16xi32>
      %swap3A_164 = vector.shape_cast %add3A_158 : vector<16xi32> to vector<16xi32>
      tpu.vector_store %arg6[%swap3A_161], %swap3A_164 {strides = array<i32>} : memref<13312xi32, #tpu.memory_space<vmem>>, vector<16xi32>,
      %slice3A_165 = vector.extract_strided_slice %get3A_145 {offsets = [1], sizes = [1], strides = [1]} : vector<16xi32> to vector<1xi32>
      %squeeze3A_166 = vector.extract %slice3A_165[0] : i32 from vector<1xi32>
      %add3A_167 = vector.broadcast %squeeze3A_166 : i32 to vector<16xi32>
      %add3A_168 = arith.addi %add3A_167, %mul3A_8 : vector<16xi32>
      %add3A_169 = arith.constant 32 : i32
      %add3A_170 = arith.addi %mul3A_147, %add3A_169 : i32
      %swap3A_171 = arith.index_cast %add3A_170 : i32 to index
      %swap3A_172 = tpu.vector_load %arg6[%swap3A_171] {strides = array<i32>} : memref<13312xi32, #tpu.memory_space<vmem>>, vector<16xi32>,
      %swap3A_173 = vector.shape_cast %swap3A_172 : vector<16xi32> to vector<16xi32>
      %swap3A_174 = vector.shape_cast %add3A_168 : vector<16xi32> to vector<16xi32>
      tpu.vector_store %arg6[%swap3A_171], %swap3A_174 {strides = array<i32>} : memref<13312xi32, #tpu.memory_space<vmem>>, vector<16xi32>,
      %slice3A_175 = vector.extract_strided_slice %get3A_145 {offsets = [1], sizes = [1], strides = [1]} : vector<16xi32> to vector<1xi32>
      %squeeze3A_176 = vector.extract %slice3A_175[0] : i32 from vector<1xi32>
      %add3A_177 = vector.broadcast %squeeze3A_176 : i32 to vector<16xi32>
      %add3A_178 = arith.addi %add3A_177, %add3A_11 : vector<16xi32>
      %add3A_179 = arith.constant 48 : i32
      %add3A_180 = arith.addi %mul3A_147, %add3A_179 : i32
      %swap3A_181 = arith.index_cast %add3A_180 : i32 to index
      %swap3A_182 = tpu.vector_load %arg6[%swap3A_181] {strides = array<i32>} : memref<13312xi32, #tpu.memory_space<vmem>>, vector<16xi32>,
      %swap3A_183 = vector.shape_cast %swap3A_182 : vector<16xi32> to vector<16xi32>
      %swap3A_184 = vector.shape_cast %add3A_178 : vector<16xi32> to vector<16xi32>
      tpu.vector_store %arg6[%swap3A_181], %swap3A_184 {strides = array<i32>} : memref<13312xi32, #tpu.memory_space<vmem>>, vector<16xi32>,
      %slice3A_185 = vector.extract_strided_slice %get3A_145 {offsets = [2], sizes = [1], strides = [1]} : vector<16xi32> to vector<1xi32>
      %squeeze3A_186 = vector.extract %slice3A_185[0] : i32 from vector<1xi32>
      %add3A_187 = vector.broadcast %squeeze3A_186 : i32 to vector<16xi32>
      %add3A_188 = arith.addi %add3A_187, %mul3A_8 : vector<16xi32>
      %add3A_189 = arith.constant 64 : i32
      %add3A_190 = arith.addi %mul3A_147, %add3A_189 : i32
      %swap3A_191 = arith.index_cast %add3A_190 : i32 to index
      %swap3A_192 = tpu.vector_load %arg6[%swap3A_191] {strides = array<i32>} : memref<13312xi32, #tpu.memory_space<vmem>>, vector<16xi32>,
      %swap3A_193 = vector.shape_cast %swap3A_192 : vector<16xi32> to vector<16xi32>
      %swap3A_194 = vector.shape_cast %add3A_188 : vector<16xi32> to vector<16xi32>
      tpu.vector_store %arg6[%swap3A_191], %swap3A_194 {strides = array<i32>} : memref<13312xi32, #tpu.memory_space<vmem>>, vector<16xi32>,
      %slice3A_195 = vector.extract_strided_slice %get3A_145 {offsets = [2], sizes = [1], strides = [1]} : vector<16xi32> to vector<1xi32>
      %squeeze3A_196 = vector.extract %slice3A_195[0] : i32 from vector<1xi32>
      %add3A_197 = vector.broadcast %squeeze3A_196 : i32 to vector<16xi32>
      %add3A_198 = arith.addi %add3A_197, %add3A_11 : vector<16xi32>
      %add3A_199 = arith.constant 80 : i32
      %add3A_200 = arith.addi %mul3A_147, %add3A_199 : i32
      %swap3A_201 = arith.index_cast %add3A_200 : i32 to index
      %swap3A_202 = tpu.vector_load %arg6[%swap3A_201] {strides = array<i32>} : memref<13312xi32, #tpu.memory_space<vmem>>, vector<16xi32>,
      %swap3A_203 = vector.shape_cast %swap3A_202 : vector<16xi32> to vector<16xi32>
      %swap3A_204 = vector.shape_cast %add3A_198 : vector<16xi32> to vector<16xi32>
      tpu.vector_store %arg6[%swap3A_201], %swap3A_204 {strides = array<i32>} : memref<13312xi32, #tpu.memory_space<vmem>>, vector<16xi32>,
      %slice3A_205 = vector.extract_strided_slice %get3A_145 {offsets = [3], sizes = [1], strides = [1]} : vector<16xi32> to vector<1xi32>
      %squeeze3A_206 = vector.extract %slice3A_205[0] : i32 from vector<1xi32>
      %add3A_207 = vector.broadcast %squeeze3A_206 : i32 to vector<16xi32>
      %add3A_208 = arith.addi %add3A_207, %mul3A_8 : vector<16xi32>
      %add3A_209 = arith.constant 96 : i32
      %add3A_210 = arith.addi %mul3A_147, %add3A_209 : i32
      %swap3A_211 = arith.index_cast %add3A_210 : i32 to index
      %swap3A_212 = tpu.vector_load %arg6[%swap3A_211] {strides = array<i32>} : memref<13312xi32, #tpu.memory_space<vmem>>, vector<16xi32>,
      %swap3A_213 = vector.shape_cast %swap3A_212 : vector<16xi32> to vector<16xi32>
      %swap3A_214 = vector.shape_cast %add3A_208 : vector<16xi32> to vector<16xi32>
      tpu.vector_store %arg6[%swap3A_211], %swap3A_214 {strides = array<i32>} : memref<13312xi32, #tpu.memory_space<vmem>>, vector<16xi32>,
      %slice3A_215 = vector.extract_strided_slice %get3A_145 {offsets = [3], sizes = [1], strides = [1]} : vector<16xi32> to vector<1xi32>
      %squeeze3A_216 = vector.extract %slice3A_215[0] : i32 from vector<1xi32>
      %add3A_217 = vector.broadcast %squeeze3A_216 : i32 to vector<16xi32>
      %add3A_218 = arith.addi %add3A_217, %add3A_11 : vector<16xi32>
      %add3A_219 = arith.constant 112 : i32
      %add3A_220 = arith.addi %mul3A_147, %add3A_219 : i32
      %swap3A_221 = arith.index_cast %add3A_220 : i32 to index
      %swap3A_222 = tpu.vector_load %arg6[%swap3A_221] {strides = array<i32>} : memref<13312xi32, #tpu.memory_space<vmem>>, vector<16xi32>,
      %swap3A_223 = vector.shape_cast %swap3A_222 : vector<16xi32> to vector<16xi32>
      %swap3A_224 = vector.shape_cast %add3A_218 : vector<16xi32> to vector<16xi32>
      tpu.vector_store %arg6[%swap3A_221], %swap3A_224 {strides = array<i32>} : memref<13312xi32, #tpu.memory_space<vmem>>, vector<16xi32>,
      %slice3A_225 = vector.extract_strided_slice %get3A_145 {offsets = [4], sizes = [1], strides = [1]} : vector<16xi32> to vector<1xi32>
      %squeeze3A_226 = vector.extract %slice3A_225[0] : i32 from vector<1xi32>
      %add3A_227 = vector.broadcast %squeeze3A_226 : i32 to vector<16xi32>
      %add3A_228 = arith.addi %add3A_227, %mul3A_8 : vector<16xi32>
      %add3A_229 = arith.constant 128 : i32
      %add3A_230 = arith.addi %mul3A_147, %add3A_229 : i32
      %swap3A_231 = arith.index_cast %add3A_230 : i32 to index
      %swap3A_232 = tpu.vector_load %arg6[%swap3A_231] {strides = array<i32>} : memref<13312xi32, #tpu.memory_space<vmem>>, vector<16xi32>,
      %swap3A_233 = vector.shape_cast %swap3A_232 : vector<16xi32> to vector<16xi32>
      %swap3A_234 = vector.shape_cast %add3A_228 : vector<16xi32> to vector<16xi32>
      tpu.vector_store %arg6[%swap3A_231], %swap3A_234 {strides = array<i32>} : memref<13312xi32, #tpu.memory_space<vmem>>, vector<16xi32>,
      %slice3A_235 = vector.extract_strided_slice %get3A_145 {offsets = [4], sizes = [1], strides = [1]} : vector<16xi32> to vector<1xi32>
      %squeeze3A_236 = vector.extract %slice3A_235[0] : i32 from vector<1xi32>
      %add3A_237 = vector.broadcast %squeeze3A_236 : i32 to vector<16xi32>
      %add3A_238 = arith.addi %add3A_237, %add3A_11 : vector<16xi32>
      %add3A_239 = arith.constant 144 : i32
      %add3A_240 = arith.addi %mul3A_147, %add3A_239 : i32
      %swap3A_241 = arith.index_cast %add3A_240 : i32 to index
      %swap3A_242 = tpu.vector_load %arg6[%swap3A_241] {strides = array<i32>} : memref<13312xi32, #tpu.memory_space<vmem>>, vector<16xi32>,
      %swap3A_243 = vector.shape_cast %swap3A_242 : vector<16xi32> to vector<16xi32>
      %swap3A_244 = vector.shape_cast %add3A_238 : vector<16xi32> to vector<16xi32>
      tpu.vector_store %arg6[%swap3A_241], %swap3A_244 {strides = array<i32>} : memref<13312xi32, #tpu.memory_space<vmem>>, vector<16xi32>,
      %slice3A_245 = vector.extract_strided_slice %get3A_145 {offsets = [5], sizes = [1], strides = [1]} : vector<16xi32> to vector<1xi32>
      %squeeze3A_246 = vector.extract %slice3A_245[0] : i32 from vector<1xi32>
      %add3A_247 = vector.broadcast %squeeze3A_246 : i32 to vector<16xi32>
      %add3A_248 = arith.addi %add3A_247, %mul3A_8 : vector<16xi32>
      %add3A_249 = arith.constant 160 : i32
      %add3A_250 = arith.addi %mul3A_147, %add3A_249 : i32
      %swap3A_251 = arith.index_cast %add3A_250 : i32 to index
      %swap3A_252 = tpu.vector_load %arg6[%swap3A_251] {strides = array<i32>} : memref<13312xi32, #tpu.memory_space<vmem>>, vector<16xi32>,
      %swap3A_253 = vector.shape_cast %swap3A_252 : vector<16xi32> to vector<16xi32>
      %swap3A_254 = vector.shape_cast %add3A_248 : vector<16xi32> to vector<16xi32>
      tpu.vector_store %arg6[%swap3A_251], %swap3A_254 {strides = array<i32>} : memref<13312xi32, #tpu.memory_space<vmem>>, vector<16xi32>,
      %slice3A_255 = vector.extract_strided_slice %get3A_145 {offsets = [5], sizes = [1], strides = [1]} : vector<16xi32> to vector<1xi32>
      %squeeze3A_256 = vector.extract %slice3A_255[0] : i32 from vector<1xi32>
      %add3A_257 = vector.broadcast %squeeze3A_256 : i32 to vector<16xi32>
      %add3A_258 = arith.addi %add3A_257, %add3A_11 : vector<16xi32>
      %add3A_259 = arith.constant 176 : i32
      %add3A_260 = arith.addi %mul3A_147, %add3A_259 : i32
      %swap3A_261 = arith.index_cast %add3A_260 : i32 to index
      %swap3A_262 = tpu.vector_load %arg6[%swap3A_261] {strides = array<i32>} : memref<13312xi32, #tpu.memory_space<vmem>>, vector<16xi32>,
      %swap3A_263 = vector.shape_cast %swap3A_262 : vector<16xi32> to vector<16xi32>
      %swap3A_264 = vector.shape_cast %add3A_258 : vector<16xi32> to vector<16xi32>
      tpu.vector_store %arg6[%swap3A_261], %swap3A_264 {strides = array<i32>} : memref<13312xi32, #tpu.memory_space<vmem>>, vector<16xi32>,
      %slice3A_265 = vector.extract_strided_slice %get3A_145 {offsets = [6], sizes = [1], strides = [1]} : vector<16xi32> to vector<1xi32>
      %squeeze3A_266 = vector.extract %slice3A_265[0] : i32 from vector<1xi32>
      %add3A_267 = vector.broadcast %squeeze3A_266 : i32 to vector<16xi32>
      %add3A_268 = arith.addi %add3A_267, %mul3A_8 : vector<16xi32>
      %add3A_269 = arith.constant 192 : i32
      %add3A_270 = arith.addi %mul3A_147, %add3A_269 : i32
      %swap3A_271 = arith.index_cast %add3A_270 : i32 to index
      %swap3A_272 = tpu.vector_load %arg6[%swap3A_271] {strides = array<i32>} : memref<13312xi32, #tpu.memory_space<vmem>>, vector<16xi32>,
      %swap3A_273 = vector.shape_cast %swap3A_272 : vector<16xi32> to vector<16xi32>
      %swap3A_274 = vector.shape_cast %add3A_268 : vector<16xi32> to vector<16xi32>
      tpu.vector_store %arg6[%swap3A_271], %swap3A_274 {strides = array<i32>} : memref<13312xi32, #tpu.memory_space<vmem>>, vector<16xi32>,
      %slice3A_275 = vector.extract_strided_slice %get3A_145 {offsets = [6], sizes = [1], strides = [1]} : vector<16xi32> to vector<1xi32>
      %squeeze3A_276 = vector.extract %slice3A_275[0] : i32 from vector<1xi32>
      %add3A_277 = vector.broadcast %squeeze3A_276 : i32 to vector<16xi32>
      %add3A_278 = arith.addi %add3A_277, %add3A_11 : vector<16xi32>
      %add3A_279 = arith.constant 208 : i32
      %add3A_280 = arith.addi %mul3A_147, %add3A_279 : i32
      %swap3A_281 = arith.index_cast %add3A_280 : i32 to index
      %swap3A_282 = tpu.vector_load %arg6[%swap3A_281] {strides = array<i32>} : memref<13312xi32, #tpu.memory_space<vmem>>, vector<16xi32>,
      %swap3A_283 = vector.shape_cast %swap3A_282 : vector<16xi32> to vector<16xi32>
      %swap3A_284 = vector.shape_cast %add3A_278 : vector<16xi32> to vector<16xi32>
      tpu.vector_store %arg6[%swap3A_281], %swap3A_284 {strides = array<i32>} : memref<13312xi32, #tpu.memory_space<vmem>>, vector<16xi32>,
      %slice3A_285 = vector.extract_strided_slice %get3A_145 {offsets = [7], sizes = [1], strides = [1]} : vector<16xi32> to vector<1xi32>
      %squeeze3A_286 = vector.extract %slice3A_285[0] : i32 from vector<1xi32>
      %add3A_287 = vector.broadcast %squeeze3A_286 : i32 to vector<16xi32>
      %add3A_288 = arith.addi %add3A_287, %mul3A_8 : vector<16xi32>
      %add3A_289 = arith.constant 224 : i32
      %add3A_290 = arith.addi %mul3A_147, %add3A_289 : i32
      %swap3A_291 = arith.index_cast %add3A_290 : i32 to index
      %swap3A_292 = tpu.vector_load %arg6[%swap3A_291] {strides = array<i32>} : memref<13312xi32, #tpu.memory_space<vmem>>, vector<16xi32>,
      %swap3A_293 = vector.shape_cast %swap3A_292 : vector<16xi32> to vector<16xi32>
      %swap3A_294 = vector.shape_cast %add3A_288 : vector<16xi32> to vector<16xi32>
      tpu.vector_store %arg6[%swap3A_291], %swap3A_294 {strides = array<i32>} : memref<13312xi32, #tpu.memory_space<vmem>>, vector<16xi32>,
      %slice3A_295 = vector.extract_strided_slice %get3A_145 {offsets = [7], sizes = [1], strides = [1]} : vector<16xi32> to vector<1xi32>
      %squeeze3A_296 = vector.extract %slice3A_295[0] : i32 from vector<1xi32>
      %add3A_297 = vector.broadcast %squeeze3A_296 : i32 to vector<16xi32>
      %add3A_298 = arith.addi %add3A_297, %add3A_11 : vector<16xi32>
      %add3A_299 = arith.constant 240 : i32
      %add3A_300 = arith.addi %mul3A_147, %add3A_299 : i32
      %swap3A_301 = arith.index_cast %add3A_300 : i32 to index
      %swap3A_302 = tpu.vector_load %arg6[%swap3A_301] {strides = array<i32>} : memref<13312xi32, #tpu.memory_space<vmem>>, vector<16xi32>,
      %swap3A_303 = vector.shape_cast %swap3A_302 : vector<16xi32> to vector<16xi32>
      %swap3A_304 = vector.shape_cast %add3A_298 : vector<16xi32> to vector<16xi32>
      tpu.vector_store %arg6[%swap3A_301], %swap3A_304 {strides = array<i32>} : memref<13312xi32, #tpu.memory_space<vmem>>, vector<16xi32>,
      %slice3A_305 = vector.extract_strided_slice %get3A_145 {offsets = [8], sizes = [1], strides = [1]} : vector<16xi32> to vector<1xi32>
      %squeeze3A_306 = vector.extract %slice3A_305[0] : i32 from vector<1xi32>
      %add3A_307 = vector.broadcast %squeeze3A_306 : i32 to vector<16xi32>
      %add3A_308 = arith.addi %add3A_307, %mul3A_8 : vector<16xi32>
      %add3A_309 = arith.constant 256 : i32
      %add3A_310 = arith.addi %mul3A_147, %add3A_309 : i32
      %swap3A_311 = arith.index_cast %add3A_310 : i32 to index
      %swap3A_312 = tpu.vector_load %arg6[%swap3A_311] {strides = array<i32>} : memref<13312xi32, #tpu.memory_space<vmem>>, vector<16xi32>,
      %swap3A_313 = vector.shape_cast %swap3A_312 : vector<16xi32> to vector<16xi32>
      %swap3A_314 = vector.shape_cast %add3A_308 : vector<16xi32> to vector<16xi32>
      tpu.vector_store %arg6[%swap3A_311], %swap3A_314 {strides = array<i32>} : memref<13312xi32, #tpu.memory_space<vmem>>, vector<16xi32>,
      %slice3A_315 = vector.extract_strided_slice %get3A_145 {offsets = [8], sizes = [1], strides = [1]} : vector<16xi32> to vector<1xi32>
      %squeeze3A_316 = vector.extract %slice3A_315[0] : i32 from vector<1xi32>
      %add3A_317 = vector.broadcast %squeeze3A_316 : i32 to vector<16xi32>
      %add3A_318 = arith.addi %add3A_317, %add3A_11 : vector<16xi32>
      %add3A_319 = arith.constant 272 : i32
      %add3A_320 = arith.addi %mul3A_147, %add3A_319 : i32
      %swap3A_321 = arith.index_cast %add3A_320 : i32 to index
      %swap3A_322 = tpu.vector_load %arg6[%swap3A_321] {strides = array<i32>} : memref<13312xi32, #tpu.memory_space<vmem>>, vector<16xi32>,
      %swap3A_323 = vector.shape_cast %swap3A_322 : vector<16xi32> to vector<16xi32>
      %swap3A_324 = vector.shape_cast %add3A_318 : vector<16xi32> to vector<16xi32>
      tpu.vector_store %arg6[%swap3A_321], %swap3A_324 {strides = array<i32>} : memref<13312xi32, #tpu.memory_space<vmem>>, vector<16xi32>,
      %slice3A_325 = vector.extract_strided_slice %get3A_145 {offsets = [9], sizes = [1], strides = [1]} : vector<16xi32> to vector<1xi32>
      %squeeze3A_326 = vector.extract %slice3A_325[0] : i32 from vector<1xi32>
      %add3A_327 = vector.broadcast %squeeze3A_326 : i32 to vector<16xi32>
      %add3A_328 = arith.addi %add3A_327, %mul3A_8 : vector<16xi32>
      %add3A_329 = arith.constant 288 : i32
      %add3A_330 = arith.addi %mul3A_147, %add3A_329 : i32
      %swap3A_331 = arith.index_cast %add3A_330 : i32 to index
      %swap3A_332 = tpu.vector_load %arg6[%swap3A_331] {strides = array<i32>} : memref<13312xi32, #tpu.memory_space<vmem>>, vector<16xi32>,
      %swap3A_333 = vector.shape_cast %swap3A_332 : vector<16xi32> to vector<16xi32>
      %swap3A_334 = vector.shape_cast %add3A_328 : vector<16xi32> to vector<16xi32>
      tpu.vector_store %arg6[%swap3A_331], %swap3A_334 {strides = array<i32>} : memref<13312xi32, #tpu.memory_space<vmem>>, vector<16xi32>,
      %slice3A_335 = vector.extract_strided_slice %get3A_145 {offsets = [9], sizes = [1], strides = [1]} : vector<16xi32> to vector<1xi32>
      %squeeze3A_336 = vector.extract %slice3A_335[0] : i32 from vector<1xi32>
      %add3A_337 = vector.broadcast %squeeze3A_336 : i32 to vector<16xi32>
      %add3A_338 = arith.addi %add3A_337, %add3A_11 : vector<16xi32>
      %add3A_339 = arith.constant 304 : i32
      %add3A_340 = arith.addi %mul3A_147, %add3A_339 : i32
      %swap3A_341 = arith.index_cast %add3A_340 : i32 to index
      %swap3A_342 = tpu.vector_load %arg6[%swap3A_341] {strides = array<i32>} : memref<13312xi32, #tpu.memory_space<vmem>>, vector<16xi32>,
      %swap3A_343 = vector.shape_cast %swap3A_342 : vector<16xi32> to vector<16xi32>
      %swap3A_344 = vector.shape_cast %add3A_338 : vector<16xi32> to vector<16xi32>
      tpu.vector_store %arg6[%swap3A_341], %swap3A_344 {strides = array<i32>} : memref<13312xi32, #tpu.memory_space<vmem>>, vector<16xi32>,
      %slice3A_345 = vector.extract_strided_slice %get3A_145 {offsets = [10], sizes = [1], strides = [1]} : vector<16xi32> to vector<1xi32>
      %squeeze3A_346 = vector.extract %slice3A_345[0] : i32 from vector<1xi32>
      %add3A_347 = vector.broadcast %squeeze3A_346 : i32 to vector<16xi32>
      %add3A_348 = arith.addi %add3A_347, %mul3A_8 : vector<16xi32>
      %add3A_349 = arith.constant 320 : i32
      %add3A_350 = arith.addi %mul3A_147, %add3A_349 : i32
      %swap3A_351 = arith.index_cast %add3A_350 : i32 to index
      %swap3A_352 = tpu.vector_load %arg6[%swap3A_351] {strides = array<i32>} : memref<13312xi32, #tpu.memory_space<vmem>>, vector<16xi32>,
      %swap3A_353 = vector.shape_cast %swap3A_352 : vector<16xi32> to vector<16xi32>
      %swap3A_354 = vector.shape_cast %add3A_348 : vector<16xi32> to vector<16xi32>
      tpu.vector_store %arg6[%swap3A_351], %swap3A_354 {strides = array<i32>} : memref<13312xi32, #tpu.memory_space<vmem>>, vector<16xi32>,
      %slice3A_355 = vector.extract_strided_slice %get3A_145 {offsets = [10], sizes = [1], strides = [1]} : vector<16xi32> to vector<1xi32>
      %squeeze3A_356 = vector.extract %slice3A_355[0] : i32 from vector<1xi32>
      %add3A_357 = vector.broadcast %squeeze3A_356 : i32 to vector<16xi32>
      %add3A_358 = arith.addi %add3A_357, %add3A_11 : vector<16xi32>
      %add3A_359 = arith.constant 336 : i32
      %add3A_360 = arith.addi %mul3A_147, %add3A_359 : i32
      %swap3A_361 = arith.index_cast %add3A_360 : i32 to index
      %swap3A_362 = tpu.vector_load %arg6[%swap3A_361] {strides = array<i32>} : memref<13312xi32, #tpu.memory_space<vmem>>, vector<16xi32>,
      %swap3A_363 = vector.shape_cast %swap3A_362 : vector<16xi32> to vector<16xi32>
      %swap3A_364 = vector.shape_cast %add3A_358 : vector<16xi32> to vector<16xi32>
      tpu.vector_store %arg6[%swap3A_361], %swap3A_364 {strides = array<i32>} : memref<13312xi32, #tpu.memory_space<vmem>>, vector<16xi32>,
      %slice3A_365 = vector.extract_strided_slice %get3A_145 {offsets = [11], sizes = [1], strides = [1]} : vector<16xi32> to vector<1xi32>
      %squeeze3A_366 = vector.extract %slice3A_365[0] : i32 from vector<1xi32>
      %add3A_367 = vector.broadcast %squeeze3A_366 : i32 to vector<16xi32>
      %add3A_368 = arith.addi %add3A_367, %mul3A_8 : vector<16xi32>
      %add3A_369 = arith.constant 352 : i32
      %add3A_370 = arith.addi %mul3A_147, %add3A_369 : i32
      %swap3A_371 = arith.index_cast %add3A_370 : i32 to index
      %swap3A_372 = tpu.vector_load %arg6[%swap3A_371] {strides = array<i32>} : memref<13312xi32, #tpu.memory_space<vmem>>, vector<16xi32>,
      %swap3A_373 = vector.shape_cast %swap3A_372 : vector<16xi32> to vector<16xi32>
      %swap3A_374 = vector.shape_cast %add3A_368 : vector<16xi32> to vector<16xi32>
      tpu.vector_store %arg6[%swap3A_371], %swap3A_374 {strides = array<i32>} : memref<13312xi32, #tpu.memory_space<vmem>>, vector<16xi32>,
      %slice3A_375 = vector.extract_strided_slice %get3A_145 {offsets = [11], sizes = [1], strides = [1]} : vector<16xi32> to vector<1xi32>
      %squeeze3A_376 = vector.extract %slice3A_375[0] : i32 from vector<1xi32>
      %add3A_377 = vector.broadcast %squeeze3A_376 : i32 to vector<16xi32>
      %add3A_378 = arith.addi %add3A_377, %add3A_11 : vector<16xi32>
      %add3A_379 = arith.constant 368 : i32
      %add3A_380 = arith.addi %mul3A_147, %add3A_379 : i32
      %swap3A_381 = arith.index_cast %add3A_380 : i32 to index
      %swap3A_382 = tpu.vector_load %arg6[%swap3A_381] {strides = array<i32>} : memref<13312xi32, #tpu.memory_space<vmem>>, vector<16xi32>,
      %swap3A_383 = vector.shape_cast %swap3A_382 : vector<16xi32> to vector<16xi32>
      %swap3A_384 = vector.shape_cast %add3A_378 : vector<16xi32> to vector<16xi32>
      tpu.vector_store %arg6[%swap3A_381], %swap3A_384 {strides = array<i32>} : memref<13312xi32, #tpu.memory_space<vmem>>, vector<16xi32>,
      %slice3A_385 = vector.extract_strided_slice %get3A_145 {offsets = [12], sizes = [1], strides = [1]} : vector<16xi32> to vector<1xi32>
      %squeeze3A_386 = vector.extract %slice3A_385[0] : i32 from vector<1xi32>
      %add3A_387 = vector.broadcast %squeeze3A_386 : i32 to vector<16xi32>
      %add3A_388 = arith.addi %add3A_387, %mul3A_8 : vector<16xi32>
      %add3A_389 = arith.constant 384 : i32
      %add3A_390 = arith.addi %mul3A_147, %add3A_389 : i32
      %swap3A_391 = arith.index_cast %add3A_390 : i32 to index
      %swap3A_392 = tpu.vector_load %arg6[%swap3A_391] {strides = array<i32>} : memref<13312xi32, #tpu.memory_space<vmem>>, vector<16xi32>,
      %swap3A_393 = vector.shape_cast %swap3A_392 : vector<16xi32> to vector<16xi32>
      %swap3A_394 = vector.shape_cast %add3A_388 : vector<16xi32> to vector<16xi32>
      tpu.vector_store %arg6[%swap3A_391], %swap3A_394 {strides = array<i32>} : memref<13312xi32, #tpu.memory_space<vmem>>, vector<16xi32>,
      %slice3A_395 = vector.extract_strided_slice %get3A_145 {offsets = [12], sizes = [1], strides = [1]} : vector<16xi32> to vector<1xi32>
      %squeeze3A_396 = vector.extract %slice3A_395[0] : i32 from vector<1xi32>
      %add3A_397 = vector.broadcast %squeeze3A_396 : i32 to vector<16xi32>
      %add3A_398 = arith.addi %add3A_397, %add3A_11 : vector<16xi32>
      %add3A_399 = arith.constant 400 : i32
      %add3A_400 = arith.addi %mul3A_147, %add3A_399 : i32
      %swap3A_401 = arith.index_cast %add3A_400 : i32 to index
      %swap3A_402 = tpu.vector_load %arg6[%swap3A_401] {strides = array<i32>} : memref<13312xi32, #tpu.memory_space<vmem>>, vector<16xi32>,
      %swap3A_403 = vector.shape_cast %swap3A_402 : vector<16xi32> to vector<16xi32>
      %swap3A_404 = vector.shape_cast %add3A_398 : vector<16xi32> to vector<16xi32>
      tpu.vector_store %arg6[%swap3A_401], %swap3A_404 {strides = array<i32>} : memref<13312xi32, #tpu.memory_space<vmem>>, vector<16xi32>,
      %slice3A_405 = vector.extract_strided_slice %get3A_145 {offsets = [13], sizes = [1], strides = [1]} : vector<16xi32> to vector<1xi32>
      %squeeze3A_406 = vector.extract %slice3A_405[0] : i32 from vector<1xi32>
      %add3A_407 = vector.broadcast %squeeze3A_406 : i32 to vector<16xi32>
      %add3A_408 = arith.addi %add3A_407, %mul3A_8 : vector<16xi32>
      %add3A_409 = arith.constant 416 : i32
      %add3A_410 = arith.addi %mul3A_147, %add3A_409 : i32
      %swap3A_411 = arith.index_cast %add3A_410 : i32 to index
      %swap3A_412 = tpu.vector_load %arg6[%swap3A_411] {strides = array<i32>} : memref<13312xi32, #tpu.memory_space<vmem>>, vector<16xi32>,
      %swap3A_413 = vector.shape_cast %swap3A_412 : vector<16xi32> to vector<16xi32>
      %swap3A_414 = vector.shape_cast %add3A_408 : vector<16xi32> to vector<16xi32>
      tpu.vector_store %arg6[%swap3A_411], %swap3A_414 {strides = array<i32>} : memref<13312xi32, #tpu.memory_space<vmem>>, vector<16xi32>,
      %slice3A_415 = vector.extract_strided_slice %get3A_145 {offsets = [13], sizes = [1], strides = [1]} : vector<16xi32> to vector<1xi32>
      %squeeze3A_416 = vector.extract %slice3A_415[0] : i32 from vector<1xi32>
      %add3A_417 = vector.broadcast %squeeze3A_416 : i32 to vector<16xi32>
      %add3A_418 = arith.addi %add3A_417, %add3A_11 : vector<16xi32>
      %add3A_419 = arith.constant 432 : i32
      %add3A_420 = arith.addi %mul3A_147, %add3A_419 : i32
      %swap3A_421 = arith.index_cast %add3A_420 : i32 to index
      %swap3A_422 = tpu.vector_load %arg6[%swap3A_421] {strides = array<i32>} : memref<13312xi32, #tpu.memory_space<vmem>>, vector<16xi32>,
      %swap3A_423 = vector.shape_cast %swap3A_422 : vector<16xi32> to vector<16xi32>
      %swap3A_424 = vector.shape_cast %add3A_418 : vector<16xi32> to vector<16xi32>
      tpu.vector_store %arg6[%swap3A_421], %swap3A_424 {strides = array<i32>} : memref<13312xi32, #tpu.memory_space<vmem>>, vector<16xi32>,
      %slice3A_425 = vector.extract_strided_slice %get3A_145 {offsets = [14], sizes = [1], strides = [1]} : vector<16xi32> to vector<1xi32>
      %squeeze3A_426 = vector.extract %slice3A_425[0] : i32 from vector<1xi32>
      %add3A_427 = vector.broadcast %squeeze3A_426 : i32 to vector<16xi32>
      %add3A_428 = arith.addi %add3A_427, %mul3A_8 : vector<16xi32>
      %add3A_429 = arith.constant 448 : i32
      %add3A_430 = arith.addi %mul3A_147, %add3A_429 : i32
      %swap3A_431 = arith.index_cast %add3A_430 : i32 to index
      %swap3A_432 = tpu.vector_load %arg6[%swap3A_431] {strides = array<i32>} : memref<13312xi32, #tpu.memory_space<vmem>>, vector<16xi32>,
      %swap3A_433 = vector.shape_cast %swap3A_432 : vector<16xi32> to vector<16xi32>
      %swap3A_434 = vector.shape_cast %add3A_428 : vector<16xi32> to vector<16xi32>
      tpu.vector_store %arg6[%swap3A_431], %swap3A_434 {strides = array<i32>} : memref<13312xi32, #tpu.memory_space<vmem>>, vector<16xi32>,
      %slice3A_435 = vector.extract_strided_slice %get3A_145 {offsets = [14], sizes = [1], strides = [1]} : vector<16xi32> to vector<1xi32>
      %squeeze3A_436 = vector.extract %slice3A_435[0] : i32 from vector<1xi32>
      %add3A_437 = vector.broadcast %squeeze3A_436 : i32 to vector<16xi32>
      %add3A_438 = arith.addi %add3A_437, %add3A_11 : vector<16xi32>
      %add3A_439 = arith.constant 464 : i32
      %add3A_440 = arith.addi %mul3A_147, %add3A_439 : i32
      %swap3A_441 = arith.index_cast %add3A_440 : i32 to index
      %swap3A_442 = tpu.vector_load %arg6[%swap3A_441] {strides = array<i32>} : memref<13312xi32, #tpu.memory_space<vmem>>, vector<16xi32>,
      %swap3A_443 = vector.shape_cast %swap3A_442 : vector<16xi32> to vector<16xi32>
      %swap3A_444 = vector.shape_cast %add3A_438 : vector<16xi32> to vector<16xi32>
      tpu.vector_store %arg6[%swap3A_441], %swap3A_444 {strides = array<i32>} : memref<13312xi32, #tpu.memory_space<vmem>>, vector<16xi32>,
      %slice3A_445 = vector.extract_strided_slice %get3A_145 {offsets = [15], sizes = [1], strides = [1]} : vector<16xi32> to vector<1xi32>
      %squeeze3A_446 = vector.extract %slice3A_445[0] : i32 from vector<1xi32>
      %add3A_447 = vector.broadcast %squeeze3A_446 : i32 to vector<16xi32>
      %add3A_448 = arith.addi %add3A_447, %mul3A_8 : vector<16xi32>
      %add3A_449 = arith.constant 480 : i32
      %add3A_450 = arith.addi %mul3A_147, %add3A_449 : i32
      %swap3A_451 = arith.index_cast %add3A_450 : i32 to index
      %swap3A_452 = tpu.vector_load %arg6[%swap3A_451] {strides = array<i32>} : memref<13312xi32, #tpu.memory_space<vmem>>, vector<16xi32>,
      %swap3A_453 = vector.shape_cast %swap3A_452 : vector<16xi32> to vector<16xi32>
      %swap3A_454 = vector.shape_cast %add3A_448 : vector<16xi32> to vector<16xi32>
      tpu.vector_store %arg6[%swap3A_451], %swap3A_454 {strides = array<i32>} : memref<13312xi32, #tpu.memory_space<vmem>>, vector<16xi32>,
      %slice3A_455 = vector.extract_strided_slice %get3A_145 {offsets = [15], sizes = [1], strides = [1]} : vector<16xi32> to vector<1xi32>
      %squeeze3A_456 = vector.extract %slice3A_455[0] : i32 from vector<1xi32>
      %add3A_457 = vector.broadcast %squeeze3A_456 : i32 to vector<16xi32>
      %add3A_458 = arith.addi %add3A_457, %add3A_11 : vector<16xi32>
      %add3A_459 = arith.constant 496 : i32
      %add3A_460 = arith.addi %mul3A_147, %add3A_459 : i32
      %swap3A_461 = arith.index_cast %add3A_460 : i32 to index
      %swap3A_462 = tpu.vector_load %arg6[%swap3A_461] {strides = array<i32>} : memref<13312xi32, #tpu.memory_space<vmem>>, vector<16xi32>,
      %swap3A_463 = vector.shape_cast %swap3A_462 : vector<16xi32> to vector<16xi32>
      %swap3A_464 = vector.shape_cast %add3A_458 : vector<16xi32> to vector<16xi32>
      tpu.vector_store %arg6[%swap3A_461], %swap3A_464 {strides = array<i32>} : memref<13312xi32, #tpu.memory_space<vmem>>, vector<16xi32>,
    }
    %scan3A_17 = arith.constant 26 : i32
    %scan3A_18 = arith.constant 0 : i32
    %scan3A_19 = arith.constant 0 : i32
    %scan3A_20 = arith.constant 104 : i32
    %scan3A_21 = arith.addi %scan3A_19, %scan3A_20 : i32
    %scan3A_22 = arith.constant 1 : i32
    scf.for %scan3A_108 = %scan3A_19 to %scan3A_21 step %scan3A_22  : i32 {
      %mul3A_109 = arith.constant 128 : i32
      %mul3A_110 = arith.muli %scan3A_108, %mul3A_109 : i32
      %mul3A_111 = arith.constant 128 : i32
      %mul3A_112 = arith.muli %scan3A_108, %mul3A_111 : i32
      %dma_start3A = tpu.memref_slice %arg7[%mul3A_112] : memref<13312xf32, #tpu.memory_space<vmem>> -> memref<128xf32, #tpu.memory_space<vmem>>
      %dma_start3A_113 = tpu.memref_slice %arg6[%mul3A_110] : memref<13312xi32, #tpu.memory_space<vmem>> -> memref<128xi32, #tpu.memory_space<vmem>>
      %dma_start3A_114 = arith.constant 0 : i32
      %dma_start3A_115 = tpu.memref_slice %arg3[%dma_start3A_114] : memref<41600000xf32, #tpu.memory_space<hbm>> -> memref<41600000xf32, #tpu.memory_space<hbm>>
      tpu.enqueue_indirect_dma source(%dma_start3A_115 : memref<41600000xf32, #tpu.memory_space<hbm>>) target(%dma_start3A : memref<128xf32, #tpu.memory_space<vmem>>) offsets(%dma_start3A_113 : memref<128xi32, #tpu.memory_space<vmem>>) semaphore(%arg8 : memref<!tpu.dma_semaphore, #tpu.memory_space<semaphore_mem>>)
    }
    %scan3A_23 = arith.constant 104 : i32
    %scan3A_24 = arith.constant 0 : i32
    %scan3A_25 = arith.constant 0 : i32
    %scan3A_26 = arith.constant 104 : i32
    %scan3A_27 = arith.addi %scan3A_25, %scan3A_26 : i32
    %scan3A_28 = arith.constant 1 : i32
    scf.for %scan3A_108 = %scan3A_25 to %scan3A_27 step %scan3A_28  : i32 {
      %mul3A_109 = arith.constant 128 : i32
      %mul3A_110 = arith.muli %scan3A_108, %mul3A_109 : i32
      %mul3A_111 = arith.constant 128 : i32
      %mul3A_112 = arith.muli %scan3A_108, %mul3A_111 : i32
      %dma_wait3A = tpu.memref_slice %arg7[%mul3A_112] : memref<13312xf32, #tpu.memory_space<vmem>> -> memref<128xf32, #tpu.memory_space<vmem>>
      %dma_wait3A_113 = tpu.memref_slice %arg6[%mul3A_110] : memref<13312xi32, #tpu.memory_space<vmem>> -> memref<128xi32, #tpu.memory_space<vmem>>
      %dma_wait3A_114 = arith.constant 0 : i32
      %dma_wait3A_115 = tpu.memref_slice %arg3[%dma_wait3A_114] : memref<41600000xf32, #tpu.memory_space<hbm>> -> memref<41600000xf32, #tpu.memory_space<hbm>>
      tpu.wait_indirect_dma semaphore(%arg8 : memref<!tpu.dma_semaphore, #tpu.memory_space<semaphore_mem>>) src(%dma_wait3A_115 : memref<41600000xf32, #tpu.memory_space<hbm>>) dst(%dma_wait3A : memref<128xf32, #tpu.memory_space<vmem>>)
    }
    %scan3A_29 = arith.constant 104 : i32
    %mul3A_30 = arith.constant 1664 : i32
    %mul3A_31 = arith.muli %add3A, %mul3A_30 : i32
    %mul3A_32 = arith.constant 32 : i32
    %mul3A_33 = arith.muli %mul3A_31, %mul3A_32 : i32
    %add3A_34 = arith.constant 0 : i32
    %add3A_35 = arith.addi %mul3A_33, %add3A_34 : i32
    "tpu.region"() ({
      %run_scoped3A = tpu.sem_alloc : memref<!tpu.dma_semaphore, #tpu.memory_space<semaphore_mem>>
      %dma_start3A = tpu.memref_slice %arg4[%add3A_35] : memref<1703936xf32, #tpu.memory_space<hbm>> -> memref<13312xf32, #tpu.memory_space<hbm>>
      %dma_start3A_108 = tpu.memref_slice %arg4[%add3A_35] : memref<1703936xf32, #tpu.memory_space<hbm>> -> memref<13312xf32, #tpu.memory_space<hbm>>
      tpu.enqueue_dma source(%arg7 : memref<13312xf32, #tpu.memory_space<vmem>>) target(%dma_start3A_108 : memref<13312xf32, #tpu.memory_space<hbm>>) target_semaphore(%run_scoped3A : memref<!tpu.dma_semaphore, #tpu.memory_space<semaphore_mem>>)
      %dma_wait3A = tpu.memref_slice %arg4[%add3A_35] : memref<1703936xf32, #tpu.memory_space<hbm>> -> memref<13312xf32, #tpu.memory_space<hbm>>
      %dma_wait3A_109 = tpu.memref_slice %arg4[%add3A_35] : memref<1703936xf32, #tpu.memory_space<hbm>> -> memref<13312xf32, #tpu.memory_space<hbm>>
      tpu.wait_dma2 semaphore(%run_scoped3A : memref<!tpu.dma_semaphore, #tpu.memory_space<semaphore_mem>>) src(%arg7 : memref<13312xf32, #tpu.memory_space<vmem>>) dst(%dma_wait3A_109 : memref<13312xf32, #tpu.memory_space<hbm>>)
      tpu.yield
    }) : () -> ()
    %scan3A_36 = arith.constant 0 : i32
    %scan3A_37 = arith.constant 0 : i32
    %scan3A_38 = arith.constant 26 : i32
    %scan3A_39 = arith.addi %scan3A_37, %scan3A_38 : i32
    %scan3A_40 = arith.constant 1 : i32
    scf.for %scan3A_108 = %scan3A_37 to %scan3A_39 step %scan3A_40  : i32 {
      %mul3A_109 = arith.constant 16 : i32
      %mul3A_110 = arith.muli %scan3A_108, %mul3A_109 : i32
      %add3A_111 = arith.constant 416 : i32
      %add3A_112 = arith.addi %add3A_111, %mul3A_110 : i32
      %jit3A = arith.constant 128 : i32
      %div3A = arith.divsi %add3A_112, %jit3A : i32
      %sign3A = arith.constant 0 : i32
      %sign3A_113 = arith.cmpi sgt, %add3A_112, %sign3A : i32
      %sign3A_114 = arith.extui %sign3A_113 : i1 to i32
      %sign3A_115 = arith.constant 0 : i32
      %sign3A_116 = arith.cmpi slt, %add3A_112, %sign3A_115 : i32
      %sign3A_117 = arith.extui %sign3A_116 : i1 to i32
      %sign3A_118 = arith.subi %sign3A_114, %sign3A_117 : i32
      %sign3A_119 = arith.constant 0 : i32
      %sign3A_120 = arith.cmpi sgt, %jit3A, %sign3A_119 : i32
      %sign3A_121 = arith.extui %sign3A_120 : i1 to i32
      %sign3A_122 = arith.constant 0 : i32
      %sign3A_123 = arith.cmpi slt, %jit3A, %sign3A_122 : i32
      %sign3A_124 = arith.extui %sign3A_123 : i1 to i32
      %sign3A_125 = arith.subi %sign3A_121, %sign3A_124 : i32
      %ne3A = arith.cmpi ne, %sign3A_118, %sign3A_125 : i32
      %rem3A = arith.remsi %add3A_112, %jit3A : i32
      %ne3A_126 = arith.constant 0 : i32
      %ne3A_127 = arith.cmpi ne, %rem3A, %ne3A_126 : i32
      %and3A = arith.andi %ne3A, %ne3A_127 : i1
      %sub3A = arith.constant 1 : i32
      %sub3A_128 = arith.subi %div3A, %sub3A : i32
      %select_n3A = arith.select %and3A, %sub3A_128, %div3A : i32
      %jit3A_129 = arith.constant 128 : i32
      %eq3A = arith.constant 0 : i32
      %eq3A_130 = arith.cmpi eq, %jit3A_129, %eq3A : i32
      %jit3A_131 = arith.constant 1 : i32
      %select_n3A_132 = arith.select %eq3A_130, %jit3A_131, %jit3A_129 : i32
      %rem3A_133 = arith.remsi %add3A_112, %select_n3A_132 : i32
      %ne3A_134 = arith.constant 0 : i32
      %ne3A_135 = arith.cmpi ne, %rem3A_133, %ne3A_134 : i32
      %lt3A = arith.constant 0 : i32
      %lt3A_136 = arith.cmpi slt, %rem3A_133, %lt3A : i32
      %lt3A_137 = arith.constant 0 : i32
      %lt3A_138 = arith.cmpi slt, %select_n3A_132, %lt3A_137 : i32
      %ne3A_139 = arith.xori %lt3A_136, %lt3A_138 : i1
      %and3A_140 = arith.andi %ne3A_139, %ne3A_135 : i1
      %add3A_141 = arith.addi %rem3A_133, %select_n3A_132 : i32
      %select_n3A_142 = arith.select %and3A_140, %add3A_141, %rem3A_133 : i32
      %get3A = arith.index_cast %select_n3A : i32 to index
      %get3A_143 = arith.index_cast %select_n3A_142 : i32 to index
      %get3A_144 = tpu.vector_load %arg5[%get3A, %get3A_143] {strides = array<i32>} : memref<13x128xi32, #tpu.memory_space<vmem>>, vector<1x16xi32>,
      %get3A_145 = vector.shape_cast %get3A_144 : vector<1x16xi32> to vector<16xi32>
      %mul3A_146 = arith.constant 512 : i32
      %mul3A_147 = arith.muli %scan3A_108, %mul3A_146 : i32
      %slice3A = vector.extract_strided_slice %get3A_145 {offsets = [0], sizes = [1], strides = [1]} : vector<16xi32> to vector<1xi32>
      %squeeze3A = vector.extract %slice3A[0] : i32 from vector<1xi32>
      %add3A_148 = vector.broadcast %squeeze3A : i32 to vector<16xi32>
      %add3A_149 = arith.addi %add3A_148, %mul3A_8 : vector<16xi32>
      %add3A_150 = arith.constant 0 : i32
      %add3A_151 = arith.addi %mul3A_147, %add3A_150 : i32
      %swap3A = arith.index_cast %add3A_151 : i32 to index
      %swap3A_152 = tpu.vector_load %arg6[%swap3A] {strides = array<i32>} : memref<13312xi32, #tpu.memory_space<vmem>>, vector<16xi32>,
      %swap3A_153 = vector.shape_cast %swap3A_152 : vector<16xi32> to vector<16xi32>
      %swap3A_154 = vector.shape_cast %add3A_149 : vector<16xi32> to vector<16xi32>
      tpu.vector_store %arg6[%swap3A], %swap3A_154 {strides = array<i32>} : memref<13312xi32, #tpu.memory_space<vmem>>, vector<16xi32>,
      %slice3A_155 = vector.extract_strided_slice %get3A_145 {offsets = [0], sizes = [1], strides = [1]} : vector<16xi32> to vector<1xi32>
      %squeeze3A_156 = vector.extract %slice3A_155[0] : i32 from vector<1xi32>
      %add3A_157 = vector.broadcast %squeeze3A_156 : i32 to vector<16xi32>
      %add3A_158 = arith.addi %add3A_157, %add3A_11 : vector<16xi32>
      %add3A_159 = arith.constant 16 : i32
      %add3A_160 = arith.addi %mul3A_147, %add3A_159 : i32
      %swap3A_161 = arith.index_cast %add3A_160 : i32 to index
      %swap3A_162 = tpu.vector_load %arg6[%swap3A_161] {strides = array<i32>} : memref<13312xi32, #tpu.memory_space<vmem>>, vector<16xi32>,
      %swap3A_163 = vector.shape_cast %swap3A_162 : vector<16xi32> to vector<16xi32>
      %swap3A_164 = vector.shape_cast %add3A_158 : vector<16xi32> to vector<16xi32>
      tpu.vector_store %arg6[%swap3A_161], %swap3A_164 {strides = array<i32>} : memref<13312xi32, #tpu.memory_space<vmem>>, vector<16xi32>,
      %slice3A_165 = vector.extract_strided_slice %get3A_145 {offsets = [1], sizes = [1], strides = [1]} : vector<16xi32> to vector<1xi32>
      %squeeze3A_166 = vector.extract %slice3A_165[0] : i32 from vector<1xi32>
      %add3A_167 = vector.broadcast %squeeze3A_166 : i32 to vector<16xi32>
      %add3A_168 = arith.addi %add3A_167, %mul3A_8 : vector<16xi32>
      %add3A_169 = arith.constant 32 : i32
      %add3A_170 = arith.addi %mul3A_147, %add3A_169 : i32
      %swap3A_171 = arith.index_cast %add3A_170 : i32 to index
      %swap3A_172 = tpu.vector_load %arg6[%swap3A_171] {strides = array<i32>} : memref<13312xi32, #tpu.memory_space<vmem>>, vector<16xi32>,
      %swap3A_173 = vector.shape_cast %swap3A_172 : vector<16xi32> to vector<16xi32>
      %swap3A_174 = vector.shape_cast %add3A_168 : vector<16xi32> to vector<16xi32>
      tpu.vector_store %arg6[%swap3A_171], %swap3A_174 {strides = array<i32>} : memref<13312xi32, #tpu.memory_space<vmem>>, vector<16xi32>,
      %slice3A_175 = vector.extract_strided_slice %get3A_145 {offsets = [1], sizes = [1], strides = [1]} : vector<16xi32> to vector<1xi32>
      %squeeze3A_176 = vector.extract %slice3A_175[0] : i32 from vector<1xi32>
      %add3A_177 = vector.broadcast %squeeze3A_176 : i32 to vector<16xi32>
      %add3A_178 = arith.addi %add3A_177, %add3A_11 : vector<16xi32>
      %add3A_179 = arith.constant 48 : i32
      %add3A_180 = arith.addi %mul3A_147, %add3A_179 : i32
      %swap3A_181 = arith.index_cast %add3A_180 : i32 to index
      %swap3A_182 = tpu.vector_load %arg6[%swap3A_181] {strides = array<i32>} : memref<13312xi32, #tpu.memory_space<vmem>>, vector<16xi32>,
      %swap3A_183 = vector.shape_cast %swap3A_182 : vector<16xi32> to vector<16xi32>
      %swap3A_184 = vector.shape_cast %add3A_178 : vector<16xi32> to vector<16xi32>
      tpu.vector_store %arg6[%swap3A_181], %swap3A_184 {strides = array<i32>} : memref<13312xi32, #tpu.memory_space<vmem>>, vector<16xi32>,
      %slice3A_185 = vector.extract_strided_slice %get3A_145 {offsets = [2], sizes = [1], strides = [1]} : vector<16xi32> to vector<1xi32>
      %squeeze3A_186 = vector.extract %slice3A_185[0] : i32 from vector<1xi32>
      %add3A_187 = vector.broadcast %squeeze3A_186 : i32 to vector<16xi32>
      %add3A_188 = arith.addi %add3A_187, %mul3A_8 : vector<16xi32>
      %add3A_189 = arith.constant 64 : i32
      %add3A_190 = arith.addi %mul3A_147, %add3A_189 : i32
      %swap3A_191 = arith.index_cast %add3A_190 : i32 to index
      %swap3A_192 = tpu.vector_load %arg6[%swap3A_191] {strides = array<i32>} : memref<13312xi32, #tpu.memory_space<vmem>>, vector<16xi32>,
      %swap3A_193 = vector.shape_cast %swap3A_192 : vector<16xi32> to vector<16xi32>
      %swap3A_194 = vector.shape_cast %add3A_188 : vector<16xi32> to vector<16xi32>
      tpu.vector_store %arg6[%swap3A_191], %swap3A_194 {strides = array<i32>} : memref<13312xi32, #tpu.memory_space<vmem>>, vector<16xi32>,
      %slice3A_195 = vector.extract_strided_slice %get3A_145 {offsets = [2], sizes = [1], strides = [1]} : vector<16xi32> to vector<1xi32>
      %squeeze3A_196 = vector.extract %slice3A_195[0] : i32 from vector<1xi32>
      %add3A_197 = vector.broadcast %squeeze3A_196 : i32 to vector<16xi32>
      %add3A_198 = arith.addi %add3A_197, %add3A_11 : vector<16xi32>
      %add3A_199 = arith.constant 80 : i32
      %add3A_200 = arith.addi %mul3A_147, %add3A_199 : i32
      %swap3A_201 = arith.index_cast %add3A_200 : i32 to index
      %swap3A_202 = tpu.vector_load %arg6[%swap3A_201] {strides = array<i32>} : memref<13312xi32, #tpu.memory_space<vmem>>, vector<16xi32>,
      %swap3A_203 = vector.shape_cast %swap3A_202 : vector<16xi32> to vector<16xi32>
      %swap3A_204 = vector.shape_cast %add3A_198 : vector<16xi32> to vector<16xi32>
      tpu.vector_store %arg6[%swap3A_201], %swap3A_204 {strides = array<i32>} : memref<13312xi32, #tpu.memory_space<vmem>>, vector<16xi32>,
      %slice3A_205 = vector.extract_strided_slice %get3A_145 {offsets = [3], sizes = [1], strides = [1]} : vector<16xi32> to vector<1xi32>
      %squeeze3A_206 = vector.extract %slice3A_205[0] : i32 from vector<1xi32>
      %add3A_207 = vector.broadcast %squeeze3A_206 : i32 to vector<16xi32>
      %add3A_208 = arith.addi %add3A_207, %mul3A_8 : vector<16xi32>
      %add3A_209 = arith.constant 96 : i32
      %add3A_210 = arith.addi %mul3A_147, %add3A_209 : i32
      %swap3A_211 = arith.index_cast %add3A_210 : i32 to index
      %swap3A_212 = tpu.vector_load %arg6[%swap3A_211] {strides = array<i32>} : memref<13312xi32, #tpu.memory_space<vmem>>, vector<16xi32>,
      %swap3A_213 = vector.shape_cast %swap3A_212 : vector<16xi32> to vector<16xi32>
      %swap3A_214 = vector.shape_cast %add3A_208 : vector<16xi32> to vector<16xi32>
      tpu.vector_store %arg6[%swap3A_211], %swap3A_214 {strides = array<i32>} : memref<13312xi32, #tpu.memory_space<vmem>>, vector<16xi32>,
      %slice3A_215 = vector.extract_strided_slice %get3A_145 {offsets = [3], sizes = [1], strides = [1]} : vector<16xi32> to vector<1xi32>
      %squeeze3A_216 = vector.extract %slice3A_215[0] : i32 from vector<1xi32>
      %add3A_217 = vector.broadcast %squeeze3A_216 : i32 to vector<16xi32>
      %add3A_218 = arith.addi %add3A_217, %add3A_11 : vector<16xi32>
      %add3A_219 = arith.constant 112 : i32
      %add3A_220 = arith.addi %mul3A_147, %add3A_219 : i32
      %swap3A_221 = arith.index_cast %add3A_220 : i32 to index
      %swap3A_222 = tpu.vector_load %arg6[%swap3A_221] {strides = array<i32>} : memref<13312xi32, #tpu.memory_space<vmem>>, vector<16xi32>,
      %swap3A_223 = vector.shape_cast %swap3A_222 : vector<16xi32> to vector<16xi32>
      %swap3A_224 = vector.shape_cast %add3A_218 : vector<16xi32> to vector<16xi32>
      tpu.vector_store %arg6[%swap3A_221], %swap3A_224 {strides = array<i32>} : memref<13312xi32, #tpu.memory_space<vmem>>, vector<16xi32>,
      %slice3A_225 = vector.extract_strided_slice %get3A_145 {offsets = [4], sizes = [1], strides = [1]} : vector<16xi32> to vector<1xi32>
      %squeeze3A_226 = vector.extract %slice3A_225[0] : i32 from vector<1xi32>
      %add3A_227 = vector.broadcast %squeeze3A_226 : i32 to vector<16xi32>
      %add3A_228 = arith.addi %add3A_227, %mul3A_8 : vector<16xi32>
      %add3A_229 = arith.constant 128 : i32
      %add3A_230 = arith.addi %mul3A_147, %add3A_229 : i32
      %swap3A_231 = arith.index_cast %add3A_230 : i32 to index
      %swap3A_232 = tpu.vector_load %arg6[%swap3A_231] {strides = array<i32>} : memref<13312xi32, #tpu.memory_space<vmem>>, vector<16xi32>,
      %swap3A_233 = vector.shape_cast %swap3A_232 : vector<16xi32> to vector<16xi32>
      %swap3A_234 = vector.shape_cast %add3A_228 : vector<16xi32> to vector<16xi32>
      tpu.vector_store %arg6[%swap3A_231], %swap3A_234 {strides = array<i32>} : memref<13312xi32, #tpu.memory_space<vmem>>, vector<16xi32>,
      %slice3A_235 = vector.extract_strided_slice %get3A_145 {offsets = [4], sizes = [1], strides = [1]} : vector<16xi32> to vector<1xi32>
      %squeeze3A_236 = vector.extract %slice3A_235[0] : i32 from vector<1xi32>
      %add3A_237 = vector.broadcast %squeeze3A_236 : i32 to vector<16xi32>
      %add3A_238 = arith.addi %add3A_237, %add3A_11 : vector<16xi32>
      %add3A_239 = arith.constant 144 : i32
      %add3A_240 = arith.addi %mul3A_147, %add3A_239 : i32
      %swap3A_241 = arith.index_cast %add3A_240 : i32 to index
      %swap3A_242 = tpu.vector_load %arg6[%swap3A_241] {strides = array<i32>} : memref<13312xi32, #tpu.memory_space<vmem>>, vector<16xi32>,
      %swap3A_243 = vector.shape_cast %swap3A_242 : vector<16xi32> to vector<16xi32>
      %swap3A_244 = vector.shape_cast %add3A_238 : vector<16xi32> to vector<16xi32>
      tpu.vector_store %arg6[%swap3A_241], %swap3A_244 {strides = array<i32>} : memref<13312xi32, #tpu.memory_space<vmem>>, vector<16xi32>,
      %slice3A_245 = vector.extract_strided_slice %get3A_145 {offsets = [5], sizes = [1], strides = [1]} : vector<16xi32> to vector<1xi32>
      %squeeze3A_246 = vector.extract %slice3A_245[0] : i32 from vector<1xi32>
      %add3A_247 = vector.broadcast %squeeze3A_246 : i32 to vector<16xi32>
      %add3A_248 = arith.addi %add3A_247, %mul3A_8 : vector<16xi32>
      %add3A_249 = arith.constant 160 : i32
      %add3A_250 = arith.addi %mul3A_147, %add3A_249 : i32
      %swap3A_251 = arith.index_cast %add3A_250 : i32 to index
      %swap3A_252 = tpu.vector_load %arg6[%swap3A_251] {strides = array<i32>} : memref<13312xi32, #tpu.memory_space<vmem>>, vector<16xi32>,
      %swap3A_253 = vector.shape_cast %swap3A_252 : vector<16xi32> to vector<16xi32>
      %swap3A_254 = vector.shape_cast %add3A_248 : vector<16xi32> to vector<16xi32>
      tpu.vector_store %arg6[%swap3A_251], %swap3A_254 {strides = array<i32>} : memref<13312xi32, #tpu.memory_space<vmem>>, vector<16xi32>,
      %slice3A_255 = vector.extract_strided_slice %get3A_145 {offsets = [5], sizes = [1], strides = [1]} : vector<16xi32> to vector<1xi32>
      %squeeze3A_256 = vector.extract %slice3A_255[0] : i32 from vector<1xi32>
      %add3A_257 = vector.broadcast %squeeze3A_256 : i32 to vector<16xi32>
      %add3A_258 = arith.addi %add3A_257, %add3A_11 : vector<16xi32>
      %add3A_259 = arith.constant 176 : i32
      %add3A_260 = arith.addi %mul3A_147, %add3A_259 : i32
      %swap3A_261 = arith.index_cast %add3A_260 : i32 to index
      %swap3A_262 = tpu.vector_load %arg6[%swap3A_261] {strides = array<i32>} : memref<13312xi32, #tpu.memory_space<vmem>>, vector<16xi32>,
      %swap3A_263 = vector.shape_cast %swap3A_262 : vector<16xi32> to vector<16xi32>
      %swap3A_264 = vector.shape_cast %add3A_258 : vector<16xi32> to vector<16xi32>
      tpu.vector_store %arg6[%swap3A_261], %swap3A_264 {strides = array<i32>} : memref<13312xi32, #tpu.memory_space<vmem>>, vector<16xi32>,
      %slice3A_265 = vector.extract_strided_slice %get3A_145 {offsets = [6], sizes = [1], strides = [1]} : vector<16xi32> to vector<1xi32>
      %squeeze3A_266 = vector.extract %slice3A_265[0] : i32 from vector<1xi32>
      %add3A_267 = vector.broadcast %squeeze3A_266 : i32 to vector<16xi32>
      %add3A_268 = arith.addi %add3A_267, %mul3A_8 : vector<16xi32>
      %add3A_269 = arith.constant 192 : i32
      %add3A_270 = arith.addi %mul3A_147, %add3A_269 : i32
      %swap3A_271 = arith.index_cast %add3A_270 : i32 to index
      %swap3A_272 = tpu.vector_load %arg6[%swap3A_271] {strides = array<i32>} : memref<13312xi32, #tpu.memory_space<vmem>>, vector<16xi32>,
      %swap3A_273 = vector.shape_cast %swap3A_272 : vector<16xi32> to vector<16xi32>
      %swap3A_274 = vector.shape_cast %add3A_268 : vector<16xi32> to vector<16xi32>
      tpu.vector_store %arg6[%swap3A_271], %swap3A_274 {strides = array<i32>} : memref<13312xi32, #tpu.memory_space<vmem>>, vector<16xi32>,
      %slice3A_275 = vector.extract_strided_slice %get3A_145 {offsets = [6], sizes = [1], strides = [1]} : vector<16xi32> to vector<1xi32>
      %squeeze3A_276 = vector.extract %slice3A_275[0] : i32 from vector<1xi32>
      %add3A_277 = vector.broadcast %squeeze3A_276 : i32 to vector<16xi32>
      %add3A_278 = arith.addi %add3A_277, %add3A_11 : vector<16xi32>
      %add3A_279 = arith.constant 208 : i32
      %add3A_280 = arith.addi %mul3A_147, %add3A_279 : i32
      %swap3A_281 = arith.index_cast %add3A_280 : i32 to index
      %swap3A_282 = tpu.vector_load %arg6[%swap3A_281] {strides = array<i32>} : memref<13312xi32, #tpu.memory_space<vmem>>, vector<16xi32>,
      %swap3A_283 = vector.shape_cast %swap3A_282 : vector<16xi32> to vector<16xi32>
      %swap3A_284 = vector.shape_cast %add3A_278 : vector<16xi32> to vector<16xi32>
      tpu.vector_store %arg6[%swap3A_281], %swap3A_284 {strides = array<i32>} : memref<13312xi32, #tpu.memory_space<vmem>>, vector<16xi32>,
      %slice3A_285 = vector.extract_strided_slice %get3A_145 {offsets = [7], sizes = [1], strides = [1]} : vector<16xi32> to vector<1xi32>
      %squeeze3A_286 = vector.extract %slice3A_285[0] : i32 from vector<1xi32>
      %add3A_287 = vector.broadcast %squeeze3A_286 : i32 to vector<16xi32>
      %add3A_288 = arith.addi %add3A_287, %mul3A_8 : vector<16xi32>
      %add3A_289 = arith.constant 224 : i32
      %add3A_290 = arith.addi %mul3A_147, %add3A_289 : i32
      %swap3A_291 = arith.index_cast %add3A_290 : i32 to index
      %swap3A_292 = tpu.vector_load %arg6[%swap3A_291] {strides = array<i32>} : memref<13312xi32, #tpu.memory_space<vmem>>, vector<16xi32>,
      %swap3A_293 = vector.shape_cast %swap3A_292 : vector<16xi32> to vector<16xi32>
      %swap3A_294 = vector.shape_cast %add3A_288 : vector<16xi32> to vector<16xi32>
      tpu.vector_store %arg6[%swap3A_291], %swap3A_294 {strides = array<i32>} : memref<13312xi32, #tpu.memory_space<vmem>>, vector<16xi32>,
      %slice3A_295 = vector.extract_strided_slice %get3A_145 {offsets = [7], sizes = [1], strides = [1]} : vector<16xi32> to vector<1xi32>
      %squeeze3A_296 = vector.extract %slice3A_295[0] : i32 from vector<1xi32>
      %add3A_297 = vector.broadcast %squeeze3A_296 : i32 to vector<16xi32>
      %add3A_298 = arith.addi %add3A_297, %add3A_11 : vector<16xi32>
      %add3A_299 = arith.constant 240 : i32
      %add3A_300 = arith.addi %mul3A_147, %add3A_299 : i32
      %swap3A_301 = arith.index_cast %add3A_300 : i32 to index
      %swap3A_302 = tpu.vector_load %arg6[%swap3A_301] {strides = array<i32>} : memref<13312xi32, #tpu.memory_space<vmem>>, vector<16xi32>,
      %swap3A_303 = vector.shape_cast %swap3A_302 : vector<16xi32> to vector<16xi32>
      %swap3A_304 = vector.shape_cast %add3A_298 : vector<16xi32> to vector<16xi32>
      tpu.vector_store %arg6[%swap3A_301], %swap3A_304 {strides = array<i32>} : memref<13312xi32, #tpu.memory_space<vmem>>, vector<16xi32>,
      %slice3A_305 = vector.extract_strided_slice %get3A_145 {offsets = [8], sizes = [1], strides = [1]} : vector<16xi32> to vector<1xi32>
      %squeeze3A_306 = vector.extract %slice3A_305[0] : i32 from vector<1xi32>
      %add3A_307 = vector.broadcast %squeeze3A_306 : i32 to vector<16xi32>
      %add3A_308 = arith.addi %add3A_307, %mul3A_8 : vector<16xi32>
      %add3A_309 = arith.constant 256 : i32
      %add3A_310 = arith.addi %mul3A_147, %add3A_309 : i32
      %swap3A_311 = arith.index_cast %add3A_310 : i32 to index
      %swap3A_312 = tpu.vector_load %arg6[%swap3A_311] {strides = array<i32>} : memref<13312xi32, #tpu.memory_space<vmem>>, vector<16xi32>,
      %swap3A_313 = vector.shape_cast %swap3A_312 : vector<16xi32> to vector<16xi32>
      %swap3A_314 = vector.shape_cast %add3A_308 : vector<16xi32> to vector<16xi32>
      tpu.vector_store %arg6[%swap3A_311], %swap3A_314 {strides = array<i32>} : memref<13312xi32, #tpu.memory_space<vmem>>, vector<16xi32>,
      %slice3A_315 = vector.extract_strided_slice %get3A_145 {offsets = [8], sizes = [1], strides = [1]} : vector<16xi32> to vector<1xi32>
      %squeeze3A_316 = vector.extract %slice3A_315[0] : i32 from vector<1xi32>
      %add3A_317 = vector.broadcast %squeeze3A_316 : i32 to vector<16xi32>
      %add3A_318 = arith.addi %add3A_317, %add3A_11 : vector<16xi32>
      %add3A_319 = arith.constant 272 : i32
      %add3A_320 = arith.addi %mul3A_147, %add3A_319 : i32
      %swap3A_321 = arith.index_cast %add3A_320 : i32 to index
      %swap3A_322 = tpu.vector_load %arg6[%swap3A_321] {strides = array<i32>} : memref<13312xi32, #tpu.memory_space<vmem>>, vector<16xi32>,
      %swap3A_323 = vector.shape_cast %swap3A_322 : vector<16xi32> to vector<16xi32>
      %swap3A_324 = vector.shape_cast %add3A_318 : vector<16xi32> to vector<16xi32>
      tpu.vector_store %arg6[%swap3A_321], %swap3A_324 {strides = array<i32>} : memref<13312xi32, #tpu.memory_space<vmem>>, vector<16xi32>,
      %slice3A_325 = vector.extract_strided_slice %get3A_145 {offsets = [9], sizes = [1], strides = [1]} : vector<16xi32> to vector<1xi32>
      %squeeze3A_326 = vector.extract %slice3A_325[0] : i32 from vector<1xi32>
      %add3A_327 = vector.broadcast %squeeze3A_326 : i32 to vector<16xi32>
      %add3A_328 = arith.addi %add3A_327, %mul3A_8 : vector<16xi32>
      %add3A_329 = arith.constant 288 : i32
      %add3A_330 = arith.addi %mul3A_147, %add3A_329 : i32
      %swap3A_331 = arith.index_cast %add3A_330 : i32 to index
      %swap3A_332 = tpu.vector_load %arg6[%swap3A_331] {strides = array<i32>} : memref<13312xi32, #tpu.memory_space<vmem>>, vector<16xi32>,
      %swap3A_333 = vector.shape_cast %swap3A_332 : vector<16xi32> to vector<16xi32>
      %swap3A_334 = vector.shape_cast %add3A_328 : vector<16xi32> to vector<16xi32>
      tpu.vector_store %arg6[%swap3A_331], %swap3A_334 {strides = array<i32>} : memref<13312xi32, #tpu.memory_space<vmem>>, vector<16xi32>,
      %slice3A_335 = vector.extract_strided_slice %get3A_145 {offsets = [9], sizes = [1], strides = [1]} : vector<16xi32> to vector<1xi32>
      %squeeze3A_336 = vector.extract %slice3A_335[0] : i32 from vector<1xi32>
      %add3A_337 = vector.broadcast %squeeze3A_336 : i32 to vector<16xi32>
      %add3A_338 = arith.addi %add3A_337, %add3A_11 : vector<16xi32>
      %add3A_339 = arith.constant 304 : i32
      %add3A_340 = arith.addi %mul3A_147, %add3A_339 : i32
      %swap3A_341 = arith.index_cast %add3A_340 : i32 to index
      %swap3A_342 = tpu.vector_load %arg6[%swap3A_341] {strides = array<i32>} : memref<13312xi32, #tpu.memory_space<vmem>>, vector<16xi32>,
      %swap3A_343 = vector.shape_cast %swap3A_342 : vector<16xi32> to vector<16xi32>
      %swap3A_344 = vector.shape_cast %add3A_338 : vector<16xi32> to vector<16xi32>
      tpu.vector_store %arg6[%swap3A_341], %swap3A_344 {strides = array<i32>} : memref<13312xi32, #tpu.memory_space<vmem>>, vector<16xi32>,
      %slice3A_345 = vector.extract_strided_slice %get3A_145 {offsets = [10], sizes = [1], strides = [1]} : vector<16xi32> to vector<1xi32>
      %squeeze3A_346 = vector.extract %slice3A_345[0] : i32 from vector<1xi32>
      %add3A_347 = vector.broadcast %squeeze3A_346 : i32 to vector<16xi32>
      %add3A_348 = arith.addi %add3A_347, %mul3A_8 : vector<16xi32>
      %add3A_349 = arith.constant 320 : i32
      %add3A_350 = arith.addi %mul3A_147, %add3A_349 : i32
      %swap3A_351 = arith.index_cast %add3A_350 : i32 to index
      %swap3A_352 = tpu.vector_load %arg6[%swap3A_351] {strides = array<i32>} : memref<13312xi32, #tpu.memory_space<vmem>>, vector<16xi32>,
      %swap3A_353 = vector.shape_cast %swap3A_352 : vector<16xi32> to vector<16xi32>
      %swap3A_354 = vector.shape_cast %add3A_348 : vector<16xi32> to vector<16xi32>
      tpu.vector_store %arg6[%swap3A_351], %swap3A_354 {strides = array<i32>} : memref<13312xi32, #tpu.memory_space<vmem>>, vector<16xi32>,
      %slice3A_355 = vector.extract_strided_slice %get3A_145 {offsets = [10], sizes = [1], strides = [1]} : vector<16xi32> to vector<1xi32>
      %squeeze3A_356 = vector.extract %slice3A_355[0] : i32 from vector<1xi32>
      %add3A_357 = vector.broadcast %squeeze3A_356 : i32 to vector<16xi32>
      %add3A_358 = arith.addi %add3A_357, %add3A_11 : vector<16xi32>
      %add3A_359 = arith.constant 336 : i32
      %add3A_360 = arith.addi %mul3A_147, %add3A_359 : i32
      %swap3A_361 = arith.index_cast %add3A_360 : i32 to index
      %swap3A_362 = tpu.vector_load %arg6[%swap3A_361] {strides = array<i32>} : memref<13312xi32, #tpu.memory_space<vmem>>, vector<16xi32>,
      %swap3A_363 = vector.shape_cast %swap3A_362 : vector<16xi32> to vector<16xi32>
      %swap3A_364 = vector.shape_cast %add3A_358 : vector<16xi32> to vector<16xi32>
      tpu.vector_store %arg6[%swap3A_361], %swap3A_364 {strides = array<i32>} : memref<13312xi32, #tpu.memory_space<vmem>>, vector<16xi32>,
      %slice3A_365 = vector.extract_strided_slice %get3A_145 {offsets = [11], sizes = [1], strides = [1]} : vector<16xi32> to vector<1xi32>
      %squeeze3A_366 = vector.extract %slice3A_365[0] : i32 from vector<1xi32>
      %add3A_367 = vector.broadcast %squeeze3A_366 : i32 to vector<16xi32>
      %add3A_368 = arith.addi %add3A_367, %mul3A_8 : vector<16xi32>
      %add3A_369 = arith.constant 352 : i32
      %add3A_370 = arith.addi %mul3A_147, %add3A_369 : i32
      %swap3A_371 = arith.index_cast %add3A_370 : i32 to index
      %swap3A_372 = tpu.vector_load %arg6[%swap3A_371] {strides = array<i32>} : memref<13312xi32, #tpu.memory_space<vmem>>, vector<16xi32>,
      %swap3A_373 = vector.shape_cast %swap3A_372 : vector<16xi32> to vector<16xi32>
      %swap3A_374 = vector.shape_cast %add3A_368 : vector<16xi32> to vector<16xi32>
      tpu.vector_store %arg6[%swap3A_371], %swap3A_374 {strides = array<i32>} : memref<13312xi32, #tpu.memory_space<vmem>>, vector<16xi32>,
      %slice3A_375 = vector.extract_strided_slice %get3A_145 {offsets = [11], sizes = [1], strides = [1]} : vector<16xi32> to vector<1xi32>
      %squeeze3A_376 = vector.extract %slice3A_375[0] : i32 from vector<1xi32>
      %add3A_377 = vector.broadcast %squeeze3A_376 : i32 to vector<16xi32>
      %add3A_378 = arith.addi %add3A_377, %add3A_11 : vector<16xi32>
      %add3A_379 = arith.constant 368 : i32
      %add3A_380 = arith.addi %mul3A_147, %add3A_379 : i32
      %swap3A_381 = arith.index_cast %add3A_380 : i32 to index
      %swap3A_382 = tpu.vector_load %arg6[%swap3A_381] {strides = array<i32>} : memref<13312xi32, #tpu.memory_space<vmem>>, vector<16xi32>,
      %swap3A_383 = vector.shape_cast %swap3A_382 : vector<16xi32> to vector<16xi32>
      %swap3A_384 = vector.shape_cast %add3A_378 : vector<16xi32> to vector<16xi32>
      tpu.vector_store %arg6[%swap3A_381], %swap3A_384 {strides = array<i32>} : memref<13312xi32, #tpu.memory_space<vmem>>, vector<16xi32>,
      %slice3A_385 = vector.extract_strided_slice %get3A_145 {offsets = [12], sizes = [1], strides = [1]} : vector<16xi32> to vector<1xi32>
      %squeeze3A_386 = vector.extract %slice3A_385[0] : i32 from vector<1xi32>
      %add3A_387 = vector.broadcast %squeeze3A_386 : i32 to vector<16xi32>
      %add3A_388 = arith.addi %add3A_387, %mul3A_8 : vector<16xi32>
      %add3A_389 = arith.constant 384 : i32
      %add3A_390 = arith.addi %mul3A_147, %add3A_389 : i32
      %swap3A_391 = arith.index_cast %add3A_390 : i32 to index
      %swap3A_392 = tpu.vector_load %arg6[%swap3A_391] {strides = array<i32>} : memref<13312xi32, #tpu.memory_space<vmem>>, vector<16xi32>,
      %swap3A_393 = vector.shape_cast %swap3A_392 : vector<16xi32> to vector<16xi32>
      %swap3A_394 = vector.shape_cast %add3A_388 : vector<16xi32> to vector<16xi32>
      tpu.vector_store %arg6[%swap3A_391], %swap3A_394 {strides = array<i32>} : memref<13312xi32, #tpu.memory_space<vmem>>, vector<16xi32>,
      %slice3A_395 = vector.extract_strided_slice %get3A_145 {offsets = [12], sizes = [1], strides = [1]} : vector<16xi32> to vector<1xi32>
      %squeeze3A_396 = vector.extract %slice3A_395[0] : i32 from vector<1xi32>
      %add3A_397 = vector.broadcast %squeeze3A_396 : i32 to vector<16xi32>
      %add3A_398 = arith.addi %add3A_397, %add3A_11 : vector<16xi32>
      %add3A_399 = arith.constant 400 : i32
      %add3A_400 = arith.addi %mul3A_147, %add3A_399 : i32
      %swap3A_401 = arith.index_cast %add3A_400 : i32 to index
      %swap3A_402 = tpu.vector_load %arg6[%swap3A_401] {strides = array<i32>} : memref<13312xi32, #tpu.memory_space<vmem>>, vector<16xi32>,
      %swap3A_403 = vector.shape_cast %swap3A_402 : vector<16xi32> to vector<16xi32>
      %swap3A_404 = vector.shape_cast %add3A_398 : vector<16xi32> to vector<16xi32>
      tpu.vector_store %arg6[%swap3A_401], %swap3A_404 {strides = array<i32>} : memref<13312xi32, #tpu.memory_space<vmem>>, vector<16xi32>,
      %slice3A_405 = vector.extract_strided_slice %get3A_145 {offsets = [13], sizes = [1], strides = [1]} : vector<16xi32> to vector<1xi32>
      %squeeze3A_406 = vector.extract %slice3A_405[0] : i32 from vector<1xi32>
      %add3A_407 = vector.broadcast %squeeze3A_406 : i32 to vector<16xi32>
      %add3A_408 = arith.addi %add3A_407, %mul3A_8 : vector<16xi32>
      %add3A_409 = arith.constant 416 : i32
      %add3A_410 = arith.addi %mul3A_147, %add3A_409 : i32
      %swap3A_411 = arith.index_cast %add3A_410 : i32 to index
      %swap3A_412 = tpu.vector_load %arg6[%swap3A_411] {strides = array<i32>} : memref<13312xi32, #tpu.memory_space<vmem>>, vector<16xi32>,
      %swap3A_413 = vector.shape_cast %swap3A_412 : vector<16xi32> to vector<16xi32>
      %swap3A_414 = vector.shape_cast %add3A_408 : vector<16xi32> to vector<16xi32>
      tpu.vector_store %arg6[%swap3A_411], %swap3A_414 {strides = array<i32>} : memref<13312xi32, #tpu.memory_space<vmem>>, vector<16xi32>,
      %slice3A_415 = vector.extract_strided_slice %get3A_145 {offsets = [13], sizes = [1], strides = [1]} : vector<16xi32> to vector<1xi32>
      %squeeze3A_416 = vector.extract %slice3A_415[0] : i32 from vector<1xi32>
      %add3A_417 = vector.broadcast %squeeze3A_416 : i32 to vector<16xi32>
      %add3A_418 = arith.addi %add3A_417, %add3A_11 : vector<16xi32>
      %add3A_419 = arith.constant 432 : i32
      %add3A_420 = arith.addi %mul3A_147, %add3A_419 : i32
      %swap3A_421 = arith.index_cast %add3A_420 : i32 to index
      %swap3A_422 = tpu.vector_load %arg6[%swap3A_421] {strides = array<i32>} : memref<13312xi32, #tpu.memory_space<vmem>>, vector<16xi32>,
      %swap3A_423 = vector.shape_cast %swap3A_422 : vector<16xi32> to vector<16xi32>
      %swap3A_424 = vector.shape_cast %add3A_418 : vector<16xi32> to vector<16xi32>
      tpu.vector_store %arg6[%swap3A_421], %swap3A_424 {strides = array<i32>} : memref<13312xi32, #tpu.memory_space<vmem>>, vector<16xi32>,
      %slice3A_425 = vector.extract_strided_slice %get3A_145 {offsets = [14], sizes = [1], strides = [1]} : vector<16xi32> to vector<1xi32>
      %squeeze3A_426 = vector.extract %slice3A_425[0] : i32 from vector<1xi32>
      %add3A_427 = vector.broadcast %squeeze3A_426 : i32 to vector<16xi32>
      %add3A_428 = arith.addi %add3A_427, %mul3A_8 : vector<16xi32>
      %add3A_429 = arith.constant 448 : i32
      %add3A_430 = arith.addi %mul3A_147, %add3A_429 : i32
      %swap3A_431 = arith.index_cast %add3A_430 : i32 to index
      %swap3A_432 = tpu.vector_load %arg6[%swap3A_431] {strides = array<i32>} : memref<13312xi32, #tpu.memory_space<vmem>>, vector<16xi32>,
      %swap3A_433 = vector.shape_cast %swap3A_432 : vector<16xi32> to vector<16xi32>
      %swap3A_434 = vector.shape_cast %add3A_428 : vector<16xi32> to vector<16xi32>
      tpu.vector_store %arg6[%swap3A_431], %swap3A_434 {strides = array<i32>} : memref<13312xi32, #tpu.memory_space<vmem>>, vector<16xi32>,
      %slice3A_435 = vector.extract_strided_slice %get3A_145 {offsets = [14], sizes = [1], strides = [1]} : vector<16xi32> to vector<1xi32>
      %squeeze3A_436 = vector.extract %slice3A_435[0] : i32 from vector<1xi32>
      %add3A_437 = vector.broadcast %squeeze3A_436 : i32 to vector<16xi32>
      %add3A_438 = arith.addi %add3A_437, %add3A_11 : vector<16xi32>
      %add3A_439 = arith.constant 464 : i32
      %add3A_440 = arith.addi %mul3A_147, %add3A_439 : i32
      %swap3A_441 = arith.index_cast %add3A_440 : i32 to index
      %swap3A_442 = tpu.vector_load %arg6[%swap3A_441] {strides = array<i32>} : memref<13312xi32, #tpu.memory_space<vmem>>, vector<16xi32>,
      %swap3A_443 = vector.shape_cast %swap3A_442 : vector<16xi32> to vector<16xi32>
      %swap3A_444 = vector.shape_cast %add3A_438 : vector<16xi32> to vector<16xi32>
      tpu.vector_store %arg6[%swap3A_441], %swap3A_444 {strides = array<i32>} : memref<13312xi32, #tpu.memory_space<vmem>>, vector<16xi32>,
      %slice3A_445 = vector.extract_strided_slice %get3A_145 {offsets = [15], sizes = [1], strides = [1]} : vector<16xi32> to vector<1xi32>
      %squeeze3A_446 = vector.extract %slice3A_445[0] : i32 from vector<1xi32>
      %add3A_447 = vector.broadcast %squeeze3A_446 : i32 to vector<16xi32>
      %add3A_448 = arith.addi %add3A_447, %mul3A_8 : vector<16xi32>
      %add3A_449 = arith.constant 480 : i32
      %add3A_450 = arith.addi %mul3A_147, %add3A_449 : i32
      %swap3A_451 = arith.index_cast %add3A_450 : i32 to index
      %swap3A_452 = tpu.vector_load %arg6[%swap3A_451] {strides = array<i32>} : memref<13312xi32, #tpu.memory_space<vmem>>, vector<16xi32>,
      %swap3A_453 = vector.shape_cast %swap3A_452 : vector<16xi32> to vector<16xi32>
      %swap3A_454 = vector.shape_cast %add3A_448 : vector<16xi32> to vector<16xi32>
      tpu.vector_store %arg6[%swap3A_451], %swap3A_454 {strides = array<i32>} : memref<13312xi32, #tpu.memory_space<vmem>>, vector<16xi32>,
      %slice3A_455 = vector.extract_strided_slice %get3A_145 {offsets = [15], sizes = [1], strides = [1]} : vector<16xi32> to vector<1xi32>
      %squeeze3A_456 = vector.extract %slice3A_455[0] : i32 from vector<1xi32>
      %add3A_457 = vector.broadcast %squeeze3A_456 : i32 to vector<16xi32>
      %add3A_458 = arith.addi %add3A_457, %add3A_11 : vector<16xi32>
      %add3A_459 = arith.constant 496 : i32
      %add3A_460 = arith.addi %mul3A_147, %add3A_459 : i32
      %swap3A_461 = arith.index_cast %add3A_460 : i32 to index
      %swap3A_462 = tpu.vector_load %arg6[%swap3A_461] {strides = array<i32>} : memref<13312xi32, #tpu.memory_space<vmem>>, vector<16xi32>,
      %swap3A_463 = vector.shape_cast %swap3A_462 : vector<16xi32> to vector<16xi32>
      %swap3A_464 = vector.shape_cast %add3A_458 : vector<16xi32> to vector<16xi32>
      tpu.vector_store %arg6[%swap3A_461], %swap3A_464 {strides = array<i32>} : memref<13312xi32, #tpu.memory_space<vmem>>, vector<16xi32>,
    }
    %scan3A_41 = arith.constant 26 : i32
    %scan3A_42 = arith.constant 0 : i32
    %scan3A_43 = arith.constant 0 : i32
    %scan3A_44 = arith.constant 104 : i32
    %scan3A_45 = arith.addi %scan3A_43, %scan3A_44 : i32
    %scan3A_46 = arith.constant 1 : i32
    scf.for %scan3A_108 = %scan3A_43 to %scan3A_45 step %scan3A_46  : i32 {
      %mul3A_109 = arith.constant 128 : i32
      %mul3A_110 = arith.muli %scan3A_108, %mul3A_109 : i32
      %mul3A_111 = arith.constant 128 : i32
      %mul3A_112 = arith.muli %scan3A_108, %mul3A_111 : i32
      %dma_start3A = tpu.memref_slice %arg7[%mul3A_112] : memref<13312xf32, #tpu.memory_space<vmem>> -> memref<128xf32, #tpu.memory_space<vmem>>
      %dma_start3A_113 = tpu.memref_slice %arg6[%mul3A_110] : memref<13312xi32, #tpu.memory_space<vmem>> -> memref<128xi32, #tpu.memory_space<vmem>>
      %dma_start3A_114 = arith.constant 0 : i32
      %dma_start3A_115 = tpu.memref_slice %arg3[%dma_start3A_114] : memref<41600000xf32, #tpu.memory_space<hbm>> -> memref<41600000xf32, #tpu.memory_space<hbm>>
      tpu.enqueue_indirect_dma source(%dma_start3A_115 : memref<41600000xf32, #tpu.memory_space<hbm>>) target(%dma_start3A : memref<128xf32, #tpu.memory_space<vmem>>) offsets(%dma_start3A_113 : memref<128xi32, #tpu.memory_space<vmem>>) semaphore(%arg8 : memref<!tpu.dma_semaphore, #tpu.memory_space<semaphore_mem>>)
    }
    %scan3A_47 = arith.constant 104 : i32
    %scan3A_48 = arith.constant 0 : i32
    %scan3A_49 = arith.constant 0 : i32
    %scan3A_50 = arith.constant 104 : i32
    %scan3A_51 = arith.addi %scan3A_49, %scan3A_50 : i32
    %scan3A_52 = arith.constant 1 : i32
    scf.for %scan3A_108 = %scan3A_49 to %scan3A_51 step %scan3A_52  : i32 {
      %mul3A_109 = arith.constant 128 : i32
      %mul3A_110 = arith.muli %scan3A_108, %mul3A_109 : i32
      %mul3A_111 = arith.constant 128 : i32
      %mul3A_112 = arith.muli %scan3A_108, %mul3A_111 : i32
      %dma_wait3A = tpu.memref_slice %arg7[%mul3A_112] : memref<13312xf32, #tpu.memory_space<vmem>> -> memref<128xf32, #tpu.memory_space<vmem>>
      %dma_wait3A_113 = tpu.memref_slice %arg6[%mul3A_110] : memref<13312xi32, #tpu.memory_space<vmem>> -> memref<128xi32, #tpu.memory_space<vmem>>
      %dma_wait3A_114 = arith.constant 0 : i32
      %dma_wait3A_115 = tpu.memref_slice %arg3[%dma_wait3A_114] : memref<41600000xf32, #tpu.memory_space<hbm>> -> memref<41600000xf32, #tpu.memory_space<hbm>>
      tpu.wait_indirect_dma semaphore(%arg8 : memref<!tpu.dma_semaphore, #tpu.memory_space<semaphore_mem>>) src(%dma_wait3A_115 : memref<41600000xf32, #tpu.memory_space<hbm>>) dst(%dma_wait3A : memref<128xf32, #tpu.memory_space<vmem>>)
    }
    %scan3A_53 = arith.constant 104 : i32
    %mul3A_54 = arith.constant 1664 : i32
    %mul3A_55 = arith.muli %add3A, %mul3A_54 : i32
    %mul3A_56 = arith.constant 32 : i32
    %mul3A_57 = arith.muli %mul3A_55, %mul3A_56 : i32
    %add3A_58 = arith.constant 13312 : i32
    %add3A_59 = arith.addi %mul3A_57, %add3A_58 : i32
    "tpu.region"() ({
      %run_scoped3A = tpu.sem_alloc : memref<!tpu.dma_semaphore, #tpu.memory_space<semaphore_mem>>
      %dma_start3A = tpu.memref_slice %arg4[%add3A_59] : memref<1703936xf32, #tpu.memory_space<hbm>> -> memref<13312xf32, #tpu.memory_space<hbm>>
      %dma_start3A_108 = tpu.memref_slice %arg4[%add3A_59] : memref<1703936xf32, #tpu.memory_space<hbm>> -> memref<13312xf32, #tpu.memory_space<hbm>>
      tpu.enqueue_dma source(%arg7 : memref<13312xf32, #tpu.memory_space<vmem>>) target(%dma_start3A_108 : memref<13312xf32, #tpu.memory_space<hbm>>) target_semaphore(%run_scoped3A : memref<!tpu.dma_semaphore, #tpu.memory_space<semaphore_mem>>)
      %dma_wait3A = tpu.memref_slice %arg4[%add3A_59] : memref<1703936xf32, #tpu.memory_space<hbm>> -> memref<13312xf32, #tpu.memory_space<hbm>>
      %dma_wait3A_109 = tpu.memref_slice %arg4[%add3A_59] : memref<1703936xf32, #tpu.memory_space<hbm>> -> memref<13312xf32, #tpu.memory_space<hbm>>
      tpu.wait_dma2 semaphore(%run_scoped3A : memref<!tpu.dma_semaphore, #tpu.memory_space<semaphore_mem>>) src(%arg7 : memref<13312xf32, #tpu.memory_space<vmem>>) dst(%dma_wait3A_109 : memref<13312xf32, #tpu.memory_space<hbm>>)
      tpu.yield
    }) : () -> ()
    %scan3A_60 = arith.constant 0 : i32
    %scan3A_61 = arith.constant 0 : i32
    %scan3A_62 = arith.constant 26 : i32
    %scan3A_63 = arith.addi %scan3A_61, %scan3A_62 : i32
    %scan3A_64 = arith.constant 1 : i32
    scf.for %scan3A_108 = %scan3A_61 to %scan3A_63 step %scan3A_64  : i32 {
      %mul3A_109 = arith.constant 16 : i32
      %mul3A_110 = arith.muli %scan3A_108, %mul3A_109 : i32
      %add3A_111 = arith.constant 832 : i32
      %add3A_112 = arith.addi %add3A_111, %mul3A_110 : i32
      %jit3A = arith.constant 128 : i32
      %div3A = arith.divsi %add3A_112, %jit3A : i32
      %sign3A = arith.constant 0 : i32
      %sign3A_113 = arith.cmpi sgt, %add3A_112, %sign3A : i32
      %sign3A_114 = arith.extui %sign3A_113 : i1 to i32
      %sign3A_115 = arith.constant 0 : i32
      %sign3A_116 = arith.cmpi slt, %add3A_112, %sign3A_115 : i32
      %sign3A_117 = arith.extui %sign3A_116 : i1 to i32
      %sign3A_118 = arith.subi %sign3A_114, %sign3A_117 : i32
      %sign3A_119 = arith.constant 0 : i32
      %sign3A_120 = arith.cmpi sgt, %jit3A, %sign3A_119 : i32
      %sign3A_121 = arith.extui %sign3A_120 : i1 to i32
      %sign3A_122 = arith.constant 0 : i32
      %sign3A_123 = arith.cmpi slt, %jit3A, %sign3A_122 : i32
      %sign3A_124 = arith.extui %sign3A_123 : i1 to i32
      %sign3A_125 = arith.subi %sign3A_121, %sign3A_124 : i32
      %ne3A = arith.cmpi ne, %sign3A_118, %sign3A_125 : i32
      %rem3A = arith.remsi %add3A_112, %jit3A : i32
      %ne3A_126 = arith.constant 0 : i32
      %ne3A_127 = arith.cmpi ne, %rem3A, %ne3A_126 : i32
      %and3A = arith.andi %ne3A, %ne3A_127 : i1
      %sub3A = arith.constant 1 : i32
      %sub3A_128 = arith.subi %div3A, %sub3A : i32
      %select_n3A = arith.select %and3A, %sub3A_128, %div3A : i32
      %jit3A_129 = arith.constant 128 : i32
      %eq3A = arith.constant 0 : i32
      %eq3A_130 = arith.cmpi eq, %jit3A_129, %eq3A : i32
      %jit3A_131 = arith.constant 1 : i32
      %select_n3A_132 = arith.select %eq3A_130, %jit3A_131, %jit3A_129 : i32
      %rem3A_133 = arith.remsi %add3A_112, %select_n3A_132 : i32
      %ne3A_134 = arith.constant 0 : i32
      %ne3A_135 = arith.cmpi ne, %rem3A_133, %ne3A_134 : i32
      %lt3A = arith.constant 0 : i32
      %lt3A_136 = arith.cmpi slt, %rem3A_133, %lt3A : i32
      %lt3A_137 = arith.constant 0 : i32
      %lt3A_138 = arith.cmpi slt, %select_n3A_132, %lt3A_137 : i32
      %ne3A_139 = arith.xori %lt3A_136, %lt3A_138 : i1
      %and3A_140 = arith.andi %ne3A_139, %ne3A_135 : i1
      %add3A_141 = arith.addi %rem3A_133, %select_n3A_132 : i32
      %select_n3A_142 = arith.select %and3A_140, %add3A_141, %rem3A_133 : i32
      %get3A = arith.index_cast %select_n3A : i32 to index
      %get3A_143 = arith.index_cast %select_n3A_142 : i32 to index
      %get3A_144 = tpu.vector_load %arg5[%get3A, %get3A_143] {strides = array<i32>} : memref<13x128xi32, #tpu.memory_space<vmem>>, vector<1x16xi32>,
      %get3A_145 = vector.shape_cast %get3A_144 : vector<1x16xi32> to vector<16xi32>
      %mul3A_146 = arith.constant 512 : i32
      %mul3A_147 = arith.muli %scan3A_108, %mul3A_146 : i32
      %slice3A = vector.extract_strided_slice %get3A_145 {offsets = [0], sizes = [1], strides = [1]} : vector<16xi32> to vector<1xi32>
      %squeeze3A = vector.extract %slice3A[0] : i32 from vector<1xi32>
      %add3A_148 = vector.broadcast %squeeze3A : i32 to vector<16xi32>
      %add3A_149 = arith.addi %add3A_148, %mul3A_8 : vector<16xi32>
      %add3A_150 = arith.constant 0 : i32
      %add3A_151 = arith.addi %mul3A_147, %add3A_150 : i32
      %swap3A = arith.index_cast %add3A_151 : i32 to index
      %swap3A_152 = tpu.vector_load %arg6[%swap3A] {strides = array<i32>} : memref<13312xi32, #tpu.memory_space<vmem>>, vector<16xi32>,
      %swap3A_153 = vector.shape_cast %swap3A_152 : vector<16xi32> to vector<16xi32>
      %swap3A_154 = vector.shape_cast %add3A_149 : vector<16xi32> to vector<16xi32>
      tpu.vector_store %arg6[%swap3A], %swap3A_154 {strides = array<i32>} : memref<13312xi32, #tpu.memory_space<vmem>>, vector<16xi32>,
      %slice3A_155 = vector.extract_strided_slice %get3A_145 {offsets = [0], sizes = [1], strides = [1]} : vector<16xi32> to vector<1xi32>
      %squeeze3A_156 = vector.extract %slice3A_155[0] : i32 from vector<1xi32>
      %add3A_157 = vector.broadcast %squeeze3A_156 : i32 to vector<16xi32>
      %add3A_158 = arith.addi %add3A_157, %add3A_11 : vector<16xi32>
      %add3A_159 = arith.constant 16 : i32
      %add3A_160 = arith.addi %mul3A_147, %add3A_159 : i32
      %swap3A_161 = arith.index_cast %add3A_160 : i32 to index
      %swap3A_162 = tpu.vector_load %arg6[%swap3A_161] {strides = array<i32>} : memref<13312xi32, #tpu.memory_space<vmem>>, vector<16xi32>,
      %swap3A_163 = vector.shape_cast %swap3A_162 : vector<16xi32> to vector<16xi32>
      %swap3A_164 = vector.shape_cast %add3A_158 : vector<16xi32> to vector<16xi32>
      tpu.vector_store %arg6[%swap3A_161], %swap3A_164 {strides = array<i32>} : memref<13312xi32, #tpu.memory_space<vmem>>, vector<16xi32>,
      %slice3A_165 = vector.extract_strided_slice %get3A_145 {offsets = [1], sizes = [1], strides = [1]} : vector<16xi32> to vector<1xi32>
      %squeeze3A_166 = vector.extract %slice3A_165[0] : i32 from vector<1xi32>
      %add3A_167 = vector.broadcast %squeeze3A_166 : i32 to vector<16xi32>
      %add3A_168 = arith.addi %add3A_167, %mul3A_8 : vector<16xi32>
      %add3A_169 = arith.constant 32 : i32
      %add3A_170 = arith.addi %mul3A_147, %add3A_169 : i32
      %swap3A_171 = arith.index_cast %add3A_170 : i32 to index
      %swap3A_172 = tpu.vector_load %arg6[%swap3A_171] {strides = array<i32>} : memref<13312xi32, #tpu.memory_space<vmem>>, vector<16xi32>,
      %swap3A_173 = vector.shape_cast %swap3A_172 : vector<16xi32> to vector<16xi32>
      %swap3A_174 = vector.shape_cast %add3A_168 : vector<16xi32> to vector<16xi32>
      tpu.vector_store %arg6[%swap3A_171], %swap3A_174 {strides = array<i32>} : memref<13312xi32, #tpu.memory_space<vmem>>, vector<16xi32>,
      %slice3A_175 = vector.extract_strided_slice %get3A_145 {offsets = [1], sizes = [1], strides = [1]} : vector<16xi32> to vector<1xi32>
      %squeeze3A_176 = vector.extract %slice3A_175[0] : i32 from vector<1xi32>
      %add3A_177 = vector.broadcast %squeeze3A_176 : i32 to vector<16xi32>
      %add3A_178 = arith.addi %add3A_177, %add3A_11 : vector<16xi32>
      %add3A_179 = arith.constant 48 : i32
      %add3A_180 = arith.addi %mul3A_147, %add3A_179 : i32
      %swap3A_181 = arith.index_cast %add3A_180 : i32 to index
      %swap3A_182 = tpu.vector_load %arg6[%swap3A_181] {strides = array<i32>} : memref<13312xi32, #tpu.memory_space<vmem>>, vector<16xi32>,
      %swap3A_183 = vector.shape_cast %swap3A_182 : vector<16xi32> to vector<16xi32>
      %swap3A_184 = vector.shape_cast %add3A_178 : vector<16xi32> to vector<16xi32>
      tpu.vector_store %arg6[%swap3A_181], %swap3A_184 {strides = array<i32>} : memref<13312xi32, #tpu.memory_space<vmem>>, vector<16xi32>,
      %slice3A_185 = vector.extract_strided_slice %get3A_145 {offsets = [2], sizes = [1], strides = [1]} : vector<16xi32> to vector<1xi32>
      %squeeze3A_186 = vector.extract %slice3A_185[0] : i32 from vector<1xi32>
      %add3A_187 = vector.broadcast %squeeze3A_186 : i32 to vector<16xi32>
      %add3A_188 = arith.addi %add3A_187, %mul3A_8 : vector<16xi32>
      %add3A_189 = arith.constant 64 : i32
      %add3A_190 = arith.addi %mul3A_147, %add3A_189 : i32
      %swap3A_191 = arith.index_cast %add3A_190 : i32 to index
      %swap3A_192 = tpu.vector_load %arg6[%swap3A_191] {strides = array<i32>} : memref<13312xi32, #tpu.memory_space<vmem>>, vector<16xi32>,
      %swap3A_193 = vector.shape_cast %swap3A_192 : vector<16xi32> to vector<16xi32>
      %swap3A_194 = vector.shape_cast %add3A_188 : vector<16xi32> to vector<16xi32>
      tpu.vector_store %arg6[%swap3A_191], %swap3A_194 {strides = array<i32>} : memref<13312xi32, #tpu.memory_space<vmem>>, vector<16xi32>,
      %slice3A_195 = vector.extract_strided_slice %get3A_145 {offsets = [2], sizes = [1], strides = [1]} : vector<16xi32> to vector<1xi32>
      %squeeze3A_196 = vector.extract %slice3A_195[0] : i32 from vector<1xi32>
      %add3A_197 = vector.broadcast %squeeze3A_196 : i32 to vector<16xi32>
      %add3A_198 = arith.addi %add3A_197, %add3A_11 : vector<16xi32>
      %add3A_199 = arith.constant 80 : i32
      %add3A_200 = arith.addi %mul3A_147, %add3A_199 : i32
      %swap3A_201 = arith.index_cast %add3A_200 : i32 to index
      %swap3A_202 = tpu.vector_load %arg6[%swap3A_201] {strides = array<i32>} : memref<13312xi32, #tpu.memory_space<vmem>>, vector<16xi32>,
      %swap3A_203 = vector.shape_cast %swap3A_202 : vector<16xi32> to vector<16xi32>
      %swap3A_204 = vector.shape_cast %add3A_198 : vector<16xi32> to vector<16xi32>
      tpu.vector_store %arg6[%swap3A_201], %swap3A_204 {strides = array<i32>} : memref<13312xi32, #tpu.memory_space<vmem>>, vector<16xi32>,
      %slice3A_205 = vector.extract_strided_slice %get3A_145 {offsets = [3], sizes = [1], strides = [1]} : vector<16xi32> to vector<1xi32>
      %squeeze3A_206 = vector.extract %slice3A_205[0] : i32 from vector<1xi32>
      %add3A_207 = vector.broadcast %squeeze3A_206 : i32 to vector<16xi32>
      %add3A_208 = arith.addi %add3A_207, %mul3A_8 : vector<16xi32>
      %add3A_209 = arith.constant 96 : i32
      %add3A_210 = arith.addi %mul3A_147, %add3A_209 : i32
      %swap3A_211 = arith.index_cast %add3A_210 : i32 to index
      %swap3A_212 = tpu.vector_load %arg6[%swap3A_211] {strides = array<i32>} : memref<13312xi32, #tpu.memory_space<vmem>>, vector<16xi32>,
      %swap3A_213 = vector.shape_cast %swap3A_212 : vector<16xi32> to vector<16xi32>
      %swap3A_214 = vector.shape_cast %add3A_208 : vector<16xi32> to vector<16xi32>
      tpu.vector_store %arg6[%swap3A_211], %swap3A_214 {strides = array<i32>} : memref<13312xi32, #tpu.memory_space<vmem>>, vector<16xi32>,
      %slice3A_215 = vector.extract_strided_slice %get3A_145 {offsets = [3], sizes = [1], strides = [1]} : vector<16xi32> to vector<1xi32>
      %squeeze3A_216 = vector.extract %slice3A_215[0] : i32 from vector<1xi32>
      %add3A_217 = vector.broadcast %squeeze3A_216 : i32 to vector<16xi32>
      %add3A_218 = arith.addi %add3A_217, %add3A_11 : vector<16xi32>
      %add3A_219 = arith.constant 112 : i32
      %add3A_220 = arith.addi %mul3A_147, %add3A_219 : i32
      %swap3A_221 = arith.index_cast %add3A_220 : i32 to index
      %swap3A_222 = tpu.vector_load %arg6[%swap3A_221] {strides = array<i32>} : memref<13312xi32, #tpu.memory_space<vmem>>, vector<16xi32>,
      %swap3A_223 = vector.shape_cast %swap3A_222 : vector<16xi32> to vector<16xi32>
      %swap3A_224 = vector.shape_cast %add3A_218 : vector<16xi32> to vector<16xi32>
      tpu.vector_store %arg6[%swap3A_221], %swap3A_224 {strides = array<i32>} : memref<13312xi32, #tpu.memory_space<vmem>>, vector<16xi32>,
      %slice3A_225 = vector.extract_strided_slice %get3A_145 {offsets = [4], sizes = [1], strides = [1]} : vector<16xi32> to vector<1xi32>
      %squeeze3A_226 = vector.extract %slice3A_225[0] : i32 from vector<1xi32>
      %add3A_227 = vector.broadcast %squeeze3A_226 : i32 to vector<16xi32>
      %add3A_228 = arith.addi %add3A_227, %mul3A_8 : vector<16xi32>
      %add3A_229 = arith.constant 128 : i32
      %add3A_230 = arith.addi %mul3A_147, %add3A_229 : i32
      %swap3A_231 = arith.index_cast %add3A_230 : i32 to index
      %swap3A_232 = tpu.vector_load %arg6[%swap3A_231] {strides = array<i32>} : memref<13312xi32, #tpu.memory_space<vmem>>, vector<16xi32>,
      %swap3A_233 = vector.shape_cast %swap3A_232 : vector<16xi32> to vector<16xi32>
      %swap3A_234 = vector.shape_cast %add3A_228 : vector<16xi32> to vector<16xi32>
      tpu.vector_store %arg6[%swap3A_231], %swap3A_234 {strides = array<i32>} : memref<13312xi32, #tpu.memory_space<vmem>>, vector<16xi32>,
      %slice3A_235 = vector.extract_strided_slice %get3A_145 {offsets = [4], sizes = [1], strides = [1]} : vector<16xi32> to vector<1xi32>
      %squeeze3A_236 = vector.extract %slice3A_235[0] : i32 from vector<1xi32>
      %add3A_237 = vector.broadcast %squeeze3A_236 : i32 to vector<16xi32>
      %add3A_238 = arith.addi %add3A_237, %add3A_11 : vector<16xi32>
      %add3A_239 = arith.constant 144 : i32
      %add3A_240 = arith.addi %mul3A_147, %add3A_239 : i32
      %swap3A_241 = arith.index_cast %add3A_240 : i32 to index
      %swap3A_242 = tpu.vector_load %arg6[%swap3A_241] {strides = array<i32>} : memref<13312xi32, #tpu.memory_space<vmem>>, vector<16xi32>,
      %swap3A_243 = vector.shape_cast %swap3A_242 : vector<16xi32> to vector<16xi32>
      %swap3A_244 = vector.shape_cast %add3A_238 : vector<16xi32> to vector<16xi32>
      tpu.vector_store %arg6[%swap3A_241], %swap3A_244 {strides = array<i32>} : memref<13312xi32, #tpu.memory_space<vmem>>, vector<16xi32>,
      %slice3A_245 = vector.extract_strided_slice %get3A_145 {offsets = [5], sizes = [1], strides = [1]} : vector<16xi32> to vector<1xi32>
      %squeeze3A_246 = vector.extract %slice3A_245[0] : i32 from vector<1xi32>
      %add3A_247 = vector.broadcast %squeeze3A_246 : i32 to vector<16xi32>
      %add3A_248 = arith.addi %add3A_247, %mul3A_8 : vector<16xi32>
      %add3A_249 = arith.constant 160 : i32
      %add3A_250 = arith.addi %mul3A_147, %add3A_249 : i32
      %swap3A_251 = arith.index_cast %add3A_250 : i32 to index
      %swap3A_252 = tpu.vector_load %arg6[%swap3A_251] {strides = array<i32>} : memref<13312xi32, #tpu.memory_space<vmem>>, vector<16xi32>,
      %swap3A_253 = vector.shape_cast %swap3A_252 : vector<16xi32> to vector<16xi32>
      %swap3A_254 = vector.shape_cast %add3A_248 : vector<16xi32> to vector<16xi32>
      tpu.vector_store %arg6[%swap3A_251], %swap3A_254 {strides = array<i32>} : memref<13312xi32, #tpu.memory_space<vmem>>, vector<16xi32>,
      %slice3A_255 = vector.extract_strided_slice %get3A_145 {offsets = [5], sizes = [1], strides = [1]} : vector<16xi32> to vector<1xi32>
      %squeeze3A_256 = vector.extract %slice3A_255[0] : i32 from vector<1xi32>
      %add3A_257 = vector.broadcast %squeeze3A_256 : i32 to vector<16xi32>
      %add3A_258 = arith.addi %add3A_257, %add3A_11 : vector<16xi32>
      %add3A_259 = arith.constant 176 : i32
      %add3A_260 = arith.addi %mul3A_147, %add3A_259 : i32
      %swap3A_261 = arith.index_cast %add3A_260 : i32 to index
      %swap3A_262 = tpu.vector_load %arg6[%swap3A_261] {strides = array<i32>} : memref<13312xi32, #tpu.memory_space<vmem>>, vector<16xi32>,
      %swap3A_263 = vector.shape_cast %swap3A_262 : vector<16xi32> to vector<16xi32>
      %swap3A_264 = vector.shape_cast %add3A_258 : vector<16xi32> to vector<16xi32>
      tpu.vector_store %arg6[%swap3A_261], %swap3A_264 {strides = array<i32>} : memref<13312xi32, #tpu.memory_space<vmem>>, vector<16xi32>,
      %slice3A_265 = vector.extract_strided_slice %get3A_145 {offsets = [6], sizes = [1], strides = [1]} : vector<16xi32> to vector<1xi32>
      %squeeze3A_266 = vector.extract %slice3A_265[0] : i32 from vector<1xi32>
      %add3A_267 = vector.broadcast %squeeze3A_266 : i32 to vector<16xi32>
      %add3A_268 = arith.addi %add3A_267, %mul3A_8 : vector<16xi32>
      %add3A_269 = arith.constant 192 : i32
      %add3A_270 = arith.addi %mul3A_147, %add3A_269 : i32
      %swap3A_271 = arith.index_cast %add3A_270 : i32 to index
      %swap3A_272 = tpu.vector_load %arg6[%swap3A_271] {strides = array<i32>} : memref<13312xi32, #tpu.memory_space<vmem>>, vector<16xi32>,
      %swap3A_273 = vector.shape_cast %swap3A_272 : vector<16xi32> to vector<16xi32>
      %swap3A_274 = vector.shape_cast %add3A_268 : vector<16xi32> to vector<16xi32>
      tpu.vector_store %arg6[%swap3A_271], %swap3A_274 {strides = array<i32>} : memref<13312xi32, #tpu.memory_space<vmem>>, vector<16xi32>,
      %slice3A_275 = vector.extract_strided_slice %get3A_145 {offsets = [6], sizes = [1], strides = [1]} : vector<16xi32> to vector<1xi32>
      %squeeze3A_276 = vector.extract %slice3A_275[0] : i32 from vector<1xi32>
      %add3A_277 = vector.broadcast %squeeze3A_276 : i32 to vector<16xi32>
      %add3A_278 = arith.addi %add3A_277, %add3A_11 : vector<16xi32>
      %add3A_279 = arith.constant 208 : i32
      %add3A_280 = arith.addi %mul3A_147, %add3A_279 : i32
      %swap3A_281 = arith.index_cast %add3A_280 : i32 to index
      %swap3A_282 = tpu.vector_load %arg6[%swap3A_281] {strides = array<i32>} : memref<13312xi32, #tpu.memory_space<vmem>>, vector<16xi32>,
      %swap3A_283 = vector.shape_cast %swap3A_282 : vector<16xi32> to vector<16xi32>
      %swap3A_284 = vector.shape_cast %add3A_278 : vector<16xi32> to vector<16xi32>
      tpu.vector_store %arg6[%swap3A_281], %swap3A_284 {strides = array<i32>} : memref<13312xi32, #tpu.memory_space<vmem>>, vector<16xi32>,
      %slice3A_285 = vector.extract_strided_slice %get3A_145 {offsets = [7], sizes = [1], strides = [1]} : vector<16xi32> to vector<1xi32>
      %squeeze3A_286 = vector.extract %slice3A_285[0] : i32 from vector<1xi32>
      %add3A_287 = vector.broadcast %squeeze3A_286 : i32 to vector<16xi32>
      %add3A_288 = arith.addi %add3A_287, %mul3A_8 : vector<16xi32>
      %add3A_289 = arith.constant 224 : i32
      %add3A_290 = arith.addi %mul3A_147, %add3A_289 : i32
      %swap3A_291 = arith.index_cast %add3A_290 : i32 to index
      %swap3A_292 = tpu.vector_load %arg6[%swap3A_291] {strides = array<i32>} : memref<13312xi32, #tpu.memory_space<vmem>>, vector<16xi32>,
      %swap3A_293 = vector.shape_cast %swap3A_292 : vector<16xi32> to vector<16xi32>
      %swap3A_294 = vector.shape_cast %add3A_288 : vector<16xi32> to vector<16xi32>
      tpu.vector_store %arg6[%swap3A_291], %swap3A_294 {strides = array<i32>} : memref<13312xi32, #tpu.memory_space<vmem>>, vector<16xi32>,
      %slice3A_295 = vector.extract_strided_slice %get3A_145 {offsets = [7], sizes = [1], strides = [1]} : vector<16xi32> to vector<1xi32>
      %squeeze3A_296 = vector.extract %slice3A_295[0] : i32 from vector<1xi32>
      %add3A_297 = vector.broadcast %squeeze3A_296 : i32 to vector<16xi32>
      %add3A_298 = arith.addi %add3A_297, %add3A_11 : vector<16xi32>
      %add3A_299 = arith.constant 240 : i32
      %add3A_300 = arith.addi %mul3A_147, %add3A_299 : i32
      %swap3A_301 = arith.index_cast %add3A_300 : i32 to index
      %swap3A_302 = tpu.vector_load %arg6[%swap3A_301] {strides = array<i32>} : memref<13312xi32, #tpu.memory_space<vmem>>, vector<16xi32>,
      %swap3A_303 = vector.shape_cast %swap3A_302 : vector<16xi32> to vector<16xi32>
      %swap3A_304 = vector.shape_cast %add3A_298 : vector<16xi32> to vector<16xi32>
      tpu.vector_store %arg6[%swap3A_301], %swap3A_304 {strides = array<i32>} : memref<13312xi32, #tpu.memory_space<vmem>>, vector<16xi32>,
      %slice3A_305 = vector.extract_strided_slice %get3A_145 {offsets = [8], sizes = [1], strides = [1]} : vector<16xi32> to vector<1xi32>
      %squeeze3A_306 = vector.extract %slice3A_305[0] : i32 from vector<1xi32>
      %add3A_307 = vector.broadcast %squeeze3A_306 : i32 to vector<16xi32>
      %add3A_308 = arith.addi %add3A_307, %mul3A_8 : vector<16xi32>
      %add3A_309 = arith.constant 256 : i32
      %add3A_310 = arith.addi %mul3A_147, %add3A_309 : i32
      %swap3A_311 = arith.index_cast %add3A_310 : i32 to index
      %swap3A_312 = tpu.vector_load %arg6[%swap3A_311] {strides = array<i32>} : memref<13312xi32, #tpu.memory_space<vmem>>, vector<16xi32>,
      %swap3A_313 = vector.shape_cast %swap3A_312 : vector<16xi32> to vector<16xi32>
      %swap3A_314 = vector.shape_cast %add3A_308 : vector<16xi32> to vector<16xi32>
      tpu.vector_store %arg6[%swap3A_311], %swap3A_314 {strides = array<i32>} : memref<13312xi32, #tpu.memory_space<vmem>>, vector<16xi32>,
      %slice3A_315 = vector.extract_strided_slice %get3A_145 {offsets = [8], sizes = [1], strides = [1]} : vector<16xi32> to vector<1xi32>
      %squeeze3A_316 = vector.extract %slice3A_315[0] : i32 from vector<1xi32>
      %add3A_317 = vector.broadcast %squeeze3A_316 : i32 to vector<16xi32>
      %add3A_318 = arith.addi %add3A_317, %add3A_11 : vector<16xi32>
      %add3A_319 = arith.constant 272 : i32
      %add3A_320 = arith.addi %mul3A_147, %add3A_319 : i32
      %swap3A_321 = arith.index_cast %add3A_320 : i32 to index
      %swap3A_322 = tpu.vector_load %arg6[%swap3A_321] {strides = array<i32>} : memref<13312xi32, #tpu.memory_space<vmem>>, vector<16xi32>,
      %swap3A_323 = vector.shape_cast %swap3A_322 : vector<16xi32> to vector<16xi32>
      %swap3A_324 = vector.shape_cast %add3A_318 : vector<16xi32> to vector<16xi32>
      tpu.vector_store %arg6[%swap3A_321], %swap3A_324 {strides = array<i32>} : memref<13312xi32, #tpu.memory_space<vmem>>, vector<16xi32>,
      %slice3A_325 = vector.extract_strided_slice %get3A_145 {offsets = [9], sizes = [1], strides = [1]} : vector<16xi32> to vector<1xi32>
      %squeeze3A_326 = vector.extract %slice3A_325[0] : i32 from vector<1xi32>
      %add3A_327 = vector.broadcast %squeeze3A_326 : i32 to vector<16xi32>
      %add3A_328 = arith.addi %add3A_327, %mul3A_8 : vector<16xi32>
      %add3A_329 = arith.constant 288 : i32
      %add3A_330 = arith.addi %mul3A_147, %add3A_329 : i32
      %swap3A_331 = arith.index_cast %add3A_330 : i32 to index
      %swap3A_332 = tpu.vector_load %arg6[%swap3A_331] {strides = array<i32>} : memref<13312xi32, #tpu.memory_space<vmem>>, vector<16xi32>,
      %swap3A_333 = vector.shape_cast %swap3A_332 : vector<16xi32> to vector<16xi32>
      %swap3A_334 = vector.shape_cast %add3A_328 : vector<16xi32> to vector<16xi32>
      tpu.vector_store %arg6[%swap3A_331], %swap3A_334 {strides = array<i32>} : memref<13312xi32, #tpu.memory_space<vmem>>, vector<16xi32>,
      %slice3A_335 = vector.extract_strided_slice %get3A_145 {offsets = [9], sizes = [1], strides = [1]} : vector<16xi32> to vector<1xi32>
      %squeeze3A_336 = vector.extract %slice3A_335[0] : i32 from vector<1xi32>
      %add3A_337 = vector.broadcast %squeeze3A_336 : i32 to vector<16xi32>
      %add3A_338 = arith.addi %add3A_337, %add3A_11 : vector<16xi32>
      %add3A_339 = arith.constant 304 : i32
      %add3A_340 = arith.addi %mul3A_147, %add3A_339 : i32
      %swap3A_341 = arith.index_cast %add3A_340 : i32 to index
      %swap3A_342 = tpu.vector_load %arg6[%swap3A_341] {strides = array<i32>} : memref<13312xi32, #tpu.memory_space<vmem>>, vector<16xi32>,
      %swap3A_343 = vector.shape_cast %swap3A_342 : vector<16xi32> to vector<16xi32>
      %swap3A_344 = vector.shape_cast %add3A_338 : vector<16xi32> to vector<16xi32>
      tpu.vector_store %arg6[%swap3A_341], %swap3A_344 {strides = array<i32>} : memref<13312xi32, #tpu.memory_space<vmem>>, vector<16xi32>,
      %slice3A_345 = vector.extract_strided_slice %get3A_145 {offsets = [10], sizes = [1], strides = [1]} : vector<16xi32> to vector<1xi32>
      %squeeze3A_346 = vector.extract %slice3A_345[0] : i32 from vector<1xi32>
      %add3A_347 = vector.broadcast %squeeze3A_346 : i32 to vector<16xi32>
      %add3A_348 = arith.addi %add3A_347, %mul3A_8 : vector<16xi32>
      %add3A_349 = arith.constant 320 : i32
      %add3A_350 = arith.addi %mul3A_147, %add3A_349 : i32
      %swap3A_351 = arith.index_cast %add3A_350 : i32 to index
      %swap3A_352 = tpu.vector_load %arg6[%swap3A_351] {strides = array<i32>} : memref<13312xi32, #tpu.memory_space<vmem>>, vector<16xi32>,
      %swap3A_353 = vector.shape_cast %swap3A_352 : vector<16xi32> to vector<16xi32>
      %swap3A_354 = vector.shape_cast %add3A_348 : vector<16xi32> to vector<16xi32>
      tpu.vector_store %arg6[%swap3A_351], %swap3A_354 {strides = array<i32>} : memref<13312xi32, #tpu.memory_space<vmem>>, vector<16xi32>,
      %slice3A_355 = vector.extract_strided_slice %get3A_145 {offsets = [10], sizes = [1], strides = [1]} : vector<16xi32> to vector<1xi32>
      %squeeze3A_356 = vector.extract %slice3A_355[0] : i32 from vector<1xi32>
      %add3A_357 = vector.broadcast %squeeze3A_356 : i32 to vector<16xi32>
      %add3A_358 = arith.addi %add3A_357, %add3A_11 : vector<16xi32>
      %add3A_359 = arith.constant 336 : i32
      %add3A_360 = arith.addi %mul3A_147, %add3A_359 : i32
      %swap3A_361 = arith.index_cast %add3A_360 : i32 to index
      %swap3A_362 = tpu.vector_load %arg6[%swap3A_361] {strides = array<i32>} : memref<13312xi32, #tpu.memory_space<vmem>>, vector<16xi32>,
      %swap3A_363 = vector.shape_cast %swap3A_362 : vector<16xi32> to vector<16xi32>
      %swap3A_364 = vector.shape_cast %add3A_358 : vector<16xi32> to vector<16xi32>
      tpu.vector_store %arg6[%swap3A_361], %swap3A_364 {strides = array<i32>} : memref<13312xi32, #tpu.memory_space<vmem>>, vector<16xi32>,
      %slice3A_365 = vector.extract_strided_slice %get3A_145 {offsets = [11], sizes = [1], strides = [1]} : vector<16xi32> to vector<1xi32>
      %squeeze3A_366 = vector.extract %slice3A_365[0] : i32 from vector<1xi32>
      %add3A_367 = vector.broadcast %squeeze3A_366 : i32 to vector<16xi32>
      %add3A_368 = arith.addi %add3A_367, %mul3A_8 : vector<16xi32>
      %add3A_369 = arith.constant 352 : i32
      %add3A_370 = arith.addi %mul3A_147, %add3A_369 : i32
      %swap3A_371 = arith.index_cast %add3A_370 : i32 to index
      %swap3A_372 = tpu.vector_load %arg6[%swap3A_371] {strides = array<i32>} : memref<13312xi32, #tpu.memory_space<vmem>>, vector<16xi32>,
      %swap3A_373 = vector.shape_cast %swap3A_372 : vector<16xi32> to vector<16xi32>
      %swap3A_374 = vector.shape_cast %add3A_368 : vector<16xi32> to vector<16xi32>
      tpu.vector_store %arg6[%swap3A_371], %swap3A_374 {strides = array<i32>} : memref<13312xi32, #tpu.memory_space<vmem>>, vector<16xi32>,
      %slice3A_375 = vector.extract_strided_slice %get3A_145 {offsets = [11], sizes = [1], strides = [1]} : vector<16xi32> to vector<1xi32>
      %squeeze3A_376 = vector.extract %slice3A_375[0] : i32 from vector<1xi32>
      %add3A_377 = vector.broadcast %squeeze3A_376 : i32 to vector<16xi32>
      %add3A_378 = arith.addi %add3A_377, %add3A_11 : vector<16xi32>
      %add3A_379 = arith.constant 368 : i32
      %add3A_380 = arith.addi %mul3A_147, %add3A_379 : i32
      %swap3A_381 = arith.index_cast %add3A_380 : i32 to index
      %swap3A_382 = tpu.vector_load %arg6[%swap3A_381] {strides = array<i32>} : memref<13312xi32, #tpu.memory_space<vmem>>, vector<16xi32>,
      %swap3A_383 = vector.shape_cast %swap3A_382 : vector<16xi32> to vector<16xi32>
      %swap3A_384 = vector.shape_cast %add3A_378 : vector<16xi32> to vector<16xi32>
      tpu.vector_store %arg6[%swap3A_381], %swap3A_384 {strides = array<i32>} : memref<13312xi32, #tpu.memory_space<vmem>>, vector<16xi32>,
      %slice3A_385 = vector.extract_strided_slice %get3A_145 {offsets = [12], sizes = [1], strides = [1]} : vector<16xi32> to vector<1xi32>
      %squeeze3A_386 = vector.extract %slice3A_385[0] : i32 from vector<1xi32>
      %add3A_387 = vector.broadcast %squeeze3A_386 : i32 to vector<16xi32>
      %add3A_388 = arith.addi %add3A_387, %mul3A_8 : vector<16xi32>
      %add3A_389 = arith.constant 384 : i32
      %add3A_390 = arith.addi %mul3A_147, %add3A_389 : i32
      %swap3A_391 = arith.index_cast %add3A_390 : i32 to index
      %swap3A_392 = tpu.vector_load %arg6[%swap3A_391] {strides = array<i32>} : memref<13312xi32, #tpu.memory_space<vmem>>, vector<16xi32>,
      %swap3A_393 = vector.shape_cast %swap3A_392 : vector<16xi32> to vector<16xi32>
      %swap3A_394 = vector.shape_cast %add3A_388 : vector<16xi32> to vector<16xi32>
      tpu.vector_store %arg6[%swap3A_391], %swap3A_394 {strides = array<i32>} : memref<13312xi32, #tpu.memory_space<vmem>>, vector<16xi32>,
      %slice3A_395 = vector.extract_strided_slice %get3A_145 {offsets = [12], sizes = [1], strides = [1]} : vector<16xi32> to vector<1xi32>
      %squeeze3A_396 = vector.extract %slice3A_395[0] : i32 from vector<1xi32>
      %add3A_397 = vector.broadcast %squeeze3A_396 : i32 to vector<16xi32>
      %add3A_398 = arith.addi %add3A_397, %add3A_11 : vector<16xi32>
      %add3A_399 = arith.constant 400 : i32
      %add3A_400 = arith.addi %mul3A_147, %add3A_399 : i32
      %swap3A_401 = arith.index_cast %add3A_400 : i32 to index
      %swap3A_402 = tpu.vector_load %arg6[%swap3A_401] {strides = array<i32>} : memref<13312xi32, #tpu.memory_space<vmem>>, vector<16xi32>,
      %swap3A_403 = vector.shape_cast %swap3A_402 : vector<16xi32> to vector<16xi32>
      %swap3A_404 = vector.shape_cast %add3A_398 : vector<16xi32> to vector<16xi32>
      tpu.vector_store %arg6[%swap3A_401], %swap3A_404 {strides = array<i32>} : memref<13312xi32, #tpu.memory_space<vmem>>, vector<16xi32>,
      %slice3A_405 = vector.extract_strided_slice %get3A_145 {offsets = [13], sizes = [1], strides = [1]} : vector<16xi32> to vector<1xi32>
      %squeeze3A_406 = vector.extract %slice3A_405[0] : i32 from vector<1xi32>
      %add3A_407 = vector.broadcast %squeeze3A_406 : i32 to vector<16xi32>
      %add3A_408 = arith.addi %add3A_407, %mul3A_8 : vector<16xi32>
      %add3A_409 = arith.constant 416 : i32
      %add3A_410 = arith.addi %mul3A_147, %add3A_409 : i32
      %swap3A_411 = arith.index_cast %add3A_410 : i32 to index
      %swap3A_412 = tpu.vector_load %arg6[%swap3A_411] {strides = array<i32>} : memref<13312xi32, #tpu.memory_space<vmem>>, vector<16xi32>,
      %swap3A_413 = vector.shape_cast %swap3A_412 : vector<16xi32> to vector<16xi32>
      %swap3A_414 = vector.shape_cast %add3A_408 : vector<16xi32> to vector<16xi32>
      tpu.vector_store %arg6[%swap3A_411], %swap3A_414 {strides = array<i32>} : memref<13312xi32, #tpu.memory_space<vmem>>, vector<16xi32>,
      %slice3A_415 = vector.extract_strided_slice %get3A_145 {offsets = [13], sizes = [1], strides = [1]} : vector<16xi32> to vector<1xi32>
      %squeeze3A_416 = vector.extract %slice3A_415[0] : i32 from vector<1xi32>
      %add3A_417 = vector.broadcast %squeeze3A_416 : i32 to vector<16xi32>
      %add3A_418 = arith.addi %add3A_417, %add3A_11 : vector<16xi32>
      %add3A_419 = arith.constant 432 : i32
      %add3A_420 = arith.addi %mul3A_147, %add3A_419 : i32
      %swap3A_421 = arith.index_cast %add3A_420 : i32 to index
      %swap3A_422 = tpu.vector_load %arg6[%swap3A_421] {strides = array<i32>} : memref<13312xi32, #tpu.memory_space<vmem>>, vector<16xi32>,
      %swap3A_423 = vector.shape_cast %swap3A_422 : vector<16xi32> to vector<16xi32>
      %swap3A_424 = vector.shape_cast %add3A_418 : vector<16xi32> to vector<16xi32>
      tpu.vector_store %arg6[%swap3A_421], %swap3A_424 {strides = array<i32>} : memref<13312xi32, #tpu.memory_space<vmem>>, vector<16xi32>,
      %slice3A_425 = vector.extract_strided_slice %get3A_145 {offsets = [14], sizes = [1], strides = [1]} : vector<16xi32> to vector<1xi32>
      %squeeze3A_426 = vector.extract %slice3A_425[0] : i32 from vector<1xi32>
      %add3A_427 = vector.broadcast %squeeze3A_426 : i32 to vector<16xi32>
      %add3A_428 = arith.addi %add3A_427, %mul3A_8 : vector<16xi32>
      %add3A_429 = arith.constant 448 : i32
      %add3A_430 = arith.addi %mul3A_147, %add3A_429 : i32
      %swap3A_431 = arith.index_cast %add3A_430 : i32 to index
      %swap3A_432 = tpu.vector_load %arg6[%swap3A_431] {strides = array<i32>} : memref<13312xi32, #tpu.memory_space<vmem>>, vector<16xi32>,
      %swap3A_433 = vector.shape_cast %swap3A_432 : vector<16xi32> to vector<16xi32>
      %swap3A_434 = vector.shape_cast %add3A_428 : vector<16xi32> to vector<16xi32>
      tpu.vector_store %arg6[%swap3A_431], %swap3A_434 {strides = array<i32>} : memref<13312xi32, #tpu.memory_space<vmem>>, vector<16xi32>,
      %slice3A_435 = vector.extract_strided_slice %get3A_145 {offsets = [14], sizes = [1], strides = [1]} : vector<16xi32> to vector<1xi32>
      %squeeze3A_436 = vector.extract %slice3A_435[0] : i32 from vector<1xi32>
      %add3A_437 = vector.broadcast %squeeze3A_436 : i32 to vector<16xi32>
      %add3A_438 = arith.addi %add3A_437, %add3A_11 : vector<16xi32>
      %add3A_439 = arith.constant 464 : i32
      %add3A_440 = arith.addi %mul3A_147, %add3A_439 : i32
      %swap3A_441 = arith.index_cast %add3A_440 : i32 to index
      %swap3A_442 = tpu.vector_load %arg6[%swap3A_441] {strides = array<i32>} : memref<13312xi32, #tpu.memory_space<vmem>>, vector<16xi32>,
      %swap3A_443 = vector.shape_cast %swap3A_442 : vector<16xi32> to vector<16xi32>
      %swap3A_444 = vector.shape_cast %add3A_438 : vector<16xi32> to vector<16xi32>
      tpu.vector_store %arg6[%swap3A_441], %swap3A_444 {strides = array<i32>} : memref<13312xi32, #tpu.memory_space<vmem>>, vector<16xi32>,
      %slice3A_445 = vector.extract_strided_slice %get3A_145 {offsets = [15], sizes = [1], strides = [1]} : vector<16xi32> to vector<1xi32>
      %squeeze3A_446 = vector.extract %slice3A_445[0] : i32 from vector<1xi32>
      %add3A_447 = vector.broadcast %squeeze3A_446 : i32 to vector<16xi32>
      %add3A_448 = arith.addi %add3A_447, %mul3A_8 : vector<16xi32>
      %add3A_449 = arith.constant 480 : i32
      %add3A_450 = arith.addi %mul3A_147, %add3A_449 : i32
      %swap3A_451 = arith.index_cast %add3A_450 : i32 to index
      %swap3A_452 = tpu.vector_load %arg6[%swap3A_451] {strides = array<i32>} : memref<13312xi32, #tpu.memory_space<vmem>>, vector<16xi32>,
      %swap3A_453 = vector.shape_cast %swap3A_452 : vector<16xi32> to vector<16xi32>
      %swap3A_454 = vector.shape_cast %add3A_448 : vector<16xi32> to vector<16xi32>
      tpu.vector_store %arg6[%swap3A_451], %swap3A_454 {strides = array<i32>} : memref<13312xi32, #tpu.memory_space<vmem>>, vector<16xi32>,
      %slice3A_455 = vector.extract_strided_slice %get3A_145 {offsets = [15], sizes = [1], strides = [1]} : vector<16xi32> to vector<1xi32>
      %squeeze3A_456 = vector.extract %slice3A_455[0] : i32 from vector<1xi32>
      %add3A_457 = vector.broadcast %squeeze3A_456 : i32 to vector<16xi32>
      %add3A_458 = arith.addi %add3A_457, %add3A_11 : vector<16xi32>
      %add3A_459 = arith.constant 496 : i32
      %add3A_460 = arith.addi %mul3A_147, %add3A_459 : i32
      %swap3A_461 = arith.index_cast %add3A_460 : i32 to index
      %swap3A_462 = tpu.vector_load %arg6[%swap3A_461] {strides = array<i32>} : memref<13312xi32, #tpu.memory_space<vmem>>, vector<16xi32>,
      %swap3A_463 = vector.shape_cast %swap3A_462 : vector<16xi32> to vector<16xi32>
      %swap3A_464 = vector.shape_cast %add3A_458 : vector<16xi32> to vector<16xi32>
      tpu.vector_store %arg6[%swap3A_461], %swap3A_464 {strides = array<i32>} : memref<13312xi32, #tpu.memory_space<vmem>>, vector<16xi32>,
    }
    %scan3A_65 = arith.constant 26 : i32
    %scan3A_66 = arith.constant 0 : i32
    %scan3A_67 = arith.constant 0 : i32
    %scan3A_68 = arith.constant 104 : i32
    %scan3A_69 = arith.addi %scan3A_67, %scan3A_68 : i32
    %scan3A_70 = arith.constant 1 : i32
    scf.for %scan3A_108 = %scan3A_67 to %scan3A_69 step %scan3A_70  : i32 {
      %mul3A_109 = arith.constant 128 : i32
      %mul3A_110 = arith.muli %scan3A_108, %mul3A_109 : i32
      %mul3A_111 = arith.constant 128 : i32
      %mul3A_112 = arith.muli %scan3A_108, %mul3A_111 : i32
      %dma_start3A = tpu.memref_slice %arg7[%mul3A_112] : memref<13312xf32, #tpu.memory_space<vmem>> -> memref<128xf32, #tpu.memory_space<vmem>>
      %dma_start3A_113 = tpu.memref_slice %arg6[%mul3A_110] : memref<13312xi32, #tpu.memory_space<vmem>> -> memref<128xi32, #tpu.memory_space<vmem>>
      %dma_start3A_114 = arith.constant 0 : i32
      %dma_start3A_115 = tpu.memref_slice %arg3[%dma_start3A_114] : memref<41600000xf32, #tpu.memory_space<hbm>> -> memref<41600000xf32, #tpu.memory_space<hbm>>
      tpu.enqueue_indirect_dma source(%dma_start3A_115 : memref<41600000xf32, #tpu.memory_space<hbm>>) target(%dma_start3A : memref<128xf32, #tpu.memory_space<vmem>>) offsets(%dma_start3A_113 : memref<128xi32, #tpu.memory_space<vmem>>) semaphore(%arg8 : memref<!tpu.dma_semaphore, #tpu.memory_space<semaphore_mem>>)
    }
    %scan3A_71 = arith.constant 104 : i32
    %scan3A_72 = arith.constant 0 : i32
    %scan3A_73 = arith.constant 0 : i32
    %scan3A_74 = arith.constant 104 : i32
    %scan3A_75 = arith.addi %scan3A_73, %scan3A_74 : i32
    %scan3A_76 = arith.constant 1 : i32
    scf.for %scan3A_108 = %scan3A_73 to %scan3A_75 step %scan3A_76  : i32 {
      %mul3A_109 = arith.constant 128 : i32
      %mul3A_110 = arith.muli %scan3A_108, %mul3A_109 : i32
      %mul3A_111 = arith.constant 128 : i32
      %mul3A_112 = arith.muli %scan3A_108, %mul3A_111 : i32
      %dma_wait3A = tpu.memref_slice %arg7[%mul3A_112] : memref<13312xf32, #tpu.memory_space<vmem>> -> memref<128xf32, #tpu.memory_space<vmem>>
      %dma_wait3A_113 = tpu.memref_slice %arg6[%mul3A_110] : memref<13312xi32, #tpu.memory_space<vmem>> -> memref<128xi32, #tpu.memory_space<vmem>>
      %dma_wait3A_114 = arith.constant 0 : i32
      %dma_wait3A_115 = tpu.memref_slice %arg3[%dma_wait3A_114] : memref<41600000xf32, #tpu.memory_space<hbm>> -> memref<41600000xf32, #tpu.memory_space<hbm>>
      tpu.wait_indirect_dma semaphore(%arg8 : memref<!tpu.dma_semaphore, #tpu.memory_space<semaphore_mem>>) src(%dma_wait3A_115 : memref<41600000xf32, #tpu.memory_space<hbm>>) dst(%dma_wait3A : memref<128xf32, #tpu.memory_space<vmem>>)
    }
    %scan3A_77 = arith.constant 104 : i32
    %mul3A_78 = arith.constant 1664 : i32
    %mul3A_79 = arith.muli %add3A, %mul3A_78 : i32
    %mul3A_80 = arith.constant 32 : i32
    %mul3A_81 = arith.muli %mul3A_79, %mul3A_80 : i32
    %add3A_82 = arith.constant 26624 : i32
    %add3A_83 = arith.addi %mul3A_81, %add3A_82 : i32
    "tpu.region"() ({
      %run_scoped3A = tpu.sem_alloc : memref<!tpu.dma_semaphore, #tpu.memory_space<semaphore_mem>>
      %dma_start3A = tpu.memref_slice %arg4[%add3A_83] : memref<1703936xf32, #tpu.memory_space<hbm>> -> memref<13312xf32, #tpu.memory_space<hbm>>
      %dma_start3A_108 = tpu.memref_slice %arg4[%add3A_83] : memref<1703936xf32, #tpu.memory_space<hbm>> -> memref<13312xf32, #tpu.memory_space<hbm>>
      tpu.enqueue_dma source(%arg7 : memref<13312xf32, #tpu.memory_space<vmem>>) target(%dma_start3A_108 : memref<13312xf32, #tpu.memory_space<hbm>>) target_semaphore(%run_scoped3A : memref<!tpu.dma_semaphore, #tpu.memory_space<semaphore_mem>>)
      %dma_wait3A = tpu.memref_slice %arg4[%add3A_83] : memref<1703936xf32, #tpu.memory_space<hbm>> -> memref<13312xf32, #tpu.memory_space<hbm>>
      %dma_wait3A_109 = tpu.memref_slice %arg4[%add3A_83] : memref<1703936xf32, #tpu.memory_space<hbm>> -> memref<13312xf32, #tpu.memory_space<hbm>>
      tpu.wait_dma2 semaphore(%run_scoped3A : memref<!tpu.dma_semaphore, #tpu.memory_space<semaphore_mem>>) src(%arg7 : memref<13312xf32, #tpu.memory_space<vmem>>) dst(%dma_wait3A_109 : memref<13312xf32, #tpu.memory_space<hbm>>)
      tpu.yield
    }) : () -> ()
    %scan3A_84 = arith.constant 0 : i32
    %scan3A_85 = arith.constant 0 : i32
    %scan3A_86 = arith.constant 26 : i32
    %scan3A_87 = arith.addi %scan3A_85, %scan3A_86 : i32
    %scan3A_88 = arith.constant 1 : i32
    scf.for %scan3A_108 = %scan3A_85 to %scan3A_87 step %scan3A_88  : i32 {
      %mul3A_109 = arith.constant 16 : i32
      %mul3A_110 = arith.muli %scan3A_108, %mul3A_109 : i32
      %add3A_111 = arith.constant 1248 : i32
      %add3A_112 = arith.addi %add3A_111, %mul3A_110 : i32
      %jit3A = arith.constant 128 : i32
      %div3A = arith.divsi %add3A_112, %jit3A : i32
      %sign3A = arith.constant 0 : i32
      %sign3A_113 = arith.cmpi sgt, %add3A_112, %sign3A : i32
      %sign3A_114 = arith.extui %sign3A_113 : i1 to i32
      %sign3A_115 = arith.constant 0 : i32
      %sign3A_116 = arith.cmpi slt, %add3A_112, %sign3A_115 : i32
      %sign3A_117 = arith.extui %sign3A_116 : i1 to i32
      %sign3A_118 = arith.subi %sign3A_114, %sign3A_117 : i32
      %sign3A_119 = arith.constant 0 : i32
      %sign3A_120 = arith.cmpi sgt, %jit3A, %sign3A_119 : i32
      %sign3A_121 = arith.extui %sign3A_120 : i1 to i32
      %sign3A_122 = arith.constant 0 : i32
      %sign3A_123 = arith.cmpi slt, %jit3A, %sign3A_122 : i32
      %sign3A_124 = arith.extui %sign3A_123 : i1 to i32
      %sign3A_125 = arith.subi %sign3A_121, %sign3A_124 : i32
      %ne3A = arith.cmpi ne, %sign3A_118, %sign3A_125 : i32
      %rem3A = arith.remsi %add3A_112, %jit3A : i32
      %ne3A_126 = arith.constant 0 : i32
      %ne3A_127 = arith.cmpi ne, %rem3A, %ne3A_126 : i32
      %and3A = arith.andi %ne3A, %ne3A_127 : i1
      %sub3A = arith.constant 1 : i32
      %sub3A_128 = arith.subi %div3A, %sub3A : i32
      %select_n3A = arith.select %and3A, %sub3A_128, %div3A : i32
      %jit3A_129 = arith.constant 128 : i32
      %eq3A = arith.constant 0 : i32
      %eq3A_130 = arith.cmpi eq, %jit3A_129, %eq3A : i32
      %jit3A_131 = arith.constant 1 : i32
      %select_n3A_132 = arith.select %eq3A_130, %jit3A_131, %jit3A_129 : i32
      %rem3A_133 = arith.remsi %add3A_112, %select_n3A_132 : i32
      %ne3A_134 = arith.constant 0 : i32
      %ne3A_135 = arith.cmpi ne, %rem3A_133, %ne3A_134 : i32
      %lt3A = arith.constant 0 : i32
      %lt3A_136 = arith.cmpi slt, %rem3A_133, %lt3A : i32
      %lt3A_137 = arith.constant 0 : i32
      %lt3A_138 = arith.cmpi slt, %select_n3A_132, %lt3A_137 : i32
      %ne3A_139 = arith.xori %lt3A_136, %lt3A_138 : i1
      %and3A_140 = arith.andi %ne3A_139, %ne3A_135 : i1
      %add3A_141 = arith.addi %rem3A_133, %select_n3A_132 : i32
      %select_n3A_142 = arith.select %and3A_140, %add3A_141, %rem3A_133 : i32
      %get3A = arith.index_cast %select_n3A : i32 to index
      %get3A_143 = arith.index_cast %select_n3A_142 : i32 to index
      %get3A_144 = tpu.vector_load %arg5[%get3A, %get3A_143] {strides = array<i32>} : memref<13x128xi32, #tpu.memory_space<vmem>>, vector<1x16xi32>,
      %get3A_145 = vector.shape_cast %get3A_144 : vector<1x16xi32> to vector<16xi32>
      %mul3A_146 = arith.constant 512 : i32
      %mul3A_147 = arith.muli %scan3A_108, %mul3A_146 : i32
      %slice3A = vector.extract_strided_slice %get3A_145 {offsets = [0], sizes = [1], strides = [1]} : vector<16xi32> to vector<1xi32>
      %squeeze3A = vector.extract %slice3A[0] : i32 from vector<1xi32>
      %add3A_148 = vector.broadcast %squeeze3A : i32 to vector<16xi32>
      %add3A_149 = arith.addi %add3A_148, %mul3A_8 : vector<16xi32>
      %add3A_150 = arith.constant 0 : i32
      %add3A_151 = arith.addi %mul3A_147, %add3A_150 : i32
      %swap3A = arith.index_cast %add3A_151 : i32 to index
      %swap3A_152 = tpu.vector_load %arg6[%swap3A] {strides = array<i32>} : memref<13312xi32, #tpu.memory_space<vmem>>, vector<16xi32>,
      %swap3A_153 = vector.shape_cast %swap3A_152 : vector<16xi32> to vector<16xi32>
      %swap3A_154 = vector.shape_cast %add3A_149 : vector<16xi32> to vector<16xi32>
      tpu.vector_store %arg6[%swap3A], %swap3A_154 {strides = array<i32>} : memref<13312xi32, #tpu.memory_space<vmem>>, vector<16xi32>,
      %slice3A_155 = vector.extract_strided_slice %get3A_145 {offsets = [0], sizes = [1], strides = [1]} : vector<16xi32> to vector<1xi32>
      %squeeze3A_156 = vector.extract %slice3A_155[0] : i32 from vector<1xi32>
      %add3A_157 = vector.broadcast %squeeze3A_156 : i32 to vector<16xi32>
      %add3A_158 = arith.addi %add3A_157, %add3A_11 : vector<16xi32>
      %add3A_159 = arith.constant 16 : i32
      %add3A_160 = arith.addi %mul3A_147, %add3A_159 : i32
      %swap3A_161 = arith.index_cast %add3A_160 : i32 to index
      %swap3A_162 = tpu.vector_load %arg6[%swap3A_161] {strides = array<i32>} : memref<13312xi32, #tpu.memory_space<vmem>>, vector<16xi32>,
      %swap3A_163 = vector.shape_cast %swap3A_162 : vector<16xi32> to vector<16xi32>
      %swap3A_164 = vector.shape_cast %add3A_158 : vector<16xi32> to vector<16xi32>
      tpu.vector_store %arg6[%swap3A_161], %swap3A_164 {strides = array<i32>} : memref<13312xi32, #tpu.memory_space<vmem>>, vector<16xi32>,
      %slice3A_165 = vector.extract_strided_slice %get3A_145 {offsets = [1], sizes = [1], strides = [1]} : vector<16xi32> to vector<1xi32>
      %squeeze3A_166 = vector.extract %slice3A_165[0] : i32 from vector<1xi32>
      %add3A_167 = vector.broadcast %squeeze3A_166 : i32 to vector<16xi32>
      %add3A_168 = arith.addi %add3A_167, %mul3A_8 : vector<16xi32>
      %add3A_169 = arith.constant 32 : i32
      %add3A_170 = arith.addi %mul3A_147, %add3A_169 : i32
      %swap3A_171 = arith.index_cast %add3A_170 : i32 to index
      %swap3A_172 = tpu.vector_load %arg6[%swap3A_171] {strides = array<i32>} : memref<13312xi32, #tpu.memory_space<vmem>>, vector<16xi32>,
      %swap3A_173 = vector.shape_cast %swap3A_172 : vector<16xi32> to vector<16xi32>
      %swap3A_174 = vector.shape_cast %add3A_168 : vector<16xi32> to vector<16xi32>
      tpu.vector_store %arg6[%swap3A_171], %swap3A_174 {strides = array<i32>} : memref<13312xi32, #tpu.memory_space<vmem>>, vector<16xi32>,
      %slice3A_175 = vector.extract_strided_slice %get3A_145 {offsets = [1], sizes = [1], strides = [1]} : vector<16xi32> to vector<1xi32>
      %squeeze3A_176 = vector.extract %slice3A_175[0] : i32 from vector<1xi32>
      %add3A_177 = vector.broadcast %squeeze3A_176 : i32 to vector<16xi32>
      %add3A_178 = arith.addi %add3A_177, %add3A_11 : vector<16xi32>
      %add3A_179 = arith.constant 48 : i32
      %add3A_180 = arith.addi %mul3A_147, %add3A_179 : i32
      %swap3A_181 = arith.index_cast %add3A_180 : i32 to index
      %swap3A_182 = tpu.vector_load %arg6[%swap3A_181] {strides = array<i32>} : memref<13312xi32, #tpu.memory_space<vmem>>, vector<16xi32>,
      %swap3A_183 = vector.shape_cast %swap3A_182 : vector<16xi32> to vector<16xi32>
      %swap3A_184 = vector.shape_cast %add3A_178 : vector<16xi32> to vector<16xi32>
      tpu.vector_store %arg6[%swap3A_181], %swap3A_184 {strides = array<i32>} : memref<13312xi32, #tpu.memory_space<vmem>>, vector<16xi32>,
      %slice3A_185 = vector.extract_strided_slice %get3A_145 {offsets = [2], sizes = [1], strides = [1]} : vector<16xi32> to vector<1xi32>
      %squeeze3A_186 = vector.extract %slice3A_185[0] : i32 from vector<1xi32>
      %add3A_187 = vector.broadcast %squeeze3A_186 : i32 to vector<16xi32>
      %add3A_188 = arith.addi %add3A_187, %mul3A_8 : vector<16xi32>
      %add3A_189 = arith.constant 64 : i32
      %add3A_190 = arith.addi %mul3A_147, %add3A_189 : i32
      %swap3A_191 = arith.index_cast %add3A_190 : i32 to index
      %swap3A_192 = tpu.vector_load %arg6[%swap3A_191] {strides = array<i32>} : memref<13312xi32, #tpu.memory_space<vmem>>, vector<16xi32>,
      %swap3A_193 = vector.shape_cast %swap3A_192 : vector<16xi32> to vector<16xi32>
      %swap3A_194 = vector.shape_cast %add3A_188 : vector<16xi32> to vector<16xi32>
      tpu.vector_store %arg6[%swap3A_191], %swap3A_194 {strides = array<i32>} : memref<13312xi32, #tpu.memory_space<vmem>>, vector<16xi32>,
      %slice3A_195 = vector.extract_strided_slice %get3A_145 {offsets = [2], sizes = [1], strides = [1]} : vector<16xi32> to vector<1xi32>
      %squeeze3A_196 = vector.extract %slice3A_195[0] : i32 from vector<1xi32>
      %add3A_197 = vector.broadcast %squeeze3A_196 : i32 to vector<16xi32>
      %add3A_198 = arith.addi %add3A_197, %add3A_11 : vector<16xi32>
      %add3A_199 = arith.constant 80 : i32
      %add3A_200 = arith.addi %mul3A_147, %add3A_199 : i32
      %swap3A_201 = arith.index_cast %add3A_200 : i32 to index
      %swap3A_202 = tpu.vector_load %arg6[%swap3A_201] {strides = array<i32>} : memref<13312xi32, #tpu.memory_space<vmem>>, vector<16xi32>,
      %swap3A_203 = vector.shape_cast %swap3A_202 : vector<16xi32> to vector<16xi32>
      %swap3A_204 = vector.shape_cast %add3A_198 : vector<16xi32> to vector<16xi32>
      tpu.vector_store %arg6[%swap3A_201], %swap3A_204 {strides = array<i32>} : memref<13312xi32, #tpu.memory_space<vmem>>, vector<16xi32>,
      %slice3A_205 = vector.extract_strided_slice %get3A_145 {offsets = [3], sizes = [1], strides = [1]} : vector<16xi32> to vector<1xi32>
      %squeeze3A_206 = vector.extract %slice3A_205[0] : i32 from vector<1xi32>
      %add3A_207 = vector.broadcast %squeeze3A_206 : i32 to vector<16xi32>
      %add3A_208 = arith.addi %add3A_207, %mul3A_8 : vector<16xi32>
      %add3A_209 = arith.constant 96 : i32
      %add3A_210 = arith.addi %mul3A_147, %add3A_209 : i32
      %swap3A_211 = arith.index_cast %add3A_210 : i32 to index
      %swap3A_212 = tpu.vector_load %arg6[%swap3A_211] {strides = array<i32>} : memref<13312xi32, #tpu.memory_space<vmem>>, vector<16xi32>,
      %swap3A_213 = vector.shape_cast %swap3A_212 : vector<16xi32> to vector<16xi32>
      %swap3A_214 = vector.shape_cast %add3A_208 : vector<16xi32> to vector<16xi32>
      tpu.vector_store %arg6[%swap3A_211], %swap3A_214 {strides = array<i32>} : memref<13312xi32, #tpu.memory_space<vmem>>, vector<16xi32>,
      %slice3A_215 = vector.extract_strided_slice %get3A_145 {offsets = [3], sizes = [1], strides = [1]} : vector<16xi32> to vector<1xi32>
      %squeeze3A_216 = vector.extract %slice3A_215[0] : i32 from vector<1xi32>
      %add3A_217 = vector.broadcast %squeeze3A_216 : i32 to vector<16xi32>
      %add3A_218 = arith.addi %add3A_217, %add3A_11 : vector<16xi32>
      %add3A_219 = arith.constant 112 : i32
      %add3A_220 = arith.addi %mul3A_147, %add3A_219 : i32
      %swap3A_221 = arith.index_cast %add3A_220 : i32 to index
      %swap3A_222 = tpu.vector_load %arg6[%swap3A_221] {strides = array<i32>} : memref<13312xi32, #tpu.memory_space<vmem>>, vector<16xi32>,
      %swap3A_223 = vector.shape_cast %swap3A_222 : vector<16xi32> to vector<16xi32>
      %swap3A_224 = vector.shape_cast %add3A_218 : vector<16xi32> to vector<16xi32>
      tpu.vector_store %arg6[%swap3A_221], %swap3A_224 {strides = array<i32>} : memref<13312xi32, #tpu.memory_space<vmem>>, vector<16xi32>,
      %slice3A_225 = vector.extract_strided_slice %get3A_145 {offsets = [4], sizes = [1], strides = [1]} : vector<16xi32> to vector<1xi32>
      %squeeze3A_226 = vector.extract %slice3A_225[0] : i32 from vector<1xi32>
      %add3A_227 = vector.broadcast %squeeze3A_226 : i32 to vector<16xi32>
      %add3A_228 = arith.addi %add3A_227, %mul3A_8 : vector<16xi32>
      %add3A_229 = arith.constant 128 : i32
      %add3A_230 = arith.addi %mul3A_147, %add3A_229 : i32
      %swap3A_231 = arith.index_cast %add3A_230 : i32 to index
      %swap3A_232 = tpu.vector_load %arg6[%swap3A_231] {strides = array<i32>} : memref<13312xi32, #tpu.memory_space<vmem>>, vector<16xi32>,
      %swap3A_233 = vector.shape_cast %swap3A_232 : vector<16xi32> to vector<16xi32>
      %swap3A_234 = vector.shape_cast %add3A_228 : vector<16xi32> to vector<16xi32>
      tpu.vector_store %arg6[%swap3A_231], %swap3A_234 {strides = array<i32>} : memref<13312xi32, #tpu.memory_space<vmem>>, vector<16xi32>,
      %slice3A_235 = vector.extract_strided_slice %get3A_145 {offsets = [4], sizes = [1], strides = [1]} : vector<16xi32> to vector<1xi32>
      %squeeze3A_236 = vector.extract %slice3A_235[0] : i32 from vector<1xi32>
      %add3A_237 = vector.broadcast %squeeze3A_236 : i32 to vector<16xi32>
      %add3A_238 = arith.addi %add3A_237, %add3A_11 : vector<16xi32>
      %add3A_239 = arith.constant 144 : i32
      %add3A_240 = arith.addi %mul3A_147, %add3A_239 : i32
      %swap3A_241 = arith.index_cast %add3A_240 : i32 to index
      %swap3A_242 = tpu.vector_load %arg6[%swap3A_241] {strides = array<i32>} : memref<13312xi32, #tpu.memory_space<vmem>>, vector<16xi32>,
      %swap3A_243 = vector.shape_cast %swap3A_242 : vector<16xi32> to vector<16xi32>
      %swap3A_244 = vector.shape_cast %add3A_238 : vector<16xi32> to vector<16xi32>
      tpu.vector_store %arg6[%swap3A_241], %swap3A_244 {strides = array<i32>} : memref<13312xi32, #tpu.memory_space<vmem>>, vector<16xi32>,
      %slice3A_245 = vector.extract_strided_slice %get3A_145 {offsets = [5], sizes = [1], strides = [1]} : vector<16xi32> to vector<1xi32>
      %squeeze3A_246 = vector.extract %slice3A_245[0] : i32 from vector<1xi32>
      %add3A_247 = vector.broadcast %squeeze3A_246 : i32 to vector<16xi32>
      %add3A_248 = arith.addi %add3A_247, %mul3A_8 : vector<16xi32>
      %add3A_249 = arith.constant 160 : i32
      %add3A_250 = arith.addi %mul3A_147, %add3A_249 : i32
      %swap3A_251 = arith.index_cast %add3A_250 : i32 to index
      %swap3A_252 = tpu.vector_load %arg6[%swap3A_251] {strides = array<i32>} : memref<13312xi32, #tpu.memory_space<vmem>>, vector<16xi32>,
      %swap3A_253 = vector.shape_cast %swap3A_252 : vector<16xi32> to vector<16xi32>
      %swap3A_254 = vector.shape_cast %add3A_248 : vector<16xi32> to vector<16xi32>
      tpu.vector_store %arg6[%swap3A_251], %swap3A_254 {strides = array<i32>} : memref<13312xi32, #tpu.memory_space<vmem>>, vector<16xi32>,
      %slice3A_255 = vector.extract_strided_slice %get3A_145 {offsets = [5], sizes = [1], strides = [1]} : vector<16xi32> to vector<1xi32>
      %squeeze3A_256 = vector.extract %slice3A_255[0] : i32 from vector<1xi32>
      %add3A_257 = vector.broadcast %squeeze3A_256 : i32 to vector<16xi32>
      %add3A_258 = arith.addi %add3A_257, %add3A_11 : vector<16xi32>
      %add3A_259 = arith.constant 176 : i32
      %add3A_260 = arith.addi %mul3A_147, %add3A_259 : i32
      %swap3A_261 = arith.index_cast %add3A_260 : i32 to index
      %swap3A_262 = tpu.vector_load %arg6[%swap3A_261] {strides = array<i32>} : memref<13312xi32, #tpu.memory_space<vmem>>, vector<16xi32>,
      %swap3A_263 = vector.shape_cast %swap3A_262 : vector<16xi32> to vector<16xi32>
      %swap3A_264 = vector.shape_cast %add3A_258 : vector<16xi32> to vector<16xi32>
      tpu.vector_store %arg6[%swap3A_261], %swap3A_264 {strides = array<i32>} : memref<13312xi32, #tpu.memory_space<vmem>>, vector<16xi32>,
      %slice3A_265 = vector.extract_strided_slice %get3A_145 {offsets = [6], sizes = [1], strides = [1]} : vector<16xi32> to vector<1xi32>
      %squeeze3A_266 = vector.extract %slice3A_265[0] : i32 from vector<1xi32>
      %add3A_267 = vector.broadcast %squeeze3A_266 : i32 to vector<16xi32>
      %add3A_268 = arith.addi %add3A_267, %mul3A_8 : vector<16xi32>
      %add3A_269 = arith.constant 192 : i32
      %add3A_270 = arith.addi %mul3A_147, %add3A_269 : i32
      %swap3A_271 = arith.index_cast %add3A_270 : i32 to index
      %swap3A_272 = tpu.vector_load %arg6[%swap3A_271] {strides = array<i32>} : memref<13312xi32, #tpu.memory_space<vmem>>, vector<16xi32>,
      %swap3A_273 = vector.shape_cast %swap3A_272 : vector<16xi32> to vector<16xi32>
      %swap3A_274 = vector.shape_cast %add3A_268 : vector<16xi32> to vector<16xi32>
      tpu.vector_store %arg6[%swap3A_271], %swap3A_274 {strides = array<i32>} : memref<13312xi32, #tpu.memory_space<vmem>>, vector<16xi32>,
      %slice3A_275 = vector.extract_strided_slice %get3A_145 {offsets = [6], sizes = [1], strides = [1]} : vector<16xi32> to vector<1xi32>
      %squeeze3A_276 = vector.extract %slice3A_275[0] : i32 from vector<1xi32>
      %add3A_277 = vector.broadcast %squeeze3A_276 : i32 to vector<16xi32>
      %add3A_278 = arith.addi %add3A_277, %add3A_11 : vector<16xi32>
      %add3A_279 = arith.constant 208 : i32
      %add3A_280 = arith.addi %mul3A_147, %add3A_279 : i32
      %swap3A_281 = arith.index_cast %add3A_280 : i32 to index
      %swap3A_282 = tpu.vector_load %arg6[%swap3A_281] {strides = array<i32>} : memref<13312xi32, #tpu.memory_space<vmem>>, vector<16xi32>,
      %swap3A_283 = vector.shape_cast %swap3A_282 : vector<16xi32> to vector<16xi32>
      %swap3A_284 = vector.shape_cast %add3A_278 : vector<16xi32> to vector<16xi32>
      tpu.vector_store %arg6[%swap3A_281], %swap3A_284 {strides = array<i32>} : memref<13312xi32, #tpu.memory_space<vmem>>, vector<16xi32>,
      %slice3A_285 = vector.extract_strided_slice %get3A_145 {offsets = [7], sizes = [1], strides = [1]} : vector<16xi32> to vector<1xi32>
      %squeeze3A_286 = vector.extract %slice3A_285[0] : i32 from vector<1xi32>
      %add3A_287 = vector.broadcast %squeeze3A_286 : i32 to vector<16xi32>
      %add3A_288 = arith.addi %add3A_287, %mul3A_8 : vector<16xi32>
      %add3A_289 = arith.constant 224 : i32
      %add3A_290 = arith.addi %mul3A_147, %add3A_289 : i32
      %swap3A_291 = arith.index_cast %add3A_290 : i32 to index
      %swap3A_292 = tpu.vector_load %arg6[%swap3A_291] {strides = array<i32>} : memref<13312xi32, #tpu.memory_space<vmem>>, vector<16xi32>,
      %swap3A_293 = vector.shape_cast %swap3A_292 : vector<16xi32> to vector<16xi32>
      %swap3A_294 = vector.shape_cast %add3A_288 : vector<16xi32> to vector<16xi32>
      tpu.vector_store %arg6[%swap3A_291], %swap3A_294 {strides = array<i32>} : memref<13312xi32, #tpu.memory_space<vmem>>, vector<16xi32>,
      %slice3A_295 = vector.extract_strided_slice %get3A_145 {offsets = [7], sizes = [1], strides = [1]} : vector<16xi32> to vector<1xi32>
      %squeeze3A_296 = vector.extract %slice3A_295[0] : i32 from vector<1xi32>
      %add3A_297 = vector.broadcast %squeeze3A_296 : i32 to vector<16xi32>
      %add3A_298 = arith.addi %add3A_297, %add3A_11 : vector<16xi32>
      %add3A_299 = arith.constant 240 : i32
      %add3A_300 = arith.addi %mul3A_147, %add3A_299 : i32
      %swap3A_301 = arith.index_cast %add3A_300 : i32 to index
      %swap3A_302 = tpu.vector_load %arg6[%swap3A_301] {strides = array<i32>} : memref<13312xi32, #tpu.memory_space<vmem>>, vector<16xi32>,
      %swap3A_303 = vector.shape_cast %swap3A_302 : vector<16xi32> to vector<16xi32>
      %swap3A_304 = vector.shape_cast %add3A_298 : vector<16xi32> to vector<16xi32>
      tpu.vector_store %arg6[%swap3A_301], %swap3A_304 {strides = array<i32>} : memref<13312xi32, #tpu.memory_space<vmem>>, vector<16xi32>,
      %slice3A_305 = vector.extract_strided_slice %get3A_145 {offsets = [8], sizes = [1], strides = [1]} : vector<16xi32> to vector<1xi32>
      %squeeze3A_306 = vector.extract %slice3A_305[0] : i32 from vector<1xi32>
      %add3A_307 = vector.broadcast %squeeze3A_306 : i32 to vector<16xi32>
      %add3A_308 = arith.addi %add3A_307, %mul3A_8 : vector<16xi32>
      %add3A_309 = arith.constant 256 : i32
      %add3A_310 = arith.addi %mul3A_147, %add3A_309 : i32
      %swap3A_311 = arith.index_cast %add3A_310 : i32 to index
      %swap3A_312 = tpu.vector_load %arg6[%swap3A_311] {strides = array<i32>} : memref<13312xi32, #tpu.memory_space<vmem>>, vector<16xi32>,
      %swap3A_313 = vector.shape_cast %swap3A_312 : vector<16xi32> to vector<16xi32>
      %swap3A_314 = vector.shape_cast %add3A_308 : vector<16xi32> to vector<16xi32>
      tpu.vector_store %arg6[%swap3A_311], %swap3A_314 {strides = array<i32>} : memref<13312xi32, #tpu.memory_space<vmem>>, vector<16xi32>,
      %slice3A_315 = vector.extract_strided_slice %get3A_145 {offsets = [8], sizes = [1], strides = [1]} : vector<16xi32> to vector<1xi32>
      %squeeze3A_316 = vector.extract %slice3A_315[0] : i32 from vector<1xi32>
      %add3A_317 = vector.broadcast %squeeze3A_316 : i32 to vector<16xi32>
      %add3A_318 = arith.addi %add3A_317, %add3A_11 : vector<16xi32>
      %add3A_319 = arith.constant 272 : i32
      %add3A_320 = arith.addi %mul3A_147, %add3A_319 : i32
      %swap3A_321 = arith.index_cast %add3A_320 : i32 to index
      %swap3A_322 = tpu.vector_load %arg6[%swap3A_321] {strides = array<i32>} : memref<13312xi32, #tpu.memory_space<vmem>>, vector<16xi32>,
      %swap3A_323 = vector.shape_cast %swap3A_322 : vector<16xi32> to vector<16xi32>
      %swap3A_324 = vector.shape_cast %add3A_318 : vector<16xi32> to vector<16xi32>
      tpu.vector_store %arg6[%swap3A_321], %swap3A_324 {strides = array<i32>} : memref<13312xi32, #tpu.memory_space<vmem>>, vector<16xi32>,
      %slice3A_325 = vector.extract_strided_slice %get3A_145 {offsets = [9], sizes = [1], strides = [1]} : vector<16xi32> to vector<1xi32>
      %squeeze3A_326 = vector.extract %slice3A_325[0] : i32 from vector<1xi32>
      %add3A_327 = vector.broadcast %squeeze3A_326 : i32 to vector<16xi32>
      %add3A_328 = arith.addi %add3A_327, %mul3A_8 : vector<16xi32>
      %add3A_329 = arith.constant 288 : i32
      %add3A_330 = arith.addi %mul3A_147, %add3A_329 : i32
      %swap3A_331 = arith.index_cast %add3A_330 : i32 to index
      %swap3A_332 = tpu.vector_load %arg6[%swap3A_331] {strides = array<i32>} : memref<13312xi32, #tpu.memory_space<vmem>>, vector<16xi32>,
      %swap3A_333 = vector.shape_cast %swap3A_332 : vector<16xi32> to vector<16xi32>
      %swap3A_334 = vector.shape_cast %add3A_328 : vector<16xi32> to vector<16xi32>
      tpu.vector_store %arg6[%swap3A_331], %swap3A_334 {strides = array<i32>} : memref<13312xi32, #tpu.memory_space<vmem>>, vector<16xi32>,
      %slice3A_335 = vector.extract_strided_slice %get3A_145 {offsets = [9], sizes = [1], strides = [1]} : vector<16xi32> to vector<1xi32>
      %squeeze3A_336 = vector.extract %slice3A_335[0] : i32 from vector<1xi32>
      %add3A_337 = vector.broadcast %squeeze3A_336 : i32 to vector<16xi32>
      %add3A_338 = arith.addi %add3A_337, %add3A_11 : vector<16xi32>
      %add3A_339 = arith.constant 304 : i32
      %add3A_340 = arith.addi %mul3A_147, %add3A_339 : i32
      %swap3A_341 = arith.index_cast %add3A_340 : i32 to index
      %swap3A_342 = tpu.vector_load %arg6[%swap3A_341] {strides = array<i32>} : memref<13312xi32, #tpu.memory_space<vmem>>, vector<16xi32>,
      %swap3A_343 = vector.shape_cast %swap3A_342 : vector<16xi32> to vector<16xi32>
      %swap3A_344 = vector.shape_cast %add3A_338 : vector<16xi32> to vector<16xi32>
      tpu.vector_store %arg6[%swap3A_341], %swap3A_344 {strides = array<i32>} : memref<13312xi32, #tpu.memory_space<vmem>>, vector<16xi32>,
      %slice3A_345 = vector.extract_strided_slice %get3A_145 {offsets = [10], sizes = [1], strides = [1]} : vector<16xi32> to vector<1xi32>
      %squeeze3A_346 = vector.extract %slice3A_345[0] : i32 from vector<1xi32>
      %add3A_347 = vector.broadcast %squeeze3A_346 : i32 to vector<16xi32>
      %add3A_348 = arith.addi %add3A_347, %mul3A_8 : vector<16xi32>
      %add3A_349 = arith.constant 320 : i32
      %add3A_350 = arith.addi %mul3A_147, %add3A_349 : i32
      %swap3A_351 = arith.index_cast %add3A_350 : i32 to index
      %swap3A_352 = tpu.vector_load %arg6[%swap3A_351] {strides = array<i32>} : memref<13312xi32, #tpu.memory_space<vmem>>, vector<16xi32>,
      %swap3A_353 = vector.shape_cast %swap3A_352 : vector<16xi32> to vector<16xi32>
      %swap3A_354 = vector.shape_cast %add3A_348 : vector<16xi32> to vector<16xi32>
      tpu.vector_store %arg6[%swap3A_351], %swap3A_354 {strides = array<i32>} : memref<13312xi32, #tpu.memory_space<vmem>>, vector<16xi32>,
      %slice3A_355 = vector.extract_strided_slice %get3A_145 {offsets = [10], sizes = [1], strides = [1]} : vector<16xi32> to vector<1xi32>
      %squeeze3A_356 = vector.extract %slice3A_355[0] : i32 from vector<1xi32>
      %add3A_357 = vector.broadcast %squeeze3A_356 : i32 to vector<16xi32>
      %add3A_358 = arith.addi %add3A_357, %add3A_11 : vector<16xi32>
      %add3A_359 = arith.constant 336 : i32
      %add3A_360 = arith.addi %mul3A_147, %add3A_359 : i32
      %swap3A_361 = arith.index_cast %add3A_360 : i32 to index
      %swap3A_362 = tpu.vector_load %arg6[%swap3A_361] {strides = array<i32>} : memref<13312xi32, #tpu.memory_space<vmem>>, vector<16xi32>,
      %swap3A_363 = vector.shape_cast %swap3A_362 : vector<16xi32> to vector<16xi32>
      %swap3A_364 = vector.shape_cast %add3A_358 : vector<16xi32> to vector<16xi32>
      tpu.vector_store %arg6[%swap3A_361], %swap3A_364 {strides = array<i32>} : memref<13312xi32, #tpu.memory_space<vmem>>, vector<16xi32>,
      %slice3A_365 = vector.extract_strided_slice %get3A_145 {offsets = [11], sizes = [1], strides = [1]} : vector<16xi32> to vector<1xi32>
      %squeeze3A_366 = vector.extract %slice3A_365[0] : i32 from vector<1xi32>
      %add3A_367 = vector.broadcast %squeeze3A_366 : i32 to vector<16xi32>
      %add3A_368 = arith.addi %add3A_367, %mul3A_8 : vector<16xi32>
      %add3A_369 = arith.constant 352 : i32
      %add3A_370 = arith.addi %mul3A_147, %add3A_369 : i32
      %swap3A_371 = arith.index_cast %add3A_370 : i32 to index
      %swap3A_372 = tpu.vector_load %arg6[%swap3A_371] {strides = array<i32>} : memref<13312xi32, #tpu.memory_space<vmem>>, vector<16xi32>,
      %swap3A_373 = vector.shape_cast %swap3A_372 : vector<16xi32> to vector<16xi32>
      %swap3A_374 = vector.shape_cast %add3A_368 : vector<16xi32> to vector<16xi32>
      tpu.vector_store %arg6[%swap3A_371], %swap3A_374 {strides = array<i32>} : memref<13312xi32, #tpu.memory_space<vmem>>, vector<16xi32>,
      %slice3A_375 = vector.extract_strided_slice %get3A_145 {offsets = [11], sizes = [1], strides = [1]} : vector<16xi32> to vector<1xi32>
      %squeeze3A_376 = vector.extract %slice3A_375[0] : i32 from vector<1xi32>
      %add3A_377 = vector.broadcast %squeeze3A_376 : i32 to vector<16xi32>
      %add3A_378 = arith.addi %add3A_377, %add3A_11 : vector<16xi32>
      %add3A_379 = arith.constant 368 : i32
      %add3A_380 = arith.addi %mul3A_147, %add3A_379 : i32
      %swap3A_381 = arith.index_cast %add3A_380 : i32 to index
      %swap3A_382 = tpu.vector_load %arg6[%swap3A_381] {strides = array<i32>} : memref<13312xi32, #tpu.memory_space<vmem>>, vector<16xi32>,
      %swap3A_383 = vector.shape_cast %swap3A_382 : vector<16xi32> to vector<16xi32>
      %swap3A_384 = vector.shape_cast %add3A_378 : vector<16xi32> to vector<16xi32>
      tpu.vector_store %arg6[%swap3A_381], %swap3A_384 {strides = array<i32>} : memref<13312xi32, #tpu.memory_space<vmem>>, vector<16xi32>,
      %slice3A_385 = vector.extract_strided_slice %get3A_145 {offsets = [12], sizes = [1], strides = [1]} : vector<16xi32> to vector<1xi32>
      %squeeze3A_386 = vector.extract %slice3A_385[0] : i32 from vector<1xi32>
      %add3A_387 = vector.broadcast %squeeze3A_386 : i32 to vector<16xi32>
      %add3A_388 = arith.addi %add3A_387, %mul3A_8 : vector<16xi32>
      %add3A_389 = arith.constant 384 : i32
      %add3A_390 = arith.addi %mul3A_147, %add3A_389 : i32
      %swap3A_391 = arith.index_cast %add3A_390 : i32 to index
      %swap3A_392 = tpu.vector_load %arg6[%swap3A_391] {strides = array<i32>} : memref<13312xi32, #tpu.memory_space<vmem>>, vector<16xi32>,
      %swap3A_393 = vector.shape_cast %swap3A_392 : vector<16xi32> to vector<16xi32>
      %swap3A_394 = vector.shape_cast %add3A_388 : vector<16xi32> to vector<16xi32>
      tpu.vector_store %arg6[%swap3A_391], %swap3A_394 {strides = array<i32>} : memref<13312xi32, #tpu.memory_space<vmem>>, vector<16xi32>,
      %slice3A_395 = vector.extract_strided_slice %get3A_145 {offsets = [12], sizes = [1], strides = [1]} : vector<16xi32> to vector<1xi32>
      %squeeze3A_396 = vector.extract %slice3A_395[0] : i32 from vector<1xi32>
      %add3A_397 = vector.broadcast %squeeze3A_396 : i32 to vector<16xi32>
      %add3A_398 = arith.addi %add3A_397, %add3A_11 : vector<16xi32>
      %add3A_399 = arith.constant 400 : i32
      %add3A_400 = arith.addi %mul3A_147, %add3A_399 : i32
      %swap3A_401 = arith.index_cast %add3A_400 : i32 to index
      %swap3A_402 = tpu.vector_load %arg6[%swap3A_401] {strides = array<i32>} : memref<13312xi32, #tpu.memory_space<vmem>>, vector<16xi32>,
      %swap3A_403 = vector.shape_cast %swap3A_402 : vector<16xi32> to vector<16xi32>
      %swap3A_404 = vector.shape_cast %add3A_398 : vector<16xi32> to vector<16xi32>
      tpu.vector_store %arg6[%swap3A_401], %swap3A_404 {strides = array<i32>} : memref<13312xi32, #tpu.memory_space<vmem>>, vector<16xi32>,
      %slice3A_405 = vector.extract_strided_slice %get3A_145 {offsets = [13], sizes = [1], strides = [1]} : vector<16xi32> to vector<1xi32>
      %squeeze3A_406 = vector.extract %slice3A_405[0] : i32 from vector<1xi32>
      %add3A_407 = vector.broadcast %squeeze3A_406 : i32 to vector<16xi32>
      %add3A_408 = arith.addi %add3A_407, %mul3A_8 : vector<16xi32>
      %add3A_409 = arith.constant 416 : i32
      %add3A_410 = arith.addi %mul3A_147, %add3A_409 : i32
      %swap3A_411 = arith.index_cast %add3A_410 : i32 to index
      %swap3A_412 = tpu.vector_load %arg6[%swap3A_411] {strides = array<i32>} : memref<13312xi32, #tpu.memory_space<vmem>>, vector<16xi32>,
      %swap3A_413 = vector.shape_cast %swap3A_412 : vector<16xi32> to vector<16xi32>
      %swap3A_414 = vector.shape_cast %add3A_408 : vector<16xi32> to vector<16xi32>
      tpu.vector_store %arg6[%swap3A_411], %swap3A_414 {strides = array<i32>} : memref<13312xi32, #tpu.memory_space<vmem>>, vector<16xi32>,
      %slice3A_415 = vector.extract_strided_slice %get3A_145 {offsets = [13], sizes = [1], strides = [1]} : vector<16xi32> to vector<1xi32>
      %squeeze3A_416 = vector.extract %slice3A_415[0] : i32 from vector<1xi32>
      %add3A_417 = vector.broadcast %squeeze3A_416 : i32 to vector<16xi32>
      %add3A_418 = arith.addi %add3A_417, %add3A_11 : vector<16xi32>
      %add3A_419 = arith.constant 432 : i32
      %add3A_420 = arith.addi %mul3A_147, %add3A_419 : i32
      %swap3A_421 = arith.index_cast %add3A_420 : i32 to index
      %swap3A_422 = tpu.vector_load %arg6[%swap3A_421] {strides = array<i32>} : memref<13312xi32, #tpu.memory_space<vmem>>, vector<16xi32>,
      %swap3A_423 = vector.shape_cast %swap3A_422 : vector<16xi32> to vector<16xi32>
      %swap3A_424 = vector.shape_cast %add3A_418 : vector<16xi32> to vector<16xi32>
      tpu.vector_store %arg6[%swap3A_421], %swap3A_424 {strides = array<i32>} : memref<13312xi32, #tpu.memory_space<vmem>>, vector<16xi32>,
      %slice3A_425 = vector.extract_strided_slice %get3A_145 {offsets = [14], sizes = [1], strides = [1]} : vector<16xi32> to vector<1xi32>
      %squeeze3A_426 = vector.extract %slice3A_425[0] : i32 from vector<1xi32>
      %add3A_427 = vector.broadcast %squeeze3A_426 : i32 to vector<16xi32>
      %add3A_428 = arith.addi %add3A_427, %mul3A_8 : vector<16xi32>
      %add3A_429 = arith.constant 448 : i32
      %add3A_430 = arith.addi %mul3A_147, %add3A_429 : i32
      %swap3A_431 = arith.index_cast %add3A_430 : i32 to index
      %swap3A_432 = tpu.vector_load %arg6[%swap3A_431] {strides = array<i32>} : memref<13312xi32, #tpu.memory_space<vmem>>, vector<16xi32>,
      %swap3A_433 = vector.shape_cast %swap3A_432 : vector<16xi32> to vector<16xi32>
      %swap3A_434 = vector.shape_cast %add3A_428 : vector<16xi32> to vector<16xi32>
      tpu.vector_store %arg6[%swap3A_431], %swap3A_434 {strides = array<i32>} : memref<13312xi32, #tpu.memory_space<vmem>>, vector<16xi32>,
      %slice3A_435 = vector.extract_strided_slice %get3A_145 {offsets = [14], sizes = [1], strides = [1]} : vector<16xi32> to vector<1xi32>
      %squeeze3A_436 = vector.extract %slice3A_435[0] : i32 from vector<1xi32>
      %add3A_437 = vector.broadcast %squeeze3A_436 : i32 to vector<16xi32>
      %add3A_438 = arith.addi %add3A_437, %add3A_11 : vector<16xi32>
      %add3A_439 = arith.constant 464 : i32
      %add3A_440 = arith.addi %mul3A_147, %add3A_439 : i32
      %swap3A_441 = arith.index_cast %add3A_440 : i32 to index
      %swap3A_442 = tpu.vector_load %arg6[%swap3A_441] {strides = array<i32>} : memref<13312xi32, #tpu.memory_space<vmem>>, vector<16xi32>,
      %swap3A_443 = vector.shape_cast %swap3A_442 : vector<16xi32> to vector<16xi32>
      %swap3A_444 = vector.shape_cast %add3A_438 : vector<16xi32> to vector<16xi32>
      tpu.vector_store %arg6[%swap3A_441], %swap3A_444 {strides = array<i32>} : memref<13312xi32, #tpu.memory_space<vmem>>, vector<16xi32>,
      %slice3A_445 = vector.extract_strided_slice %get3A_145 {offsets = [15], sizes = [1], strides = [1]} : vector<16xi32> to vector<1xi32>
      %squeeze3A_446 = vector.extract %slice3A_445[0] : i32 from vector<1xi32>
      %add3A_447 = vector.broadcast %squeeze3A_446 : i32 to vector<16xi32>
      %add3A_448 = arith.addi %add3A_447, %mul3A_8 : vector<16xi32>
      %add3A_449 = arith.constant 480 : i32
      %add3A_450 = arith.addi %mul3A_147, %add3A_449 : i32
      %swap3A_451 = arith.index_cast %add3A_450 : i32 to index
      %swap3A_452 = tpu.vector_load %arg6[%swap3A_451] {strides = array<i32>} : memref<13312xi32, #tpu.memory_space<vmem>>, vector<16xi32>,
      %swap3A_453 = vector.shape_cast %swap3A_452 : vector<16xi32> to vector<16xi32>
      %swap3A_454 = vector.shape_cast %add3A_448 : vector<16xi32> to vector<16xi32>
      tpu.vector_store %arg6[%swap3A_451], %swap3A_454 {strides = array<i32>} : memref<13312xi32, #tpu.memory_space<vmem>>, vector<16xi32>,
      %slice3A_455 = vector.extract_strided_slice %get3A_145 {offsets = [15], sizes = [1], strides = [1]} : vector<16xi32> to vector<1xi32>
      %squeeze3A_456 = vector.extract %slice3A_455[0] : i32 from vector<1xi32>
      %add3A_457 = vector.broadcast %squeeze3A_456 : i32 to vector<16xi32>
      %add3A_458 = arith.addi %add3A_457, %add3A_11 : vector<16xi32>
      %add3A_459 = arith.constant 496 : i32
      %add3A_460 = arith.addi %mul3A_147, %add3A_459 : i32
      %swap3A_461 = arith.index_cast %add3A_460 : i32 to index
      %swap3A_462 = tpu.vector_load %arg6[%swap3A_461] {strides = array<i32>} : memref<13312xi32, #tpu.memory_space<vmem>>, vector<16xi32>,
      %swap3A_463 = vector.shape_cast %swap3A_462 : vector<16xi32> to vector<16xi32>
      %swap3A_464 = vector.shape_cast %add3A_458 : vector<16xi32> to vector<16xi32>
      tpu.vector_store %arg6[%swap3A_461], %swap3A_464 {strides = array<i32>} : memref<13312xi32, #tpu.memory_space<vmem>>, vector<16xi32>,
    }
    %scan3A_89 = arith.constant 26 : i32
    %scan3A_90 = arith.constant 0 : i32
    %scan3A_91 = arith.constant 0 : i32
    %scan3A_92 = arith.constant 104 : i32
    %scan3A_93 = arith.addi %scan3A_91, %scan3A_92 : i32
    %scan3A_94 = arith.constant 1 : i32
    scf.for %scan3A_108 = %scan3A_91 to %scan3A_93 step %scan3A_94  : i32 {
      %mul3A_109 = arith.constant 128 : i32
      %mul3A_110 = arith.muli %scan3A_108, %mul3A_109 : i32
      %mul3A_111 = arith.constant 128 : i32
      %mul3A_112 = arith.muli %scan3A_108, %mul3A_111 : i32
      %dma_start3A = tpu.memref_slice %arg7[%mul3A_112] : memref<13312xf32, #tpu.memory_space<vmem>> -> memref<128xf32, #tpu.memory_space<vmem>>
      %dma_start3A_113 = tpu.memref_slice %arg6[%mul3A_110] : memref<13312xi32, #tpu.memory_space<vmem>> -> memref<128xi32, #tpu.memory_space<vmem>>
      %dma_start3A_114 = arith.constant 0 : i32
      %dma_start3A_115 = tpu.memref_slice %arg3[%dma_start3A_114] : memref<41600000xf32, #tpu.memory_space<hbm>> -> memref<41600000xf32, #tpu.memory_space<hbm>>
      tpu.enqueue_indirect_dma source(%dma_start3A_115 : memref<41600000xf32, #tpu.memory_space<hbm>>) target(%dma_start3A : memref<128xf32, #tpu.memory_space<vmem>>) offsets(%dma_start3A_113 : memref<128xi32, #tpu.memory_space<vmem>>) semaphore(%arg8 : memref<!tpu.dma_semaphore, #tpu.memory_space<semaphore_mem>>)
    }
    %scan3A_95 = arith.constant 104 : i32
    %scan3A_96 = arith.constant 0 : i32
    %scan3A_97 = arith.constant 0 : i32
    %scan3A_98 = arith.constant 104 : i32
    %scan3A_99 = arith.addi %scan3A_97, %scan3A_98 : i32
    %scan3A_100 = arith.constant 1 : i32
    scf.for %scan3A_108 = %scan3A_97 to %scan3A_99 step %scan3A_100  : i32 {
      %mul3A_109 = arith.constant 128 : i32
      %mul3A_110 = arith.muli %scan3A_108, %mul3A_109 : i32
      %mul3A_111 = arith.constant 128 : i32
      %mul3A_112 = arith.muli %scan3A_108, %mul3A_111 : i32
      %dma_wait3A = tpu.memref_slice %arg7[%mul3A_112] : memref<13312xf32, #tpu.memory_space<vmem>> -> memref<128xf32, #tpu.memory_space<vmem>>
      %dma_wait3A_113 = tpu.memref_slice %arg6[%mul3A_110] : memref<13312xi32, #tpu.memory_space<vmem>> -> memref<128xi32, #tpu.memory_space<vmem>>
      %dma_wait3A_114 = arith.constant 0 : i32
      %dma_wait3A_115 = tpu.memref_slice %arg3[%dma_wait3A_114] : memref<41600000xf32, #tpu.memory_space<hbm>> -> memref<41600000xf32, #tpu.memory_space<hbm>>
      tpu.wait_indirect_dma semaphore(%arg8 : memref<!tpu.dma_semaphore, #tpu.memory_space<semaphore_mem>>) src(%dma_wait3A_115 : memref<41600000xf32, #tpu.memory_space<hbm>>) dst(%dma_wait3A : memref<128xf32, #tpu.memory_space<vmem>>)
    }
    %scan3A_101 = arith.constant 104 : i32
    %mul3A_102 = arith.constant 1664 : i32
    %mul3A_103 = arith.muli %add3A, %mul3A_102 : i32
    %mul3A_104 = arith.constant 32 : i32
    %mul3A_105 = arith.muli %mul3A_103, %mul3A_104 : i32
    %add3A_106 = arith.constant 39936 : i32
    %add3A_107 = arith.addi %mul3A_105, %add3A_106 : i32
    "tpu.region"() ({
      %run_scoped3A = tpu.sem_alloc : memref<!tpu.dma_semaphore, #tpu.memory_space<semaphore_mem>>
      %dma_start3A = tpu.memref_slice %arg4[%add3A_107] : memref<1703936xf32, #tpu.memory_space<hbm>> -> memref<13312xf32, #tpu.memory_space<hbm>>
      %dma_start3A_108 = tpu.memref_slice %arg4[%add3A_107] : memref<1703936xf32, #tpu.memory_space<hbm>> -> memref<13312xf32, #tpu.memory_space<hbm>>
      tpu.enqueue_dma source(%arg7 : memref<13312xf32, #tpu.memory_space<vmem>>) target(%dma_start3A_108 : memref<13312xf32, #tpu.memory_space<hbm>>) target_semaphore(%run_scoped3A : memref<!tpu.dma_semaphore, #tpu.memory_space<semaphore_mem>>)
      %dma_wait3A = tpu.memref_slice %arg4[%add3A_107] : memref<1703936xf32, #tpu.memory_space<hbm>> -> memref<13312xf32, #tpu.memory_space<hbm>>
      %dma_wait3A_109 = tpu.memref_slice %arg4[%add3A_107] : memref<1703936xf32, #tpu.memory_space<hbm>> -> memref<13312xf32, #tpu.memory_space<hbm>>
      tpu.wait_dma2 semaphore(%run_scoped3A : memref<!tpu.dma_semaphore, #tpu.memory_space<semaphore_mem>>) src(%arg7 : memref<13312xf32, #tpu.memory_space<vmem>>) dst(%dma_wait3A_109 : memref<13312xf32, #tpu.memory_space<hbm>>)
      tpu.yield
    }) : () -> ()
    return
  }
}

#map = affine_map<(d0, d1) -> (0, 0, 0)>
#map1 = affine_map<(d0, d1) -> (0)>
module attributes {stable_mosaic.version = 14 : i64} {
  func.func @_sc_gather_body(%arg0: i32, %arg1: i32, %arg2: memref<32x13x128xi32, #tpu.memory_space<hbm>>, %arg3: memref<41600000xf32, #tpu.memory_space<hbm>>, %arg4: memref<1703936xf32, #tpu.memory_space<hbm>>, %arg5: memref<13x128xi32, #tpu.memory_space<vmem>>, %arg6: memref<13312xi32, #tpu.memory_space<vmem>>, %arg7: memref<13312xf32, #tpu.memory_space<vmem>>, %arg8: memref<!tpu.dma_semaphore, #tpu.memory_space<semaphore_mem>>) attributes {dimension_semantics = [#tpu.dimension_semantics<core_parallel>, #tpu.dimension_semantics<subcore_parallel>], iteration_bounds = array<i64: 2, 16>, scalar_prefetch = 0 : i64, scratch_operands = 4 : i64, tpu.core_type = #tpu.core_type<sc_vector_subcore>, window_params = [{transform_indices = #map}, {transform_indices = #map1}, {transform_indices = #map1}]} {
    %mul3A = arith.constant 2 : i32
    %mul3A_0 = arith.muli %arg1, %mul3A : i32
    %add3A = arith.addi %mul3A_0, %arg0 : i32
    "tpu.region"() ({
      %run_scoped3A = tpu.sem_alloc : memref<!tpu.dma_semaphore, #tpu.memory_space<semaphore_mem>>
      %dma_start3A = arith.constant 0 : i32
      %dma_start3A_108 = arith.constant 0 : i32
      %dma_start3A_109 = tpu.memref_slice %arg2[%add3A, %dma_start3A, %dma_start3A_108] : memref<32x13x128xi32, #tpu.memory_space<hbm>> -> memref<1x13x128xi32, #tpu.memory_space<hbm>>
      %dma_start3A_110 = tpu.memref_squeeze %dma_start3A_109 : memref<1x13x128xi32, #tpu.memory_space<hbm>> -> memref<13x128xi32, #tpu.memory_space<hbm>>
      %dma_start3A_111 = arith.constant 0 : i32
      %dma_start3A_112 = arith.constant 0 : i32
      %dma_start3A_113 = tpu.memref_slice %arg2[%add3A, %dma_start3A_111, %dma_start3A_112] : memref<32x13x128xi32, #tpu.memory_space<hbm>> -> memref<1x13x128xi32, #tpu.memory_space<hbm>>
      %dma_start3A_114 = tpu.memref_squeeze %dma_start3A_113 : memref<1x13x128xi32, #tpu.memory_space<hbm>> -> memref<13x128xi32, #tpu.memory_space<hbm>>
      tpu.enqueue_dma source(%dma_start3A_114 : memref<13x128xi32, #tpu.memory_space<hbm>>) target(%arg5 : memref<13x128xi32, #tpu.memory_space<vmem>>) target_semaphore(%run_scoped3A : memref<!tpu.dma_semaphore, #tpu.memory_space<semaphore_mem>>)
      %dma_wait3A = arith.constant 0 : i32
      %dma_wait3A_115 = arith.constant 0 : i32
      %dma_wait3A_116 = tpu.memref_slice %arg2[%add3A, %dma_wait3A, %dma_wait3A_115] : memref<32x13x128xi32, #tpu.memory_space<hbm>> -> memref<1x13x128xi32, #tpu.memory_space<hbm>>
      %dma_wait3A_117 = tpu.memref_squeeze %dma_wait3A_116 : memref<1x13x128xi32, #tpu.memory_space<hbm>> -> memref<13x128xi32, #tpu.memory_space<hbm>>
      %dma_wait3A_118 = arith.constant 0 : i32
      %dma_wait3A_119 = arith.constant 0 : i32
      %dma_wait3A_120 = tpu.memref_slice %arg2[%add3A, %dma_wait3A_118, %dma_wait3A_119] : memref<32x13x128xi32, #tpu.memory_space<hbm>> -> memref<1x13x128xi32, #tpu.memory_space<hbm>>
      %dma_wait3A_121 = tpu.memref_squeeze %dma_wait3A_120 : memref<1x13x128xi32, #tpu.memory_space<hbm>> -> memref<13x128xi32, #tpu.memory_space<hbm>>
      tpu.wait_dma2 semaphore(%run_scoped3A : memref<!tpu.dma_semaphore, #tpu.memory_space<semaphore_mem>>) src(%dma_wait3A_121 : memref<13x128xi32, #tpu.memory_space<hbm>>) dst(%arg5 : memref<13x128xi32, #tpu.memory_space<vmem>>)
      tpu.yield
    }) : () -> ()
    %scan3A = arith.constant 0 : i32
    %scan3A_1 = arith.constant 0 : i32
    %scan3A_2 = arith.constant 104 : i32
    %scan3A_3 = arith.addi %scan3A_1, %scan3A_2 : i32
    %scan3A_4 = arith.constant 1 : i32
    scf.for %scan3A_108 = %scan3A_1 to %scan3A_3 step %scan3A_4  : i32 {
      %jit3A = arith.constant 8 : i32
      %div3A = arith.divsi %scan3A_108, %jit3A : i32
      %sign3A = arith.constant 0 : i32
      %sign3A_109 = arith.cmpi sgt, %scan3A_108, %sign3A : i32
      %sign3A_110 = arith.extui %sign3A_109 : i1 to i32
      %sign3A_111 = arith.constant 0 : i32
      %sign3A_112 = arith.cmpi slt, %scan3A_108, %sign3A_111 : i32
      %sign3A_113 = arith.extui %sign3A_112 : i1 to i32
      %sign3A_114 = arith.subi %sign3A_110, %sign3A_113 : i32
      %sign3A_115 = arith.constant 0 : i32
      %sign3A_116 = arith.cmpi sgt, %jit3A, %sign3A_115 : i32
      %sign3A_117 = arith.extui %sign3A_116 : i1 to i32
      %sign3A_118 = arith.constant 0 : i32
      %sign3A_119 = arith.cmpi slt, %jit3A, %sign3A_118 : i32
      %sign3A_120 = arith.extui %sign3A_119 : i1 to i32
      %sign3A_121 = arith.subi %sign3A_117, %sign3A_120 : i32
      %ne3A = arith.cmpi ne, %sign3A_114, %sign3A_121 : i32
      %rem3A = arith.remsi %scan3A_108, %jit3A : i32
      %ne3A_122 = arith.constant 0 : i32
      %ne3A_123 = arith.cmpi ne, %rem3A, %ne3A_122 : i32
      %and3A = arith.andi %ne3A, %ne3A_123 : i1
      %sub3A = arith.constant 1 : i32
      %sub3A_124 = arith.subi %div3A, %sub3A : i32
      %select_n3A = arith.select %and3A, %sub3A_124, %div3A : i32
      %jit3A_125 = arith.constant 8 : i32
      %eq3A = arith.constant 0 : i32
      %eq3A_126 = arith.cmpi eq, %jit3A_125, %eq3A : i32
      %jit3A_127 = arith.constant 1 : i32
      %select_n3A_128 = arith.select %eq3A_126, %jit3A_127, %jit3A_125 : i32
      %rem3A_129 = arith.remsi %scan3A_108, %select_n3A_128 : i32
      %ne3A_130 = arith.constant 0 : i32
      %ne3A_131 = arith.cmpi ne, %rem3A_129, %ne3A_130 : i32
      %lt3A = arith.constant 0 : i32
      %lt3A_132 = arith.cmpi slt, %rem3A_129, %lt3A : i32
      %lt3A_133 = arith.constant 0 : i32
      %lt3A_134 = arith.cmpi slt, %select_n3A_128, %lt3A_133 : i32
      %ne3A_135 = arith.xori %lt3A_132, %lt3A_134 : i1
      %and3A_136 = arith.andi %ne3A_135, %ne3A_131 : i1
      %add3A_137 = arith.addi %rem3A_129, %select_n3A_128 : i32
      %select_n3A_138 = arith.select %and3A_136, %add3A_137, %rem3A_129 : i32
      %mul3A_139 = arith.constant 128 : i32
      %mul3A_140 = arith.muli %select_n3A, %mul3A_139 : i32
      %mul3A_141 = arith.constant 16 : i32
      %mul3A_142 = arith.muli %select_n3A_138, %mul3A_141 : i32
      %add3A_143 = arith.addi %mul3A_140, %mul3A_142 : i32
      %iota3A_144 = tpu.iota {dimensions = array<i32: 0>} : vector<16xi32>
      %add3A_145 = vector.broadcast %add3A_143 : i32 to vector<16xi32>
      %add3A_146 = arith.addi %add3A_145, %iota3A_144 : vector<16xi32>
      %rem3A_147 = arith.constant 13 : i32
      %rem3A_148 = vector.broadcast %rem3A_147 : i32 to vector<16xi32>
      %rem3A_149 = arith.remsi %add3A_146, %rem3A_148 : vector<16xi32>
      %mul3A_150 = arith.constant 16 : i32
      %mul3A_151 = arith.muli %select_n3A_138, %mul3A_150 : i32
      %get3A = arith.index_cast %select_n3A : i32 to index
      %get3A_152 = arith.index_cast %mul3A_151 : i32 to index
      %get3A_153 = tpu.vector_load %arg5[%get3A, %get3A_152] {strides = array<i32>} : memref<13x128xi32, #tpu.memory_space<vmem>>, vector<1x16xi32>,
      %get3A_154 = vector.shape_cast %get3A_153 : vector<1x16xi32> to vector<16xi32>
      %mul3A_155 = arith.constant 3200000 : i32
      %mul3A_156 = vector.broadcast %mul3A_155 : i32 to vector<16xi32>
      %mul3A_157 = arith.muli %rem3A_149, %mul3A_156 : vector<16xi32>
      %add3A_158 = arith.addi %get3A_154, %mul3A_157 : vector<16xi32>
      %mul3A_159 = arith.constant 16 : i32
      %mul3A_160 = arith.muli %select_n3A_138, %mul3A_159 : i32
      %swap3A = arith.index_cast %select_n3A : i32 to index
      %swap3A_161 = arith.index_cast %mul3A_160 : i32 to index
      %swap3A_162 = tpu.vector_load %arg5[%swap3A, %swap3A_161] {strides = array<i32>} : memref<13x128xi32, #tpu.memory_space<vmem>>, vector<1x16xi32>,
      %swap3A_163 = vector.shape_cast %swap3A_162 : vector<1x16xi32> to vector<16xi32>
      %swap3A_164 = vector.shape_cast %add3A_158 : vector<16xi32> to vector<1x16xi32>
      tpu.vector_store %arg5[%swap3A, %swap3A_161], %swap3A_164 {strides = array<i32>} : memref<13x128xi32, #tpu.memory_space<vmem>>, vector<1x16xi32>,
    }
    %scan3A_5 = arith.constant 104 : i32
    %iota3A = tpu.iota {dimensions = array<i32: 0>} : vector<16xi32>
    %mul3A_6 = arith.constant 100000 : i32
    %mul3A_7 = vector.broadcast %mul3A_6 : i32 to vector<16xi32>
    %mul3A_8 = arith.muli %iota3A, %mul3A_7 : vector<16xi32>
    %add3A_9 = arith.constant 1600000 : i32
    %add3A_10 = vector.broadcast %add3A_9 : i32 to vector<16xi32>
    %add3A_11 = arith.addi %mul3A_8, %add3A_10 : vector<16xi32>
    %scan3A_12 = arith.constant 0 : i32
    %scan3A_13 = arith.constant 0 : i32
    %scan3A_14 = arith.constant 26 : i32
    %scan3A_15 = arith.addi %scan3A_13, %scan3A_14 : i32
    %scan3A_16 = arith.constant 1 : i32
    scf.for %scan3A_108 = %scan3A_13 to %scan3A_15 step %scan3A_16  : i32 {
      %mul3A_109 = arith.constant 16 : i32
      %mul3A_110 = arith.muli %scan3A_108, %mul3A_109 : i32
      %add3A_111 = arith.constant 0 : i32
      %add3A_112 = arith.addi %add3A_111, %mul3A_110 : i32
      %jit3A = arith.constant 128 : i32
      %div3A = arith.divsi %add3A_112, %jit3A : i32
      %sign3A = arith.constant 0 : i32
      %sign3A_113 = arith.cmpi sgt, %add3A_112, %sign3A : i32
      %sign3A_114 = arith.extui %sign3A_113 : i1 to i32
      %sign3A_115 = arith.constant 0 : i32
      %sign3A_116 = arith.cmpi slt, %add3A_112, %sign3A_115 : i32
      %sign3A_117 = arith.extui %sign3A_116 : i1 to i32
      %sign3A_118 = arith.subi %sign3A_114, %sign3A_117 : i32
      %sign3A_119 = arith.constant 0 : i32
      %sign3A_120 = arith.cmpi sgt, %jit3A, %sign3A_119 : i32
      %sign3A_121 = arith.extui %sign3A_120 : i1 to i32
      %sign3A_122 = arith.constant 0 : i32
      %sign3A_123 = arith.cmpi slt, %jit3A, %sign3A_122 : i32
      %sign3A_124 = arith.extui %sign3A_123 : i1 to i32
      %sign3A_125 = arith.subi %sign3A_121, %sign3A_124 : i32
      %ne3A = arith.cmpi ne, %sign3A_118, %sign3A_125 : i32
      %rem3A = arith.remsi %add3A_112, %jit3A : i32
      %ne3A_126 = arith.constant 0 : i32
      %ne3A_127 = arith.cmpi ne, %rem3A, %ne3A_126 : i32
      %and3A = arith.andi %ne3A, %ne3A_127 : i1
      %sub3A = arith.constant 1 : i32
      %sub3A_128 = arith.subi %div3A, %sub3A : i32
      %select_n3A = arith.select %and3A, %sub3A_128, %div3A : i32
      %jit3A_129 = arith.constant 128 : i32
      %eq3A = arith.constant 0 : i32
      %eq3A_130 = arith.cmpi eq, %jit3A_129, %eq3A : i32
      %jit3A_131 = arith.constant 1 : i32
      %select_n3A_132 = arith.select %eq3A_130, %jit3A_131, %jit3A_129 : i32
      %rem3A_133 = arith.remsi %add3A_112, %select_n3A_132 : i32
      %ne3A_134 = arith.constant 0 : i32
      %ne3A_135 = arith.cmpi ne, %rem3A_133, %ne3A_134 : i32
      %lt3A = arith.constant 0 : i32
      %lt3A_136 = arith.cmpi slt, %rem3A_133, %lt3A : i32
      %lt3A_137 = arith.constant 0 : i32
      %lt3A_138 = arith.cmpi slt, %select_n3A_132, %lt3A_137 : i32
      %ne3A_139 = arith.xori %lt3A_136, %lt3A_138 : i1
      %and3A_140 = arith.andi %ne3A_139, %ne3A_135 : i1
      %add3A_141 = arith.addi %rem3A_133, %select_n3A_132 : i32
      %select_n3A_142 = arith.select %and3A_140, %add3A_141, %rem3A_133 : i32
      %get3A = arith.index_cast %select_n3A : i32 to index
      %get3A_143 = arith.index_cast %select_n3A_142 : i32 to index
      %get3A_144 = tpu.vector_load %arg5[%get3A, %get3A_143] {strides = array<i32>} : memref<13x128xi32, #tpu.memory_space<vmem>>, vector<1x16xi32>,
      %get3A_145 = vector.shape_cast %get3A_144 : vector<1x16xi32> to vector<16xi32>
      %mul3A_146 = arith.constant 512 : i32
      %mul3A_147 = arith.muli %scan3A_108, %mul3A_146 : i32
      %slice3A = vector.extract_strided_slice %get3A_145 {offsets = [0], sizes = [1], strides = [1]} : vector<16xi32> to vector<1xi32>
      %squeeze3A = vector.extract %slice3A[0] : i32 from vector<1xi32>
      %add3A_148 = vector.broadcast %squeeze3A : i32 to vector<16xi32>
      %add3A_149 = arith.addi %add3A_148, %mul3A_8 : vector<16xi32>
      %add3A_150 = arith.constant 0 : i32
      %add3A_151 = arith.addi %mul3A_147, %add3A_150 : i32
      %swap3A = arith.index_cast %add3A_151 : i32 to index
      %swap3A_152 = tpu.vector_load %arg6[%swap3A] {strides = array<i32>} : memref<13312xi32, #tpu.memory_space<vmem>>, vector<16xi32>,
      %swap3A_153 = vector.shape_cast %swap3A_152 : vector<16xi32> to vector<16xi32>
      %swap3A_154 = vector.shape_cast %add3A_149 : vector<16xi32> to vector<16xi32>
      tpu.vector_store %arg6[%swap3A], %swap3A_154 {strides = array<i32>} : memref<13312xi32, #tpu.memory_space<vmem>>, vector<16xi32>,
      %slice3A_155 = vector.extract_strided_slice %get3A_145 {offsets = [0], sizes = [1], strides = [1]} : vector<16xi32> to vector<1xi32>
      %squeeze3A_156 = vector.extract %slice3A_155[0] : i32 from vector<1xi32>
      %add3A_157 = vector.broadcast %squeeze3A_156 : i32 to vector<16xi32>
      %add3A_158 = arith.addi %add3A_157, %add3A_11 : vector<16xi32>
      %add3A_159 = arith.constant 16 : i32
      %add3A_160 = arith.addi %mul3A_147, %add3A_159 : i32
      %swap3A_161 = arith.index_cast %add3A_160 : i32 to index
      %swap3A_162 = tpu.vector_load %arg6[%swap3A_161] {strides = array<i32>} : memref<13312xi32, #tpu.memory_space<vmem>>, vector<16xi32>,
      %swap3A_163 = vector.shape_cast %swap3A_162 : vector<16xi32> to vector<16xi32>
      %swap3A_164 = vector.shape_cast %add3A_158 : vector<16xi32> to vector<16xi32>
      tpu.vector_store %arg6[%swap3A_161], %swap3A_164 {strides = array<i32>} : memref<13312xi32, #tpu.memory_space<vmem>>, vector<16xi32>,
      %slice3A_165 = vector.extract_strided_slice %get3A_145 {offsets = [1], sizes = [1], strides = [1]} : vector<16xi32> to vector<1xi32>
      %squeeze3A_166 = vector.extract %slice3A_165[0] : i32 from vector<1xi32>
      %add3A_167 = vector.broadcast %squeeze3A_166 : i32 to vector<16xi32>
      %add3A_168 = arith.addi %add3A_167, %mul3A_8 : vector<16xi32>
      %add3A_169 = arith.constant 32 : i32
      %add3A_170 = arith.addi %mul3A_147, %add3A_169 : i32
      %swap3A_171 = arith.index_cast %add3A_170 : i32 to index
      %swap3A_172 = tpu.vector_load %arg6[%swap3A_171] {strides = array<i32>} : memref<13312xi32, #tpu.memory_space<vmem>>, vector<16xi32>,
      %swap3A_173 = vector.shape_cast %swap3A_172 : vector<16xi32> to vector<16xi32>
      %swap3A_174 = vector.shape_cast %add3A_168 : vector<16xi32> to vector<16xi32>
      tpu.vector_store %arg6[%swap3A_171], %swap3A_174 {strides = array<i32>} : memref<13312xi32, #tpu.memory_space<vmem>>, vector<16xi32>,
      %slice3A_175 = vector.extract_strided_slice %get3A_145 {offsets = [1], sizes = [1], strides = [1]} : vector<16xi32> to vector<1xi32>
      %squeeze3A_176 = vector.extract %slice3A_175[0] : i32 from vector<1xi32>
      %add3A_177 = vector.broadcast %squeeze3A_176 : i32 to vector<16xi32>
      %add3A_178 = arith.addi %add3A_177, %add3A_11 : vector<16xi32>
      %add3A_179 = arith.constant 48 : i32
      %add3A_180 = arith.addi %mul3A_147, %add3A_179 : i32
      %swap3A_181 = arith.index_cast %add3A_180 : i32 to index
      %swap3A_182 = tpu.vector_load %arg6[%swap3A_181] {strides = array<i32>} : memref<13312xi32, #tpu.memory_space<vmem>>, vector<16xi32>,
      %swap3A_183 = vector.shape_cast %swap3A_182 : vector<16xi32> to vector<16xi32>
      %swap3A_184 = vector.shape_cast %add3A_178 : vector<16xi32> to vector<16xi32>
      tpu.vector_store %arg6[%swap3A_181], %swap3A_184 {strides = array<i32>} : memref<13312xi32, #tpu.memory_space<vmem>>, vector<16xi32>,
      %slice3A_185 = vector.extract_strided_slice %get3A_145 {offsets = [2], sizes = [1], strides = [1]} : vector<16xi32> to vector<1xi32>
      %squeeze3A_186 = vector.extract %slice3A_185[0] : i32 from vector<1xi32>
      %add3A_187 = vector.broadcast %squeeze3A_186 : i32 to vector<16xi32>
      %add3A_188 = arith.addi %add3A_187, %mul3A_8 : vector<16xi32>
      %add3A_189 = arith.constant 64 : i32
      %add3A_190 = arith.addi %mul3A_147, %add3A_189 : i32
      %swap3A_191 = arith.index_cast %add3A_190 : i32 to index
      %swap3A_192 = tpu.vector_load %arg6[%swap3A_191] {strides = array<i32>} : memref<13312xi32, #tpu.memory_space<vmem>>, vector<16xi32>,
      %swap3A_193 = vector.shape_cast %swap3A_192 : vector<16xi32> to vector<16xi32>
      %swap3A_194 = vector.shape_cast %add3A_188 : vector<16xi32> to vector<16xi32>
      tpu.vector_store %arg6[%swap3A_191], %swap3A_194 {strides = array<i32>} : memref<13312xi32, #tpu.memory_space<vmem>>, vector<16xi32>,
      %slice3A_195 = vector.extract_strided_slice %get3A_145 {offsets = [2], sizes = [1], strides = [1]} : vector<16xi32> to vector<1xi32>
      %squeeze3A_196 = vector.extract %slice3A_195[0] : i32 from vector<1xi32>
      %add3A_197 = vector.broadcast %squeeze3A_196 : i32 to vector<16xi32>
      %add3A_198 = arith.addi %add3A_197, %add3A_11 : vector<16xi32>
      %add3A_199 = arith.constant 80 : i32
      %add3A_200 = arith.addi %mul3A_147, %add3A_199 : i32
      %swap3A_201 = arith.index_cast %add3A_200 : i32 to index
      %swap3A_202 = tpu.vector_load %arg6[%swap3A_201] {strides = array<i32>} : memref<13312xi32, #tpu.memory_space<vmem>>, vector<16xi32>,
      %swap3A_203 = vector.shape_cast %swap3A_202 : vector<16xi32> to vector<16xi32>
      %swap3A_204 = vector.shape_cast %add3A_198 : vector<16xi32> to vector<16xi32>
      tpu.vector_store %arg6[%swap3A_201], %swap3A_204 {strides = array<i32>} : memref<13312xi32, #tpu.memory_space<vmem>>, vector<16xi32>,
      %slice3A_205 = vector.extract_strided_slice %get3A_145 {offsets = [3], sizes = [1], strides = [1]} : vector<16xi32> to vector<1xi32>
      %squeeze3A_206 = vector.extract %slice3A_205[0] : i32 from vector<1xi32>
      %add3A_207 = vector.broadcast %squeeze3A_206 : i32 to vector<16xi32>
      %add3A_208 = arith.addi %add3A_207, %mul3A_8 : vector<16xi32>
      %add3A_209 = arith.constant 96 : i32
      %add3A_210 = arith.addi %mul3A_147, %add3A_209 : i32
      %swap3A_211 = arith.index_cast %add3A_210 : i32 to index
      %swap3A_212 = tpu.vector_load %arg6[%swap3A_211] {strides = array<i32>} : memref<13312xi32, #tpu.memory_space<vmem>>, vector<16xi32>,
      %swap3A_213 = vector.shape_cast %swap3A_212 : vector<16xi32> to vector<16xi32>
      %swap3A_214 = vector.shape_cast %add3A_208 : vector<16xi32> to vector<16xi32>
      tpu.vector_store %arg6[%swap3A_211], %swap3A_214 {strides = array<i32>} : memref<13312xi32, #tpu.memory_space<vmem>>, vector<16xi32>,
      %slice3A_215 = vector.extract_strided_slice %get3A_145 {offsets = [3], sizes = [1], strides = [1]} : vector<16xi32> to vector<1xi32>
      %squeeze3A_216 = vector.extract %slice3A_215[0] : i32 from vector<1xi32>
      %add3A_217 = vector.broadcast %squeeze3A_216 : i32 to vector<16xi32>
      %add3A_218 = arith.addi %add3A_217, %add3A_11 : vector<16xi32>
      %add3A_219 = arith.constant 112 : i32
      %add3A_220 = arith.addi %mul3A_147, %add3A_219 : i32
      %swap3A_221 = arith.index_cast %add3A_220 : i32 to index
      %swap3A_222 = tpu.vector_load %arg6[%swap3A_221] {strides = array<i32>} : memref<13312xi32, #tpu.memory_space<vmem>>, vector<16xi32>,
      %swap3A_223 = vector.shape_cast %swap3A_222 : vector<16xi32> to vector<16xi32>
      %swap3A_224 = vector.shape_cast %add3A_218 : vector<16xi32> to vector<16xi32>
      tpu.vector_store %arg6[%swap3A_221], %swap3A_224 {strides = array<i32>} : memref<13312xi32, #tpu.memory_space<vmem>>, vector<16xi32>,
      %slice3A_225 = vector.extract_strided_slice %get3A_145 {offsets = [4], sizes = [1], strides = [1]} : vector<16xi32> to vector<1xi32>
      %squeeze3A_226 = vector.extract %slice3A_225[0] : i32 from vector<1xi32>
      %add3A_227 = vector.broadcast %squeeze3A_226 : i32 to vector<16xi32>
      %add3A_228 = arith.addi %add3A_227, %mul3A_8 : vector<16xi32>
      %add3A_229 = arith.constant 128 : i32
      %add3A_230 = arith.addi %mul3A_147, %add3A_229 : i32
      %swap3A_231 = arith.index_cast %add3A_230 : i32 to index
      %swap3A_232 = tpu.vector_load %arg6[%swap3A_231] {strides = array<i32>} : memref<13312xi32, #tpu.memory_space<vmem>>, vector<16xi32>,
      %swap3A_233 = vector.shape_cast %swap3A_232 : vector<16xi32> to vector<16xi32>
      %swap3A_234 = vector.shape_cast %add3A_228 : vector<16xi32> to vector<16xi32>
      tpu.vector_store %arg6[%swap3A_231], %swap3A_234 {strides = array<i32>} : memref<13312xi32, #tpu.memory_space<vmem>>, vector<16xi32>,
      %slice3A_235 = vector.extract_strided_slice %get3A_145 {offsets = [4], sizes = [1], strides = [1]} : vector<16xi32> to vector<1xi32>
      %squeeze3A_236 = vector.extract %slice3A_235[0] : i32 from vector<1xi32>
      %add3A_237 = vector.broadcast %squeeze3A_236 : i32 to vector<16xi32>
      %add3A_238 = arith.addi %add3A_237, %add3A_11 : vector<16xi32>
      %add3A_239 = arith.constant 144 : i32
      %add3A_240 = arith.addi %mul3A_147, %add3A_239 : i32
      %swap3A_241 = arith.index_cast %add3A_240 : i32 to index
      %swap3A_242 = tpu.vector_load %arg6[%swap3A_241] {strides = array<i32>} : memref<13312xi32, #tpu.memory_space<vmem>>, vector<16xi32>,
      %swap3A_243 = vector.shape_cast %swap3A_242 : vector<16xi32> to vector<16xi32>
      %swap3A_244 = vector.shape_cast %add3A_238 : vector<16xi32> to vector<16xi32>
      tpu.vector_store %arg6[%swap3A_241], %swap3A_244 {strides = array<i32>} : memref<13312xi32, #tpu.memory_space<vmem>>, vector<16xi32>,
      %slice3A_245 = vector.extract_strided_slice %get3A_145 {offsets = [5], sizes = [1], strides = [1]} : vector<16xi32> to vector<1xi32>
      %squeeze3A_246 = vector.extract %slice3A_245[0] : i32 from vector<1xi32>
      %add3A_247 = vector.broadcast %squeeze3A_246 : i32 to vector<16xi32>
      %add3A_248 = arith.addi %add3A_247, %mul3A_8 : vector<16xi32>
      %add3A_249 = arith.constant 160 : i32
      %add3A_250 = arith.addi %mul3A_147, %add3A_249 : i32
      %swap3A_251 = arith.index_cast %add3A_250 : i32 to index
      %swap3A_252 = tpu.vector_load %arg6[%swap3A_251] {strides = array<i32>} : memref<13312xi32, #tpu.memory_space<vmem>>, vector<16xi32>,
      %swap3A_253 = vector.shape_cast %swap3A_252 : vector<16xi32> to vector<16xi32>
      %swap3A_254 = vector.shape_cast %add3A_248 : vector<16xi32> to vector<16xi32>
      tpu.vector_store %arg6[%swap3A_251], %swap3A_254 {strides = array<i32>} : memref<13312xi32, #tpu.memory_space<vmem>>, vector<16xi32>,
      %slice3A_255 = vector.extract_strided_slice %get3A_145 {offsets = [5], sizes = [1], strides = [1]} : vector<16xi32> to vector<1xi32>
      %squeeze3A_256 = vector.extract %slice3A_255[0] : i32 from vector<1xi32>
      %add3A_257 = vector.broadcast %squeeze3A_256 : i32 to vector<16xi32>
      %add3A_258 = arith.addi %add3A_257, %add3A_11 : vector<16xi32>
      %add3A_259 = arith.constant 176 : i32
      %add3A_260 = arith.addi %mul3A_147, %add3A_259 : i32
      %swap3A_261 = arith.index_cast %add3A_260 : i32 to index
      %swap3A_262 = tpu.vector_load %arg6[%swap3A_261] {strides = array<i32>} : memref<13312xi32, #tpu.memory_space<vmem>>, vector<16xi32>,
      %swap3A_263 = vector.shape_cast %swap3A_262 : vector<16xi32> to vector<16xi32>
      %swap3A_264 = vector.shape_cast %add3A_258 : vector<16xi32> to vector<16xi32>
      tpu.vector_store %arg6[%swap3A_261], %swap3A_264 {strides = array<i32>} : memref<13312xi32, #tpu.memory_space<vmem>>, vector<16xi32>,
      %slice3A_265 = vector.extract_strided_slice %get3A_145 {offsets = [6], sizes = [1], strides = [1]} : vector<16xi32> to vector<1xi32>
      %squeeze3A_266 = vector.extract %slice3A_265[0] : i32 from vector<1xi32>
      %add3A_267 = vector.broadcast %squeeze3A_266 : i32 to vector<16xi32>
      %add3A_268 = arith.addi %add3A_267, %mul3A_8 : vector<16xi32>
      %add3A_269 = arith.constant 192 : i32
      %add3A_270 = arith.addi %mul3A_147, %add3A_269 : i32
      %swap3A_271 = arith.index_cast %add3A_270 : i32 to index
      %swap3A_272 = tpu.vector_load %arg6[%swap3A_271] {strides = array<i32>} : memref<13312xi32, #tpu.memory_space<vmem>>, vector<16xi32>,
      %swap3A_273 = vector.shape_cast %swap3A_272 : vector<16xi32> to vector<16xi32>
      %swap3A_274 = vector.shape_cast %add3A_268 : vector<16xi32> to vector<16xi32>
      tpu.vector_store %arg6[%swap3A_271], %swap3A_274 {strides = array<i32>} : memref<13312xi32, #tpu.memory_space<vmem>>, vector<16xi32>,
      %slice3A_275 = vector.extract_strided_slice %get3A_145 {offsets = [6], sizes = [1], strides = [1]} : vector<16xi32> to vector<1xi32>
      %squeeze3A_276 = vector.extract %slice3A_275[0] : i32 from vector<1xi32>
      %add3A_277 = vector.broadcast %squeeze3A_276 : i32 to vector<16xi32>
      %add3A_278 = arith.addi %add3A_277, %add3A_11 : vector<16xi32>
      %add3A_279 = arith.constant 208 : i32
      %add3A_280 = arith.addi %mul3A_147, %add3A_279 : i32
      %swap3A_281 = arith.index_cast %add3A_280 : i32 to index
      %swap3A_282 = tpu.vector_load %arg6[%swap3A_281] {strides = array<i32>} : memref<13312xi32, #tpu.memory_space<vmem>>, vector<16xi32>,
      %swap3A_283 = vector.shape_cast %swap3A_282 : vector<16xi32> to vector<16xi32>
      %swap3A_284 = vector.shape_cast %add3A_278 : vector<16xi32> to vector<16xi32>
      tpu.vector_store %arg6[%swap3A_281], %swap3A_284 {strides = array<i32>} : memref<13312xi32, #tpu.memory_space<vmem>>, vector<16xi32>,
      %slice3A_285 = vector.extract_strided_slice %get3A_145 {offsets = [7], sizes = [1], strides = [1]} : vector<16xi32> to vector<1xi32>
      %squeeze3A_286 = vector.extract %slice3A_285[0] : i32 from vector<1xi32>
      %add3A_287 = vector.broadcast %squeeze3A_286 : i32 to vector<16xi32>
      %add3A_288 = arith.addi %add3A_287, %mul3A_8 : vector<16xi32>
      %add3A_289 = arith.constant 224 : i32
      %add3A_290 = arith.addi %mul3A_147, %add3A_289 : i32
      %swap3A_291 = arith.index_cast %add3A_290 : i32 to index
      %swap3A_292 = tpu.vector_load %arg6[%swap3A_291] {strides = array<i32>} : memref<13312xi32, #tpu.memory_space<vmem>>, vector<16xi32>,
      %swap3A_293 = vector.shape_cast %swap3A_292 : vector<16xi32> to vector<16xi32>
      %swap3A_294 = vector.shape_cast %add3A_288 : vector<16xi32> to vector<16xi32>
      tpu.vector_store %arg6[%swap3A_291], %swap3A_294 {strides = array<i32>} : memref<13312xi32, #tpu.memory_space<vmem>>, vector<16xi32>,
      %slice3A_295 = vector.extract_strided_slice %get3A_145 {offsets = [7], sizes = [1], strides = [1]} : vector<16xi32> to vector<1xi32>
      %squeeze3A_296 = vector.extract %slice3A_295[0] : i32 from vector<1xi32>
      %add3A_297 = vector.broadcast %squeeze3A_296 : i32 to vector<16xi32>
      %add3A_298 = arith.addi %add3A_297, %add3A_11 : vector<16xi32>
      %add3A_299 = arith.constant 240 : i32
      %add3A_300 = arith.addi %mul3A_147, %add3A_299 : i32
      %swap3A_301 = arith.index_cast %add3A_300 : i32 to index
      %swap3A_302 = tpu.vector_load %arg6[%swap3A_301] {strides = array<i32>} : memref<13312xi32, #tpu.memory_space<vmem>>, vector<16xi32>,
      %swap3A_303 = vector.shape_cast %swap3A_302 : vector<16xi32> to vector<16xi32>
      %swap3A_304 = vector.shape_cast %add3A_298 : vector<16xi32> to vector<16xi32>
      tpu.vector_store %arg6[%swap3A_301], %swap3A_304 {strides = array<i32>} : memref<13312xi32, #tpu.memory_space<vmem>>, vector<16xi32>,
      %slice3A_305 = vector.extract_strided_slice %get3A_145 {offsets = [8], sizes = [1], strides = [1]} : vector<16xi32> to vector<1xi32>
      %squeeze3A_306 = vector.extract %slice3A_305[0] : i32 from vector<1xi32>
      %add3A_307 = vector.broadcast %squeeze3A_306 : i32 to vector<16xi32>
      %add3A_308 = arith.addi %add3A_307, %mul3A_8 : vector<16xi32>
      %add3A_309 = arith.constant 256 : i32
      %add3A_310 = arith.addi %mul3A_147, %add3A_309 : i32
      %swap3A_311 = arith.index_cast %add3A_310 : i32 to index
      %swap3A_312 = tpu.vector_load %arg6[%swap3A_311] {strides = array<i32>} : memref<13312xi32, #tpu.memory_space<vmem>>, vector<16xi32>,
      %swap3A_313 = vector.shape_cast %swap3A_312 : vector<16xi32> to vector<16xi32>
      %swap3A_314 = vector.shape_cast %add3A_308 : vector<16xi32> to vector<16xi32>
      tpu.vector_store %arg6[%swap3A_311], %swap3A_314 {strides = array<i32>} : memref<13312xi32, #tpu.memory_space<vmem>>, vector<16xi32>,
      %slice3A_315 = vector.extract_strided_slice %get3A_145 {offsets = [8], sizes = [1], strides = [1]} : vector<16xi32> to vector<1xi32>
      %squeeze3A_316 = vector.extract %slice3A_315[0] : i32 from vector<1xi32>
      %add3A_317 = vector.broadcast %squeeze3A_316 : i32 to vector<16xi32>
      %add3A_318 = arith.addi %add3A_317, %add3A_11 : vector<16xi32>
      %add3A_319 = arith.constant 272 : i32
      %add3A_320 = arith.addi %mul3A_147, %add3A_319 : i32
      %swap3A_321 = arith.index_cast %add3A_320 : i32 to index
      %swap3A_322 = tpu.vector_load %arg6[%swap3A_321] {strides = array<i32>} : memref<13312xi32, #tpu.memory_space<vmem>>, vector<16xi32>,
      %swap3A_323 = vector.shape_cast %swap3A_322 : vector<16xi32> to vector<16xi32>
      %swap3A_324 = vector.shape_cast %add3A_318 : vector<16xi32> to vector<16xi32>
      tpu.vector_store %arg6[%swap3A_321], %swap3A_324 {strides = array<i32>} : memref<13312xi32, #tpu.memory_space<vmem>>, vector<16xi32>,
      %slice3A_325 = vector.extract_strided_slice %get3A_145 {offsets = [9], sizes = [1], strides = [1]} : vector<16xi32> to vector<1xi32>
      %squeeze3A_326 = vector.extract %slice3A_325[0] : i32 from vector<1xi32>
      %add3A_327 = vector.broadcast %squeeze3A_326 : i32 to vector<16xi32>
      %add3A_328 = arith.addi %add3A_327, %mul3A_8 : vector<16xi32>
      %add3A_329 = arith.constant 288 : i32
      %add3A_330 = arith.addi %mul3A_147, %add3A_329 : i32
      %swap3A_331 = arith.index_cast %add3A_330 : i32 to index
      %swap3A_332 = tpu.vector_load %arg6[%swap3A_331] {strides = array<i32>} : memref<13312xi32, #tpu.memory_space<vmem>>, vector<16xi32>,
      %swap3A_333 = vector.shape_cast %swap3A_332 : vector<16xi32> to vector<16xi32>
      %swap3A_334 = vector.shape_cast %add3A_328 : vector<16xi32> to vector<16xi32>
      tpu.vector_store %arg6[%swap3A_331], %swap3A_334 {strides = array<i32>} : memref<13312xi32, #tpu.memory_space<vmem>>, vector<16xi32>,
      %slice3A_335 = vector.extract_strided_slice %get3A_145 {offsets = [9], sizes = [1], strides = [1]} : vector<16xi32> to vector<1xi32>
      %squeeze3A_336 = vector.extract %slice3A_335[0] : i32 from vector<1xi32>
      %add3A_337 = vector.broadcast %squeeze3A_336 : i32 to vector<16xi32>
      %add3A_338 = arith.addi %add3A_337, %add3A_11 : vector<16xi32>
      %add3A_339 = arith.constant 304 : i32
      %add3A_340 = arith.addi %mul3A_147, %add3A_339 : i32
      %swap3A_341 = arith.index_cast %add3A_340 : i32 to index
      %swap3A_342 = tpu.vector_load %arg6[%swap3A_341] {strides = array<i32>} : memref<13312xi32, #tpu.memory_space<vmem>>, vector<16xi32>,
      %swap3A_343 = vector.shape_cast %swap3A_342 : vector<16xi32> to vector<16xi32>
      %swap3A_344 = vector.shape_cast %add3A_338 : vector<16xi32> to vector<16xi32>
      tpu.vector_store %arg6[%swap3A_341], %swap3A_344 {strides = array<i32>} : memref<13312xi32, #tpu.memory_space<vmem>>, vector<16xi32>,
      %slice3A_345 = vector.extract_strided_slice %get3A_145 {offsets = [10], sizes = [1], strides = [1]} : vector<16xi32> to vector<1xi32>
      %squeeze3A_346 = vector.extract %slice3A_345[0] : i32 from vector<1xi32>
      %add3A_347 = vector.broadcast %squeeze3A_346 : i32 to vector<16xi32>
      %add3A_348 = arith.addi %add3A_347, %mul3A_8 : vector<16xi32>
      %add3A_349 = arith.constant 320 : i32
      %add3A_350 = arith.addi %mul3A_147, %add3A_349 : i32
      %swap3A_351 = arith.index_cast %add3A_350 : i32 to index
      %swap3A_352 = tpu.vector_load %arg6[%swap3A_351] {strides = array<i32>} : memref<13312xi32, #tpu.memory_space<vmem>>, vector<16xi32>,
      %swap3A_353 = vector.shape_cast %swap3A_352 : vector<16xi32> to vector<16xi32>
      %swap3A_354 = vector.shape_cast %add3A_348 : vector<16xi32> to vector<16xi32>
      tpu.vector_store %arg6[%swap3A_351], %swap3A_354 {strides = array<i32>} : memref<13312xi32, #tpu.memory_space<vmem>>, vector<16xi32>,
      %slice3A_355 = vector.extract_strided_slice %get3A_145 {offsets = [10], sizes = [1], strides = [1]} : vector<16xi32> to vector<1xi32>
      %squeeze3A_356 = vector.extract %slice3A_355[0] : i32 from vector<1xi32>
      %add3A_357 = vector.broadcast %squeeze3A_356 : i32 to vector<16xi32>
      %add3A_358 = arith.addi %add3A_357, %add3A_11 : vector<16xi32>
      %add3A_359 = arith.constant 336 : i32
      %add3A_360 = arith.addi %mul3A_147, %add3A_359 : i32
      %swap3A_361 = arith.index_cast %add3A_360 : i32 to index
      %swap3A_362 = tpu.vector_load %arg6[%swap3A_361] {strides = array<i32>} : memref<13312xi32, #tpu.memory_space<vmem>>, vector<16xi32>,
      %swap3A_363 = vector.shape_cast %swap3A_362 : vector<16xi32> to vector<16xi32>
      %swap3A_364 = vector.shape_cast %add3A_358 : vector<16xi32> to vector<16xi32>
      tpu.vector_store %arg6[%swap3A_361], %swap3A_364 {strides = array<i32>} : memref<13312xi32, #tpu.memory_space<vmem>>, vector<16xi32>,
      %slice3A_365 = vector.extract_strided_slice %get3A_145 {offsets = [11], sizes = [1], strides = [1]} : vector<16xi32> to vector<1xi32>
      %squeeze3A_366 = vector.extract %slice3A_365[0] : i32 from vector<1xi32>
      %add3A_367 = vector.broadcast %squeeze3A_366 : i32 to vector<16xi32>
      %add3A_368 = arith.addi %add3A_367, %mul3A_8 : vector<16xi32>
      %add3A_369 = arith.constant 352 : i32
      %add3A_370 = arith.addi %mul3A_147, %add3A_369 : i32
      %swap3A_371 = arith.index_cast %add3A_370 : i32 to index
      %swap3A_372 = tpu.vector_load %arg6[%swap3A_371] {strides = array<i32>} : memref<13312xi32, #tpu.memory_space<vmem>>, vector<16xi32>,
      %swap3A_373 = vector.shape_cast %swap3A_372 : vector<16xi32> to vector<16xi32>
      %swap3A_374 = vector.shape_cast %add3A_368 : vector<16xi32> to vector<16xi32>
      tpu.vector_store %arg6[%swap3A_371], %swap3A_374 {strides = array<i32>} : memref<13312xi32, #tpu.memory_space<vmem>>, vector<16xi32>,
      %slice3A_375 = vector.extract_strided_slice %get3A_145 {offsets = [11], sizes = [1], strides = [1]} : vector<16xi32> to vector<1xi32>
      %squeeze3A_376 = vector.extract %slice3A_375[0] : i32 from vector<1xi32>
      %add3A_377 = vector.broadcast %squeeze3A_376 : i32 to vector<16xi32>
      %add3A_378 = arith.addi %add3A_377, %add3A_11 : vector<16xi32>
      %add3A_379 = arith.constant 368 : i32
      %add3A_380 = arith.addi %mul3A_147, %add3A_379 : i32
      %swap3A_381 = arith.index_cast %add3A_380 : i32 to index
      %swap3A_382 = tpu.vector_load %arg6[%swap3A_381] {strides = array<i32>} : memref<13312xi32, #tpu.memory_space<vmem>>, vector<16xi32>,
      %swap3A_383 = vector.shape_cast %swap3A_382 : vector<16xi32> to vector<16xi32>
      %swap3A_384 = vector.shape_cast %add3A_378 : vector<16xi32> to vector<16xi32>
      tpu.vector_store %arg6[%swap3A_381], %swap3A_384 {strides = array<i32>} : memref<13312xi32, #tpu.memory_space<vmem>>, vector<16xi32>,
      %slice3A_385 = vector.extract_strided_slice %get3A_145 {offsets = [12], sizes = [1], strides = [1]} : vector<16xi32> to vector<1xi32>
      %squeeze3A_386 = vector.extract %slice3A_385[0] : i32 from vector<1xi32>
      %add3A_387 = vector.broadcast %squeeze3A_386 : i32 to vector<16xi32>
      %add3A_388 = arith.addi %add3A_387, %mul3A_8 : vector<16xi32>
      %add3A_389 = arith.constant 384 : i32
      %add3A_390 = arith.addi %mul3A_147, %add3A_389 : i32
      %swap3A_391 = arith.index_cast %add3A_390 : i32 to index
      %swap3A_392 = tpu.vector_load %arg6[%swap3A_391] {strides = array<i32>} : memref<13312xi32, #tpu.memory_space<vmem>>, vector<16xi32>,
      %swap3A_393 = vector.shape_cast %swap3A_392 : vector<16xi32> to vector<16xi32>
      %swap3A_394 = vector.shape_cast %add3A_388 : vector<16xi32> to vector<16xi32>
      tpu.vector_store %arg6[%swap3A_391], %swap3A_394 {strides = array<i32>} : memref<13312xi32, #tpu.memory_space<vmem>>, vector<16xi32>,
      %slice3A_395 = vector.extract_strided_slice %get3A_145 {offsets = [12], sizes = [1], strides = [1]} : vector<16xi32> to vector<1xi32>
      %squeeze3A_396 = vector.extract %slice3A_395[0] : i32 from vector<1xi32>
      %add3A_397 = vector.broadcast %squeeze3A_396 : i32 to vector<16xi32>
      %add3A_398 = arith.addi %add3A_397, %add3A_11 : vector<16xi32>
      %add3A_399 = arith.constant 400 : i32
      %add3A_400 = arith.addi %mul3A_147, %add3A_399 : i32
      %swap3A_401 = arith.index_cast %add3A_400 : i32 to index
      %swap3A_402 = tpu.vector_load %arg6[%swap3A_401] {strides = array<i32>} : memref<13312xi32, #tpu.memory_space<vmem>>, vector<16xi32>,
      %swap3A_403 = vector.shape_cast %swap3A_402 : vector<16xi32> to vector<16xi32>
      %swap3A_404 = vector.shape_cast %add3A_398 : vector<16xi32> to vector<16xi32>
      tpu.vector_store %arg6[%swap3A_401], %swap3A_404 {strides = array<i32>} : memref<13312xi32, #tpu.memory_space<vmem>>, vector<16xi32>,
      %slice3A_405 = vector.extract_strided_slice %get3A_145 {offsets = [13], sizes = [1], strides = [1]} : vector<16xi32> to vector<1xi32>
      %squeeze3A_406 = vector.extract %slice3A_405[0] : i32 from vector<1xi32>
      %add3A_407 = vector.broadcast %squeeze3A_406 : i32 to vector<16xi32>
      %add3A_408 = arith.addi %add3A_407, %mul3A_8 : vector<16xi32>
      %add3A_409 = arith.constant 416 : i32
      %add3A_410 = arith.addi %mul3A_147, %add3A_409 : i32
      %swap3A_411 = arith.index_cast %add3A_410 : i32 to index
      %swap3A_412 = tpu.vector_load %arg6[%swap3A_411] {strides = array<i32>} : memref<13312xi32, #tpu.memory_space<vmem>>, vector<16xi32>,
      %swap3A_413 = vector.shape_cast %swap3A_412 : vector<16xi32> to vector<16xi32>
      %swap3A_414 = vector.shape_cast %add3A_408 : vector<16xi32> to vector<16xi32>
      tpu.vector_store %arg6[%swap3A_411], %swap3A_414 {strides = array<i32>} : memref<13312xi32, #tpu.memory_space<vmem>>, vector<16xi32>,
      %slice3A_415 = vector.extract_strided_slice %get3A_145 {offsets = [13], sizes = [1], strides = [1]} : vector<16xi32> to vector<1xi32>
      %squeeze3A_416 = vector.extract %slice3A_415[0] : i32 from vector<1xi32>
      %add3A_417 = vector.broadcast %squeeze3A_416 : i32 to vector<16xi32>
      %add3A_418 = arith.addi %add3A_417, %add3A_11 : vector<16xi32>
      %add3A_419 = arith.constant 432 : i32
      %add3A_420 = arith.addi %mul3A_147, %add3A_419 : i32
      %swap3A_421 = arith.index_cast %add3A_420 : i32 to index
      %swap3A_422 = tpu.vector_load %arg6[%swap3A_421] {strides = array<i32>} : memref<13312xi32, #tpu.memory_space<vmem>>, vector<16xi32>,
      %swap3A_423 = vector.shape_cast %swap3A_422 : vector<16xi32> to vector<16xi32>
      %swap3A_424 = vector.shape_cast %add3A_418 : vector<16xi32> to vector<16xi32>
      tpu.vector_store %arg6[%swap3A_421], %swap3A_424 {strides = array<i32>} : memref<13312xi32, #tpu.memory_space<vmem>>, vector<16xi32>,
      %slice3A_425 = vector.extract_strided_slice %get3A_145 {offsets = [14], sizes = [1], strides = [1]} : vector<16xi32> to vector<1xi32>
      %squeeze3A_426 = vector.extract %slice3A_425[0] : i32 from vector<1xi32>
      %add3A_427 = vector.broadcast %squeeze3A_426 : i32 to vector<16xi32>
      %add3A_428 = arith.addi %add3A_427, %mul3A_8 : vector<16xi32>
      %add3A_429 = arith.constant 448 : i32
      %add3A_430 = arith.addi %mul3A_147, %add3A_429 : i32
      %swap3A_431 = arith.index_cast %add3A_430 : i32 to index
      %swap3A_432 = tpu.vector_load %arg6[%swap3A_431] {strides = array<i32>} : memref<13312xi32, #tpu.memory_space<vmem>>, vector<16xi32>,
      %swap3A_433 = vector.shape_cast %swap3A_432 : vector<16xi32> to vector<16xi32>
      %swap3A_434 = vector.shape_cast %add3A_428 : vector<16xi32> to vector<16xi32>
      tpu.vector_store %arg6[%swap3A_431], %swap3A_434 {strides = array<i32>} : memref<13312xi32, #tpu.memory_space<vmem>>, vector<16xi32>,
      %slice3A_435 = vector.extract_strided_slice %get3A_145 {offsets = [14], sizes = [1], strides = [1]} : vector<16xi32> to vector<1xi32>
      %squeeze3A_436 = vector.extract %slice3A_435[0] : i32 from vector<1xi32>
      %add3A_437 = vector.broadcast %squeeze3A_436 : i32 to vector<16xi32>
      %add3A_438 = arith.addi %add3A_437, %add3A_11 : vector<16xi32>
      %add3A_439 = arith.constant 464 : i32
      %add3A_440 = arith.addi %mul3A_147, %add3A_439 : i32
      %swap3A_441 = arith.index_cast %add3A_440 : i32 to index
      %swap3A_442 = tpu.vector_load %arg6[%swap3A_441] {strides = array<i32>} : memref<13312xi32, #tpu.memory_space<vmem>>, vector<16xi32>,
      %swap3A_443 = vector.shape_cast %swap3A_442 : vector<16xi32> to vector<16xi32>
      %swap3A_444 = vector.shape_cast %add3A_438 : vector<16xi32> to vector<16xi32>
      tpu.vector_store %arg6[%swap3A_441], %swap3A_444 {strides = array<i32>} : memref<13312xi32, #tpu.memory_space<vmem>>, vector<16xi32>,
      %slice3A_445 = vector.extract_strided_slice %get3A_145 {offsets = [15], sizes = [1], strides = [1]} : vector<16xi32> to vector<1xi32>
      %squeeze3A_446 = vector.extract %slice3A_445[0] : i32 from vector<1xi32>
      %add3A_447 = vector.broadcast %squeeze3A_446 : i32 to vector<16xi32>
      %add3A_448 = arith.addi %add3A_447, %mul3A_8 : vector<16xi32>
      %add3A_449 = arith.constant 480 : i32
      %add3A_450 = arith.addi %mul3A_147, %add3A_449 : i32
      %swap3A_451 = arith.index_cast %add3A_450 : i32 to index
      %swap3A_452 = tpu.vector_load %arg6[%swap3A_451] {strides = array<i32>} : memref<13312xi32, #tpu.memory_space<vmem>>, vector<16xi32>,
      %swap3A_453 = vector.shape_cast %swap3A_452 : vector<16xi32> to vector<16xi32>
      %swap3A_454 = vector.shape_cast %add3A_448 : vector<16xi32> to vector<16xi32>
      tpu.vector_store %arg6[%swap3A_451], %swap3A_454 {strides = array<i32>} : memref<13312xi32, #tpu.memory_space<vmem>>, vector<16xi32>,
      %slice3A_455 = vector.extract_strided_slice %get3A_145 {offsets = [15], sizes = [1], strides = [1]} : vector<16xi32> to vector<1xi32>
      %squeeze3A_456 = vector.extract %slice3A_455[0] : i32 from vector<1xi32>
      %add3A_457 = vector.broadcast %squeeze3A_456 : i32 to vector<16xi32>
      %add3A_458 = arith.addi %add3A_457, %add3A_11 : vector<16xi32>
      %add3A_459 = arith.constant 496 : i32
      %add3A_460 = arith.addi %mul3A_147, %add3A_459 : i32
      %swap3A_461 = arith.index_cast %add3A_460 : i32 to index
      %swap3A_462 = tpu.vector_load %arg6[%swap3A_461] {strides = array<i32>} : memref<13312xi32, #tpu.memory_space<vmem>>, vector<16xi32>,
      %swap3A_463 = vector.shape_cast %swap3A_462 : vector<16xi32> to vector<16xi32>
      %swap3A_464 = vector.shape_cast %add3A_458 : vector<16xi32> to vector<16xi32>
      tpu.vector_store %arg6[%swap3A_461], %swap3A_464 {strides = array<i32>} : memref<13312xi32, #tpu.memory_space<vmem>>, vector<16xi32>,
    }
    %scan3A_17 = arith.constant 26 : i32
    %scan3A_18 = arith.constant 0 : i32
    %scan3A_19 = arith.constant 0 : i32
    %scan3A_20 = arith.constant 104 : i32
    %scan3A_21 = arith.addi %scan3A_19, %scan3A_20 : i32
    %scan3A_22 = arith.constant 1 : i32
    scf.for %scan3A_108 = %scan3A_19 to %scan3A_21 step %scan3A_22  : i32 {
      %mul3A_109 = arith.constant 128 : i32
      %mul3A_110 = arith.muli %scan3A_108, %mul3A_109 : i32
      %mul3A_111 = arith.constant 128 : i32
      %mul3A_112 = arith.muli %scan3A_108, %mul3A_111 : i32
      %dma_start3A = tpu.memref_slice %arg7[%mul3A_112] : memref<13312xf32, #tpu.memory_space<vmem>> -> memref<128xf32, #tpu.memory_space<vmem>>
      %dma_start3A_113 = tpu.memref_slice %arg6[%mul3A_110] : memref<13312xi32, #tpu.memory_space<vmem>> -> memref<128xi32, #tpu.memory_space<vmem>>
      %dma_start3A_114 = arith.constant 0 : i32
      %dma_start3A_115 = tpu.memref_slice %arg3[%dma_start3A_114] : memref<41600000xf32, #tpu.memory_space<hbm>> -> memref<41600000xf32, #tpu.memory_space<hbm>>
      tpu.enqueue_indirect_dma source(%dma_start3A_115 : memref<41600000xf32, #tpu.memory_space<hbm>>) target(%dma_start3A : memref<128xf32, #tpu.memory_space<vmem>>) offsets(%dma_start3A_113 : memref<128xi32, #tpu.memory_space<vmem>>) semaphore(%arg8 : memref<!tpu.dma_semaphore, #tpu.memory_space<semaphore_mem>>)
    }
    %scan3A_23 = arith.constant 104 : i32
    %scan3A_24 = arith.constant 0 : i32
    %scan3A_25 = arith.constant 0 : i32
    %scan3A_26 = arith.constant 104 : i32
    %scan3A_27 = arith.addi %scan3A_25, %scan3A_26 : i32
    %scan3A_28 = arith.constant 1 : i32
    scf.for %scan3A_108 = %scan3A_25 to %scan3A_27 step %scan3A_28  : i32 {
      %mul3A_109 = arith.constant 128 : i32
      %mul3A_110 = arith.muli %scan3A_108, %mul3A_109 : i32
      %mul3A_111 = arith.constant 128 : i32
      %mul3A_112 = arith.muli %scan3A_108, %mul3A_111 : i32
      %dma_wait3A = tpu.memref_slice %arg7[%mul3A_112] : memref<13312xf32, #tpu.memory_space<vmem>> -> memref<128xf32, #tpu.memory_space<vmem>>
      %dma_wait3A_113 = tpu.memref_slice %arg6[%mul3A_110] : memref<13312xi32, #tpu.memory_space<vmem>> -> memref<128xi32, #tpu.memory_space<vmem>>
      %dma_wait3A_114 = arith.constant 0 : i32
      %dma_wait3A_115 = tpu.memref_slice %arg3[%dma_wait3A_114] : memref<41600000xf32, #tpu.memory_space<hbm>> -> memref<41600000xf32, #tpu.memory_space<hbm>>
      tpu.wait_indirect_dma semaphore(%arg8 : memref<!tpu.dma_semaphore, #tpu.memory_space<semaphore_mem>>) src(%dma_wait3A_115 : memref<41600000xf32, #tpu.memory_space<hbm>>) dst(%dma_wait3A : memref<128xf32, #tpu.memory_space<vmem>>)
    }
    %scan3A_29 = arith.constant 104 : i32
    %mul3A_30 = arith.constant 1664 : i32
    %mul3A_31 = arith.muli %add3A, %mul3A_30 : i32
    %mul3A_32 = arith.constant 32 : i32
    %mul3A_33 = arith.muli %mul3A_31, %mul3A_32 : i32
    %add3A_34 = arith.constant 0 : i32
    %add3A_35 = arith.addi %mul3A_33, %add3A_34 : i32
    "tpu.region"() ({
      %run_scoped3A = tpu.sem_alloc : memref<!tpu.dma_semaphore, #tpu.memory_space<semaphore_mem>>
      %dma_start3A = tpu.memref_slice %arg4[%add3A_35] : memref<1703936xf32, #tpu.memory_space<hbm>> -> memref<13312xf32, #tpu.memory_space<hbm>>
      %dma_start3A_108 = tpu.memref_slice %arg4[%add3A_35] : memref<1703936xf32, #tpu.memory_space<hbm>> -> memref<13312xf32, #tpu.memory_space<hbm>>
      tpu.enqueue_dma source(%arg7 : memref<13312xf32, #tpu.memory_space<vmem>>) target(%dma_start3A_108 : memref<13312xf32, #tpu.memory_space<hbm>>) target_semaphore(%run_scoped3A : memref<!tpu.dma_semaphore, #tpu.memory_space<semaphore_mem>>)
      %dma_wait3A = tpu.memref_slice %arg4[%add3A_35] : memref<1703936xf32, #tpu.memory_space<hbm>> -> memref<13312xf32, #tpu.memory_space<hbm>>
      %dma_wait3A_109 = tpu.memref_slice %arg4[%add3A_35] : memref<1703936xf32, #tpu.memory_space<hbm>> -> memref<13312xf32, #tpu.memory_space<hbm>>
      tpu.wait_dma2 semaphore(%run_scoped3A : memref<!tpu.dma_semaphore, #tpu.memory_space<semaphore_mem>>) src(%arg7 : memref<13312xf32, #tpu.memory_space<vmem>>) dst(%dma_wait3A_109 : memref<13312xf32, #tpu.memory_space<hbm>>)
      tpu.yield
    }) : () -> ()
    %scan3A_36 = arith.constant 0 : i32
    %scan3A_37 = arith.constant 0 : i32
    %scan3A_38 = arith.constant 26 : i32
    %scan3A_39 = arith.addi %scan3A_37, %scan3A_38 : i32
    %scan3A_40 = arith.constant 1 : i32
    scf.for %scan3A_108 = %scan3A_37 to %scan3A_39 step %scan3A_40  : i32 {
      %mul3A_109 = arith.constant 16 : i32
      %mul3A_110 = arith.muli %scan3A_108, %mul3A_109 : i32
      %add3A_111 = arith.constant 416 : i32
      %add3A_112 = arith.addi %add3A_111, %mul3A_110 : i32
      %jit3A = arith.constant 128 : i32
      %div3A = arith.divsi %add3A_112, %jit3A : i32
      %sign3A = arith.constant 0 : i32
      %sign3A_113 = arith.cmpi sgt, %add3A_112, %sign3A : i32
      %sign3A_114 = arith.extui %sign3A_113 : i1 to i32
      %sign3A_115 = arith.constant 0 : i32
      %sign3A_116 = arith.cmpi slt, %add3A_112, %sign3A_115 : i32
      %sign3A_117 = arith.extui %sign3A_116 : i1 to i32
      %sign3A_118 = arith.subi %sign3A_114, %sign3A_117 : i32
      %sign3A_119 = arith.constant 0 : i32
      %sign3A_120 = arith.cmpi sgt, %jit3A, %sign3A_119 : i32
      %sign3A_121 = arith.extui %sign3A_120 : i1 to i32
      %sign3A_122 = arith.constant 0 : i32
      %sign3A_123 = arith.cmpi slt, %jit3A, %sign3A_122 : i32
      %sign3A_124 = arith.extui %sign3A_123 : i1 to i32
      %sign3A_125 = arith.subi %sign3A_121, %sign3A_124 : i32
      %ne3A = arith.cmpi ne, %sign3A_118, %sign3A_125 : i32
      %rem3A = arith.remsi %add3A_112, %jit3A : i32
      %ne3A_126 = arith.constant 0 : i32
      %ne3A_127 = arith.cmpi ne, %rem3A, %ne3A_126 : i32
      %and3A = arith.andi %ne3A, %ne3A_127 : i1
      %sub3A = arith.constant 1 : i32
      %sub3A_128 = arith.subi %div3A, %sub3A : i32
      %select_n3A = arith.select %and3A, %sub3A_128, %div3A : i32
      %jit3A_129 = arith.constant 128 : i32
      %eq3A = arith.constant 0 : i32
      %eq3A_130 = arith.cmpi eq, %jit3A_129, %eq3A : i32
      %jit3A_131 = arith.constant 1 : i32
      %select_n3A_132 = arith.select %eq3A_130, %jit3A_131, %jit3A_129 : i32
      %rem3A_133 = arith.remsi %add3A_112, %select_n3A_132 : i32
      %ne3A_134 = arith.constant 0 : i32
      %ne3A_135 = arith.cmpi ne, %rem3A_133, %ne3A_134 : i32
      %lt3A = arith.constant 0 : i32
      %lt3A_136 = arith.cmpi slt, %rem3A_133, %lt3A : i32
      %lt3A_137 = arith.constant 0 : i32
      %lt3A_138 = arith.cmpi slt, %select_n3A_132, %lt3A_137 : i32
      %ne3A_139 = arith.xori %lt3A_136, %lt3A_138 : i1
      %and3A_140 = arith.andi %ne3A_139, %ne3A_135 : i1
      %add3A_141 = arith.addi %rem3A_133, %select_n3A_132 : i32
      %select_n3A_142 = arith.select %and3A_140, %add3A_141, %rem3A_133 : i32
      %get3A = arith.index_cast %select_n3A : i32 to index
      %get3A_143 = arith.index_cast %select_n3A_142 : i32 to index
      %get3A_144 = tpu.vector_load %arg5[%get3A, %get3A_143] {strides = array<i32>} : memref<13x128xi32, #tpu.memory_space<vmem>>, vector<1x16xi32>,
      %get3A_145 = vector.shape_cast %get3A_144 : vector<1x16xi32> to vector<16xi32>
      %mul3A_146 = arith.constant 512 : i32
      %mul3A_147 = arith.muli %scan3A_108, %mul3A_146 : i32
      %slice3A = vector.extract_strided_slice %get3A_145 {offsets = [0], sizes = [1], strides = [1]} : vector<16xi32> to vector<1xi32>
      %squeeze3A = vector.extract %slice3A[0] : i32 from vector<1xi32>
      %add3A_148 = vector.broadcast %squeeze3A : i32 to vector<16xi32>
      %add3A_149 = arith.addi %add3A_148, %mul3A_8 : vector<16xi32>
      %add3A_150 = arith.constant 0 : i32
      %add3A_151 = arith.addi %mul3A_147, %add3A_150 : i32
      %swap3A = arith.index_cast %add3A_151 : i32 to index
      %swap3A_152 = tpu.vector_load %arg6[%swap3A] {strides = array<i32>} : memref<13312xi32, #tpu.memory_space<vmem>>, vector<16xi32>,
      %swap3A_153 = vector.shape_cast %swap3A_152 : vector<16xi32> to vector<16xi32>
      %swap3A_154 = vector.shape_cast %add3A_149 : vector<16xi32> to vector<16xi32>
      tpu.vector_store %arg6[%swap3A], %swap3A_154 {strides = array<i32>} : memref<13312xi32, #tpu.memory_space<vmem>>, vector<16xi32>,
      %slice3A_155 = vector.extract_strided_slice %get3A_145 {offsets = [0], sizes = [1], strides = [1]} : vector<16xi32> to vector<1xi32>
      %squeeze3A_156 = vector.extract %slice3A_155[0] : i32 from vector<1xi32>
      %add3A_157 = vector.broadcast %squeeze3A_156 : i32 to vector<16xi32>
      %add3A_158 = arith.addi %add3A_157, %add3A_11 : vector<16xi32>
      %add3A_159 = arith.constant 16 : i32
      %add3A_160 = arith.addi %mul3A_147, %add3A_159 : i32
      %swap3A_161 = arith.index_cast %add3A_160 : i32 to index
      %swap3A_162 = tpu.vector_load %arg6[%swap3A_161] {strides = array<i32>} : memref<13312xi32, #tpu.memory_space<vmem>>, vector<16xi32>,
      %swap3A_163 = vector.shape_cast %swap3A_162 : vector<16xi32> to vector<16xi32>
      %swap3A_164 = vector.shape_cast %add3A_158 : vector<16xi32> to vector<16xi32>
      tpu.vector_store %arg6[%swap3A_161], %swap3A_164 {strides = array<i32>} : memref<13312xi32, #tpu.memory_space<vmem>>, vector<16xi32>,
      %slice3A_165 = vector.extract_strided_slice %get3A_145 {offsets = [1], sizes = [1], strides = [1]} : vector<16xi32> to vector<1xi32>
      %squeeze3A_166 = vector.extract %slice3A_165[0] : i32 from vector<1xi32>
      %add3A_167 = vector.broadcast %squeeze3A_166 : i32 to vector<16xi32>
      %add3A_168 = arith.addi %add3A_167, %mul3A_8 : vector<16xi32>
      %add3A_169 = arith.constant 32 : i32
      %add3A_170 = arith.addi %mul3A_147, %add3A_169 : i32
      %swap3A_171 = arith.index_cast %add3A_170 : i32 to index
      %swap3A_172 = tpu.vector_load %arg6[%swap3A_171] {strides = array<i32>} : memref<13312xi32, #tpu.memory_space<vmem>>, vector<16xi32>,
      %swap3A_173 = vector.shape_cast %swap3A_172 : vector<16xi32> to vector<16xi32>
      %swap3A_174 = vector.shape_cast %add3A_168 : vector<16xi32> to vector<16xi32>
      tpu.vector_store %arg6[%swap3A_171], %swap3A_174 {strides = array<i32>} : memref<13312xi32, #tpu.memory_space<vmem>>, vector<16xi32>,
      %slice3A_175 = vector.extract_strided_slice %get3A_145 {offsets = [1], sizes = [1], strides = [1]} : vector<16xi32> to vector<1xi32>
      %squeeze3A_176 = vector.extract %slice3A_175[0] : i32 from vector<1xi32>
      %add3A_177 = vector.broadcast %squeeze3A_176 : i32 to vector<16xi32>
      %add3A_178 = arith.addi %add3A_177, %add3A_11 : vector<16xi32>
      %add3A_179 = arith.constant 48 : i32
      %add3A_180 = arith.addi %mul3A_147, %add3A_179 : i32
      %swap3A_181 = arith.index_cast %add3A_180 : i32 to index
      %swap3A_182 = tpu.vector_load %arg6[%swap3A_181] {strides = array<i32>} : memref<13312xi32, #tpu.memory_space<vmem>>, vector<16xi32>,
      %swap3A_183 = vector.shape_cast %swap3A_182 : vector<16xi32> to vector<16xi32>
      %swap3A_184 = vector.shape_cast %add3A_178 : vector<16xi32> to vector<16xi32>
      tpu.vector_store %arg6[%swap3A_181], %swap3A_184 {strides = array<i32>} : memref<13312xi32, #tpu.memory_space<vmem>>, vector<16xi32>,
      %slice3A_185 = vector.extract_strided_slice %get3A_145 {offsets = [2], sizes = [1], strides = [1]} : vector<16xi32> to vector<1xi32>
      %squeeze3A_186 = vector.extract %slice3A_185[0] : i32 from vector<1xi32>
      %add3A_187 = vector.broadcast %squeeze3A_186 : i32 to vector<16xi32>
      %add3A_188 = arith.addi %add3A_187, %mul3A_8 : vector<16xi32>
      %add3A_189 = arith.constant 64 : i32
      %add3A_190 = arith.addi %mul3A_147, %add3A_189 : i32
      %swap3A_191 = arith.index_cast %add3A_190 : i32 to index
      %swap3A_192 = tpu.vector_load %arg6[%swap3A_191] {strides = array<i32>} : memref<13312xi32, #tpu.memory_space<vmem>>, vector<16xi32>,
      %swap3A_193 = vector.shape_cast %swap3A_192 : vector<16xi32> to vector<16xi32>
      %swap3A_194 = vector.shape_cast %add3A_188 : vector<16xi32> to vector<16xi32>
      tpu.vector_store %arg6[%swap3A_191], %swap3A_194 {strides = array<i32>} : memref<13312xi32, #tpu.memory_space<vmem>>, vector<16xi32>,
      %slice3A_195 = vector.extract_strided_slice %get3A_145 {offsets = [2], sizes = [1], strides = [1]} : vector<16xi32> to vector<1xi32>
      %squeeze3A_196 = vector.extract %slice3A_195[0] : i32 from vector<1xi32>
      %add3A_197 = vector.broadcast %squeeze3A_196 : i32 to vector<16xi32>
      %add3A_198 = arith.addi %add3A_197, %add3A_11 : vector<16xi32>
      %add3A_199 = arith.constant 80 : i32
      %add3A_200 = arith.addi %mul3A_147, %add3A_199 : i32
      %swap3A_201 = arith.index_cast %add3A_200 : i32 to index
      %swap3A_202 = tpu.vector_load %arg6[%swap3A_201] {strides = array<i32>} : memref<13312xi32, #tpu.memory_space<vmem>>, vector<16xi32>,
      %swap3A_203 = vector.shape_cast %swap3A_202 : vector<16xi32> to vector<16xi32>
      %swap3A_204 = vector.shape_cast %add3A_198 : vector<16xi32> to vector<16xi32>
      tpu.vector_store %arg6[%swap3A_201], %swap3A_204 {strides = array<i32>} : memref<13312xi32, #tpu.memory_space<vmem>>, vector<16xi32>,
      %slice3A_205 = vector.extract_strided_slice %get3A_145 {offsets = [3], sizes = [1], strides = [1]} : vector<16xi32> to vector<1xi32>
      %squeeze3A_206 = vector.extract %slice3A_205[0] : i32 from vector<1xi32>
      %add3A_207 = vector.broadcast %squeeze3A_206 : i32 to vector<16xi32>
      %add3A_208 = arith.addi %add3A_207, %mul3A_8 : vector<16xi32>
      %add3A_209 = arith.constant 96 : i32
      %add3A_210 = arith.addi %mul3A_147, %add3A_209 : i32
      %swap3A_211 = arith.index_cast %add3A_210 : i32 to index
      %swap3A_212 = tpu.vector_load %arg6[%swap3A_211] {strides = array<i32>} : memref<13312xi32, #tpu.memory_space<vmem>>, vector<16xi32>,
      %swap3A_213 = vector.shape_cast %swap3A_212 : vector<16xi32> to vector<16xi32>
      %swap3A_214 = vector.shape_cast %add3A_208 : vector<16xi32> to vector<16xi32>
      tpu.vector_store %arg6[%swap3A_211], %swap3A_214 {strides = array<i32>} : memref<13312xi32, #tpu.memory_space<vmem>>, vector<16xi32>,
      %slice3A_215 = vector.extract_strided_slice %get3A_145 {offsets = [3], sizes = [1], strides = [1]} : vector<16xi32> to vector<1xi32>
      %squeeze3A_216 = vector.extract %slice3A_215[0] : i32 from vector<1xi32>
      %add3A_217 = vector.broadcast %squeeze3A_216 : i32 to vector<16xi32>
      %add3A_218 = arith.addi %add3A_217, %add3A_11 : vector<16xi32>
      %add3A_219 = arith.constant 112 : i32
      %add3A_220 = arith.addi %mul3A_147, %add3A_219 : i32
      %swap3A_221 = arith.index_cast %add3A_220 : i32 to index
      %swap3A_222 = tpu.vector_load %arg6[%swap3A_221] {strides = array<i32>} : memref<13312xi32, #tpu.memory_space<vmem>>, vector<16xi32>,
      %swap3A_223 = vector.shape_cast %swap3A_222 : vector<16xi32> to vector<16xi32>
      %swap3A_224 = vector.shape_cast %add3A_218 : vector<16xi32> to vector<16xi32>
      tpu.vector_store %arg6[%swap3A_221], %swap3A_224 {strides = array<i32>} : memref<13312xi32, #tpu.memory_space<vmem>>, vector<16xi32>,
      %slice3A_225 = vector.extract_strided_slice %get3A_145 {offsets = [4], sizes = [1], strides = [1]} : vector<16xi32> to vector<1xi32>
      %squeeze3A_226 = vector.extract %slice3A_225[0] : i32 from vector<1xi32>
      %add3A_227 = vector.broadcast %squeeze3A_226 : i32 to vector<16xi32>
      %add3A_228 = arith.addi %add3A_227, %mul3A_8 : vector<16xi32>
      %add3A_229 = arith.constant 128 : i32
      %add3A_230 = arith.addi %mul3A_147, %add3A_229 : i32
      %swap3A_231 = arith.index_cast %add3A_230 : i32 to index
      %swap3A_232 = tpu.vector_load %arg6[%swap3A_231] {strides = array<i32>} : memref<13312xi32, #tpu.memory_space<vmem>>, vector<16xi32>,
      %swap3A_233 = vector.shape_cast %swap3A_232 : vector<16xi32> to vector<16xi32>
      %swap3A_234 = vector.shape_cast %add3A_228 : vector<16xi32> to vector<16xi32>
      tpu.vector_store %arg6[%swap3A_231], %swap3A_234 {strides = array<i32>} : memref<13312xi32, #tpu.memory_space<vmem>>, vector<16xi32>,
      %slice3A_235 = vector.extract_strided_slice %get3A_145 {offsets = [4], sizes = [1], strides = [1]} : vector<16xi32> to vector<1xi32>
      %squeeze3A_236 = vector.extract %slice3A_235[0] : i32 from vector<1xi32>
      %add3A_237 = vector.broadcast %squeeze3A_236 : i32 to vector<16xi32>
      %add3A_238 = arith.addi %add3A_237, %add3A_11 : vector<16xi32>
      %add3A_239 = arith.constant 144 : i32
      %add3A_240 = arith.addi %mul3A_147, %add3A_239 : i32
      %swap3A_241 = arith.index_cast %add3A_240 : i32 to index
      %swap3A_242 = tpu.vector_load %arg6[%swap3A_241] {strides = array<i32>} : memref<13312xi32, #tpu.memory_space<vmem>>, vector<16xi32>,
      %swap3A_243 = vector.shape_cast %swap3A_242 : vector<16xi32> to vector<16xi32>
      %swap3A_244 = vector.shape_cast %add3A_238 : vector<16xi32> to vector<16xi32>
      tpu.vector_store %arg6[%swap3A_241], %swap3A_244 {strides = array<i32>} : memref<13312xi32, #tpu.memory_space<vmem>>, vector<16xi32>,
      %slice3A_245 = vector.extract_strided_slice %get3A_145 {offsets = [5], sizes = [1], strides = [1]} : vector<16xi32> to vector<1xi32>
      %squeeze3A_246 = vector.extract %slice3A_245[0] : i32 from vector<1xi32>
      %add3A_247 = vector.broadcast %squeeze3A_246 : i32 to vector<16xi32>
      %add3A_248 = arith.addi %add3A_247, %mul3A_8 : vector<16xi32>
      %add3A_249 = arith.constant 160 : i32
      %add3A_250 = arith.addi %mul3A_147, %add3A_249 : i32
      %swap3A_251 = arith.index_cast %add3A_250 : i32 to index
      %swap3A_252 = tpu.vector_load %arg6[%swap3A_251] {strides = array<i32>} : memref<13312xi32, #tpu.memory_space<vmem>>, vector<16xi32>,
      %swap3A_253 = vector.shape_cast %swap3A_252 : vector<16xi32> to vector<16xi32>
      %swap3A_254 = vector.shape_cast %add3A_248 : vector<16xi32> to vector<16xi32>
      tpu.vector_store %arg6[%swap3A_251], %swap3A_254 {strides = array<i32>} : memref<13312xi32, #tpu.memory_space<vmem>>, vector<16xi32>,
      %slice3A_255 = vector.extract_strided_slice %get3A_145 {offsets = [5], sizes = [1], strides = [1]} : vector<16xi32> to vector<1xi32>
      %squeeze3A_256 = vector.extract %slice3A_255[0] : i32 from vector<1xi32>
      %add3A_257 = vector.broadcast %squeeze3A_256 : i32 to vector<16xi32>
      %add3A_258 = arith.addi %add3A_257, %add3A_11 : vector<16xi32>
      %add3A_259 = arith.constant 176 : i32
      %add3A_260 = arith.addi %mul3A_147, %add3A_259 : i32
      %swap3A_261 = arith.index_cast %add3A_260 : i32 to index
      %swap3A_262 = tpu.vector_load %arg6[%swap3A_261] {strides = array<i32>} : memref<13312xi32, #tpu.memory_space<vmem>>, vector<16xi32>,
      %swap3A_263 = vector.shape_cast %swap3A_262 : vector<16xi32> to vector<16xi32>
      %swap3A_264 = vector.shape_cast %add3A_258 : vector<16xi32> to vector<16xi32>
      tpu.vector_store %arg6[%swap3A_261], %swap3A_264 {strides = array<i32>} : memref<13312xi32, #tpu.memory_space<vmem>>, vector<16xi32>,
      %slice3A_265 = vector.extract_strided_slice %get3A_145 {offsets = [6], sizes = [1], strides = [1]} : vector<16xi32> to vector<1xi32>
      %squeeze3A_266 = vector.extract %slice3A_265[0] : i32 from vector<1xi32>
      %add3A_267 = vector.broadcast %squeeze3A_266 : i32 to vector<16xi32>
      %add3A_268 = arith.addi %add3A_267, %mul3A_8 : vector<16xi32>
      %add3A_269 = arith.constant 192 : i32
      %add3A_270 = arith.addi %mul3A_147, %add3A_269 : i32
      %swap3A_271 = arith.index_cast %add3A_270 : i32 to index
      %swap3A_272 = tpu.vector_load %arg6[%swap3A_271] {strides = array<i32>} : memref<13312xi32, #tpu.memory_space<vmem>>, vector<16xi32>,
      %swap3A_273 = vector.shape_cast %swap3A_272 : vector<16xi32> to vector<16xi32>
      %swap3A_274 = vector.shape_cast %add3A_268 : vector<16xi32> to vector<16xi32>
      tpu.vector_store %arg6[%swap3A_271], %swap3A_274 {strides = array<i32>} : memref<13312xi32, #tpu.memory_space<vmem>>, vector<16xi32>,
      %slice3A_275 = vector.extract_strided_slice %get3A_145 {offsets = [6], sizes = [1], strides = [1]} : vector<16xi32> to vector<1xi32>
      %squeeze3A_276 = vector.extract %slice3A_275[0] : i32 from vector<1xi32>
      %add3A_277 = vector.broadcast %squeeze3A_276 : i32 to vector<16xi32>
      %add3A_278 = arith.addi %add3A_277, %add3A_11 : vector<16xi32>
      %add3A_279 = arith.constant 208 : i32
      %add3A_280 = arith.addi %mul3A_147, %add3A_279 : i32
      %swap3A_281 = arith.index_cast %add3A_280 : i32 to index
      %swap3A_282 = tpu.vector_load %arg6[%swap3A_281] {strides = array<i32>} : memref<13312xi32, #tpu.memory_space<vmem>>, vector<16xi32>,
      %swap3A_283 = vector.shape_cast %swap3A_282 : vector<16xi32> to vector<16xi32>
      %swap3A_284 = vector.shape_cast %add3A_278 : vector<16xi32> to vector<16xi32>
      tpu.vector_store %arg6[%swap3A_281], %swap3A_284 {strides = array<i32>} : memref<13312xi32, #tpu.memory_space<vmem>>, vector<16xi32>,
      %slice3A_285 = vector.extract_strided_slice %get3A_145 {offsets = [7], sizes = [1], strides = [1]} : vector<16xi32> to vector<1xi32>
      %squeeze3A_286 = vector.extract %slice3A_285[0] : i32 from vector<1xi32>
      %add3A_287 = vector.broadcast %squeeze3A_286 : i32 to vector<16xi32>
      %add3A_288 = arith.addi %add3A_287, %mul3A_8 : vector<16xi32>
      %add3A_289 = arith.constant 224 : i32
      %add3A_290 = arith.addi %mul3A_147, %add3A_289 : i32
      %swap3A_291 = arith.index_cast %add3A_290 : i32 to index
      %swap3A_292 = tpu.vector_load %arg6[%swap3A_291] {strides = array<i32>} : memref<13312xi32, #tpu.memory_space<vmem>>, vector<16xi32>,
      %swap3A_293 = vector.shape_cast %swap3A_292 : vector<16xi32> to vector<16xi32>
      %swap3A_294 = vector.shape_cast %add3A_288 : vector<16xi32> to vector<16xi32>
      tpu.vector_store %arg6[%swap3A_291], %swap3A_294 {strides = array<i32>} : memref<13312xi32, #tpu.memory_space<vmem>>, vector<16xi32>,
      %slice3A_295 = vector.extract_strided_slice %get3A_145 {offsets = [7], sizes = [1], strides = [1]} : vector<16xi32> to vector<1xi32>
      %squeeze3A_296 = vector.extract %slice3A_295[0] : i32 from vector<1xi32>
      %add3A_297 = vector.broadcast %squeeze3A_296 : i32 to vector<16xi32>
      %add3A_298 = arith.addi %add3A_297, %add3A_11 : vector<16xi32>
      %add3A_299 = arith.constant 240 : i32
      %add3A_300 = arith.addi %mul3A_147, %add3A_299 : i32
      %swap3A_301 = arith.index_cast %add3A_300 : i32 to index
      %swap3A_302 = tpu.vector_load %arg6[%swap3A_301] {strides = array<i32>} : memref<13312xi32, #tpu.memory_space<vmem>>, vector<16xi32>,
      %swap3A_303 = vector.shape_cast %swap3A_302 : vector<16xi32> to vector<16xi32>
      %swap3A_304 = vector.shape_cast %add3A_298 : vector<16xi32> to vector<16xi32>
      tpu.vector_store %arg6[%swap3A_301], %swap3A_304 {strides = array<i32>} : memref<13312xi32, #tpu.memory_space<vmem>>, vector<16xi32>,
      %slice3A_305 = vector.extract_strided_slice %get3A_145 {offsets = [8], sizes = [1], strides = [1]} : vector<16xi32> to vector<1xi32>
      %squeeze3A_306 = vector.extract %slice3A_305[0] : i32 from vector<1xi32>
      %add3A_307 = vector.broadcast %squeeze3A_306 : i32 to vector<16xi32>
      %add3A_308 = arith.addi %add3A_307, %mul3A_8 : vector<16xi32>
      %add3A_309 = arith.constant 256 : i32
      %add3A_310 = arith.addi %mul3A_147, %add3A_309 : i32
      %swap3A_311 = arith.index_cast %add3A_310 : i32 to index
      %swap3A_312 = tpu.vector_load %arg6[%swap3A_311] {strides = array<i32>} : memref<13312xi32, #tpu.memory_space<vmem>>, vector<16xi32>,
      %swap3A_313 = vector.shape_cast %swap3A_312 : vector<16xi32> to vector<16xi32>
      %swap3A_314 = vector.shape_cast %add3A_308 : vector<16xi32> to vector<16xi32>
      tpu.vector_store %arg6[%swap3A_311], %swap3A_314 {strides = array<i32>} : memref<13312xi32, #tpu.memory_space<vmem>>, vector<16xi32>,
      %slice3A_315 = vector.extract_strided_slice %get3A_145 {offsets = [8], sizes = [1], strides = [1]} : vector<16xi32> to vector<1xi32>
      %squeeze3A_316 = vector.extract %slice3A_315[0] : i32 from vector<1xi32>
      %add3A_317 = vector.broadcast %squeeze3A_316 : i32 to vector<16xi32>
      %add3A_318 = arith.addi %add3A_317, %add3A_11 : vector<16xi32>
      %add3A_319 = arith.constant 272 : i32
      %add3A_320 = arith.addi %mul3A_147, %add3A_319 : i32
      %swap3A_321 = arith.index_cast %add3A_320 : i32 to index
      %swap3A_322 = tpu.vector_load %arg6[%swap3A_321] {strides = array<i32>} : memref<13312xi32, #tpu.memory_space<vmem>>, vector<16xi32>,
      %swap3A_323 = vector.shape_cast %swap3A_322 : vector<16xi32> to vector<16xi32>
      %swap3A_324 = vector.shape_cast %add3A_318 : vector<16xi32> to vector<16xi32>
      tpu.vector_store %arg6[%swap3A_321], %swap3A_324 {strides = array<i32>} : memref<13312xi32, #tpu.memory_space<vmem>>, vector<16xi32>,
      %slice3A_325 = vector.extract_strided_slice %get3A_145 {offsets = [9], sizes = [1], strides = [1]} : vector<16xi32> to vector<1xi32>
      %squeeze3A_326 = vector.extract %slice3A_325[0] : i32 from vector<1xi32>
      %add3A_327 = vector.broadcast %squeeze3A_326 : i32 to vector<16xi32>
      %add3A_328 = arith.addi %add3A_327, %mul3A_8 : vector<16xi32>
      %add3A_329 = arith.constant 288 : i32
      %add3A_330 = arith.addi %mul3A_147, %add3A_329 : i32
      %swap3A_331 = arith.index_cast %add3A_330 : i32 to index
      %swap3A_332 = tpu.vector_load %arg6[%swap3A_331] {strides = array<i32>} : memref<13312xi32, #tpu.memory_space<vmem>>, vector<16xi32>,
      %swap3A_333 = vector.shape_cast %swap3A_332 : vector<16xi32> to vector<16xi32>
      %swap3A_334 = vector.shape_cast %add3A_328 : vector<16xi32> to vector<16xi32>
      tpu.vector_store %arg6[%swap3A_331], %swap3A_334 {strides = array<i32>} : memref<13312xi32, #tpu.memory_space<vmem>>, vector<16xi32>,
      %slice3A_335 = vector.extract_strided_slice %get3A_145 {offsets = [9], sizes = [1], strides = [1]} : vector<16xi32> to vector<1xi32>
      %squeeze3A_336 = vector.extract %slice3A_335[0] : i32 from vector<1xi32>
      %add3A_337 = vector.broadcast %squeeze3A_336 : i32 to vector<16xi32>
      %add3A_338 = arith.addi %add3A_337, %add3A_11 : vector<16xi32>
      %add3A_339 = arith.constant 304 : i32
      %add3A_340 = arith.addi %mul3A_147, %add3A_339 : i32
      %swap3A_341 = arith.index_cast %add3A_340 : i32 to index
      %swap3A_342 = tpu.vector_load %arg6[%swap3A_341] {strides = array<i32>} : memref<13312xi32, #tpu.memory_space<vmem>>, vector<16xi32>,
      %swap3A_343 = vector.shape_cast %swap3A_342 : vector<16xi32> to vector<16xi32>
      %swap3A_344 = vector.shape_cast %add3A_338 : vector<16xi32> to vector<16xi32>
      tpu.vector_store %arg6[%swap3A_341], %swap3A_344 {strides = array<i32>} : memref<13312xi32, #tpu.memory_space<vmem>>, vector<16xi32>,
      %slice3A_345 = vector.extract_strided_slice %get3A_145 {offsets = [10], sizes = [1], strides = [1]} : vector<16xi32> to vector<1xi32>
      %squeeze3A_346 = vector.extract %slice3A_345[0] : i32 from vector<1xi32>
      %add3A_347 = vector.broadcast %squeeze3A_346 : i32 to vector<16xi32>
      %add3A_348 = arith.addi %add3A_347, %mul3A_8 : vector<16xi32>
      %add3A_349 = arith.constant 320 : i32
      %add3A_350 = arith.addi %mul3A_147, %add3A_349 : i32
      %swap3A_351 = arith.index_cast %add3A_350 : i32 to index
      %swap3A_352 = tpu.vector_load %arg6[%swap3A_351] {strides = array<i32>} : memref<13312xi32, #tpu.memory_space<vmem>>, vector<16xi32>,
      %swap3A_353 = vector.shape_cast %swap3A_352 : vector<16xi32> to vector<16xi32>
      %swap3A_354 = vector.shape_cast %add3A_348 : vector<16xi32> to vector<16xi32>
      tpu.vector_store %arg6[%swap3A_351], %swap3A_354 {strides = array<i32>} : memref<13312xi32, #tpu.memory_space<vmem>>, vector<16xi32>,
      %slice3A_355 = vector.extract_strided_slice %get3A_145 {offsets = [10], sizes = [1], strides = [1]} : vector<16xi32> to vector<1xi32>
      %squeeze3A_356 = vector.extract %slice3A_355[0] : i32 from vector<1xi32>
      %add3A_357 = vector.broadcast %squeeze3A_356 : i32 to vector<16xi32>
      %add3A_358 = arith.addi %add3A_357, %add3A_11 : vector<16xi32>
      %add3A_359 = arith.constant 336 : i32
      %add3A_360 = arith.addi %mul3A_147, %add3A_359 : i32
      %swap3A_361 = arith.index_cast %add3A_360 : i32 to index
      %swap3A_362 = tpu.vector_load %arg6[%swap3A_361] {strides = array<i32>} : memref<13312xi32, #tpu.memory_space<vmem>>, vector<16xi32>,
      %swap3A_363 = vector.shape_cast %swap3A_362 : vector<16xi32> to vector<16xi32>
      %swap3A_364 = vector.shape_cast %add3A_358 : vector<16xi32> to vector<16xi32>
      tpu.vector_store %arg6[%swap3A_361], %swap3A_364 {strides = array<i32>} : memref<13312xi32, #tpu.memory_space<vmem>>, vector<16xi32>,
      %slice3A_365 = vector.extract_strided_slice %get3A_145 {offsets = [11], sizes = [1], strides = [1]} : vector<16xi32> to vector<1xi32>
      %squeeze3A_366 = vector.extract %slice3A_365[0] : i32 from vector<1xi32>
      %add3A_367 = vector.broadcast %squeeze3A_366 : i32 to vector<16xi32>
      %add3A_368 = arith.addi %add3A_367, %mul3A_8 : vector<16xi32>
      %add3A_369 = arith.constant 352 : i32
      %add3A_370 = arith.addi %mul3A_147, %add3A_369 : i32
      %swap3A_371 = arith.index_cast %add3A_370 : i32 to index
      %swap3A_372 = tpu.vector_load %arg6[%swap3A_371] {strides = array<i32>} : memref<13312xi32, #tpu.memory_space<vmem>>, vector<16xi32>,
      %swap3A_373 = vector.shape_cast %swap3A_372 : vector<16xi32> to vector<16xi32>
      %swap3A_374 = vector.shape_cast %add3A_368 : vector<16xi32> to vector<16xi32>
      tpu.vector_store %arg6[%swap3A_371], %swap3A_374 {strides = array<i32>} : memref<13312xi32, #tpu.memory_space<vmem>>, vector<16xi32>,
      %slice3A_375 = vector.extract_strided_slice %get3A_145 {offsets = [11], sizes = [1], strides = [1]} : vector<16xi32> to vector<1xi32>
      %squeeze3A_376 = vector.extract %slice3A_375[0] : i32 from vector<1xi32>
      %add3A_377 = vector.broadcast %squeeze3A_376 : i32 to vector<16xi32>
      %add3A_378 = arith.addi %add3A_377, %add3A_11 : vector<16xi32>
      %add3A_379 = arith.constant 368 : i32
      %add3A_380 = arith.addi %mul3A_147, %add3A_379 : i32
      %swap3A_381 = arith.index_cast %add3A_380 : i32 to index
      %swap3A_382 = tpu.vector_load %arg6[%swap3A_381] {strides = array<i32>} : memref<13312xi32, #tpu.memory_space<vmem>>, vector<16xi32>,
      %swap3A_383 = vector.shape_cast %swap3A_382 : vector<16xi32> to vector<16xi32>
      %swap3A_384 = vector.shape_cast %add3A_378 : vector<16xi32> to vector<16xi32>
      tpu.vector_store %arg6[%swap3A_381], %swap3A_384 {strides = array<i32>} : memref<13312xi32, #tpu.memory_space<vmem>>, vector<16xi32>,
      %slice3A_385 = vector.extract_strided_slice %get3A_145 {offsets = [12], sizes = [1], strides = [1]} : vector<16xi32> to vector<1xi32>
      %squeeze3A_386 = vector.extract %slice3A_385[0] : i32 from vector<1xi32>
      %add3A_387 = vector.broadcast %squeeze3A_386 : i32 to vector<16xi32>
      %add3A_388 = arith.addi %add3A_387, %mul3A_8 : vector<16xi32>
      %add3A_389 = arith.constant 384 : i32
      %add3A_390 = arith.addi %mul3A_147, %add3A_389 : i32
      %swap3A_391 = arith.index_cast %add3A_390 : i32 to index
      %swap3A_392 = tpu.vector_load %arg6[%swap3A_391] {strides = array<i32>} : memref<13312xi32, #tpu.memory_space<vmem>>, vector<16xi32>,
      %swap3A_393 = vector.shape_cast %swap3A_392 : vector<16xi32> to vector<16xi32>
      %swap3A_394 = vector.shape_cast %add3A_388 : vector<16xi32> to vector<16xi32>
      tpu.vector_store %arg6[%swap3A_391], %swap3A_394 {strides = array<i32>} : memref<13312xi32, #tpu.memory_space<vmem>>, vector<16xi32>,
      %slice3A_395 = vector.extract_strided_slice %get3A_145 {offsets = [12], sizes = [1], strides = [1]} : vector<16xi32> to vector<1xi32>
      %squeeze3A_396 = vector.extract %slice3A_395[0] : i32 from vector<1xi32>
      %add3A_397 = vector.broadcast %squeeze3A_396 : i32 to vector<16xi32>
      %add3A_398 = arith.addi %add3A_397, %add3A_11 : vector<16xi32>
      %add3A_399 = arith.constant 400 : i32
      %add3A_400 = arith.addi %mul3A_147, %add3A_399 : i32
      %swap3A_401 = arith.index_cast %add3A_400 : i32 to index
      %swap3A_402 = tpu.vector_load %arg6[%swap3A_401] {strides = array<i32>} : memref<13312xi32, #tpu.memory_space<vmem>>, vector<16xi32>,
      %swap3A_403 = vector.shape_cast %swap3A_402 : vector<16xi32> to vector<16xi32>
      %swap3A_404 = vector.shape_cast %add3A_398 : vector<16xi32> to vector<16xi32>
      tpu.vector_store %arg6[%swap3A_401], %swap3A_404 {strides = array<i32>} : memref<13312xi32, #tpu.memory_space<vmem>>, vector<16xi32>,
      %slice3A_405 = vector.extract_strided_slice %get3A_145 {offsets = [13], sizes = [1], strides = [1]} : vector<16xi32> to vector<1xi32>
      %squeeze3A_406 = vector.extract %slice3A_405[0] : i32 from vector<1xi32>
      %add3A_407 = vector.broadcast %squeeze3A_406 : i32 to vector<16xi32>
      %add3A_408 = arith.addi %add3A_407, %mul3A_8 : vector<16xi32>
      %add3A_409 = arith.constant 416 : i32
      %add3A_410 = arith.addi %mul3A_147, %add3A_409 : i32
      %swap3A_411 = arith.index_cast %add3A_410 : i32 to index
      %swap3A_412 = tpu.vector_load %arg6[%swap3A_411] {strides = array<i32>} : memref<13312xi32, #tpu.memory_space<vmem>>, vector<16xi32>,
      %swap3A_413 = vector.shape_cast %swap3A_412 : vector<16xi32> to vector<16xi32>
      %swap3A_414 = vector.shape_cast %add3A_408 : vector<16xi32> to vector<16xi32>
      tpu.vector_store %arg6[%swap3A_411], %swap3A_414 {strides = array<i32>} : memref<13312xi32, #tpu.memory_space<vmem>>, vector<16xi32>,
      %slice3A_415 = vector.extract_strided_slice %get3A_145 {offsets = [13], sizes = [1], strides = [1]} : vector<16xi32> to vector<1xi32>
      %squeeze3A_416 = vector.extract %slice3A_415[0] : i32 from vector<1xi32>
      %add3A_417 = vector.broadcast %squeeze3A_416 : i32 to vector<16xi32>
      %add3A_418 = arith.addi %add3A_417, %add3A_11 : vector<16xi32>
      %add3A_419 = arith.constant 432 : i32
      %add3A_420 = arith.addi %mul3A_147, %add3A_419 : i32
      %swap3A_421 = arith.index_cast %add3A_420 : i32 to index
      %swap3A_422 = tpu.vector_load %arg6[%swap3A_421] {strides = array<i32>} : memref<13312xi32, #tpu.memory_space<vmem>>, vector<16xi32>,
      %swap3A_423 = vector.shape_cast %swap3A_422 : vector<16xi32> to vector<16xi32>
      %swap3A_424 = vector.shape_cast %add3A_418 : vector<16xi32> to vector<16xi32>
      tpu.vector_store %arg6[%swap3A_421], %swap3A_424 {strides = array<i32>} : memref<13312xi32, #tpu.memory_space<vmem>>, vector<16xi32>,
      %slice3A_425 = vector.extract_strided_slice %get3A_145 {offsets = [14], sizes = [1], strides = [1]} : vector<16xi32> to vector<1xi32>
      %squeeze3A_426 = vector.extract %slice3A_425[0] : i32 from vector<1xi32>
      %add3A_427 = vector.broadcast %squeeze3A_426 : i32 to vector<16xi32>
      %add3A_428 = arith.addi %add3A_427, %mul3A_8 : vector<16xi32>
      %add3A_429 = arith.constant 448 : i32
      %add3A_430 = arith.addi %mul3A_147, %add3A_429 : i32
      %swap3A_431 = arith.index_cast %add3A_430 : i32 to index
      %swap3A_432 = tpu.vector_load %arg6[%swap3A_431] {strides = array<i32>} : memref<13312xi32, #tpu.memory_space<vmem>>, vector<16xi32>,
      %swap3A_433 = vector.shape_cast %swap3A_432 : vector<16xi32> to vector<16xi32>
      %swap3A_434 = vector.shape_cast %add3A_428 : vector<16xi32> to vector<16xi32>
      tpu.vector_store %arg6[%swap3A_431], %swap3A_434 {strides = array<i32>} : memref<13312xi32, #tpu.memory_space<vmem>>, vector<16xi32>,
      %slice3A_435 = vector.extract_strided_slice %get3A_145 {offsets = [14], sizes = [1], strides = [1]} : vector<16xi32> to vector<1xi32>
      %squeeze3A_436 = vector.extract %slice3A_435[0] : i32 from vector<1xi32>
      %add3A_437 = vector.broadcast %squeeze3A_436 : i32 to vector<16xi32>
      %add3A_438 = arith.addi %add3A_437, %add3A_11 : vector<16xi32>
      %add3A_439 = arith.constant 464 : i32
      %add3A_440 = arith.addi %mul3A_147, %add3A_439 : i32
      %swap3A_441 = arith.index_cast %add3A_440 : i32 to index
      %swap3A_442 = tpu.vector_load %arg6[%swap3A_441] {strides = array<i32>} : memref<13312xi32, #tpu.memory_space<vmem>>, vector<16xi32>,
      %swap3A_443 = vector.shape_cast %swap3A_442 : vector<16xi32> to vector<16xi32>
      %swap3A_444 = vector.shape_cast %add3A_438 : vector<16xi32> to vector<16xi32>
      tpu.vector_store %arg6[%swap3A_441], %swap3A_444 {strides = array<i32>} : memref<13312xi32, #tpu.memory_space<vmem>>, vector<16xi32>,
      %slice3A_445 = vector.extract_strided_slice %get3A_145 {offsets = [15], sizes = [1], strides = [1]} : vector<16xi32> to vector<1xi32>
      %squeeze3A_446 = vector.extract %slice3A_445[0] : i32 from vector<1xi32>
      %add3A_447 = vector.broadcast %squeeze3A_446 : i32 to vector<16xi32>
      %add3A_448 = arith.addi %add3A_447, %mul3A_8 : vector<16xi32>
      %add3A_449 = arith.constant 480 : i32
      %add3A_450 = arith.addi %mul3A_147, %add3A_449 : i32
      %swap3A_451 = arith.index_cast %add3A_450 : i32 to index
      %swap3A_452 = tpu.vector_load %arg6[%swap3A_451] {strides = array<i32>} : memref<13312xi32, #tpu.memory_space<vmem>>, vector<16xi32>,
      %swap3A_453 = vector.shape_cast %swap3A_452 : vector<16xi32> to vector<16xi32>
      %swap3A_454 = vector.shape_cast %add3A_448 : vector<16xi32> to vector<16xi32>
      tpu.vector_store %arg6[%swap3A_451], %swap3A_454 {strides = array<i32>} : memref<13312xi32, #tpu.memory_space<vmem>>, vector<16xi32>,
      %slice3A_455 = vector.extract_strided_slice %get3A_145 {offsets = [15], sizes = [1], strides = [1]} : vector<16xi32> to vector<1xi32>
      %squeeze3A_456 = vector.extract %slice3A_455[0] : i32 from vector<1xi32>
      %add3A_457 = vector.broadcast %squeeze3A_456 : i32 to vector<16xi32>
      %add3A_458 = arith.addi %add3A_457, %add3A_11 : vector<16xi32>
      %add3A_459 = arith.constant 496 : i32
      %add3A_460 = arith.addi %mul3A_147, %add3A_459 : i32
      %swap3A_461 = arith.index_cast %add3A_460 : i32 to index
      %swap3A_462 = tpu.vector_load %arg6[%swap3A_461] {strides = array<i32>} : memref<13312xi32, #tpu.memory_space<vmem>>, vector<16xi32>,
      %swap3A_463 = vector.shape_cast %swap3A_462 : vector<16xi32> to vector<16xi32>
      %swap3A_464 = vector.shape_cast %add3A_458 : vector<16xi32> to vector<16xi32>
      tpu.vector_store %arg6[%swap3A_461], %swap3A_464 {strides = array<i32>} : memref<13312xi32, #tpu.memory_space<vmem>>, vector<16xi32>,
    }
    %scan3A_41 = arith.constant 26 : i32
    %scan3A_42 = arith.constant 0 : i32
    %scan3A_43 = arith.constant 0 : i32
    %scan3A_44 = arith.constant 104 : i32
    %scan3A_45 = arith.addi %scan3A_43, %scan3A_44 : i32
    %scan3A_46 = arith.constant 1 : i32
    scf.for %scan3A_108 = %scan3A_43 to %scan3A_45 step %scan3A_46  : i32 {
      %mul3A_109 = arith.constant 128 : i32
      %mul3A_110 = arith.muli %scan3A_108, %mul3A_109 : i32
      %mul3A_111 = arith.constant 128 : i32
      %mul3A_112 = arith.muli %scan3A_108, %mul3A_111 : i32
      %dma_start3A = tpu.memref_slice %arg7[%mul3A_112] : memref<13312xf32, #tpu.memory_space<vmem>> -> memref<128xf32, #tpu.memory_space<vmem>>
      %dma_start3A_113 = tpu.memref_slice %arg6[%mul3A_110] : memref<13312xi32, #tpu.memory_space<vmem>> -> memref<128xi32, #tpu.memory_space<vmem>>
      %dma_start3A_114 = arith.constant 0 : i32
      %dma_start3A_115 = tpu.memref_slice %arg3[%dma_start3A_114] : memref<41600000xf32, #tpu.memory_space<hbm>> -> memref<41600000xf32, #tpu.memory_space<hbm>>
      tpu.enqueue_indirect_dma source(%dma_start3A_115 : memref<41600000xf32, #tpu.memory_space<hbm>>) target(%dma_start3A : memref<128xf32, #tpu.memory_space<vmem>>) offsets(%dma_start3A_113 : memref<128xi32, #tpu.memory_space<vmem>>) semaphore(%arg8 : memref<!tpu.dma_semaphore, #tpu.memory_space<semaphore_mem>>)
    }
    %scan3A_47 = arith.constant 104 : i32
    %scan3A_48 = arith.constant 0 : i32
    %scan3A_49 = arith.constant 0 : i32
    %scan3A_50 = arith.constant 104 : i32
    %scan3A_51 = arith.addi %scan3A_49, %scan3A_50 : i32
    %scan3A_52 = arith.constant 1 : i32
    scf.for %scan3A_108 = %scan3A_49 to %scan3A_51 step %scan3A_52  : i32 {
      %mul3A_109 = arith.constant 128 : i32
      %mul3A_110 = arith.muli %scan3A_108, %mul3A_109 : i32
      %mul3A_111 = arith.constant 128 : i32
      %mul3A_112 = arith.muli %scan3A_108, %mul3A_111 : i32
      %dma_wait3A = tpu.memref_slice %arg7[%mul3A_112] : memref<13312xf32, #tpu.memory_space<vmem>> -> memref<128xf32, #tpu.memory_space<vmem>>
      %dma_wait3A_113 = tpu.memref_slice %arg6[%mul3A_110] : memref<13312xi32, #tpu.memory_space<vmem>> -> memref<128xi32, #tpu.memory_space<vmem>>
      %dma_wait3A_114 = arith.constant 0 : i32
      %dma_wait3A_115 = tpu.memref_slice %arg3[%dma_wait3A_114] : memref<41600000xf32, #tpu.memory_space<hbm>> -> memref<41600000xf32, #tpu.memory_space<hbm>>
      tpu.wait_indirect_dma semaphore(%arg8 : memref<!tpu.dma_semaphore, #tpu.memory_space<semaphore_mem>>) src(%dma_wait3A_115 : memref<41600000xf32, #tpu.memory_space<hbm>>) dst(%dma_wait3A : memref<128xf32, #tpu.memory_space<vmem>>)
    }
    %scan3A_53 = arith.constant 104 : i32
    %mul3A_54 = arith.constant 1664 : i32
    %mul3A_55 = arith.muli %add3A, %mul3A_54 : i32
    %mul3A_56 = arith.constant 32 : i32
    %mul3A_57 = arith.muli %mul3A_55, %mul3A_56 : i32
    %add3A_58 = arith.constant 13312 : i32
    %add3A_59 = arith.addi %mul3A_57, %add3A_58 : i32
    "tpu.region"() ({
      %run_scoped3A = tpu.sem_alloc : memref<!tpu.dma_semaphore, #tpu.memory_space<semaphore_mem>>
      %dma_start3A = tpu.memref_slice %arg4[%add3A_59] : memref<1703936xf32, #tpu.memory_space<hbm>> -> memref<13312xf32, #tpu.memory_space<hbm>>
      %dma_start3A_108 = tpu.memref_slice %arg4[%add3A_59] : memref<1703936xf32, #tpu.memory_space<hbm>> -> memref<13312xf32, #tpu.memory_space<hbm>>
      tpu.enqueue_dma source(%arg7 : memref<13312xf32, #tpu.memory_space<vmem>>) target(%dma_start3A_108 : memref<13312xf32, #tpu.memory_space<hbm>>) target_semaphore(%run_scoped3A : memref<!tpu.dma_semaphore, #tpu.memory_space<semaphore_mem>>)
      %dma_wait3A = tpu.memref_slice %arg4[%add3A_59] : memref<1703936xf32, #tpu.memory_space<hbm>> -> memref<13312xf32, #tpu.memory_space<hbm>>
      %dma_wait3A_109 = tpu.memref_slice %arg4[%add3A_59] : memref<1703936xf32, #tpu.memory_space<hbm>> -> memref<13312xf32, #tpu.memory_space<hbm>>
      tpu.wait_dma2 semaphore(%run_scoped3A : memref<!tpu.dma_semaphore, #tpu.memory_space<semaphore_mem>>) src(%arg7 : memref<13312xf32, #tpu.memory_space<vmem>>) dst(%dma_wait3A_109 : memref<13312xf32, #tpu.memory_space<hbm>>)
      tpu.yield
    }) : () -> ()
    %scan3A_60 = arith.constant 0 : i32
    %scan3A_61 = arith.constant 0 : i32
    %scan3A_62 = arith.constant 26 : i32
    %scan3A_63 = arith.addi %scan3A_61, %scan3A_62 : i32
    %scan3A_64 = arith.constant 1 : i32
    scf.for %scan3A_108 = %scan3A_61 to %scan3A_63 step %scan3A_64  : i32 {
      %mul3A_109 = arith.constant 16 : i32
      %mul3A_110 = arith.muli %scan3A_108, %mul3A_109 : i32
      %add3A_111 = arith.constant 832 : i32
      %add3A_112 = arith.addi %add3A_111, %mul3A_110 : i32
      %jit3A = arith.constant 128 : i32
      %div3A = arith.divsi %add3A_112, %jit3A : i32
      %sign3A = arith.constant 0 : i32
      %sign3A_113 = arith.cmpi sgt, %add3A_112, %sign3A : i32
      %sign3A_114 = arith.extui %sign3A_113 : i1 to i32
      %sign3A_115 = arith.constant 0 : i32
      %sign3A_116 = arith.cmpi slt, %add3A_112, %sign3A_115 : i32
      %sign3A_117 = arith.extui %sign3A_116 : i1 to i32
      %sign3A_118 = arith.subi %sign3A_114, %sign3A_117 : i32
      %sign3A_119 = arith.constant 0 : i32
      %sign3A_120 = arith.cmpi sgt, %jit3A, %sign3A_119 : i32
      %sign3A_121 = arith.extui %sign3A_120 : i1 to i32
      %sign3A_122 = arith.constant 0 : i32
      %sign3A_123 = arith.cmpi slt, %jit3A, %sign3A_122 : i32
      %sign3A_124 = arith.extui %sign3A_123 : i1 to i32
      %sign3A_125 = arith.subi %sign3A_121, %sign3A_124 : i32
      %ne3A = arith.cmpi ne, %sign3A_118, %sign3A_125 : i32
      %rem3A = arith.remsi %add3A_112, %jit3A : i32
      %ne3A_126 = arith.constant 0 : i32
      %ne3A_127 = arith.cmpi ne, %rem3A, %ne3A_126 : i32
      %and3A = arith.andi %ne3A, %ne3A_127 : i1
      %sub3A = arith.constant 1 : i32
      %sub3A_128 = arith.subi %div3A, %sub3A : i32
      %select_n3A = arith.select %and3A, %sub3A_128, %div3A : i32
      %jit3A_129 = arith.constant 128 : i32
      %eq3A = arith.constant 0 : i32
      %eq3A_130 = arith.cmpi eq, %jit3A_129, %eq3A : i32
      %jit3A_131 = arith.constant 1 : i32
      %select_n3A_132 = arith.select %eq3A_130, %jit3A_131, %jit3A_129 : i32
      %rem3A_133 = arith.remsi %add3A_112, %select_n3A_132 : i32
      %ne3A_134 = arith.constant 0 : i32
      %ne3A_135 = arith.cmpi ne, %rem3A_133, %ne3A_134 : i32
      %lt3A = arith.constant 0 : i32
      %lt3A_136 = arith.cmpi slt, %rem3A_133, %lt3A : i32
      %lt3A_137 = arith.constant 0 : i32
      %lt3A_138 = arith.cmpi slt, %select_n3A_132, %lt3A_137 : i32
      %ne3A_139 = arith.xori %lt3A_136, %lt3A_138 : i1
      %and3A_140 = arith.andi %ne3A_139, %ne3A_135 : i1
      %add3A_141 = arith.addi %rem3A_133, %select_n3A_132 : i32
      %select_n3A_142 = arith.select %and3A_140, %add3A_141, %rem3A_133 : i32
      %get3A = arith.index_cast %select_n3A : i32 to index
      %get3A_143 = arith.index_cast %select_n3A_142 : i32 to index
      %get3A_144 = tpu.vector_load %arg5[%get3A, %get3A_143] {strides = array<i32>} : memref<13x128xi32, #tpu.memory_space<vmem>>, vector<1x16xi32>,
      %get3A_145 = vector.shape_cast %get3A_144 : vector<1x16xi32> to vector<16xi32>
      %mul3A_146 = arith.constant 512 : i32
      %mul3A_147 = arith.muli %scan3A_108, %mul3A_146 : i32
      %slice3A = vector.extract_strided_slice %get3A_145 {offsets = [0], sizes = [1], strides = [1]} : vector<16xi32> to vector<1xi32>
      %squeeze3A = vector.extract %slice3A[0] : i32 from vector<1xi32>
      %add3A_148 = vector.broadcast %squeeze3A : i32 to vector<16xi32>
      %add3A_149 = arith.addi %add3A_148, %mul3A_8 : vector<16xi32>
      %add3A_150 = arith.constant 0 : i32
      %add3A_151 = arith.addi %mul3A_147, %add3A_150 : i32
      %swap3A = arith.index_cast %add3A_151 : i32 to index
      %swap3A_152 = tpu.vector_load %arg6[%swap3A] {strides = array<i32>} : memref<13312xi32, #tpu.memory_space<vmem>>, vector<16xi32>,
      %swap3A_153 = vector.shape_cast %swap3A_152 : vector<16xi32> to vector<16xi32>
      %swap3A_154 = vector.shape_cast %add3A_149 : vector<16xi32> to vector<16xi32>
      tpu.vector_store %arg6[%swap3A], %swap3A_154 {strides = array<i32>} : memref<13312xi32, #tpu.memory_space<vmem>>, vector<16xi32>,
      %slice3A_155 = vector.extract_strided_slice %get3A_145 {offsets = [0], sizes = [1], strides = [1]} : vector<16xi32> to vector<1xi32>
      %squeeze3A_156 = vector.extract %slice3A_155[0] : i32 from vector<1xi32>
      %add3A_157 = vector.broadcast %squeeze3A_156 : i32 to vector<16xi32>
      %add3A_158 = arith.addi %add3A_157, %add3A_11 : vector<16xi32>
      %add3A_159 = arith.constant 16 : i32
      %add3A_160 = arith.addi %mul3A_147, %add3A_159 : i32
      %swap3A_161 = arith.index_cast %add3A_160 : i32 to index
      %swap3A_162 = tpu.vector_load %arg6[%swap3A_161] {strides = array<i32>} : memref<13312xi32, #tpu.memory_space<vmem>>, vector<16xi32>,
      %swap3A_163 = vector.shape_cast %swap3A_162 : vector<16xi32> to vector<16xi32>
      %swap3A_164 = vector.shape_cast %add3A_158 : vector<16xi32> to vector<16xi32>
      tpu.vector_store %arg6[%swap3A_161], %swap3A_164 {strides = array<i32>} : memref<13312xi32, #tpu.memory_space<vmem>>, vector<16xi32>,
      %slice3A_165 = vector.extract_strided_slice %get3A_145 {offsets = [1], sizes = [1], strides = [1]} : vector<16xi32> to vector<1xi32>
      %squeeze3A_166 = vector.extract %slice3A_165[0] : i32 from vector<1xi32>
      %add3A_167 = vector.broadcast %squeeze3A_166 : i32 to vector<16xi32>
      %add3A_168 = arith.addi %add3A_167, %mul3A_8 : vector<16xi32>
      %add3A_169 = arith.constant 32 : i32
      %add3A_170 = arith.addi %mul3A_147, %add3A_169 : i32
      %swap3A_171 = arith.index_cast %add3A_170 : i32 to index
      %swap3A_172 = tpu.vector_load %arg6[%swap3A_171] {strides = array<i32>} : memref<13312xi32, #tpu.memory_space<vmem>>, vector<16xi32>,
      %swap3A_173 = vector.shape_cast %swap3A_172 : vector<16xi32> to vector<16xi32>
      %swap3A_174 = vector.shape_cast %add3A_168 : vector<16xi32> to vector<16xi32>
      tpu.vector_store %arg6[%swap3A_171], %swap3A_174 {strides = array<i32>} : memref<13312xi32, #tpu.memory_space<vmem>>, vector<16xi32>,
      %slice3A_175 = vector.extract_strided_slice %get3A_145 {offsets = [1], sizes = [1], strides = [1]} : vector<16xi32> to vector<1xi32>
      %squeeze3A_176 = vector.extract %slice3A_175[0] : i32 from vector<1xi32>
      %add3A_177 = vector.broadcast %squeeze3A_176 : i32 to vector<16xi32>
      %add3A_178 = arith.addi %add3A_177, %add3A_11 : vector<16xi32>
      %add3A_179 = arith.constant 48 : i32
      %add3A_180 = arith.addi %mul3A_147, %add3A_179 : i32
      %swap3A_181 = arith.index_cast %add3A_180 : i32 to index
      %swap3A_182 = tpu.vector_load %arg6[%swap3A_181] {strides = array<i32>} : memref<13312xi32, #tpu.memory_space<vmem>>, vector<16xi32>,
      %swap3A_183 = vector.shape_cast %swap3A_182 : vector<16xi32> to vector<16xi32>
      %swap3A_184 = vector.shape_cast %add3A_178 : vector<16xi32> to vector<16xi32>
      tpu.vector_store %arg6[%swap3A_181], %swap3A_184 {strides = array<i32>} : memref<13312xi32, #tpu.memory_space<vmem>>, vector<16xi32>,
      %slice3A_185 = vector.extract_strided_slice %get3A_145 {offsets = [2], sizes = [1], strides = [1]} : vector<16xi32> to vector<1xi32>
      %squeeze3A_186 = vector.extract %slice3A_185[0] : i32 from vector<1xi32>
      %add3A_187 = vector.broadcast %squeeze3A_186 : i32 to vector<16xi32>
      %add3A_188 = arith.addi %add3A_187, %mul3A_8 : vector<16xi32>
      %add3A_189 = arith.constant 64 : i32
      %add3A_190 = arith.addi %mul3A_147, %add3A_189 : i32
      %swap3A_191 = arith.index_cast %add3A_190 : i32 to index
      %swap3A_192 = tpu.vector_load %arg6[%swap3A_191] {strides = array<i32>} : memref<13312xi32, #tpu.memory_space<vmem>>, vector<16xi32>,
      %swap3A_193 = vector.shape_cast %swap3A_192 : vector<16xi32> to vector<16xi32>
      %swap3A_194 = vector.shape_cast %add3A_188 : vector<16xi32> to vector<16xi32>
      tpu.vector_store %arg6[%swap3A_191], %swap3A_194 {strides = array<i32>} : memref<13312xi32, #tpu.memory_space<vmem>>, vector<16xi32>,
      %slice3A_195 = vector.extract_strided_slice %get3A_145 {offsets = [2], sizes = [1], strides = [1]} : vector<16xi32> to vector<1xi32>
      %squeeze3A_196 = vector.extract %slice3A_195[0] : i32 from vector<1xi32>
      %add3A_197 = vector.broadcast %squeeze3A_196 : i32 to vector<16xi32>
      %add3A_198 = arith.addi %add3A_197, %add3A_11 : vector<16xi32>
      %add3A_199 = arith.constant 80 : i32
      %add3A_200 = arith.addi %mul3A_147, %add3A_199 : i32
      %swap3A_201 = arith.index_cast %add3A_200 : i32 to index
      %swap3A_202 = tpu.vector_load %arg6[%swap3A_201] {strides = array<i32>} : memref<13312xi32, #tpu.memory_space<vmem>>, vector<16xi32>,
      %swap3A_203 = vector.shape_cast %swap3A_202 : vector<16xi32> to vector<16xi32>
      %swap3A_204 = vector.shape_cast %add3A_198 : vector<16xi32> to vector<16xi32>
      tpu.vector_store %arg6[%swap3A_201], %swap3A_204 {strides = array<i32>} : memref<13312xi32, #tpu.memory_space<vmem>>, vector<16xi32>,
      %slice3A_205 = vector.extract_strided_slice %get3A_145 {offsets = [3], sizes = [1], strides = [1]} : vector<16xi32> to vector<1xi32>
      %squeeze3A_206 = vector.extract %slice3A_205[0] : i32 from vector<1xi32>
      %add3A_207 = vector.broadcast %squeeze3A_206 : i32 to vector<16xi32>
      %add3A_208 = arith.addi %add3A_207, %mul3A_8 : vector<16xi32>
      %add3A_209 = arith.constant 96 : i32
      %add3A_210 = arith.addi %mul3A_147, %add3A_209 : i32
      %swap3A_211 = arith.index_cast %add3A_210 : i32 to index
      %swap3A_212 = tpu.vector_load %arg6[%swap3A_211] {strides = array<i32>} : memref<13312xi32, #tpu.memory_space<vmem>>, vector<16xi32>,
      %swap3A_213 = vector.shape_cast %swap3A_212 : vector<16xi32> to vector<16xi32>
      %swap3A_214 = vector.shape_cast %add3A_208 : vector<16xi32> to vector<16xi32>
      tpu.vector_store %arg6[%swap3A_211], %swap3A_214 {strides = array<i32>} : memref<13312xi32, #tpu.memory_space<vmem>>, vector<16xi32>,
      %slice3A_215 = vector.extract_strided_slice %get3A_145 {offsets = [3], sizes = [1], strides = [1]} : vector<16xi32> to vector<1xi32>
      %squeeze3A_216 = vector.extract %slice3A_215[0] : i32 from vector<1xi32>
      %add3A_217 = vector.broadcast %squeeze3A_216 : i32 to vector<16xi32>
      %add3A_218 = arith.addi %add3A_217, %add3A_11 : vector<16xi32>
      %add3A_219 = arith.constant 112 : i32
      %add3A_220 = arith.addi %mul3A_147, %add3A_219 : i32
      %swap3A_221 = arith.index_cast %add3A_220 : i32 to index
      %swap3A_222 = tpu.vector_load %arg6[%swap3A_221] {strides = array<i32>} : memref<13312xi32, #tpu.memory_space<vmem>>, vector<16xi32>,
      %swap3A_223 = vector.shape_cast %swap3A_222 : vector<16xi32> to vector<16xi32>
      %swap3A_224 = vector.shape_cast %add3A_218 : vector<16xi32> to vector<16xi32>
      tpu.vector_store %arg6[%swap3A_221], %swap3A_224 {strides = array<i32>} : memref<13312xi32, #tpu.memory_space<vmem>>, vector<16xi32>,
      %slice3A_225 = vector.extract_strided_slice %get3A_145 {offsets = [4], sizes = [1], strides = [1]} : vector<16xi32> to vector<1xi32>
      %squeeze3A_226 = vector.extract %slice3A_225[0] : i32 from vector<1xi32>
      %add3A_227 = vector.broadcast %squeeze3A_226 : i32 to vector<16xi32>
      %add3A_228 = arith.addi %add3A_227, %mul3A_8 : vector<16xi32>
      %add3A_229 = arith.constant 128 : i32
      %add3A_230 = arith.addi %mul3A_147, %add3A_229 : i32
      %swap3A_231 = arith.index_cast %add3A_230 : i32 to index
      %swap3A_232 = tpu.vector_load %arg6[%swap3A_231] {strides = array<i32>} : memref<13312xi32, #tpu.memory_space<vmem>>, vector<16xi32>,
      %swap3A_233 = vector.shape_cast %swap3A_232 : vector<16xi32> to vector<16xi32>
      %swap3A_234 = vector.shape_cast %add3A_228 : vector<16xi32> to vector<16xi32>
      tpu.vector_store %arg6[%swap3A_231], %swap3A_234 {strides = array<i32>} : memref<13312xi32, #tpu.memory_space<vmem>>, vector<16xi32>,
      %slice3A_235 = vector.extract_strided_slice %get3A_145 {offsets = [4], sizes = [1], strides = [1]} : vector<16xi32> to vector<1xi32>
      %squeeze3A_236 = vector.extract %slice3A_235[0] : i32 from vector<1xi32>
      %add3A_237 = vector.broadcast %squeeze3A_236 : i32 to vector<16xi32>
      %add3A_238 = arith.addi %add3A_237, %add3A_11 : vector<16xi32>
      %add3A_239 = arith.constant 144 : i32
      %add3A_240 = arith.addi %mul3A_147, %add3A_239 : i32
      %swap3A_241 = arith.index_cast %add3A_240 : i32 to index
      %swap3A_242 = tpu.vector_load %arg6[%swap3A_241] {strides = array<i32>} : memref<13312xi32, #tpu.memory_space<vmem>>, vector<16xi32>,
      %swap3A_243 = vector.shape_cast %swap3A_242 : vector<16xi32> to vector<16xi32>
      %swap3A_244 = vector.shape_cast %add3A_238 : vector<16xi32> to vector<16xi32>
      tpu.vector_store %arg6[%swap3A_241], %swap3A_244 {strides = array<i32>} : memref<13312xi32, #tpu.memory_space<vmem>>, vector<16xi32>,
      %slice3A_245 = vector.extract_strided_slice %get3A_145 {offsets = [5], sizes = [1], strides = [1]} : vector<16xi32> to vector<1xi32>
      %squeeze3A_246 = vector.extract %slice3A_245[0] : i32 from vector<1xi32>
      %add3A_247 = vector.broadcast %squeeze3A_246 : i32 to vector<16xi32>
      %add3A_248 = arith.addi %add3A_247, %mul3A_8 : vector<16xi32>
      %add3A_249 = arith.constant 160 : i32
      %add3A_250 = arith.addi %mul3A_147, %add3A_249 : i32
      %swap3A_251 = arith.index_cast %add3A_250 : i32 to index
      %swap3A_252 = tpu.vector_load %arg6[%swap3A_251] {strides = array<i32>} : memref<13312xi32, #tpu.memory_space<vmem>>, vector<16xi32>,
      %swap3A_253 = vector.shape_cast %swap3A_252 : vector<16xi32> to vector<16xi32>
      %swap3A_254 = vector.shape_cast %add3A_248 : vector<16xi32> to vector<16xi32>
      tpu.vector_store %arg6[%swap3A_251], %swap3A_254 {strides = array<i32>} : memref<13312xi32, #tpu.memory_space<vmem>>, vector<16xi32>,
      %slice3A_255 = vector.extract_strided_slice %get3A_145 {offsets = [5], sizes = [1], strides = [1]} : vector<16xi32> to vector<1xi32>
      %squeeze3A_256 = vector.extract %slice3A_255[0] : i32 from vector<1xi32>
      %add3A_257 = vector.broadcast %squeeze3A_256 : i32 to vector<16xi32>
      %add3A_258 = arith.addi %add3A_257, %add3A_11 : vector<16xi32>
      %add3A_259 = arith.constant 176 : i32
      %add3A_260 = arith.addi %mul3A_147, %add3A_259 : i32
      %swap3A_261 = arith.index_cast %add3A_260 : i32 to index
      %swap3A_262 = tpu.vector_load %arg6[%swap3A_261] {strides = array<i32>} : memref<13312xi32, #tpu.memory_space<vmem>>, vector<16xi32>,
      %swap3A_263 = vector.shape_cast %swap3A_262 : vector<16xi32> to vector<16xi32>
      %swap3A_264 = vector.shape_cast %add3A_258 : vector<16xi32> to vector<16xi32>
      tpu.vector_store %arg6[%swap3A_261], %swap3A_264 {strides = array<i32>} : memref<13312xi32, #tpu.memory_space<vmem>>, vector<16xi32>,
      %slice3A_265 = vector.extract_strided_slice %get3A_145 {offsets = [6], sizes = [1], strides = [1]} : vector<16xi32> to vector<1xi32>
      %squeeze3A_266 = vector.extract %slice3A_265[0] : i32 from vector<1xi32>
      %add3A_267 = vector.broadcast %squeeze3A_266 : i32 to vector<16xi32>
      %add3A_268 = arith.addi %add3A_267, %mul3A_8 : vector<16xi32>
      %add3A_269 = arith.constant 192 : i32
      %add3A_270 = arith.addi %mul3A_147, %add3A_269 : i32
      %swap3A_271 = arith.index_cast %add3A_270 : i32 to index
      %swap3A_272 = tpu.vector_load %arg6[%swap3A_271] {strides = array<i32>} : memref<13312xi32, #tpu.memory_space<vmem>>, vector<16xi32>,
      %swap3A_273 = vector.shape_cast %swap3A_272 : vector<16xi32> to vector<16xi32>
      %swap3A_274 = vector.shape_cast %add3A_268 : vector<16xi32> to vector<16xi32>
      tpu.vector_store %arg6[%swap3A_271], %swap3A_274 {strides = array<i32>} : memref<13312xi32, #tpu.memory_space<vmem>>, vector<16xi32>,
      %slice3A_275 = vector.extract_strided_slice %get3A_145 {offsets = [6], sizes = [1], strides = [1]} : vector<16xi32> to vector<1xi32>
      %squeeze3A_276 = vector.extract %slice3A_275[0] : i32 from vector<1xi32>
      %add3A_277 = vector.broadcast %squeeze3A_276 : i32 to vector<16xi32>
      %add3A_278 = arith.addi %add3A_277, %add3A_11 : vector<16xi32>
      %add3A_279 = arith.constant 208 : i32
      %add3A_280 = arith.addi %mul3A_147, %add3A_279 : i32
      %swap3A_281 = arith.index_cast %add3A_280 : i32 to index
      %swap3A_282 = tpu.vector_load %arg6[%swap3A_281] {strides = array<i32>} : memref<13312xi32, #tpu.memory_space<vmem>>, vector<16xi32>,
      %swap3A_283 = vector.shape_cast %swap3A_282 : vector<16xi32> to vector<16xi32>
      %swap3A_284 = vector.shape_cast %add3A_278 : vector<16xi32> to vector<16xi32>
      tpu.vector_store %arg6[%swap3A_281], %swap3A_284 {strides = array<i32>} : memref<13312xi32, #tpu.memory_space<vmem>>, vector<16xi32>,
      %slice3A_285 = vector.extract_strided_slice %get3A_145 {offsets = [7], sizes = [1], strides = [1]} : vector<16xi32> to vector<1xi32>
      %squeeze3A_286 = vector.extract %slice3A_285[0] : i32 from vector<1xi32>
      %add3A_287 = vector.broadcast %squeeze3A_286 : i32 to vector<16xi32>
      %add3A_288 = arith.addi %add3A_287, %mul3A_8 : vector<16xi32>
      %add3A_289 = arith.constant 224 : i32
      %add3A_290 = arith.addi %mul3A_147, %add3A_289 : i32
      %swap3A_291 = arith.index_cast %add3A_290 : i32 to index
      %swap3A_292 = tpu.vector_load %arg6[%swap3A_291] {strides = array<i32>} : memref<13312xi32, #tpu.memory_space<vmem>>, vector<16xi32>,
      %swap3A_293 = vector.shape_cast %swap3A_292 : vector<16xi32> to vector<16xi32>
      %swap3A_294 = vector.shape_cast %add3A_288 : vector<16xi32> to vector<16xi32>
      tpu.vector_store %arg6[%swap3A_291], %swap3A_294 {strides = array<i32>} : memref<13312xi32, #tpu.memory_space<vmem>>, vector<16xi32>,
      %slice3A_295 = vector.extract_strided_slice %get3A_145 {offsets = [7], sizes = [1], strides = [1]} : vector<16xi32> to vector<1xi32>
      %squeeze3A_296 = vector.extract %slice3A_295[0] : i32 from vector<1xi32>
      %add3A_297 = vector.broadcast %squeeze3A_296 : i32 to vector<16xi32>
      %add3A_298 = arith.addi %add3A_297, %add3A_11 : vector<16xi32>
      %add3A_299 = arith.constant 240 : i32
      %add3A_300 = arith.addi %mul3A_147, %add3A_299 : i32
      %swap3A_301 = arith.index_cast %add3A_300 : i32 to index
      %swap3A_302 = tpu.vector_load %arg6[%swap3A_301] {strides = array<i32>} : memref<13312xi32, #tpu.memory_space<vmem>>, vector<16xi32>,
      %swap3A_303 = vector.shape_cast %swap3A_302 : vector<16xi32> to vector<16xi32>
      %swap3A_304 = vector.shape_cast %add3A_298 : vector<16xi32> to vector<16xi32>
      tpu.vector_store %arg6[%swap3A_301], %swap3A_304 {strides = array<i32>} : memref<13312xi32, #tpu.memory_space<vmem>>, vector<16xi32>,
      %slice3A_305 = vector.extract_strided_slice %get3A_145 {offsets = [8], sizes = [1], strides = [1]} : vector<16xi32> to vector<1xi32>
      %squeeze3A_306 = vector.extract %slice3A_305[0] : i32 from vector<1xi32>
      %add3A_307 = vector.broadcast %squeeze3A_306 : i32 to vector<16xi32>
      %add3A_308 = arith.addi %add3A_307, %mul3A_8 : vector<16xi32>
      %add3A_309 = arith.constant 256 : i32
      %add3A_310 = arith.addi %mul3A_147, %add3A_309 : i32
      %swap3A_311 = arith.index_cast %add3A_310 : i32 to index
      %swap3A_312 = tpu.vector_load %arg6[%swap3A_311] {strides = array<i32>} : memref<13312xi32, #tpu.memory_space<vmem>>, vector<16xi32>,
      %swap3A_313 = vector.shape_cast %swap3A_312 : vector<16xi32> to vector<16xi32>
      %swap3A_314 = vector.shape_cast %add3A_308 : vector<16xi32> to vector<16xi32>
      tpu.vector_store %arg6[%swap3A_311], %swap3A_314 {strides = array<i32>} : memref<13312xi32, #tpu.memory_space<vmem>>, vector<16xi32>,
      %slice3A_315 = vector.extract_strided_slice %get3A_145 {offsets = [8], sizes = [1], strides = [1]} : vector<16xi32> to vector<1xi32>
      %squeeze3A_316 = vector.extract %slice3A_315[0] : i32 from vector<1xi32>
      %add3A_317 = vector.broadcast %squeeze3A_316 : i32 to vector<16xi32>
      %add3A_318 = arith.addi %add3A_317, %add3A_11 : vector<16xi32>
      %add3A_319 = arith.constant 272 : i32
      %add3A_320 = arith.addi %mul3A_147, %add3A_319 : i32
      %swap3A_321 = arith.index_cast %add3A_320 : i32 to index
      %swap3A_322 = tpu.vector_load %arg6[%swap3A_321] {strides = array<i32>} : memref<13312xi32, #tpu.memory_space<vmem>>, vector<16xi32>,
      %swap3A_323 = vector.shape_cast %swap3A_322 : vector<16xi32> to vector<16xi32>
      %swap3A_324 = vector.shape_cast %add3A_318 : vector<16xi32> to vector<16xi32>
      tpu.vector_store %arg6[%swap3A_321], %swap3A_324 {strides = array<i32>} : memref<13312xi32, #tpu.memory_space<vmem>>, vector<16xi32>,
      %slice3A_325 = vector.extract_strided_slice %get3A_145 {offsets = [9], sizes = [1], strides = [1]} : vector<16xi32> to vector<1xi32>
      %squeeze3A_326 = vector.extract %slice3A_325[0] : i32 from vector<1xi32>
      %add3A_327 = vector.broadcast %squeeze3A_326 : i32 to vector<16xi32>
      %add3A_328 = arith.addi %add3A_327, %mul3A_8 : vector<16xi32>
      %add3A_329 = arith.constant 288 : i32
      %add3A_330 = arith.addi %mul3A_147, %add3A_329 : i32
      %swap3A_331 = arith.index_cast %add3A_330 : i32 to index
      %swap3A_332 = tpu.vector_load %arg6[%swap3A_331] {strides = array<i32>} : memref<13312xi32, #tpu.memory_space<vmem>>, vector<16xi32>,
      %swap3A_333 = vector.shape_cast %swap3A_332 : vector<16xi32> to vector<16xi32>
      %swap3A_334 = vector.shape_cast %add3A_328 : vector<16xi32> to vector<16xi32>
      tpu.vector_store %arg6[%swap3A_331], %swap3A_334 {strides = array<i32>} : memref<13312xi32, #tpu.memory_space<vmem>>, vector<16xi32>,
      %slice3A_335 = vector.extract_strided_slice %get3A_145 {offsets = [9], sizes = [1], strides = [1]} : vector<16xi32> to vector<1xi32>
      %squeeze3A_336 = vector.extract %slice3A_335[0] : i32 from vector<1xi32>
      %add3A_337 = vector.broadcast %squeeze3A_336 : i32 to vector<16xi32>
      %add3A_338 = arith.addi %add3A_337, %add3A_11 : vector<16xi32>
      %add3A_339 = arith.constant 304 : i32
      %add3A_340 = arith.addi %mul3A_147, %add3A_339 : i32
      %swap3A_341 = arith.index_cast %add3A_340 : i32 to index
      %swap3A_342 = tpu.vector_load %arg6[%swap3A_341] {strides = array<i32>} : memref<13312xi32, #tpu.memory_space<vmem>>, vector<16xi32>,
      %swap3A_343 = vector.shape_cast %swap3A_342 : vector<16xi32> to vector<16xi32>
      %swap3A_344 = vector.shape_cast %add3A_338 : vector<16xi32> to vector<16xi32>
      tpu.vector_store %arg6[%swap3A_341], %swap3A_344 {strides = array<i32>} : memref<13312xi32, #tpu.memory_space<vmem>>, vector<16xi32>,
      %slice3A_345 = vector.extract_strided_slice %get3A_145 {offsets = [10], sizes = [1], strides = [1]} : vector<16xi32> to vector<1xi32>
      %squeeze3A_346 = vector.extract %slice3A_345[0] : i32 from vector<1xi32>
      %add3A_347 = vector.broadcast %squeeze3A_346 : i32 to vector<16xi32>
      %add3A_348 = arith.addi %add3A_347, %mul3A_8 : vector<16xi32>
      %add3A_349 = arith.constant 320 : i32
      %add3A_350 = arith.addi %mul3A_147, %add3A_349 : i32
      %swap3A_351 = arith.index_cast %add3A_350 : i32 to index
      %swap3A_352 = tpu.vector_load %arg6[%swap3A_351] {strides = array<i32>} : memref<13312xi32, #tpu.memory_space<vmem>>, vector<16xi32>,
      %swap3A_353 = vector.shape_cast %swap3A_352 : vector<16xi32> to vector<16xi32>
      %swap3A_354 = vector.shape_cast %add3A_348 : vector<16xi32> to vector<16xi32>
      tpu.vector_store %arg6[%swap3A_351], %swap3A_354 {strides = array<i32>} : memref<13312xi32, #tpu.memory_space<vmem>>, vector<16xi32>,
      %slice3A_355 = vector.extract_strided_slice %get3A_145 {offsets = [10], sizes = [1], strides = [1]} : vector<16xi32> to vector<1xi32>
      %squeeze3A_356 = vector.extract %slice3A_355[0] : i32 from vector<1xi32>
      %add3A_357 = vector.broadcast %squeeze3A_356 : i32 to vector<16xi32>
      %add3A_358 = arith.addi %add3A_357, %add3A_11 : vector<16xi32>
      %add3A_359 = arith.constant 336 : i32
      %add3A_360 = arith.addi %mul3A_147, %add3A_359 : i32
      %swap3A_361 = arith.index_cast %add3A_360 : i32 to index
      %swap3A_362 = tpu.vector_load %arg6[%swap3A_361] {strides = array<i32>} : memref<13312xi32, #tpu.memory_space<vmem>>, vector<16xi32>,
      %swap3A_363 = vector.shape_cast %swap3A_362 : vector<16xi32> to vector<16xi32>
      %swap3A_364 = vector.shape_cast %add3A_358 : vector<16xi32> to vector<16xi32>
      tpu.vector_store %arg6[%swap3A_361], %swap3A_364 {strides = array<i32>} : memref<13312xi32, #tpu.memory_space<vmem>>, vector<16xi32>,
      %slice3A_365 = vector.extract_strided_slice %get3A_145 {offsets = [11], sizes = [1], strides = [1]} : vector<16xi32> to vector<1xi32>
      %squeeze3A_366 = vector.extract %slice3A_365[0] : i32 from vector<1xi32>
      %add3A_367 = vector.broadcast %squeeze3A_366 : i32 to vector<16xi32>
      %add3A_368 = arith.addi %add3A_367, %mul3A_8 : vector<16xi32>
      %add3A_369 = arith.constant 352 : i32
      %add3A_370 = arith.addi %mul3A_147, %add3A_369 : i32
      %swap3A_371 = arith.index_cast %add3A_370 : i32 to index
      %swap3A_372 = tpu.vector_load %arg6[%swap3A_371] {strides = array<i32>} : memref<13312xi32, #tpu.memory_space<vmem>>, vector<16xi32>,
      %swap3A_373 = vector.shape_cast %swap3A_372 : vector<16xi32> to vector<16xi32>
      %swap3A_374 = vector.shape_cast %add3A_368 : vector<16xi32> to vector<16xi32>
      tpu.vector_store %arg6[%swap3A_371], %swap3A_374 {strides = array<i32>} : memref<13312xi32, #tpu.memory_space<vmem>>, vector<16xi32>,
      %slice3A_375 = vector.extract_strided_slice %get3A_145 {offsets = [11], sizes = [1], strides = [1]} : vector<16xi32> to vector<1xi32>
      %squeeze3A_376 = vector.extract %slice3A_375[0] : i32 from vector<1xi32>
      %add3A_377 = vector.broadcast %squeeze3A_376 : i32 to vector<16xi32>
      %add3A_378 = arith.addi %add3A_377, %add3A_11 : vector<16xi32>
      %add3A_379 = arith.constant 368 : i32
      %add3A_380 = arith.addi %mul3A_147, %add3A_379 : i32
      %swap3A_381 = arith.index_cast %add3A_380 : i32 to index
      %swap3A_382 = tpu.vector_load %arg6[%swap3A_381] {strides = array<i32>} : memref<13312xi32, #tpu.memory_space<vmem>>, vector<16xi32>,
      %swap3A_383 = vector.shape_cast %swap3A_382 : vector<16xi32> to vector<16xi32>
      %swap3A_384 = vector.shape_cast %add3A_378 : vector<16xi32> to vector<16xi32>
      tpu.vector_store %arg6[%swap3A_381], %swap3A_384 {strides = array<i32>} : memref<13312xi32, #tpu.memory_space<vmem>>, vector<16xi32>,
      %slice3A_385 = vector.extract_strided_slice %get3A_145 {offsets = [12], sizes = [1], strides = [1]} : vector<16xi32> to vector<1xi32>
      %squeeze3A_386 = vector.extract %slice3A_385[0] : i32 from vector<1xi32>
      %add3A_387 = vector.broadcast %squeeze3A_386 : i32 to vector<16xi32>
      %add3A_388 = arith.addi %add3A_387, %mul3A_8 : vector<16xi32>
      %add3A_389 = arith.constant 384 : i32
      %add3A_390 = arith.addi %mul3A_147, %add3A_389 : i32
      %swap3A_391 = arith.index_cast %add3A_390 : i32 to index
      %swap3A_392 = tpu.vector_load %arg6[%swap3A_391] {strides = array<i32>} : memref<13312xi32, #tpu.memory_space<vmem>>, vector<16xi32>,
      %swap3A_393 = vector.shape_cast %swap3A_392 : vector<16xi32> to vector<16xi32>
      %swap3A_394 = vector.shape_cast %add3A_388 : vector<16xi32> to vector<16xi32>
      tpu.vector_store %arg6[%swap3A_391], %swap3A_394 {strides = array<i32>} : memref<13312xi32, #tpu.memory_space<vmem>>, vector<16xi32>,
      %slice3A_395 = vector.extract_strided_slice %get3A_145 {offsets = [12], sizes = [1], strides = [1]} : vector<16xi32> to vector<1xi32>
      %squeeze3A_396 = vector.extract %slice3A_395[0] : i32 from vector<1xi32>
      %add3A_397 = vector.broadcast %squeeze3A_396 : i32 to vector<16xi32>
      %add3A_398 = arith.addi %add3A_397, %add3A_11 : vector<16xi32>
      %add3A_399 = arith.constant 400 : i32
      %add3A_400 = arith.addi %mul3A_147, %add3A_399 : i32
      %swap3A_401 = arith.index_cast %add3A_400 : i32 to index
      %swap3A_402 = tpu.vector_load %arg6[%swap3A_401] {strides = array<i32>} : memref<13312xi32, #tpu.memory_space<vmem>>, vector<16xi32>,
      %swap3A_403 = vector.shape_cast %swap3A_402 : vector<16xi32> to vector<16xi32>
      %swap3A_404 = vector.shape_cast %add3A_398 : vector<16xi32> to vector<16xi32>
      tpu.vector_store %arg6[%swap3A_401], %swap3A_404 {strides = array<i32>} : memref<13312xi32, #tpu.memory_space<vmem>>, vector<16xi32>,
      %slice3A_405 = vector.extract_strided_slice %get3A_145 {offsets = [13], sizes = [1], strides = [1]} : vector<16xi32> to vector<1xi32>
      %squeeze3A_406 = vector.extract %slice3A_405[0] : i32 from vector<1xi32>
      %add3A_407 = vector.broadcast %squeeze3A_406 : i32 to vector<16xi32>
      %add3A_408 = arith.addi %add3A_407, %mul3A_8 : vector<16xi32>
      %add3A_409 = arith.constant 416 : i32
      %add3A_410 = arith.addi %mul3A_147, %add3A_409 : i32
      %swap3A_411 = arith.index_cast %add3A_410 : i32 to index
      %swap3A_412 = tpu.vector_load %arg6[%swap3A_411] {strides = array<i32>} : memref<13312xi32, #tpu.memory_space<vmem>>, vector<16xi32>,
      %swap3A_413 = vector.shape_cast %swap3A_412 : vector<16xi32> to vector<16xi32>
      %swap3A_414 = vector.shape_cast %add3A_408 : vector<16xi32> to vector<16xi32>
      tpu.vector_store %arg6[%swap3A_411], %swap3A_414 {strides = array<i32>} : memref<13312xi32, #tpu.memory_space<vmem>>, vector<16xi32>,
      %slice3A_415 = vector.extract_strided_slice %get3A_145 {offsets = [13], sizes = [1], strides = [1]} : vector<16xi32> to vector<1xi32>
      %squeeze3A_416 = vector.extract %slice3A_415[0] : i32 from vector<1xi32>
      %add3A_417 = vector.broadcast %squeeze3A_416 : i32 to vector<16xi32>
      %add3A_418 = arith.addi %add3A_417, %add3A_11 : vector<16xi32>
      %add3A_419 = arith.constant 432 : i32
      %add3A_420 = arith.addi %mul3A_147, %add3A_419 : i32
      %swap3A_421 = arith.index_cast %add3A_420 : i32 to index
      %swap3A_422 = tpu.vector_load %arg6[%swap3A_421] {strides = array<i32>} : memref<13312xi32, #tpu.memory_space<vmem>>, vector<16xi32>,
      %swap3A_423 = vector.shape_cast %swap3A_422 : vector<16xi32> to vector<16xi32>
      %swap3A_424 = vector.shape_cast %add3A_418 : vector<16xi32> to vector<16xi32>
      tpu.vector_store %arg6[%swap3A_421], %swap3A_424 {strides = array<i32>} : memref<13312xi32, #tpu.memory_space<vmem>>, vector<16xi32>,
      %slice3A_425 = vector.extract_strided_slice %get3A_145 {offsets = [14], sizes = [1], strides = [1]} : vector<16xi32> to vector<1xi32>
      %squeeze3A_426 = vector.extract %slice3A_425[0] : i32 from vector<1xi32>
      %add3A_427 = vector.broadcast %squeeze3A_426 : i32 to vector<16xi32>
      %add3A_428 = arith.addi %add3A_427, %mul3A_8 : vector<16xi32>
      %add3A_429 = arith.constant 448 : i32
      %add3A_430 = arith.addi %mul3A_147, %add3A_429 : i32
      %swap3A_431 = arith.index_cast %add3A_430 : i32 to index
      %swap3A_432 = tpu.vector_load %arg6[%swap3A_431] {strides = array<i32>} : memref<13312xi32, #tpu.memory_space<vmem>>, vector<16xi32>,
      %swap3A_433 = vector.shape_cast %swap3A_432 : vector<16xi32> to vector<16xi32>
      %swap3A_434 = vector.shape_cast %add3A_428 : vector<16xi32> to vector<16xi32>
      tpu.vector_store %arg6[%swap3A_431], %swap3A_434 {strides = array<i32>} : memref<13312xi32, #tpu.memory_space<vmem>>, vector<16xi32>,
      %slice3A_435 = vector.extract_strided_slice %get3A_145 {offsets = [14], sizes = [1], strides = [1]} : vector<16xi32> to vector<1xi32>
      %squeeze3A_436 = vector.extract %slice3A_435[0] : i32 from vector<1xi32>
      %add3A_437 = vector.broadcast %squeeze3A_436 : i32 to vector<16xi32>
      %add3A_438 = arith.addi %add3A_437, %add3A_11 : vector<16xi32>
      %add3A_439 = arith.constant 464 : i32
      %add3A_440 = arith.addi %mul3A_147, %add3A_439 : i32
      %swap3A_441 = arith.index_cast %add3A_440 : i32 to index
      %swap3A_442 = tpu.vector_load %arg6[%swap3A_441] {strides = array<i32>} : memref<13312xi32, #tpu.memory_space<vmem>>, vector<16xi32>,
      %swap3A_443 = vector.shape_cast %swap3A_442 : vector<16xi32> to vector<16xi32>
      %swap3A_444 = vector.shape_cast %add3A_438 : vector<16xi32> to vector<16xi32>
      tpu.vector_store %arg6[%swap3A_441], %swap3A_444 {strides = array<i32>} : memref<13312xi32, #tpu.memory_space<vmem>>, vector<16xi32>,
      %slice3A_445 = vector.extract_strided_slice %get3A_145 {offsets = [15], sizes = [1], strides = [1]} : vector<16xi32> to vector<1xi32>
      %squeeze3A_446 = vector.extract %slice3A_445[0] : i32 from vector<1xi32>
      %add3A_447 = vector.broadcast %squeeze3A_446 : i32 to vector<16xi32>
      %add3A_448 = arith.addi %add3A_447, %mul3A_8 : vector<16xi32>
      %add3A_449 = arith.constant 480 : i32
      %add3A_450 = arith.addi %mul3A_147, %add3A_449 : i32
      %swap3A_451 = arith.index_cast %add3A_450 : i32 to index
      %swap3A_452 = tpu.vector_load %arg6[%swap3A_451] {strides = array<i32>} : memref<13312xi32, #tpu.memory_space<vmem>>, vector<16xi32>,
      %swap3A_453 = vector.shape_cast %swap3A_452 : vector<16xi32> to vector<16xi32>
      %swap3A_454 = vector.shape_cast %add3A_448 : vector<16xi32> to vector<16xi32>
      tpu.vector_store %arg6[%swap3A_451], %swap3A_454 {strides = array<i32>} : memref<13312xi32, #tpu.memory_space<vmem>>, vector<16xi32>,
      %slice3A_455 = vector.extract_strided_slice %get3A_145 {offsets = [15], sizes = [1], strides = [1]} : vector<16xi32> to vector<1xi32>
      %squeeze3A_456 = vector.extract %slice3A_455[0] : i32 from vector<1xi32>
      %add3A_457 = vector.broadcast %squeeze3A_456 : i32 to vector<16xi32>
      %add3A_458 = arith.addi %add3A_457, %add3A_11 : vector<16xi32>
      %add3A_459 = arith.constant 496 : i32
      %add3A_460 = arith.addi %mul3A_147, %add3A_459 : i32
      %swap3A_461 = arith.index_cast %add3A_460 : i32 to index
      %swap3A_462 = tpu.vector_load %arg6[%swap3A_461] {strides = array<i32>} : memref<13312xi32, #tpu.memory_space<vmem>>, vector<16xi32>,
      %swap3A_463 = vector.shape_cast %swap3A_462 : vector<16xi32> to vector<16xi32>
      %swap3A_464 = vector.shape_cast %add3A_458 : vector<16xi32> to vector<16xi32>
      tpu.vector_store %arg6[%swap3A_461], %swap3A_464 {strides = array<i32>} : memref<13312xi32, #tpu.memory_space<vmem>>, vector<16xi32>,
    }
    %scan3A_65 = arith.constant 26 : i32
    %scan3A_66 = arith.constant 0 : i32
    %scan3A_67 = arith.constant 0 : i32
    %scan3A_68 = arith.constant 104 : i32
    %scan3A_69 = arith.addi %scan3A_67, %scan3A_68 : i32
    %scan3A_70 = arith.constant 1 : i32
    scf.for %scan3A_108 = %scan3A_67 to %scan3A_69 step %scan3A_70  : i32 {
      %mul3A_109 = arith.constant 128 : i32
      %mul3A_110 = arith.muli %scan3A_108, %mul3A_109 : i32
      %mul3A_111 = arith.constant 128 : i32
      %mul3A_112 = arith.muli %scan3A_108, %mul3A_111 : i32
      %dma_start3A = tpu.memref_slice %arg7[%mul3A_112] : memref<13312xf32, #tpu.memory_space<vmem>> -> memref<128xf32, #tpu.memory_space<vmem>>
      %dma_start3A_113 = tpu.memref_slice %arg6[%mul3A_110] : memref<13312xi32, #tpu.memory_space<vmem>> -> memref<128xi32, #tpu.memory_space<vmem>>
      %dma_start3A_114 = arith.constant 0 : i32
      %dma_start3A_115 = tpu.memref_slice %arg3[%dma_start3A_114] : memref<41600000xf32, #tpu.memory_space<hbm>> -> memref<41600000xf32, #tpu.memory_space<hbm>>
      tpu.enqueue_indirect_dma source(%dma_start3A_115 : memref<41600000xf32, #tpu.memory_space<hbm>>) target(%dma_start3A : memref<128xf32, #tpu.memory_space<vmem>>) offsets(%dma_start3A_113 : memref<128xi32, #tpu.memory_space<vmem>>) semaphore(%arg8 : memref<!tpu.dma_semaphore, #tpu.memory_space<semaphore_mem>>)
    }
    %scan3A_71 = arith.constant 104 : i32
    %scan3A_72 = arith.constant 0 : i32
    %scan3A_73 = arith.constant 0 : i32
    %scan3A_74 = arith.constant 104 : i32
    %scan3A_75 = arith.addi %scan3A_73, %scan3A_74 : i32
    %scan3A_76 = arith.constant 1 : i32
    scf.for %scan3A_108 = %scan3A_73 to %scan3A_75 step %scan3A_76  : i32 {
      %mul3A_109 = arith.constant 128 : i32
      %mul3A_110 = arith.muli %scan3A_108, %mul3A_109 : i32
      %mul3A_111 = arith.constant 128 : i32
      %mul3A_112 = arith.muli %scan3A_108, %mul3A_111 : i32
      %dma_wait3A = tpu.memref_slice %arg7[%mul3A_112] : memref<13312xf32, #tpu.memory_space<vmem>> -> memref<128xf32, #tpu.memory_space<vmem>>
      %dma_wait3A_113 = tpu.memref_slice %arg6[%mul3A_110] : memref<13312xi32, #tpu.memory_space<vmem>> -> memref<128xi32, #tpu.memory_space<vmem>>
      %dma_wait3A_114 = arith.constant 0 : i32
      %dma_wait3A_115 = tpu.memref_slice %arg3[%dma_wait3A_114] : memref<41600000xf32, #tpu.memory_space<hbm>> -> memref<41600000xf32, #tpu.memory_space<hbm>>
      tpu.wait_indirect_dma semaphore(%arg8 : memref<!tpu.dma_semaphore, #tpu.memory_space<semaphore_mem>>) src(%dma_wait3A_115 : memref<41600000xf32, #tpu.memory_space<hbm>>) dst(%dma_wait3A : memref<128xf32, #tpu.memory_space<vmem>>)
    }
    %scan3A_77 = arith.constant 104 : i32
    %mul3A_78 = arith.constant 1664 : i32
    %mul3A_79 = arith.muli %add3A, %mul3A_78 : i32
    %mul3A_80 = arith.constant 32 : i32
    %mul3A_81 = arith.muli %mul3A_79, %mul3A_80 : i32
    %add3A_82 = arith.constant 26624 : i32
    %add3A_83 = arith.addi %mul3A_81, %add3A_82 : i32
    "tpu.region"() ({
      %run_scoped3A = tpu.sem_alloc : memref<!tpu.dma_semaphore, #tpu.memory_space<semaphore_mem>>
      %dma_start3A = tpu.memref_slice %arg4[%add3A_83] : memref<1703936xf32, #tpu.memory_space<hbm>> -> memref<13312xf32, #tpu.memory_space<hbm>>
      %dma_start3A_108 = tpu.memref_slice %arg4[%add3A_83] : memref<1703936xf32, #tpu.memory_space<hbm>> -> memref<13312xf32, #tpu.memory_space<hbm>>
      tpu.enqueue_dma source(%arg7 : memref<13312xf32, #tpu.memory_space<vmem>>) target(%dma_start3A_108 : memref<13312xf32, #tpu.memory_space<hbm>>) target_semaphore(%run_scoped3A : memref<!tpu.dma_semaphore, #tpu.memory_space<semaphore_mem>>)
      %dma_wait3A = tpu.memref_slice %arg4[%add3A_83] : memref<1703936xf32, #tpu.memory_space<hbm>> -> memref<13312xf32, #tpu.memory_space<hbm>>
      %dma_wait3A_109 = tpu.memref_slice %arg4[%add3A_83] : memref<1703936xf32, #tpu.memory_space<hbm>> -> memref<13312xf32, #tpu.memory_space<hbm>>
      tpu.wait_dma2 semaphore(%run_scoped3A : memref<!tpu.dma_semaphore, #tpu.memory_space<semaphore_mem>>) src(%arg7 : memref<13312xf32, #tpu.memory_space<vmem>>) dst(%dma_wait3A_109 : memref<13312xf32, #tpu.memory_space<hbm>>)
      tpu.yield
    }) : () -> ()
    %scan3A_84 = arith.constant 0 : i32
    %scan3A_85 = arith.constant 0 : i32
    %scan3A_86 = arith.constant 26 : i32
    %scan3A_87 = arith.addi %scan3A_85, %scan3A_86 : i32
    %scan3A_88 = arith.constant 1 : i32
    scf.for %scan3A_108 = %scan3A_85 to %scan3A_87 step %scan3A_88  : i32 {
      %mul3A_109 = arith.constant 16 : i32
      %mul3A_110 = arith.muli %scan3A_108, %mul3A_109 : i32
      %add3A_111 = arith.constant 1248 : i32
      %add3A_112 = arith.addi %add3A_111, %mul3A_110 : i32
      %jit3A = arith.constant 128 : i32
      %div3A = arith.divsi %add3A_112, %jit3A : i32
      %sign3A = arith.constant 0 : i32
      %sign3A_113 = arith.cmpi sgt, %add3A_112, %sign3A : i32
      %sign3A_114 = arith.extui %sign3A_113 : i1 to i32
      %sign3A_115 = arith.constant 0 : i32
      %sign3A_116 = arith.cmpi slt, %add3A_112, %sign3A_115 : i32
      %sign3A_117 = arith.extui %sign3A_116 : i1 to i32
      %sign3A_118 = arith.subi %sign3A_114, %sign3A_117 : i32
      %sign3A_119 = arith.constant 0 : i32
      %sign3A_120 = arith.cmpi sgt, %jit3A, %sign3A_119 : i32
      %sign3A_121 = arith.extui %sign3A_120 : i1 to i32
      %sign3A_122 = arith.constant 0 : i32
      %sign3A_123 = arith.cmpi slt, %jit3A, %sign3A_122 : i32
      %sign3A_124 = arith.extui %sign3A_123 : i1 to i32
      %sign3A_125 = arith.subi %sign3A_121, %sign3A_124 : i32
      %ne3A = arith.cmpi ne, %sign3A_118, %sign3A_125 : i32
      %rem3A = arith.remsi %add3A_112, %jit3A : i32
      %ne3A_126 = arith.constant 0 : i32
      %ne3A_127 = arith.cmpi ne, %rem3A, %ne3A_126 : i32
      %and3A = arith.andi %ne3A, %ne3A_127 : i1
      %sub3A = arith.constant 1 : i32
      %sub3A_128 = arith.subi %div3A, %sub3A : i32
      %select_n3A = arith.select %and3A, %sub3A_128, %div3A : i32
      %jit3A_129 = arith.constant 128 : i32
      %eq3A = arith.constant 0 : i32
      %eq3A_130 = arith.cmpi eq, %jit3A_129, %eq3A : i32
      %jit3A_131 = arith.constant 1 : i32
      %select_n3A_132 = arith.select %eq3A_130, %jit3A_131, %jit3A_129 : i32
      %rem3A_133 = arith.remsi %add3A_112, %select_n3A_132 : i32
      %ne3A_134 = arith.constant 0 : i32
      %ne3A_135 = arith.cmpi ne, %rem3A_133, %ne3A_134 : i32
      %lt3A = arith.constant 0 : i32
      %lt3A_136 = arith.cmpi slt, %rem3A_133, %lt3A : i32
      %lt3A_137 = arith.constant 0 : i32
      %lt3A_138 = arith.cmpi slt, %select_n3A_132, %lt3A_137 : i32
      %ne3A_139 = arith.xori %lt3A_136, %lt3A_138 : i1
      %and3A_140 = arith.andi %ne3A_139, %ne3A_135 : i1
      %add3A_141 = arith.addi %rem3A_133, %select_n3A_132 : i32
      %select_n3A_142 = arith.select %and3A_140, %add3A_141, %rem3A_133 : i32
      %get3A = arith.index_cast %select_n3A : i32 to index
      %get3A_143 = arith.index_cast %select_n3A_142 : i32 to index
      %get3A_144 = tpu.vector_load %arg5[%get3A, %get3A_143] {strides = array<i32>} : memref<13x128xi32, #tpu.memory_space<vmem>>, vector<1x16xi32>,
      %get3A_145 = vector.shape_cast %get3A_144 : vector<1x16xi32> to vector<16xi32>
      %mul3A_146 = arith.constant 512 : i32
      %mul3A_147 = arith.muli %scan3A_108, %mul3A_146 : i32
      %slice3A = vector.extract_strided_slice %get3A_145 {offsets = [0], sizes = [1], strides = [1]} : vector<16xi32> to vector<1xi32>
      %squeeze3A = vector.extract %slice3A[0] : i32 from vector<1xi32>
      %add3A_148 = vector.broadcast %squeeze3A : i32 to vector<16xi32>
      %add3A_149 = arith.addi %add3A_148, %mul3A_8 : vector<16xi32>
      %add3A_150 = arith.constant 0 : i32
      %add3A_151 = arith.addi %mul3A_147, %add3A_150 : i32
      %swap3A = arith.index_cast %add3A_151 : i32 to index
      %swap3A_152 = tpu.vector_load %arg6[%swap3A] {strides = array<i32>} : memref<13312xi32, #tpu.memory_space<vmem>>, vector<16xi32>,
      %swap3A_153 = vector.shape_cast %swap3A_152 : vector<16xi32> to vector<16xi32>
      %swap3A_154 = vector.shape_cast %add3A_149 : vector<16xi32> to vector<16xi32>
      tpu.vector_store %arg6[%swap3A], %swap3A_154 {strides = array<i32>} : memref<13312xi32, #tpu.memory_space<vmem>>, vector<16xi32>,
      %slice3A_155 = vector.extract_strided_slice %get3A_145 {offsets = [0], sizes = [1], strides = [1]} : vector<16xi32> to vector<1xi32>
      %squeeze3A_156 = vector.extract %slice3A_155[0] : i32 from vector<1xi32>
      %add3A_157 = vector.broadcast %squeeze3A_156 : i32 to vector<16xi32>
      %add3A_158 = arith.addi %add3A_157, %add3A_11 : vector<16xi32>
      %add3A_159 = arith.constant 16 : i32
      %add3A_160 = arith.addi %mul3A_147, %add3A_159 : i32
      %swap3A_161 = arith.index_cast %add3A_160 : i32 to index
      %swap3A_162 = tpu.vector_load %arg6[%swap3A_161] {strides = array<i32>} : memref<13312xi32, #tpu.memory_space<vmem>>, vector<16xi32>,
      %swap3A_163 = vector.shape_cast %swap3A_162 : vector<16xi32> to vector<16xi32>
      %swap3A_164 = vector.shape_cast %add3A_158 : vector<16xi32> to vector<16xi32>
      tpu.vector_store %arg6[%swap3A_161], %swap3A_164 {strides = array<i32>} : memref<13312xi32, #tpu.memory_space<vmem>>, vector<16xi32>,
      %slice3A_165 = vector.extract_strided_slice %get3A_145 {offsets = [1], sizes = [1], strides = [1]} : vector<16xi32> to vector<1xi32>
      %squeeze3A_166 = vector.extract %slice3A_165[0] : i32 from vector<1xi32>
      %add3A_167 = vector.broadcast %squeeze3A_166 : i32 to vector<16xi32>
      %add3A_168 = arith.addi %add3A_167, %mul3A_8 : vector<16xi32>
      %add3A_169 = arith.constant 32 : i32
      %add3A_170 = arith.addi %mul3A_147, %add3A_169 : i32
      %swap3A_171 = arith.index_cast %add3A_170 : i32 to index
      %swap3A_172 = tpu.vector_load %arg6[%swap3A_171] {strides = array<i32>} : memref<13312xi32, #tpu.memory_space<vmem>>, vector<16xi32>,
      %swap3A_173 = vector.shape_cast %swap3A_172 : vector<16xi32> to vector<16xi32>
      %swap3A_174 = vector.shape_cast %add3A_168 : vector<16xi32> to vector<16xi32>
      tpu.vector_store %arg6[%swap3A_171], %swap3A_174 {strides = array<i32>} : memref<13312xi32, #tpu.memory_space<vmem>>, vector<16xi32>,
      %slice3A_175 = vector.extract_strided_slice %get3A_145 {offsets = [1], sizes = [1], strides = [1]} : vector<16xi32> to vector<1xi32>
      %squeeze3A_176 = vector.extract %slice3A_175[0] : i32 from vector<1xi32>
      %add3A_177 = vector.broadcast %squeeze3A_176 : i32 to vector<16xi32>
      %add3A_178 = arith.addi %add3A_177, %add3A_11 : vector<16xi32>
      %add3A_179 = arith.constant 48 : i32
      %add3A_180 = arith.addi %mul3A_147, %add3A_179 : i32
      %swap3A_181 = arith.index_cast %add3A_180 : i32 to index
      %swap3A_182 = tpu.vector_load %arg6[%swap3A_181] {strides = array<i32>} : memref<13312xi32, #tpu.memory_space<vmem>>, vector<16xi32>,
      %swap3A_183 = vector.shape_cast %swap3A_182 : vector<16xi32> to vector<16xi32>
      %swap3A_184 = vector.shape_cast %add3A_178 : vector<16xi32> to vector<16xi32>
      tpu.vector_store %arg6[%swap3A_181], %swap3A_184 {strides = array<i32>} : memref<13312xi32, #tpu.memory_space<vmem>>, vector<16xi32>,
      %slice3A_185 = vector.extract_strided_slice %get3A_145 {offsets = [2], sizes = [1], strides = [1]} : vector<16xi32> to vector<1xi32>
      %squeeze3A_186 = vector.extract %slice3A_185[0] : i32 from vector<1xi32>
      %add3A_187 = vector.broadcast %squeeze3A_186 : i32 to vector<16xi32>
      %add3A_188 = arith.addi %add3A_187, %mul3A_8 : vector<16xi32>
      %add3A_189 = arith.constant 64 : i32
      %add3A_190 = arith.addi %mul3A_147, %add3A_189 : i32
      %swap3A_191 = arith.index_cast %add3A_190 : i32 to index
      %swap3A_192 = tpu.vector_load %arg6[%swap3A_191] {strides = array<i32>} : memref<13312xi32, #tpu.memory_space<vmem>>, vector<16xi32>,
      %swap3A_193 = vector.shape_cast %swap3A_192 : vector<16xi32> to vector<16xi32>
      %swap3A_194 = vector.shape_cast %add3A_188 : vector<16xi32> to vector<16xi32>
      tpu.vector_store %arg6[%swap3A_191], %swap3A_194 {strides = array<i32>} : memref<13312xi32, #tpu.memory_space<vmem>>, vector<16xi32>,
      %slice3A_195 = vector.extract_strided_slice %get3A_145 {offsets = [2], sizes = [1], strides = [1]} : vector<16xi32> to vector<1xi32>
      %squeeze3A_196 = vector.extract %slice3A_195[0] : i32 from vector<1xi32>
      %add3A_197 = vector.broadcast %squeeze3A_196 : i32 to vector<16xi32>
      %add3A_198 = arith.addi %add3A_197, %add3A_11 : vector<16xi32>
      %add3A_199 = arith.constant 80 : i32
      %add3A_200 = arith.addi %mul3A_147, %add3A_199 : i32
      %swap3A_201 = arith.index_cast %add3A_200 : i32 to index
      %swap3A_202 = tpu.vector_load %arg6[%swap3A_201] {strides = array<i32>} : memref<13312xi32, #tpu.memory_space<vmem>>, vector<16xi32>,
      %swap3A_203 = vector.shape_cast %swap3A_202 : vector<16xi32> to vector<16xi32>
      %swap3A_204 = vector.shape_cast %add3A_198 : vector<16xi32> to vector<16xi32>
      tpu.vector_store %arg6[%swap3A_201], %swap3A_204 {strides = array<i32>} : memref<13312xi32, #tpu.memory_space<vmem>>, vector<16xi32>,
      %slice3A_205 = vector.extract_strided_slice %get3A_145 {offsets = [3], sizes = [1], strides = [1]} : vector<16xi32> to vector<1xi32>
      %squeeze3A_206 = vector.extract %slice3A_205[0] : i32 from vector<1xi32>
      %add3A_207 = vector.broadcast %squeeze3A_206 : i32 to vector<16xi32>
      %add3A_208 = arith.addi %add3A_207, %mul3A_8 : vector<16xi32>
      %add3A_209 = arith.constant 96 : i32
      %add3A_210 = arith.addi %mul3A_147, %add3A_209 : i32
      %swap3A_211 = arith.index_cast %add3A_210 : i32 to index
      %swap3A_212 = tpu.vector_load %arg6[%swap3A_211] {strides = array<i32>} : memref<13312xi32, #tpu.memory_space<vmem>>, vector<16xi32>,
      %swap3A_213 = vector.shape_cast %swap3A_212 : vector<16xi32> to vector<16xi32>
      %swap3A_214 = vector.shape_cast %add3A_208 : vector<16xi32> to vector<16xi32>
      tpu.vector_store %arg6[%swap3A_211], %swap3A_214 {strides = array<i32>} : memref<13312xi32, #tpu.memory_space<vmem>>, vector<16xi32>,
      %slice3A_215 = vector.extract_strided_slice %get3A_145 {offsets = [3], sizes = [1], strides = [1]} : vector<16xi32> to vector<1xi32>
      %squeeze3A_216 = vector.extract %slice3A_215[0] : i32 from vector<1xi32>
      %add3A_217 = vector.broadcast %squeeze3A_216 : i32 to vector<16xi32>
      %add3A_218 = arith.addi %add3A_217, %add3A_11 : vector<16xi32>
      %add3A_219 = arith.constant 112 : i32
      %add3A_220 = arith.addi %mul3A_147, %add3A_219 : i32
      %swap3A_221 = arith.index_cast %add3A_220 : i32 to index
      %swap3A_222 = tpu.vector_load %arg6[%swap3A_221] {strides = array<i32>} : memref<13312xi32, #tpu.memory_space<vmem>>, vector<16xi32>,
      %swap3A_223 = vector.shape_cast %swap3A_222 : vector<16xi32> to vector<16xi32>
      %swap3A_224 = vector.shape_cast %add3A_218 : vector<16xi32> to vector<16xi32>
      tpu.vector_store %arg6[%swap3A_221], %swap3A_224 {strides = array<i32>} : memref<13312xi32, #tpu.memory_space<vmem>>, vector<16xi32>,
      %slice3A_225 = vector.extract_strided_slice %get3A_145 {offsets = [4], sizes = [1], strides = [1]} : vector<16xi32> to vector<1xi32>
      %squeeze3A_226 = vector.extract %slice3A_225[0] : i32 from vector<1xi32>
      %add3A_227 = vector.broadcast %squeeze3A_226 : i32 to vector<16xi32>
      %add3A_228 = arith.addi %add3A_227, %mul3A_8 : vector<16xi32>
      %add3A_229 = arith.constant 128 : i32
      %add3A_230 = arith.addi %mul3A_147, %add3A_229 : i32
      %swap3A_231 = arith.index_cast %add3A_230 : i32 to index
      %swap3A_232 = tpu.vector_load %arg6[%swap3A_231] {strides = array<i32>} : memref<13312xi32, #tpu.memory_space<vmem>>, vector<16xi32>,
      %swap3A_233 = vector.shape_cast %swap3A_232 : vector<16xi32> to vector<16xi32>
      %swap3A_234 = vector.shape_cast %add3A_228 : vector<16xi32> to vector<16xi32>
      tpu.vector_store %arg6[%swap3A_231], %swap3A_234 {strides = array<i32>} : memref<13312xi32, #tpu.memory_space<vmem>>, vector<16xi32>,
      %slice3A_235 = vector.extract_strided_slice %get3A_145 {offsets = [4], sizes = [1], strides = [1]} : vector<16xi32> to vector<1xi32>
      %squeeze3A_236 = vector.extract %slice3A_235[0] : i32 from vector<1xi32>
      %add3A_237 = vector.broadcast %squeeze3A_236 : i32 to vector<16xi32>
      %add3A_238 = arith.addi %add3A_237, %add3A_11 : vector<16xi32>
      %add3A_239 = arith.constant 144 : i32
      %add3A_240 = arith.addi %mul3A_147, %add3A_239 : i32
      %swap3A_241 = arith.index_cast %add3A_240 : i32 to index
      %swap3A_242 = tpu.vector_load %arg6[%swap3A_241] {strides = array<i32>} : memref<13312xi32, #tpu.memory_space<vmem>>, vector<16xi32>,
      %swap3A_243 = vector.shape_cast %swap3A_242 : vector<16xi32> to vector<16xi32>
      %swap3A_244 = vector.shape_cast %add3A_238 : vector<16xi32> to vector<16xi32>
      tpu.vector_store %arg6[%swap3A_241], %swap3A_244 {strides = array<i32>} : memref<13312xi32, #tpu.memory_space<vmem>>, vector<16xi32>,
      %slice3A_245 = vector.extract_strided_slice %get3A_145 {offsets = [5], sizes = [1], strides = [1]} : vector<16xi32> to vector<1xi32>
      %squeeze3A_246 = vector.extract %slice3A_245[0] : i32 from vector<1xi32>
      %add3A_247 = vector.broadcast %squeeze3A_246 : i32 to vector<16xi32>
      %add3A_248 = arith.addi %add3A_247, %mul3A_8 : vector<16xi32>
      %add3A_249 = arith.constant 160 : i32
      %add3A_250 = arith.addi %mul3A_147, %add3A_249 : i32
      %swap3A_251 = arith.index_cast %add3A_250 : i32 to index
      %swap3A_252 = tpu.vector_load %arg6[%swap3A_251] {strides = array<i32>} : memref<13312xi32, #tpu.memory_space<vmem>>, vector<16xi32>,
      %swap3A_253 = vector.shape_cast %swap3A_252 : vector<16xi32> to vector<16xi32>
      %swap3A_254 = vector.shape_cast %add3A_248 : vector<16xi32> to vector<16xi32>
      tpu.vector_store %arg6[%swap3A_251], %swap3A_254 {strides = array<i32>} : memref<13312xi32, #tpu.memory_space<vmem>>, vector<16xi32>,
      %slice3A_255 = vector.extract_strided_slice %get3A_145 {offsets = [5], sizes = [1], strides = [1]} : vector<16xi32> to vector<1xi32>
      %squeeze3A_256 = vector.extract %slice3A_255[0] : i32 from vector<1xi32>
      %add3A_257 = vector.broadcast %squeeze3A_256 : i32 to vector<16xi32>
      %add3A_258 = arith.addi %add3A_257, %add3A_11 : vector<16xi32>
      %add3A_259 = arith.constant 176 : i32
      %add3A_260 = arith.addi %mul3A_147, %add3A_259 : i32
      %swap3A_261 = arith.index_cast %add3A_260 : i32 to index
      %swap3A_262 = tpu.vector_load %arg6[%swap3A_261] {strides = array<i32>} : memref<13312xi32, #tpu.memory_space<vmem>>, vector<16xi32>,
      %swap3A_263 = vector.shape_cast %swap3A_262 : vector<16xi32> to vector<16xi32>
      %swap3A_264 = vector.shape_cast %add3A_258 : vector<16xi32> to vector<16xi32>
      tpu.vector_store %arg6[%swap3A_261], %swap3A_264 {strides = array<i32>} : memref<13312xi32, #tpu.memory_space<vmem>>, vector<16xi32>,
      %slice3A_265 = vector.extract_strided_slice %get3A_145 {offsets = [6], sizes = [1], strides = [1]} : vector<16xi32> to vector<1xi32>
      %squeeze3A_266 = vector.extract %slice3A_265[0] : i32 from vector<1xi32>
      %add3A_267 = vector.broadcast %squeeze3A_266 : i32 to vector<16xi32>
      %add3A_268 = arith.addi %add3A_267, %mul3A_8 : vector<16xi32>
      %add3A_269 = arith.constant 192 : i32
      %add3A_270 = arith.addi %mul3A_147, %add3A_269 : i32
      %swap3A_271 = arith.index_cast %add3A_270 : i32 to index
      %swap3A_272 = tpu.vector_load %arg6[%swap3A_271] {strides = array<i32>} : memref<13312xi32, #tpu.memory_space<vmem>>, vector<16xi32>,
      %swap3A_273 = vector.shape_cast %swap3A_272 : vector<16xi32> to vector<16xi32>
      %swap3A_274 = vector.shape_cast %add3A_268 : vector<16xi32> to vector<16xi32>
      tpu.vector_store %arg6[%swap3A_271], %swap3A_274 {strides = array<i32>} : memref<13312xi32, #tpu.memory_space<vmem>>, vector<16xi32>,
      %slice3A_275 = vector.extract_strided_slice %get3A_145 {offsets = [6], sizes = [1], strides = [1]} : vector<16xi32> to vector<1xi32>
      %squeeze3A_276 = vector.extract %slice3A_275[0] : i32 from vector<1xi32>
      %add3A_277 = vector.broadcast %squeeze3A_276 : i32 to vector<16xi32>
      %add3A_278 = arith.addi %add3A_277, %add3A_11 : vector<16xi32>
      %add3A_279 = arith.constant 208 : i32
      %add3A_280 = arith.addi %mul3A_147, %add3A_279 : i32
      %swap3A_281 = arith.index_cast %add3A_280 : i32 to index
      %swap3A_282 = tpu.vector_load %arg6[%swap3A_281] {strides = array<i32>} : memref<13312xi32, #tpu.memory_space<vmem>>, vector<16xi32>,
      %swap3A_283 = vector.shape_cast %swap3A_282 : vector<16xi32> to vector<16xi32>
      %swap3A_284 = vector.shape_cast %add3A_278 : vector<16xi32> to vector<16xi32>
      tpu.vector_store %arg6[%swap3A_281], %swap3A_284 {strides = array<i32>} : memref<13312xi32, #tpu.memory_space<vmem>>, vector<16xi32>,
      %slice3A_285 = vector.extract_strided_slice %get3A_145 {offsets = [7], sizes = [1], strides = [1]} : vector<16xi32> to vector<1xi32>
      %squeeze3A_286 = vector.extract %slice3A_285[0] : i32 from vector<1xi32>
      %add3A_287 = vector.broadcast %squeeze3A_286 : i32 to vector<16xi32>
      %add3A_288 = arith.addi %add3A_287, %mul3A_8 : vector<16xi32>
      %add3A_289 = arith.constant 224 : i32
      %add3A_290 = arith.addi %mul3A_147, %add3A_289 : i32
      %swap3A_291 = arith.index_cast %add3A_290 : i32 to index
      %swap3A_292 = tpu.vector_load %arg6[%swap3A_291] {strides = array<i32>} : memref<13312xi32, #tpu.memory_space<vmem>>, vector<16xi32>,
      %swap3A_293 = vector.shape_cast %swap3A_292 : vector<16xi32> to vector<16xi32>
      %swap3A_294 = vector.shape_cast %add3A_288 : vector<16xi32> to vector<16xi32>
      tpu.vector_store %arg6[%swap3A_291], %swap3A_294 {strides = array<i32>} : memref<13312xi32, #tpu.memory_space<vmem>>, vector<16xi32>,
      %slice3A_295 = vector.extract_strided_slice %get3A_145 {offsets = [7], sizes = [1], strides = [1]} : vector<16xi32> to vector<1xi32>
      %squeeze3A_296 = vector.extract %slice3A_295[0] : i32 from vector<1xi32>
      %add3A_297 = vector.broadcast %squeeze3A_296 : i32 to vector<16xi32>
      %add3A_298 = arith.addi %add3A_297, %add3A_11 : vector<16xi32>
      %add3A_299 = arith.constant 240 : i32
      %add3A_300 = arith.addi %mul3A_147, %add3A_299 : i32
      %swap3A_301 = arith.index_cast %add3A_300 : i32 to index
      %swap3A_302 = tpu.vector_load %arg6[%swap3A_301] {strides = array<i32>} : memref<13312xi32, #tpu.memory_space<vmem>>, vector<16xi32>,
      %swap3A_303 = vector.shape_cast %swap3A_302 : vector<16xi32> to vector<16xi32>
      %swap3A_304 = vector.shape_cast %add3A_298 : vector<16xi32> to vector<16xi32>
      tpu.vector_store %arg6[%swap3A_301], %swap3A_304 {strides = array<i32>} : memref<13312xi32, #tpu.memory_space<vmem>>, vector<16xi32>,
      %slice3A_305 = vector.extract_strided_slice %get3A_145 {offsets = [8], sizes = [1], strides = [1]} : vector<16xi32> to vector<1xi32>
      %squeeze3A_306 = vector.extract %slice3A_305[0] : i32 from vector<1xi32>
      %add3A_307 = vector.broadcast %squeeze3A_306 : i32 to vector<16xi32>
      %add3A_308 = arith.addi %add3A_307, %mul3A_8 : vector<16xi32>
      %add3A_309 = arith.constant 256 : i32
      %add3A_310 = arith.addi %mul3A_147, %add3A_309 : i32
      %swap3A_311 = arith.index_cast %add3A_310 : i32 to index
      %swap3A_312 = tpu.vector_load %arg6[%swap3A_311] {strides = array<i32>} : memref<13312xi32, #tpu.memory_space<vmem>>, vector<16xi32>,
      %swap3A_313 = vector.shape_cast %swap3A_312 : vector<16xi32> to vector<16xi32>
      %swap3A_314 = vector.shape_cast %add3A_308 : vector<16xi32> to vector<16xi32>
      tpu.vector_store %arg6[%swap3A_311], %swap3A_314 {strides = array<i32>} : memref<13312xi32, #tpu.memory_space<vmem>>, vector<16xi32>,
      %slice3A_315 = vector.extract_strided_slice %get3A_145 {offsets = [8], sizes = [1], strides = [1]} : vector<16xi32> to vector<1xi32>
      %squeeze3A_316 = vector.extract %slice3A_315[0] : i32 from vector<1xi32>
      %add3A_317 = vector.broadcast %squeeze3A_316 : i32 to vector<16xi32>
      %add3A_318 = arith.addi %add3A_317, %add3A_11 : vector<16xi32>
      %add3A_319 = arith.constant 272 : i32
      %add3A_320 = arith.addi %mul3A_147, %add3A_319 : i32
      %swap3A_321 = arith.index_cast %add3A_320 : i32 to index
      %swap3A_322 = tpu.vector_load %arg6[%swap3A_321] {strides = array<i32>} : memref<13312xi32, #tpu.memory_space<vmem>>, vector<16xi32>,
      %swap3A_323 = vector.shape_cast %swap3A_322 : vector<16xi32> to vector<16xi32>
      %swap3A_324 = vector.shape_cast %add3A_318 : vector<16xi32> to vector<16xi32>
      tpu.vector_store %arg6[%swap3A_321], %swap3A_324 {strides = array<i32>} : memref<13312xi32, #tpu.memory_space<vmem>>, vector<16xi32>,
      %slice3A_325 = vector.extract_strided_slice %get3A_145 {offsets = [9], sizes = [1], strides = [1]} : vector<16xi32> to vector<1xi32>
      %squeeze3A_326 = vector.extract %slice3A_325[0] : i32 from vector<1xi32>
      %add3A_327 = vector.broadcast %squeeze3A_326 : i32 to vector<16xi32>
      %add3A_328 = arith.addi %add3A_327, %mul3A_8 : vector<16xi32>
      %add3A_329 = arith.constant 288 : i32
      %add3A_330 = arith.addi %mul3A_147, %add3A_329 : i32
      %swap3A_331 = arith.index_cast %add3A_330 : i32 to index
      %swap3A_332 = tpu.vector_load %arg6[%swap3A_331] {strides = array<i32>} : memref<13312xi32, #tpu.memory_space<vmem>>, vector<16xi32>,
      %swap3A_333 = vector.shape_cast %swap3A_332 : vector<16xi32> to vector<16xi32>
      %swap3A_334 = vector.shape_cast %add3A_328 : vector<16xi32> to vector<16xi32>
      tpu.vector_store %arg6[%swap3A_331], %swap3A_334 {strides = array<i32>} : memref<13312xi32, #tpu.memory_space<vmem>>, vector<16xi32>,
      %slice3A_335 = vector.extract_strided_slice %get3A_145 {offsets = [9], sizes = [1], strides = [1]} : vector<16xi32> to vector<1xi32>
      %squeeze3A_336 = vector.extract %slice3A_335[0] : i32 from vector<1xi32>
      %add3A_337 = vector.broadcast %squeeze3A_336 : i32 to vector<16xi32>
      %add3A_338 = arith.addi %add3A_337, %add3A_11 : vector<16xi32>
      %add3A_339 = arith.constant 304 : i32
      %add3A_340 = arith.addi %mul3A_147, %add3A_339 : i32
      %swap3A_341 = arith.index_cast %add3A_340 : i32 to index
      %swap3A_342 = tpu.vector_load %arg6[%swap3A_341] {strides = array<i32>} : memref<13312xi32, #tpu.memory_space<vmem>>, vector<16xi32>,
      %swap3A_343 = vector.shape_cast %swap3A_342 : vector<16xi32> to vector<16xi32>
      %swap3A_344 = vector.shape_cast %add3A_338 : vector<16xi32> to vector<16xi32>
      tpu.vector_store %arg6[%swap3A_341], %swap3A_344 {strides = array<i32>} : memref<13312xi32, #tpu.memory_space<vmem>>, vector<16xi32>,
      %slice3A_345 = vector.extract_strided_slice %get3A_145 {offsets = [10], sizes = [1], strides = [1]} : vector<16xi32> to vector<1xi32>
      %squeeze3A_346 = vector.extract %slice3A_345[0] : i32 from vector<1xi32>
      %add3A_347 = vector.broadcast %squeeze3A_346 : i32 to vector<16xi32>
      %add3A_348 = arith.addi %add3A_347, %mul3A_8 : vector<16xi32>
      %add3A_349 = arith.constant 320 : i32
      %add3A_350 = arith.addi %mul3A_147, %add3A_349 : i32
      %swap3A_351 = arith.index_cast %add3A_350 : i32 to index
      %swap3A_352 = tpu.vector_load %arg6[%swap3A_351] {strides = array<i32>} : memref<13312xi32, #tpu.memory_space<vmem>>, vector<16xi32>,
      %swap3A_353 = vector.shape_cast %swap3A_352 : vector<16xi32> to vector<16xi32>
      %swap3A_354 = vector.shape_cast %add3A_348 : vector<16xi32> to vector<16xi32>
      tpu.vector_store %arg6[%swap3A_351], %swap3A_354 {strides = array<i32>} : memref<13312xi32, #tpu.memory_space<vmem>>, vector<16xi32>,
      %slice3A_355 = vector.extract_strided_slice %get3A_145 {offsets = [10], sizes = [1], strides = [1]} : vector<16xi32> to vector<1xi32>
      %squeeze3A_356 = vector.extract %slice3A_355[0] : i32 from vector<1xi32>
      %add3A_357 = vector.broadcast %squeeze3A_356 : i32 to vector<16xi32>
      %add3A_358 = arith.addi %add3A_357, %add3A_11 : vector<16xi32>
      %add3A_359 = arith.constant 336 : i32
      %add3A_360 = arith.addi %mul3A_147, %add3A_359 : i32
      %swap3A_361 = arith.index_cast %add3A_360 : i32 to index
      %swap3A_362 = tpu.vector_load %arg6[%swap3A_361] {strides = array<i32>} : memref<13312xi32, #tpu.memory_space<vmem>>, vector<16xi32>,
      %swap3A_363 = vector.shape_cast %swap3A_362 : vector<16xi32> to vector<16xi32>
      %swap3A_364 = vector.shape_cast %add3A_358 : vector<16xi32> to vector<16xi32>
      tpu.vector_store %arg6[%swap3A_361], %swap3A_364 {strides = array<i32>} : memref<13312xi32, #tpu.memory_space<vmem>>, vector<16xi32>,
      %slice3A_365 = vector.extract_strided_slice %get3A_145 {offsets = [11], sizes = [1], strides = [1]} : vector<16xi32> to vector<1xi32>
      %squeeze3A_366 = vector.extract %slice3A_365[0] : i32 from vector<1xi32>
      %add3A_367 = vector.broadcast %squeeze3A_366 : i32 to vector<16xi32>
      %add3A_368 = arith.addi %add3A_367, %mul3A_8 : vector<16xi32>
      %add3A_369 = arith.constant 352 : i32
      %add3A_370 = arith.addi %mul3A_147, %add3A_369 : i32
      %swap3A_371 = arith.index_cast %add3A_370 : i32 to index
      %swap3A_372 = tpu.vector_load %arg6[%swap3A_371] {strides = array<i32>} : memref<13312xi32, #tpu.memory_space<vmem>>, vector<16xi32>,
      %swap3A_373 = vector.shape_cast %swap3A_372 : vector<16xi32> to vector<16xi32>
      %swap3A_374 = vector.shape_cast %add3A_368 : vector<16xi32> to vector<16xi32>
      tpu.vector_store %arg6[%swap3A_371], %swap3A_374 {strides = array<i32>} : memref<13312xi32, #tpu.memory_space<vmem>>, vector<16xi32>,
      %slice3A_375 = vector.extract_strided_slice %get3A_145 {offsets = [11], sizes = [1], strides = [1]} : vector<16xi32> to vector<1xi32>
      %squeeze3A_376 = vector.extract %slice3A_375[0] : i32 from vector<1xi32>
      %add3A_377 = vector.broadcast %squeeze3A_376 : i32 to vector<16xi32>
      %add3A_378 = arith.addi %add3A_377, %add3A_11 : vector<16xi32>
      %add3A_379 = arith.constant 368 : i32
      %add3A_380 = arith.addi %mul3A_147, %add3A_379 : i32
      %swap3A_381 = arith.index_cast %add3A_380 : i32 to index
      %swap3A_382 = tpu.vector_load %arg6[%swap3A_381] {strides = array<i32>} : memref<13312xi32, #tpu.memory_space<vmem>>, vector<16xi32>,
      %swap3A_383 = vector.shape_cast %swap3A_382 : vector<16xi32> to vector<16xi32>
      %swap3A_384 = vector.shape_cast %add3A_378 : vector<16xi32> to vector<16xi32>
      tpu.vector_store %arg6[%swap3A_381], %swap3A_384 {strides = array<i32>} : memref<13312xi32, #tpu.memory_space<vmem>>, vector<16xi32>,
      %slice3A_385 = vector.extract_strided_slice %get3A_145 {offsets = [12], sizes = [1], strides = [1]} : vector<16xi32> to vector<1xi32>
      %squeeze3A_386 = vector.extract %slice3A_385[0] : i32 from vector<1xi32>
      %add3A_387 = vector.broadcast %squeeze3A_386 : i32 to vector<16xi32>
      %add3A_388 = arith.addi %add3A_387, %mul3A_8 : vector<16xi32>
      %add3A_389 = arith.constant 384 : i32
      %add3A_390 = arith.addi %mul3A_147, %add3A_389 : i32
      %swap3A_391 = arith.index_cast %add3A_390 : i32 to index
      %swap3A_392 = tpu.vector_load %arg6[%swap3A_391] {strides = array<i32>} : memref<13312xi32, #tpu.memory_space<vmem>>, vector<16xi32>,
      %swap3A_393 = vector.shape_cast %swap3A_392 : vector<16xi32> to vector<16xi32>
      %swap3A_394 = vector.shape_cast %add3A_388 : vector<16xi32> to vector<16xi32>
      tpu.vector_store %arg6[%swap3A_391], %swap3A_394 {strides = array<i32>} : memref<13312xi32, #tpu.memory_space<vmem>>, vector<16xi32>,
      %slice3A_395 = vector.extract_strided_slice %get3A_145 {offsets = [12], sizes = [1], strides = [1]} : vector<16xi32> to vector<1xi32>
      %squeeze3A_396 = vector.extract %slice3A_395[0] : i32 from vector<1xi32>
      %add3A_397 = vector.broadcast %squeeze3A_396 : i32 to vector<16xi32>
      %add3A_398 = arith.addi %add3A_397, %add3A_11 : vector<16xi32>
      %add3A_399 = arith.constant 400 : i32
      %add3A_400 = arith.addi %mul3A_147, %add3A_399 : i32
      %swap3A_401 = arith.index_cast %add3A_400 : i32 to index
      %swap3A_402 = tpu.vector_load %arg6[%swap3A_401] {strides = array<i32>} : memref<13312xi32, #tpu.memory_space<vmem>>, vector<16xi32>,
      %swap3A_403 = vector.shape_cast %swap3A_402 : vector<16xi32> to vector<16xi32>
      %swap3A_404 = vector.shape_cast %add3A_398 : vector<16xi32> to vector<16xi32>
      tpu.vector_store %arg6[%swap3A_401], %swap3A_404 {strides = array<i32>} : memref<13312xi32, #tpu.memory_space<vmem>>, vector<16xi32>,
      %slice3A_405 = vector.extract_strided_slice %get3A_145 {offsets = [13], sizes = [1], strides = [1]} : vector<16xi32> to vector<1xi32>
      %squeeze3A_406 = vector.extract %slice3A_405[0] : i32 from vector<1xi32>
      %add3A_407 = vector.broadcast %squeeze3A_406 : i32 to vector<16xi32>
      %add3A_408 = arith.addi %add3A_407, %mul3A_8 : vector<16xi32>
      %add3A_409 = arith.constant 416 : i32
      %add3A_410 = arith.addi %mul3A_147, %add3A_409 : i32
      %swap3A_411 = arith.index_cast %add3A_410 : i32 to index
      %swap3A_412 = tpu.vector_load %arg6[%swap3A_411] {strides = array<i32>} : memref<13312xi32, #tpu.memory_space<vmem>>, vector<16xi32>,
      %swap3A_413 = vector.shape_cast %swap3A_412 : vector<16xi32> to vector<16xi32>
      %swap3A_414 = vector.shape_cast %add3A_408 : vector<16xi32> to vector<16xi32>
      tpu.vector_store %arg6[%swap3A_411], %swap3A_414 {strides = array<i32>} : memref<13312xi32, #tpu.memory_space<vmem>>, vector<16xi32>,
      %slice3A_415 = vector.extract_strided_slice %get3A_145 {offsets = [13], sizes = [1], strides = [1]} : vector<16xi32> to vector<1xi32>
      %squeeze3A_416 = vector.extract %slice3A_415[0] : i32 from vector<1xi32>
      %add3A_417 = vector.broadcast %squeeze3A_416 : i32 to vector<16xi32>
      %add3A_418 = arith.addi %add3A_417, %add3A_11 : vector<16xi32>
      %add3A_419 = arith.constant 432 : i32
      %add3A_420 = arith.addi %mul3A_147, %add3A_419 : i32
      %swap3A_421 = arith.index_cast %add3A_420 : i32 to index
      %swap3A_422 = tpu.vector_load %arg6[%swap3A_421] {strides = array<i32>} : memref<13312xi32, #tpu.memory_space<vmem>>, vector<16xi32>,
      %swap3A_423 = vector.shape_cast %swap3A_422 : vector<16xi32> to vector<16xi32>
      %swap3A_424 = vector.shape_cast %add3A_418 : vector<16xi32> to vector<16xi32>
      tpu.vector_store %arg6[%swap3A_421], %swap3A_424 {strides = array<i32>} : memref<13312xi32, #tpu.memory_space<vmem>>, vector<16xi32>,
      %slice3A_425 = vector.extract_strided_slice %get3A_145 {offsets = [14], sizes = [1], strides = [1]} : vector<16xi32> to vector<1xi32>
      %squeeze3A_426 = vector.extract %slice3A_425[0] : i32 from vector<1xi32>
      %add3A_427 = vector.broadcast %squeeze3A_426 : i32 to vector<16xi32>
      %add3A_428 = arith.addi %add3A_427, %mul3A_8 : vector<16xi32>
      %add3A_429 = arith.constant 448 : i32
      %add3A_430 = arith.addi %mul3A_147, %add3A_429 : i32
      %swap3A_431 = arith.index_cast %add3A_430 : i32 to index
      %swap3A_432 = tpu.vector_load %arg6[%swap3A_431] {strides = array<i32>} : memref<13312xi32, #tpu.memory_space<vmem>>, vector<16xi32>,
      %swap3A_433 = vector.shape_cast %swap3A_432 : vector<16xi32> to vector<16xi32>
      %swap3A_434 = vector.shape_cast %add3A_428 : vector<16xi32> to vector<16xi32>
      tpu.vector_store %arg6[%swap3A_431], %swap3A_434 {strides = array<i32>} : memref<13312xi32, #tpu.memory_space<vmem>>, vector<16xi32>,
      %slice3A_435 = vector.extract_strided_slice %get3A_145 {offsets = [14], sizes = [1], strides = [1]} : vector<16xi32> to vector<1xi32>
      %squeeze3A_436 = vector.extract %slice3A_435[0] : i32 from vector<1xi32>
      %add3A_437 = vector.broadcast %squeeze3A_436 : i32 to vector<16xi32>
      %add3A_438 = arith.addi %add3A_437, %add3A_11 : vector<16xi32>
      %add3A_439 = arith.constant 464 : i32
      %add3A_440 = arith.addi %mul3A_147, %add3A_439 : i32
      %swap3A_441 = arith.index_cast %add3A_440 : i32 to index
      %swap3A_442 = tpu.vector_load %arg6[%swap3A_441] {strides = array<i32>} : memref<13312xi32, #tpu.memory_space<vmem>>, vector<16xi32>,
      %swap3A_443 = vector.shape_cast %swap3A_442 : vector<16xi32> to vector<16xi32>
      %swap3A_444 = vector.shape_cast %add3A_438 : vector<16xi32> to vector<16xi32>
      tpu.vector_store %arg6[%swap3A_441], %swap3A_444 {strides = array<i32>} : memref<13312xi32, #tpu.memory_space<vmem>>, vector<16xi32>,
      %slice3A_445 = vector.extract_strided_slice %get3A_145 {offsets = [15], sizes = [1], strides = [1]} : vector<16xi32> to vector<1xi32>
      %squeeze3A_446 = vector.extract %slice3A_445[0] : i32 from vector<1xi32>
      %add3A_447 = vector.broadcast %squeeze3A_446 : i32 to vector<16xi32>
      %add3A_448 = arith.addi %add3A_447, %mul3A_8 : vector<16xi32>
      %add3A_449 = arith.constant 480 : i32
      %add3A_450 = arith.addi %mul3A_147, %add3A_449 : i32
      %swap3A_451 = arith.index_cast %add3A_450 : i32 to index
      %swap3A_452 = tpu.vector_load %arg6[%swap3A_451] {strides = array<i32>} : memref<13312xi32, #tpu.memory_space<vmem>>, vector<16xi32>,
      %swap3A_453 = vector.shape_cast %swap3A_452 : vector<16xi32> to vector<16xi32>
      %swap3A_454 = vector.shape_cast %add3A_448 : vector<16xi32> to vector<16xi32>
      tpu.vector_store %arg6[%swap3A_451], %swap3A_454 {strides = array<i32>} : memref<13312xi32, #tpu.memory_space<vmem>>, vector<16xi32>,
      %slice3A_455 = vector.extract_strided_slice %get3A_145 {offsets = [15], sizes = [1], strides = [1]} : vector<16xi32> to vector<1xi32>
      %squeeze3A_456 = vector.extract %slice3A_455[0] : i32 from vector<1xi32>
      %add3A_457 = vector.broadcast %squeeze3A_456 : i32 to vector<16xi32>
      %add3A_458 = arith.addi %add3A_457, %add3A_11 : vector<16xi32>
      %add3A_459 = arith.constant 496 : i32
      %add3A_460 = arith.addi %mul3A_147, %add3A_459 : i32
      %swap3A_461 = arith.index_cast %add3A_460 : i32 to index
      %swap3A_462 = tpu.vector_load %arg6[%swap3A_461] {strides = array<i32>} : memref<13312xi32, #tpu.memory_space<vmem>>, vector<16xi32>,
      %swap3A_463 = vector.shape_cast %swap3A_462 : vector<16xi32> to vector<16xi32>
      %swap3A_464 = vector.shape_cast %add3A_458 : vector<16xi32> to vector<16xi32>
      tpu.vector_store %arg6[%swap3A_461], %swap3A_464 {strides = array<i32>} : memref<13312xi32, #tpu.memory_space<vmem>>, vector<16xi32>,
    }
    %scan3A_89 = arith.constant 26 : i32
    %scan3A_90 = arith.constant 0 : i32
    %scan3A_91 = arith.constant 0 : i32
    %scan3A_92 = arith.constant 104 : i32
    %scan3A_93 = arith.addi %scan3A_91, %scan3A_92 : i32
    %scan3A_94 = arith.constant 1 : i32
    scf.for %scan3A_108 = %scan3A_91 to %scan3A_93 step %scan3A_94  : i32 {
      %mul3A_109 = arith.constant 128 : i32
      %mul3A_110 = arith.muli %scan3A_108, %mul3A_109 : i32
      %mul3A_111 = arith.constant 128 : i32
      %mul3A_112 = arith.muli %scan3A_108, %mul3A_111 : i32
      %dma_start3A = tpu.memref_slice %arg7[%mul3A_112] : memref<13312xf32, #tpu.memory_space<vmem>> -> memref<128xf32, #tpu.memory_space<vmem>>
      %dma_start3A_113 = tpu.memref_slice %arg6[%mul3A_110] : memref<13312xi32, #tpu.memory_space<vmem>> -> memref<128xi32, #tpu.memory_space<vmem>>
      %dma_start3A_114 = arith.constant 0 : i32
      %dma_start3A_115 = tpu.memref_slice %arg3[%dma_start3A_114] : memref<41600000xf32, #tpu.memory_space<hbm>> -> memref<41600000xf32, #tpu.memory_space<hbm>>
      tpu.enqueue_indirect_dma source(%dma_start3A_115 : memref<41600000xf32, #tpu.memory_space<hbm>>) target(%dma_start3A : memref<128xf32, #tpu.memory_space<vmem>>) offsets(%dma_start3A_113 : memref<128xi32, #tpu.memory_space<vmem>>) semaphore(%arg8 : memref<!tpu.dma_semaphore, #tpu.memory_space<semaphore_mem>>)
    }
    %scan3A_95 = arith.constant 104 : i32
    %scan3A_96 = arith.constant 0 : i32
    %scan3A_97 = arith.constant 0 : i32
    %scan3A_98 = arith.constant 104 : i32
    %scan3A_99 = arith.addi %scan3A_97, %scan3A_98 : i32
    %scan3A_100 = arith.constant 1 : i32
    scf.for %scan3A_108 = %scan3A_97 to %scan3A_99 step %scan3A_100  : i32 {
      %mul3A_109 = arith.constant 128 : i32
      %mul3A_110 = arith.muli %scan3A_108, %mul3A_109 : i32
      %mul3A_111 = arith.constant 128 : i32
      %mul3A_112 = arith.muli %scan3A_108, %mul3A_111 : i32
      %dma_wait3A = tpu.memref_slice %arg7[%mul3A_112] : memref<13312xf32, #tpu.memory_space<vmem>> -> memref<128xf32, #tpu.memory_space<vmem>>
      %dma_wait3A_113 = tpu.memref_slice %arg6[%mul3A_110] : memref<13312xi32, #tpu.memory_space<vmem>> -> memref<128xi32, #tpu.memory_space<vmem>>
      %dma_wait3A_114 = arith.constant 0 : i32
      %dma_wait3A_115 = tpu.memref_slice %arg3[%dma_wait3A_114] : memref<41600000xf32, #tpu.memory_space<hbm>> -> memref<41600000xf32, #tpu.memory_space<hbm>>
      tpu.wait_indirect_dma semaphore(%arg8 : memref<!tpu.dma_semaphore, #tpu.memory_space<semaphore_mem>>) src(%dma_wait3A_115 : memref<41600000xf32, #tpu.memory_space<hbm>>) dst(%dma_wait3A : memref<128xf32, #tpu.memory_space<vmem>>)
    }
    %scan3A_101 = arith.constant 104 : i32
    %mul3A_102 = arith.constant 1664 : i32
    %mul3A_103 = arith.muli %add3A, %mul3A_102 : i32
    %mul3A_104 = arith.constant 32 : i32
    %mul3A_105 = arith.muli %mul3A_103, %mul3A_104 : i32
    %add3A_106 = arith.constant 39936 : i32
    %add3A_107 = arith.addi %mul3A_105, %add3A_106 : i32
    "tpu.region"() ({
      %run_scoped3A = tpu.sem_alloc : memref<!tpu.dma_semaphore, #tpu.memory_space<semaphore_mem>>
      %dma_start3A = tpu.memref_slice %arg4[%add3A_107] : memref<1703936xf32, #tpu.memory_space<hbm>> -> memref<13312xf32, #tpu.memory_space<hbm>>
      %dma_start3A_108 = tpu.memref_slice %arg4[%add3A_107] : memref<1703936xf32, #tpu.memory_space<hbm>> -> memref<13312xf32, #tpu.memory_space<hbm>>
      tpu.enqueue_dma source(%arg7 : memref<13312xf32, #tpu.memory_space<vmem>>) target(%dma_start3A_108 : memref<13312xf32, #tpu.memory_space<hbm>>) target_semaphore(%run_scoped3A : memref<!tpu.dma_semaphore, #tpu.memory_space<semaphore_mem>>)
      %dma_wait3A = tpu.memref_slice %arg4[%add3A_107] : memref<1703936xf32, #tpu.memory_space<hbm>> -> memref<13312xf32, #tpu.memory_space<hbm>>
      %dma_wait3A_109 = tpu.memref_slice %arg4[%add3A_107] : memref<1703936xf32, #tpu.memory_space<hbm>> -> memref<13312xf32, #tpu.memory_space<hbm>>
      tpu.wait_dma2 semaphore(%run_scoped3A : memref<!tpu.dma_semaphore, #tpu.memory_space<semaphore_mem>>) src(%arg7 : memref<13312xf32, #tpu.memory_space<vmem>>) dst(%dma_wait3A_109 : memref<13312xf32, #tpu.memory_space<hbm>>)
      tpu.yield
    }) : () -> ()
    return
  }
}

</mosaic_0001>

<sc_bundles>
// kernel: _sc_gather2.4.cloned.1.call-start
scs
__scs_entry_jumppad:
0x0: {  	(pc) =	sbr.rel $0x88, $3  }
0x1: {  	(tag) =	ssettag $0x0;
	lr =	simm.s32 $0x1  }
0x2: {  	[smem:$0x3F9D] =	sst lr;
	_ =	strace $0xD0000000  }
0x3: {  	_ = 	snop  }
0x4: {  	_ = 	snop  }
0x5: {  	_ = 	snop  }
0x6: {  	_ = 	snop  }
0x7: {  	_ = 	snop  }
__scs_overlays_trampoline_lowered:
0x8: {  	[smem:$0x3FAC] =	sst s0  }
0x9: {  	[smem:$0x3FAD] =	sst s1  }
0xa: {  	[smem:$0x3FAE] =	sst s2  }
0xb: {  	[smem:$0x3FAF] =	sst s3  }
0xc: {  	[smem:$0x3FB0] =	sst s4  }
0xd: {  	[smem:$0x3FB1] =	sst s5  }
0xe: {  	[smem:$0x3FB2] =	sst s6  }
0xf: {  	[smem:$0x3FB3] =	sst s7  }
0x10: {  	[smem:$0x3FB4] =	sst s8  }
0x11: {  	[smem:$0x3FB5] =	sst s9;
	s0 =	simm.s32 @!p0 $0x0  }
0x12: {  	s1 =	sld [smem:$0x3F9B];
	s0 =	simm.s32 @p0 $0x1  }
0x13: {  	[smem:$0x3FB6] =	sst s0;
	s0 =	simm.s32 @!p1 $0x0  }
0x14: {  	s2 =	sld [smem:$0x3F9A];
	s0 =	simm.s32 @p1 $0x1  }
0x15: {  	[smem:$0x3FB7] =	sst s0;
	s0 =	simm.s32 @!p2 $0x0  }
0x16: {  	s3 =	sld [smem:$0x3FDB];
	s0 =	simm.s32 @p2 $0x1  }
0x17: {  	s4 =	simm.s32 $0x1BF5;
	[smem:$0x3FB9] =	sst s0  }
0x18: {  	s0 =	sld [smem:$0x3F9C];
	_ =	swait.ge [sflag:s4], $0x0  }
0x19: {  	s7 =	sld [smem:$0x3F9D]  }
0x1a: {  	s8 =	sadd.s32 $0xFFFFE003, lr  }
0x1b: {  	s9 =	sadd.s32 $0xFFFFFEF7, lr;
	s5 =	simm.s32 $0xFFFFFFFF;
	p2 =	slt.u32 s8, $0xFFFFF086  }
0x1c: {  	p1 =	slt.u32 s9, $0xF7A;
	s5 =	simm.s32 @!p2 $0x0  }
0x1d: {  	s5 =	simm.s32 @p1 $0x1;
	p0 =	seq.s32 s7, s2  }
0x1e: {  	s7 =	smul.u32 @!p0 $0xF7A, s2;
	p2 =	seq.s32 @!p0 s5, $0x0  }
0x1f: {  	s9 =	smul.u32 $0xF7A, s1;
	s8 =	simm.s32 @!p0 $0x1BF5;
	p2 =	por !p2, p0  }
0x20: {  	[sflag:s8] =	ssyncset.s32 @!p0 $0xFFFFF086;
	s6 =	sadd.s32 @!p0 s3, s7;
	s7 =	simm.s32 @!p0 $0x108  }
0x21: {  	s3 =	sadd.s32 s3, s9;
	s6 =	sadd.s32 @!p0 $0x88, s6;
	s7 =	simm.s32 @p2 $0x1082  }
0x22: {  	[simem:s7], [sflag:s8] =	dma.local @!p0 [hbm:s6], $0xF7A  }
0x23: {  	s9 =	sor.u32 $0xD0000000, s2;
	s6 =	simm.s32 $0x108;
	_ =	swait.ge @!p0 [sflag:s8], $0x0  }
0x24: {  	s3 =	sadd.s32 $0x88, s3;
	s6 =	simm.s32 @!p1 $0x1082;
	[sflag:s4] =	ssyncset.s32 $0xFFFFF086  }
0x25: {  	[simem:s6], [sflag:s4] =	dma.local [hbm:s3], $0xF7A  }
0x26: {  	[smem:$0x3F9D] =	sst s1;
	(tag) =	ssettag s2;
	_ =	strace s9  }
0x27: {  	s1 =	sld [smem:$0x3FAD]  }
0x28: {  	s2 =	sld [smem:$0x3FAE]  }
0x29: {  	s4 =	sld [smem:$0x3FB0]  }
0x2a: {  	p0 =	seq.s32 s5, $0x0;
	s5 =	sld [smem:$0x3FB1]  }
0x2b: {  	s6 =	sld [smem:$0x3FB2]  }
0x2c: {  	s7 =	sld [smem:$0x3FB3]  }
0x2d: {  	s3 =	simm.s32 $0x108;
	s8 =	sld [smem:$0x3FB4]  }
0x2e: {  	s3 =	simm.s32 @!p0 $0x1082;
	s9 =	sld [smem:$0x3FB5]  }
0x2f: {  	lr =	sadd.s32 s0, s3;
	s0 =	sld [smem:$0x3FAC]  }
0x30: {  	s3 =	sld [smem:$0x3FAF]  }
0x31: {  	[smem:$0x3FB8] =	sst s10  }
0x32: {  	s10 =	sld [smem:$0x3FB6];
	_ =	sdelay $0x3  }
0x33: {  	p0 =	seq.s32 s10, $0x1;
	s10 =	sld [smem:$0x3FB8];
	_ =	sdelay $0x3  }
0x34: {  	[smem:$0x3FB8] =	sst s10  }
0x35: {  	s10 =	sld [smem:$0x3FB7];
	_ =	sdelay $0x3  }
0x36: {  	p1 =	seq.s32 s10, $0x1;
	s10 =	sld [smem:$0x3FB8];
	_ =	sdelay $0x3  }
0x37: {  	[smem:$0x3FB8] =	sst s10  }
0x38: {  	s10 =	sld [smem:$0x3FB9]  }
0x39: {  	_ = 	snop;
	(pc) =	sbr.ind lr, $3  }
0x3a: {  	_ = 	snop  }
0x3b: {  	_ = 	snop  }
0x3c: {  	p2 =	seq.s32 s10, $0x1;
	s10 =	sld [smem:$0x3FB8]  }
0x3d: {  	_ =	shalt  }
0x3e: {  	_ =	shalt  }
0x3f: {  	_ =	shalt  }
0x40: {  	_ =	shalt  }
0x41: {  	_ =	shalt  }
0x42: {  	_ =	shalt  }
0x43: {  	_ =	shalt  }
0x44: {  	_ =	shalt  }
0x45: {  	_ =	shalt  }
0x46: {  	_ =	shalt  }
0x47: {  	_ =	shalt  }
0x48: {  	_ =	shalt  }
0x49: {  	_ =	shalt  }
0x4a: {  	_ =	shalt  }
0x4b: {  	_ =	shalt  }
0x4c: {  	_ =	shalt  }
0x4d: {  	_ =	shalt  }
0x4e: {  	_ =	shalt  }
0x4f: {  	_ =	shalt  }
0x50: {  	_ =	shalt  }
0x51: {  	_ =	shalt  }
0x52: {  	_ =	shalt  }
0x53: {  	_ =	shalt  }
0x54: {  	_ =	shalt  }
0x55: {  	_ =	shalt  }
0x56: {  	_ =	shalt  }
0x57: {  	_ =	shalt  }
0x58: {  	_ =	shalt  }
0x59: {  	_ =	shalt  }
0x5a: {  	_ =	shalt  }
0x5b: {  	_ =	shalt  }
0x5c: {  	_ =	shalt  }
0x5d: {  	_ =	shalt  }
0x5e: {  	_ =	shalt  }
0x5f: {  	_ =	shalt  }
0x60: {  	_ =	shalt  }
0x61: {  	_ =	shalt  }
0x62: {  	_ =	shalt  }
0x63: {  	_ =	shalt  }
0x64: {  	_ =	shalt  }
0x65: {  	_ =	shalt  }
0x66: {  	_ =	shalt  }
0x67: {  	_ =	shalt  }
0x68: {  	_ =	shalt  }
0x69: {  	_ =	shalt  }
0x6a: {  	_ =	shalt  }
0x6b: {  	_ =	shalt  }
0x6c: {  	_ =	shalt  }
0x6d: {  	_ =	shalt  }
0x6e: {  	_ =	shalt  }
0x6f: {  	_ =	shalt  }
0x70: {  	_ =	shalt  }
0x71: {  	_ =	shalt  }
0x72: {  	_ =	shalt  }
0x73: {  	_ =	shalt  }
0x74: {  	_ =	shalt  }
0x75: {  	_ =	shalt  }
0x76: {  	_ =	shalt  }
0x77: {  	_ =	shalt  }
0x78: {  	_ =	shalt  }
0x79: {  	_ =	shalt  }
0x7a: {  	_ =	shalt  }
0x7b: {  	_ =	shalt  }
0x7c: {  	_ =	shalt  }
0x7d: {  	_ =	shalt  }
0x7e: {  	_ =	shalt  }
0x7f: {  	_ =	shalt  }
0x80: {  	_ =	shalt  }
0x81: {  	_ =	shalt  }
0x82: {  	_ =	shalt  }
0x83: {  	_ =	shalt  }
0x84: {  	_ =	shalt  }
0x85: {  	_ =	shalt  }
0x86: {  	_ =	shalt  }
0x87: {  	_ =	shalt  }
.Lfunc_end0:
.L_simem_size_0:
called_computation_lowered:
.L_overlay_start_0:
0x88: {  	s2 =	sld [smem:$0x3FD9]  }
0x89: {  	s3 =	sld [smem:$0x3FFE];
	_ =	sdelay $0x1  }
0x8a: {  	s1 =	srdreg.scid  }
0x8b: {  	s0 =	sand.u32 $0x1, s1  }
0x8c: {  	s15 =	sshll.u32 s0, $0xA;
	s2 =	sadd.s32 s3, s2  }
0x8d: {  	s2 =	sadd.s32 s2, s15  }
0x8e: {  	[smem:$0x3FC4] =	sst s2  }
0x8f: {  	_ = 	snop  }
0x90: {  	s16 =	sld [smem:$0x3FD0];
	_ =	sdelay $0x2  }
0x91: {  	s4 =	simm.s32 $0xB;
	s5 =	simm.s32 $0x10;
	s2 =	sld [smem:$0x3FC7]  }
0x92: {  	[smem:s5], [sflag:s4] =	dma.local [hbm:s16], $0x1  }
0x93: {  	_ =	swait.eq [sflag:s4], $0x1  }
0x94: {  	[sflag:s4] =	ssyncset.done $0x0  }
0x95: {  	[sflag:s4] =	ssyncadd.s32 $0xFFFFFFFF  }
0x96: {  	s17 =	sld [smem:$0x10];
	(tm) =	ssettm $0x1  }
0x97: {  	s18 =	sld [smem:$0x3FFB];
	_ =	sdelay $0x3  }
0x98: {  	_ =	strace s18  }
0x99: {  	s3 =	sld [smem:$0x3FFC];
	_ =	sdelay $0x3  }
0x9a: {  	_ =	strace s3  }
0x9b: {  	s3 =	sld [smem:$0x3FFD];
	_ =	sdelay $0x3  }
0x9c: {  	_ =	strace s3  }
0x9d: {  	_ =	strace $0x8FFFFFFF  }
0x9e: {  	s19 =	sld [smem:$0x3FDB];
	_ =	sdelay $0x1  }
0x9f: {  	s20 =	simm.s32 $_scs_section_size  }
0xa0: {  	s6 =	simm.s32 $_size__tile_overlayer_lowered;
	s7 =	simm.s32 $_tile_overlayer_lowered  }
0xa1: {  	s8 =	simm.s32 $0x1BFF;
	s21 =	sshll.u32 s7, $0x1;
	s5 =	sadd.s32 s20, s19  }
0xa2: {  	s22 =	simm.s32 $0x0;
	s6 =	sshll.u32 s6, $0x1;
	s7 =	sadd.s32 s21, s5  }
0xa3: {  	[timem:s22], [sflag:s8] =	dma.local [hbm:s7], s6  }
0xa4: {  	_ =	swait.ge [sflag:s8], s6  }
0xa5: {  	s6 =	ssub.s32 $0x0, s6;
	[sflag:s8] =	ssyncset.done $0x0  }
0xa6: {  	[sflag:s8] =	ssyncadd.s32 s6;
	_ =	sdelay $0x1  }
0xa7: {  	s23 =	simm.s32 $0x1B8B  }
0xa8: {  	_ =	swait.ge [sflag:s23], $0x1  }
0xa9: {  	[sflag:s23] =	ssyncset.done $0x0  }
0xaa: {  	[sflag:s23] =	ssyncadd.s32 $0xFFFFFFFF  }
0xab: {  	s6 =	sld [smem:$0x0]  }
0xac: {  	s7 =	sand.u32 $0xFFFFFFFE, s1  }
0xad: {  	p0 =	sne.s32 s1, s7  }
0xae: {  	s7 =	sshll.u32 @p0 s7, $0xE  }
0xaf: {  	s7 =	sadd.s32 @p0 $0x11B8D, s7;
	s8 =	sshll.u32 @p0 s6, $0x11  }
0xb0: {  	s7 =	sor.u32 @p0 s8, s7  }
0xb1: {  	[sflag:s7] =	ssyncadd.remote.s32 @p0 $0x1;
	_ =	sdelay $0x1  }
0xb2: {  	s7 =	simm.s32 @p0 $0x1B8D  }
0xb3: {  	_ =	swait.eq @p0 [sflag:s7], $0x1  }
0xb4: {  	[sflag:s7] =	ssyncadd.s32 @p0 $0xFFFFFFFF  }
0xb5: {  	s8 =	sshll.u32 @!p0 s1, $0xE  }
0xb6: {  	s8 =	sor.u32 @!p0 $0x4000, s8;
	s7 =	simm.s32 @!p0 $0x1B8D  }
0xb7: {  	s6 =	sshll.u32 @!p0 s6, $0x11;
	s8 =	sadd.s32 @!p0 $0x11B8D, s8;
	_ =	swait.eq @!p0 [sflag:s7], $0x1  }
0xb8: {  	s6 =	sor.u32 @!p0 s6, s8;
	[sflag:s7] =	ssyncadd.s32 @!p0 $0xFFFFFFFF  }
0xb9: {  	s25 =	simm.s32 $0x1B8E;
	s24 =	sld [smem:$0x3FFE];
	[sflag:s6] =	ssyncadd.remote.s32 @!p0 $0x1  }
0xba: {  	s26 =	simm.s32 $execute0_lowered;
	[smem:$0x3FD2] =	sst s25  }
0xbb: {  	s7 =	sshll.u32 s26, $0x1;
	_ =	strace $0x80000049;
	[dreg:$0x1] =	wrdreg $0xFFFFFFFF  }
0xbc: {  	s28 =	simm.s32 $_size_execute0_lowered;
	s5 =	sadd.s32 s5, s7;
	[dreg:$0x0] =	wrdreg $0x0  }
0xbd: {  	s7 =	sshll.u32 s28, $0x1;
	[dreg:$0x2] =	wrdreg s5  }
0xbe: {  	[dreg:$0x3] =	wrdreg s7  }
0xbf: {  	[dreg:$0x4] =	wrdreg $0xC0  }
0xc0: {  	_ =	task [dreg:s22], $0x5FFFF  }
0xc1: {  	[dreg:$0x1] =	wrdreg $0xFFFFFFFF  }
0xc2: {  	[dreg:$0x0] =	wrdreg $0x60  }
0xc3: {  	[dreg:$0x2] =	wrdreg s24  }
0xc4: {  	[dreg:$0x3] =	wrdreg s2  }
0xc5: {  	[dreg:$0x4] =	wrdreg s17  }
0xc6: {  	[dreg:$0x5] =	wrdreg $0x9  }
0xc7: {  	_ =	task.clear_ibuf [dreg:s22], $0x6FFFF;
	_ =	strace $0x90000049  }
0xc8: {  	s29 =	simm.s32 $0x9;
	_ =	strace $0x8000004B  }
0xc9: {  	_ =	swait.ge [sflag:s29], $0x1  }
0xca: {  	[sflag:s29] =	ssyncadd.s32 $0xFFFFFFFF  }
0xcb: {  	_ =	strace $0x9000004B  }
0xcc: {  	_ =	sfence  }
0xcd: {  	s30 =	sld [smem:$0x0];
	_ =	sdelay $0x2  }
0xce: {  	s31 =	sshll.u32 s1, $0xD;
	s1 =	sshrl.u32 s1, $0x2  }
0xcf: {  	s4 =	sand.u32 $0x4000, s31;
	s1 =	sadd.s32 s1, s30  }
0xd0: {  	s0 =	sor.u32 s4, s0;
	s1 =	sshll.u32 s1, $0x11  }
0xd1: {  	s0 =	sor.u32 s1, s0  }
0xd2: {  	s0 =	sadd.s32 $0x8F2B, s0  }
0xd3: {  	[sflag:s0] =	ssyncadd.remote.s32 $0x1  }
0xd4: {  	_ =	sfence.sel $0xFFFF  }
0xd5: {  	[dreg:$0x0] =	wrdreg $0xFFFFFFFF;
	(pc) =	sbr.abs _section_cstart, $3  }
0xd6: {  	[dreg:$0x1] =	wrdreg $0xFFFFFFFF  }
0xd7: {  	_ =	task.clear_ibuf [dreg:s22], $0x2FFFF;
	_ =	strace $0x9FFFFFFF  }
0xd8: {  	(tm) =	ssettm $0x7FFFFFFF  }
0xd9: {  	_ =	shalt  }
tec
execute0_lowered:
.L_overlay_start_1:
0x0: {  	(tag) =	ssettag $0x1  }
0x1: {  	s4 =	rddreg [dreg:$0x0]  }
0x2: {  	s1 =	srdreg.scid;
	s2 =	rddreg [dreg:$0x1]  }
0x3: {  	s0 =	stileid.u32;
	s6 =	rddreg [dreg:$0x2];
	s3 =	simm.s32 $0x0  }
0x4: {  	s10 =	simm.s32 $0x2;
	s5 =	sand.u32 $0x1, s1;
	s30 =	sshll.u32 s0, $0x1  }
0x5: {  	s11 =	simm.s32 $0x80;
	s12 =	simm.s32 $0x1;
	s7 =	sor.u32 s5, s30  }
0x6: {  	s13 =	simm.s32 $0x3A80;
	s14 =	simm.s32 $0x0;
	s8 =	smul.u32 $0xD0, s7  }
0x7: {  	[smem:$0x7FF] =	sst s3;
	s5 =	ssub.s32 $0x2, s5;
	s7 =	smul.u32 $0xD000, s7  }
0x8: {  	v0 =	vlaneseq.u32;
	s1 =	rddreg [dreg:$0x3];
	_ =	strace $0x8000004A;
	s31 =	sshrl.u32 s5, $0x1  }
0x9: {  	v1 =	vmul.u32 $0x186A0, v0;
	s9 =	ssub.s32 s5, s31;
	s4 =	sadd.s32 s8, s4;
	s7 =	sshrl.u32 s7, $0x3  }
0xa: {  	s9 =	smax.u32 s9, $0x1;
	s4 =	sadd.s32 $0x2400, s4;
	s5 =	sadd.s32 s6, s7  }
0xb: {  	v2 =	vadd.s32 $0x186A00, v1;
	s6 =	sadd.s32 $0x680, s5;
	s7 =	sadd.s32 $0xD00, s5;
	s8 =	sadd.s32 $0x1380, s5  }
.LBB2_1:
0xc: {  	v3 =	vor.u32 s3, v0  }
0xd: {  	v4 =	vmulhi.u32 $0x4EC4EC4F, v3  }
0xe: {  	[tilespmem:s3], [sflag:$0x2] =	stream.linear.gather [hbm4b:s4+s3], $0x680, $0x38;
	[tilespmem:$0x6E80] =	vst v63  }
0xf: {  	_ =	swait.ge [sflag:s10], $0x680;
	v4 =	vshrl.u32 v4, $0x2  }
0x10: {  	[sflag:s10] =	ssyncset.done $0x0;
	v4 =	vmul.u32 $0xD, v4  }
0x11: {  	s16 =	sand.u32 $0x7F0, s3;
	[sflag:s10] =	ssyncadd.s32 $0xFFFFF980  }
0x12: {  	v5 =	vsub.s32 v3, v4;
	v4 =	vld [tilespmem:s16+$0x0];
	_ =	sdelay $0x1  }
0x13: {  	s15 =	simm.s32 $0x10  }
0x14: {  	s17 =	simm.s32 $0x20;
	v3 =	vor.u32 s15, v0;
	v5 =	vmul.u32 $0x30D400, v5  }
.LBB2_2:
0x15: {  	p0 =	sne.s32 s17, $0x670;
	v6 =	vmulhi.u32 $0x4EC4EC4F, v3  }
0x16: {  	v4 =	vadd.s32 v5, v4  }
.Ltmp0:
0x17: {  	v5 =	vshrl.u32 v6, $0x2;
	[tilespmem:s16+$0x0] =	vst v4;
	s16 =	sand.u32 $0x7F0, s15;
	s15 =	smov.u32 s17;
	(pc) =	sbr.rel @p0 .LBB2_2-.Ltmp0, $3  }
0x18: {  	v5 =	vmul.u32 $0xD, v5;
	v4 =	vld [tilespmem:s16+$0x0];
	_ =	sdelay $0x1  }
0x19: {  	v5 =	vsub.s32 v3, v5  }
0x1a: {  	s17 =	sadd.s32 $0x10, s17;
	v3 =	vor.u32 s15, v0;
	v5 =	vmul.u32 $0x30D400, v5  }
0x1b: {  	v6 =	vmulhi.u32 $0x4EC4EC4F, v3  }
0x1c: {  	v4 =	vadd.s32 v5, v4  }
0x1d: {  	s17 =	sand.u32 $0x7F0, s15;
	v5 =	vshrl.u32 v6, $0x2;
	[tilespmem:s16+$0x0] =	vst v4  }
0x1e: {  	v4 =	vmul.u32 $0xD, v5;
	v5 =	vld [tilespmem:s17+$0x0];
	_ =	sdelay $0x1  }
0x1f: {  	v3 =	vsub.s32 v3, v4  }
0x20: {  	s15 =	simm.s32 $0x0;
	v3 =	vmul.u32 $0x30D400, v3  }
0x21: {  	s30 =	sand.u32 $0x600, s15  }
0x22: {  	s18 =	sand.u32 $0x70, s15;
	s16 =	sshrl.u32 s30, $0x2;
	v3 =	vadd.s32 v3, v5  }
0x23: {  	s16 =	sor.u32 s18, s16;
	[tilespmem:s17+$0x0] =	vst v3  }
0x24: {  	v3 =	vld [tilespmem:s16+$0x0];
	_ =	sdelay $0x4  }
0x25: {  	v4 =	vbroadcast v3, $0x0;
	_ =	sdelay $0x1  }
0x26: {  	s16 =	simm.s32 $0x780;
	v5 =	vbroadcast v3, $0x1;
	v6 =	vadd.s32 v1, v4  }
0x27: {  	v4 =	vadd.s32 v2, v4;
	[tilespmem:s16+$0xFFFFFF00] =	vst v6  }
0x28: {  	v7 =	vadd.s32 v1, v5;
	v6 =	vbroadcast v3, $0x2;
	[tilespmem:s16+$0xFFFFFF10] =	vst v4  }
0x29: {  	v4 =	vadd.s32 v2, v5;
	[tilespmem:s16+$0xFFFFFF20] =	vst v7  }
0x2a: {  	v5 =	vbroadcast v3, $0x3;
	[tilespmem:s16+$0xFFFFFF30] =	vst v4;
	v7 =	vadd.s32 v1, v6  }
0x2b: {  	v4 =	vadd.s32 v2, v6;
	[tilespmem:s16+$0xFFFFFF40] =	vst v7  }
0x2c: {  	v6 =	vadd.s32 v1, v5;
	v7 =	vbroadcast v3, $0x4;
	[tilespmem:s16+$0xFFFFFF50] =	vst v4  }
0x2d: {  	v4 =	vadd.s32 v2, v5;
	[tilespmem:s16+$0xFFFFFF60] =	vst v6  }
0x2e: {  	v5 =	vbroadcast v3, $0x5;
	[tilespmem:s16+$0xFFFFFF70] =	vst v4;
	v6 =	vadd.s32 v1, v7  }
0x2f: {  	v4 =	vadd.s32 v2, v7;
	[tilespmem:s16+$0xFFFFFF80] =	vst v6  }
0x30: {  	v7 =	vadd.s32 v1, v5;
	v6 =	vbroadcast v3, $0x6;
	[tilespmem:s16+$0xFFFFFF90] =	vst v4  }
0x31: {  	v4 =	vadd.s32 v2, v5;
	[tilespmem:s16+$0xFFFFFFA0] =	vst v7  }
0x32: {  	v5 =	vbroadcast v3, $0x7;
	[tilespmem:s16+$0xFFFFFFB0] =	vst v4;
	v7 =	vadd.s32 v1, v6  }
0x33: {  	v4 =	vadd.s32 v2, v6;
	[tilespmem:s16+$0xFFFFFFC0] =	vst v7  }
0x34: {  	v6 =	vadd.s32 v1, v5;
	v7 =	vbroadcast v3, $0x8;
	[tilespmem:s16+$0xFFFFFFD0] =	vst v4  }
0x35: {  	v4 =	vadd.s32 v2, v5;
	[tilespmem:s16+$0xFFFFFFE0] =	vst v6  }
0x36: {  	v5 =	vbroadcast v3, $0x9;
	[tilespmem:s16+$0xFFFFFFF0] =	vst v4;
	v6 =	vadd.s32 v1, v7  }
0x37: {  	v4 =	vadd.s32 v2, v7;
	[tilespmem:s16+$0x0] =	vst v6  }
0x38: {  	v7 =	vadd.s32 v1, v5;
	v6 =	vbroadcast v3, $0xA;
	[tilespmem:s16+$0x10] =	vst v4  }
0x39: {  	v4 =	vadd.s32 v2, v5;
	[tilespmem:s16+$0x20] =	vst v7  }
0x3a: {  	v5 =	vbroadcast v3, $0xB;
	[tilespmem:s16+$0x30] =	vst v4;
	v7 =	vadd.s32 v1, v6  }
0x3b: {  	v4 =	vadd.s32 v2, v6;
	[tilespmem:s16+$0x40] =	vst v7  }
0x3c: {  	v6 =	vadd.s32 v1, v5;
	v7 =	vbroadcast v3, $0xC;
	[tilespmem:s16+$0x50] =	vst v4  }
0x3d: {  	v4 =	vadd.s32 v2, v5;
	[tilespmem:s16+$0x60] =	vst v6  }
0x3e: {  	v5 =	vbroadcast v3, $0xD;
	[tilespmem:s16+$0x70] =	vst v4;
	v6 =	vadd.s32 v1, v7  }
0x3f: {  	v4 =	vadd.s32 v2, v7;
	[tilespmem:s16+$0x80] =	vst v6  }
0x40: {  	v7 =	vadd.s32 v1, v5;
	v6 =	vbroadcast v3, $0xE;
	[tilespmem:s16+$0x90] =	vst v4  }
0x41: {  	v4 =	vadd.s32 v2, v5;
	[tilespmem:s16+$0xA0] =	vst v7  }
0x42: {  	v3 =	vbroadcast v3, $0xF;
	[tilespmem:s16+$0xB0] =	vst v4;
	v5 =	vadd.s32 v1, v6  }
0x43: {  	s31 =	simm.s32 $0x40;
	v6 =	vadd.s32 v2, v6;
	[tilespmem:s16+$0xC0] =	vst v5  }
0x44: {  	s19 =	sand.u32 $0x600, s31;
	s18 =	simm.s32 $0x10;
	s17 =	simm.s32 $0x80;
	v4 =	vadd.s32 v1, v3;
	v3 =	vadd.s32 v2, v3;
	[tilespmem:s16+$0xD0] =	vst v6  }
.LBB2_4:
0x45: {  	p0 =	sne.s32 s17, $0x640;
	s20 =	sand.u32 $0x70, s18;
	s19 =	sshrl.u32 s19, $0x2;
	[tilespmem:s16+$0xE0] =	vst v4  }
0x46: {  	s19 =	sor.u32 s20, s19;
	[tilespmem:s16+$0xF0] =	vst v3  }
0x47: {  	v3 =	vld [tilespmem:s19+$0x0];
	_ =	sdelay $0x4  }
0x48: {  	v4 =	vbroadcast v3, $0x0;
	v5 =	vbroadcast v3, $0x1  }
0x49: {  	v6 =	vbroadcast v3, $0x2;
	v7 =	vbroadcast v3, $0x3  }
0x4a: {  	s16 =	sadd.s32 $0x200, s16;
	v8 =	vadd.s32 v1, v4;
	v4 =	vadd.s32 v2, v4;
	v9 =	vadd.s32 v1, v5  }
0x4b: {  	v5 =	vadd.s32 v2, v5;
	[tilespmem:s16+$0xFFFFFF00] =	vst v8;
	v8 =	vadd.s32 v1, v6;
	v6 =	vadd.s32 v2, v6  }
0x4c: {  	v10 =	vbroadcast v3, $0x4;
	[tilespmem:s16+$0xFFFFFF10] =	vst v4;
	v4 =	vadd.s32 v1, v7;
	v7 =	vadd.s32 v2, v7  }
0x4d: {  	v11 =	vbroadcast v3, $0x6;
	[tilespmem:s16+$0xFFFFFF20] =	vst v9;
	v9 =	vbroadcast v3, $0x5  }
0x4e: {  	v12 =	vbroadcast v3, $0x7;
	[tilespmem:s16+$0xFFFFFF30] =	vst v5;
	v5 =	vadd.s32 v1, v10;
	v10 =	vadd.s32 v2, v10  }
0x4f: {  	v13 =	vadd.s32 v1, v11;
	[tilespmem:s16+$0xFFFFFF40] =	vst v8;
	v8 =	vadd.s32 v1, v9;
	v9 =	vadd.s32 v2, v9  }
0x50: {  	[tilespmem:s16+$0xFFFFFF50] =	vst v6;
	v6 =	vadd.s32 v2, v11;
	v11 =	vadd.s32 v1, v12;
	v12 =	vadd.s32 v2, v12  }
0x51: {  	v14 =	vbroadcast v3, $0x9;
	[tilespmem:s16+$0xFFFFFF60] =	vst v4;
	v4 =	vbroadcast v3, $0x8  }
0x52: {  	v15 =	vbroadcast v3, $0xB;
	[tilespmem:s16+$0xFFFFFF70] =	vst v7;
	v7 =	vbroadcast v3, $0xA  }
0x53: {  	v17 =	vadd.s32 v1, v14;
	[tilespmem:s16+$0xFFFFFF80] =	vst v5;
	v5 =	vadd.s32 v1, v4;
	v16 =	vadd.s32 v2, v4  }
0x54: {  	[tilespmem:s16+$0xFFFFFF90] =	vst v10;
	v10 =	vadd.s32 v2, v14;
	v14 =	vadd.s32 v1, v7;
	v7 =	vadd.s32 v2, v7  }
0x55: {  	v4 =	vbroadcast v3, $0xC;
	[tilespmem:s16+$0xFFFFFFA0] =	vst v8;
	v8 =	vadd.s32 v1, v15;
	v15 =	vadd.s32 v2, v15  }
0x56: {  	v18 =	vbroadcast v3, $0xE;
	[tilespmem:s16+$0xFFFFFFB0] =	vst v9;
	v9 =	vbroadcast v3, $0xD  }
0x57: {  	v19 =	vadd.s32 v2, v4;
	v3 =	vbroadcast v3, $0xF;
	[tilespmem:s16+$0xFFFFFFC0] =	vst v13;
	v13 =	vadd.s32 v1, v4  }
0x58: {  	v20 =	vadd.s32 v1, v18;
	[tilespmem:s16+$0xFFFFFFD0] =	vst v6;
	v6 =	vadd.s32 v1, v9;
	v9 =	vadd.s32 v2, v9  }
0x59: {  	v4 =	vadd.s32 v1, v3;
	v3 =	vadd.s32 v2, v3;
	[tilespmem:s16+$0xFFFFFFE0] =	vst v11;
	v11 =	vadd.s32 v2, v18  }
0x5a: {  	[tilespmem:s16+$0xFFFFFFF0] =	vst v12  }
0x5b: {  	[tilespmem:s16+$0x0] =	vst v5  }
0x5c: {  	[tilespmem:s16+$0x10] =	vst v16  }
0x5d: {  	[tilespmem:s16+$0x20] =	vst v17  }
0x5e: {  	[tilespmem:s16+$0x30] =	vst v10  }
0x5f: {  	[tilespmem:s16+$0x40] =	vst v14  }
0x60: {  	[tilespmem:s16+$0x50] =	vst v7  }
0x61: {  	[tilespmem:s16+$0x60] =	vst v8  }
0x62: {  	[tilespmem:s16+$0x70] =	vst v15  }
0x63: {  	[tilespmem:s16+$0x80] =	vst v13  }
.Ltmp1:
0x64: {  	[tilespmem:s16+$0x90] =	vst v19;
	(pc) =	sbr.rel @p0 .LBB2_4-.Ltmp1, $4  }
0x65: {  	[tilespmem:s16+$0xA0] =	vst v6  }
0x66: {  	[tilespmem:s16+$0xB0] =	vst v9  }
0x67: {  	[tilespmem:s16+$0xC0] =	vst v20  }
0x68: {  	s18 =	sadd.s32 $0x10, s18;
	s19 =	sand.u32 $0x600, s17;
	s17 =	sadd.s32 $0x40, s17;
	[tilespmem:s16+$0xD0] =	vst v11  }
0x69: {  	s17 =	sand.u32 $0x70, s18;
	s30 =	sshrl.u32 s19, $0x2;
	[tilespmem:s16+$0xE0] =	vst v4  }
0x6a: {  	[tilespmem:s16+$0xF0] =	vst v3;
	s17 =	sor.u32 s17, s30  }
0x6b: {  	v3 =	vld [tilespmem:s17+$0x0];
	_ =	sdelay $0x4  }
0x6c: {  	v22 =	vbroadcast v3, $0x0;
	_ =	sdelay $0x1  }
0x6d: {  	s31 =	sadd.s32 $0x200, s16;
	v5 =	vbroadcast v3, $0x1;
	v6 =	vadd.s32 v1, v22  }
0x6e: {  	v4 =	vadd.s32 v2, v22;
	[tilespmem:s31+$0xFFFFFF00] =	vst v6  }
0x6f: {  	v23 =	vbroadcast v3, $0x2;
	v7 =	vadd.s32 v1, v5;
	[tilespmem:s31+$0xFFFFFF10] =	vst v4  }
0x70: {  	v24 =	vadd.s32 v2, v5;
	[tilespmem:s31+$0xFFFFFF20] =	vst v7  }
0x71: {  	v25 =	vbroadcast v3, $0x3;
	v26 =	vadd.s32 v1, v23;
	[tilespmem:s31+$0xFFFFFF30] =	vst v24  }
0x72: {  	v27 =	vadd.s32 v2, v23;
	[tilespmem:s31+$0xFFFFFF40] =	vst v26  }
0x73: {  	v29 =	vbroadcast v3, $0x4;
	v28 =	vadd.s32 v1, v25;
	[tilespmem:s31+$0xFFFFFF50] =	vst v27  }
0x74: {  	v30 =	vadd.s32 v2, v25;
	[tilespmem:s31+$0xFFFFFF60] =	vst v28  }
0x75: {  	v31 =	vbroadcast v3, $0x5;
	v32 =	vadd.s32 v1, v29;
	[tilespmem:s31+$0xFFFFFF70] =	vst v30  }
0x76: {  	v33 =	vadd.s32 v2, v29;
	[tilespmem:s31+$0xFFFFFF80] =	vst v32  }
0x77: {  	v34 =	vbroadcast v3, $0x6;
	v35 =	vadd.s32 v1, v31;
	[tilespmem:s31+$0xFFFFFF90] =	vst v33  }
0x78: {  	v36 =	vadd.s32 v2, v31;
	[tilespmem:s31+$0xFFFFFFA0] =	vst v35  }
0x79: {  	v37 =	vbroadcast v3, $0x7;
	v38 =	vadd.s32 v1, v34;
	[tilespmem:s31+$0xFFFFFFB0] =	vst v36  }
0x7a: {  	v39 =	vadd.s32 v2, v34;
	[tilespmem:s31+$0xFFFFFFC0] =	vst v38  }
0x7b: {  	v41 =	vbroadcast v3, $0x8;
	v40 =	vadd.s32 v1, v37;
	[tilespmem:s31+$0xFFFFFFD0] =	vst v39  }
0x7c: {  	v42 =	vadd.s32 v2, v37;
	[tilespmem:s31+$0xFFFFFFE0] =	vst v40  }
0x7d: {  	v43 =	vbroadcast v3, $0x9;
	v44 =	vadd.s32 v1, v41;
	[tilespmem:s31+$0xFFFFFFF0] =	vst v42  }
0x7e: {  	v45 =	vadd.s32 v2, v41;
	[tilespmem:s31+$0x0] =	vst v44  }
0x7f: {  	v46 =	vbroadcast v3, $0xA;
	v47 =	vadd.s32 v1, v43;
	[tilespmem:s31+$0x10] =	vst v45  }
0x80: {  	v48 =	vadd.s32 v2, v43;
	[tilespmem:s31+$0x20] =	vst v47  }
0x81: {  	v49 =	vbroadcast v3, $0xB;
	v50 =	vadd.s32 v1, v46;
	[tilespmem:s31+$0x30] =	vst v48  }
0x82: {  	v51 =	vadd.s32 v2, v46;
	[tilespmem:s31+$0x40] =	vst v50  }
0x83: {  	v53 =	vbroadcast v3, $0xC;
	v52 =	vadd.s32 v1, v49;
	[tilespmem:s31+$0x50] =	vst v51  }
0x84: {  	v54 =	vadd.s32 v2, v49;
	[tilespmem:s31+$0x60] =	vst v52  }
0x85: {  	v55 =	vbroadcast v3, $0xD;
	v56 =	vadd.s32 v1, v53;
	[tilespmem:s31+$0x70] =	vst v54  }
0x86: {  	v57 =	vadd.s32 v2, v53;
	[tilespmem:s31+$0x80] =	vst v56  }
0x87: {  	v58 =	vbroadcast v3, $0xE;
	v59 =	vadd.s32 v1, v55;
	[tilespmem:s31+$0x90] =	vst v57  }
0x88: {  	v60 =	vadd.s32 v2, v55;
	[tilespmem:s31+$0xA0] =	vst v59  }
0x89: {  	v3 =	vbroadcast v3, $0xF;
	v61 =	vadd.s32 v1, v58;
	[tilespmem:s31+$0xB0] =	vst v60  }
0x8a: {  	v62 =	vadd.s32 v2, v58;
	[tilespmem:s31+$0xC0] =	vst v61  }
0x8b: {  	v63 =	vadd.s32 v1, v3;
	[tilespmem:s31+$0xD0] =	vst v62  }
0x8c: {  	v3 =	vadd.s32 v2, v3;
	[tilespmem:s31+$0xE0] =	vst v63  }
0x8d: {  	[tilespmem:s31+$0xF0] =	vst v3  }
.LBB2_6:
0x8e: {  	p0 =	sne.s32 s15, $0xCE00  }
.Ltmp2:
0x8f: {  	_ = 	snop;
	(pc) =	sbr.rel @p0 .LBB2_6-.Ltmp2, $4  }
0x90: {  	_ = 	snop  }
0x91: {  	s16 =	sshra.s32 s15, $0x2  }
0x92: {  	s15 =	sadd.s32 $0x200, s15;
	s17 =	sadd.s32 $0x3A80, s16;
	s16 =	sadd.s32 $0x680, s16  }
0x93: {  	[tilespmem:s17], [sflag:$0x1] =	stream.indirect.gather [hbm4b:s2+s11], $0x1, s16, s11, $0xb8;
	[tilespmem:$0x6E80] =	vst v63  }
0x94: {  	_ =	swait.ge [sflag:s12], $0x80  }
0x95: {  	s15 =	simm.s32 $0x67;
	[sflag:s12] =	ssyncset.done $0x0  }
.LBB2_8:
0x96: {  	p0 =	sne.s32 s15, $0x1;
	s15 =	sadd.s32 $0xFFFFFFFF, s15;
	[sflag:s12] =	ssyncadd.s32 $0xFFFFFF80  }
.Ltmp3:
0x97: {  	(pc) =	sbr.rel @p0 .LBB2_8-.Ltmp3, $3  }
0x98: {  	_ =	sdelay $0x1  }
0x99: {  	_ =	swait.ge [sflag:s12], $0x80  }
0x9a: {  	[sflag:s12] =	ssyncset.done $0x0  }
0x9b: {  	[sflag:s12] =	ssyncadd.s32 $0xFFFFFF80;
	s15 =	simm.s32 $0x680  }
0x9c: {  	[hbm4b:s5+s3] =	stream.linear.scatter [tilespmem:s13], [sflag:$0x2], $0x3400, $0x38;
	[tilespmem:$0x6E80] =	vst v63  }
0x9d: {  	s16 =	simm.s32 $0x1A0;
	s15 =	sand.u32 $0xE00, s15;
	_ =	swait.ge [sflag:s10], $0x3400  }
0x9e: {  	s16 =	sand.u32 $0x70, s16;
	s15 =	sshrl.u32 s15, $0x2;
	[sflag:s10] =	ssyncset.done $0x0  }
0x9f: {  	s15 =	sor.u32 s16, s15;
	[sflag:s10] =	ssyncadd.s32 $0xFFFFCC00  }
0xa0: {  	v3 =	vld [tilespmem:s15+$0x0];
	_ =	sdelay $0x4  }
0xa1: {  	v4 =	vbroadcast v3, $0x0;
	_ =	sdelay $0x1  }
0xa2: {  	s15 =	simm.s32 $0x780;
	v5 =	vbroadcast v3, $0x1;
	v6 =	vadd.s32 v1, v4  }
0xa3: {  	v4 =	vadd.s32 v2, v4;
	[tilespmem:s15+$0xFFFFFF00] =	vst v6  }
0xa4: {  	v7 =	vadd.s32 v1, v5;
	v6 =	vbroadcast v3, $0x2;
	[tilespmem:s15+$0xFFFFFF10] =	vst v4  }
0xa5: {  	v4 =	vadd.s32 v2, v5;
	[tilespmem:s15+$0xFFFFFF20] =	vst v7  }
0xa6: {  	v5 =	vbroadcast v3, $0x3;
	[tilespmem:s15+$0xFFFFFF30] =	vst v4;
	v7 =	vadd.s32 v1, v6  }
0xa7: {  	v4 =	vadd.s32 v2, v6;
	[tilespmem:s15+$0xFFFFFF40] =	vst v7  }
0xa8: {  	v6 =	vadd.s32 v1, v5;
	v7 =	vbroadcast v3, $0x4;
	[tilespmem:s15+$0xFFFFFF50] =	vst v4  }
0xa9: {  	v4 =	vadd.s32 v2, v5;
	[tilespmem:s15+$0xFFFFFF60] =	vst v6  }
0xaa: {  	v5 =	vbroadcast v3, $0x5;
	[tilespmem:s15+$0xFFFFFF70] =	vst v4;
	v6 =	vadd.s32 v1, v7  }
0xab: {  	v4 =	vadd.s32 v2, v7;
	[tilespmem:s15+$0xFFFFFF80] =	vst v6  }
0xac: {  	v7 =	vadd.s32 v1, v5;
	v6 =	vbroadcast v3, $0x6;
	[tilespmem:s15+$0xFFFFFF90] =	vst v4  }
0xad: {  	v4 =	vadd.s32 v2, v5;
	[tilespmem:s15+$0xFFFFFFA0] =	vst v7  }
0xae: {  	v5 =	vbroadcast v3, $0x7;
	[tilespmem:s15+$0xFFFFFFB0] =	vst v4;
	v7 =	vadd.s32 v1, v6  }
0xaf: {  	v4 =	vadd.s32 v2, v6;
	[tilespmem:s15+$0xFFFFFFC0] =	vst v7  }
0xb0: {  	v6 =	vadd.s32 v1, v5;
	v7 =	vbroadcast v3, $0x8;
	[tilespmem:s15+$0xFFFFFFD0] =	vst v4  }
0xb1: {  	v4 =	vadd.s32 v2, v5;
	[tilespmem:s15+$0xFFFFFFE0] =	vst v6  }
0xb2: {  	v5 =	vbroadcast v3, $0x9;
	[tilespmem:s15+$0xFFFFFFF0] =	vst v4;
	v6 =	vadd.s32 v1, v7  }
0xb3: {  	v4 =	vadd.s32 v2, v7;
	[tilespmem:s15+$0x0] =	vst v6  }
0xb4: {  	v7 =	vadd.s32 v1, v5;
	v6 =	vbroadcast v3, $0xA;
	[tilespmem:s15+$0x10] =	vst v4  }
0xb5: {  	v4 =	vadd.s32 v2, v5;
	[tilespmem:s15+$0x20] =	vst v7  }
0xb6: {  	v5 =	vbroadcast v3, $0xB;
	[tilespmem:s15+$0x30] =	vst v4;
	v7 =	vadd.s32 v1, v6  }
0xb7: {  	v4 =	vadd.s32 v2, v6;
	[tilespmem:s15+$0x40] =	vst v7  }
0xb8: {  	v6 =	vadd.s32 v1, v5;
	v7 =	vbroadcast v3, $0xC;
	[tilespmem:s15+$0x50] =	vst v4  }
0xb9: {  	v4 =	vadd.s32 v2, v5;
	[tilespmem:s15+$0x60] =	vst v6  }
0xba: {  	v5 =	vbroadcast v3, $0xD;
	[tilespmem:s15+$0x70] =	vst v4;
	v6 =	vadd.s32 v1, v7  }
0xbb: {  	v4 =	vadd.s32 v2, v7;
	[tilespmem:s15+$0x80] =	vst v6  }
0xbc: {  	v7 =	vadd.s32 v1, v5;
	v6 =	vbroadcast v3, $0xE;
	[tilespmem:s15+$0x90] =	vst v4  }
0xbd: {  	v4 =	vadd.s32 v2, v5;
	[tilespmem:s15+$0xA0] =	vst v7  }
0xbe: {  	v3 =	vbroadcast v3, $0xF;
	[tilespmem:s15+$0xB0] =	vst v4;
	v5 =	vadd.s32 v1, v6  }
0xbf: {  	s16 =	simm.s32 $0x6C0;
	v6 =	vadd.s32 v2, v6;
	[tilespmem:s15+$0xC0] =	vst v5  }
0xc0: {  	s18 =	simm.s32 $0x1B0;
	s17 =	simm.s32 $0x1C0;
	s19 =	sand.u32 $0xE00, s16;
	v4 =	vadd.s32 v1, v3;
	v3 =	vadd.s32 v2, v3;
	[tilespmem:s15+$0xD0] =	vst v6  }
.LBB2_10:
0xc1: {  	p0 =	sne.s32 s17, $0x330;
	s18 =	sand.u32 $0x70, s18;
	s19 =	sshrl.u32 s19, $0x2;
	[tilespmem:s15+$0xE0] =	vst v4  }
0xc2: {  	s19 =	sor.u32 s18, s19;
	[tilespmem:s15+$0xF0] =	vst v3;
	s18 =	smov.u32 s17  }
0xc3: {  	v3 =	vld [tilespmem:s19+$0x0];
	_ =	sdelay $0x4  }
0xc4: {  	v4 =	vbroadcast v3, $0x0;
	v5 =	vbroadcast v3, $0x1  }
0xc5: {  	v6 =	vbroadcast v3, $0x2;
	v7 =	vbroadcast v3, $0x3  }
0xc6: {  	s15 =	sadd.s32 $0x200, s15;
	v8 =	vadd.s32 v1, v4;
	v4 =	vadd.s32 v2, v4;
	v9 =	vadd.s32 v1, v5  }
0xc7: {  	v5 =	vadd.s32 v2, v5;
	[tilespmem:s15+$0xFFFFFF00] =	vst v8;
	v8 =	vadd.s32 v1, v6;
	v6 =	vadd.s32 v2, v6  }
0xc8: {  	v10 =	vbroadcast v3, $0x4;
	[tilespmem:s15+$0xFFFFFF10] =	vst v4;
	v4 =	vadd.s32 v1, v7;
	v7 =	vadd.s32 v2, v7  }
0xc9: {  	v11 =	vbroadcast v3, $0x6;
	[tilespmem:s15+$0xFFFFFF20] =	vst v9;
	v9 =	vbroadcast v3, $0x5  }
0xca: {  	v12 =	vbroadcast v3, $0x7;
	[tilespmem:s15+$0xFFFFFF30] =	vst v5;
	v5 =	vadd.s32 v1, v10;
	v10 =	vadd.s32 v2, v10  }
0xcb: {  	v13 =	vadd.s32 v1, v11;
	[tilespmem:s15+$0xFFFFFF40] =	vst v8;
	v8 =	vadd.s32 v1, v9;
	v9 =	vadd.s32 v2, v9  }
0xcc: {  	[tilespmem:s15+$0xFFFFFF50] =	vst v6;
	v6 =	vadd.s32 v2, v11;
	v11 =	vadd.s32 v1, v12;
	v12 =	vadd.s32 v2, v12  }
0xcd: {  	v14 =	vbroadcast v3, $0x9;
	[tilespmem:s15+$0xFFFFFF60] =	vst v4;
	v4 =	vbroadcast v3, $0x8  }
0xce: {  	v15 =	vbroadcast v3, $0xB;
	[tilespmem:s15+$0xFFFFFF70] =	vst v7;
	v7 =	vbroadcast v3, $0xA  }
0xcf: {  	v17 =	vadd.s32 v1, v14;
	[tilespmem:s15+$0xFFFFFF80] =	vst v5;
	v5 =	vadd.s32 v1, v4;
	v16 =	vadd.s32 v2, v4  }
0xd0: {  	[tilespmem:s15+$0xFFFFFF90] =	vst v10;
	v10 =	vadd.s32 v2, v14;
	v14 =	vadd.s32 v1, v7;
	v7 =	vadd.s32 v2, v7  }
0xd1: {  	v4 =	vbroadcast v3, $0xC;
	[tilespmem:s15+$0xFFFFFFA0] =	vst v8;
	v8 =	vadd.s32 v1, v15;
	v15 =	vadd.s32 v2, v15  }
0xd2: {  	v18 =	vbroadcast v3, $0xE;
	[tilespmem:s15+$0xFFFFFFB0] =	vst v9;
	v9 =	vbroadcast v3, $0xD  }
0xd3: {  	v19 =	vadd.s32 v2, v4;
	v3 =	vbroadcast v3, $0xF;
	[tilespmem:s15+$0xFFFFFFC0] =	vst v13;
	v13 =	vadd.s32 v1, v4  }
0xd4: {  	v20 =	vadd.s32 v1, v18;
	[tilespmem:s15+$0xFFFFFFD0] =	vst v6;
	v6 =	vadd.s32 v1, v9;
	v9 =	vadd.s32 v2, v9  }
0xd5: {  	v4 =	vadd.s32 v1, v3;
	v3 =	vadd.s32 v2, v3;
	[tilespmem:s15+$0xFFFFFFE0] =	vst v11;
	v11 =	vadd.s32 v2, v18  }
0xd6: {  	[tilespmem:s15+$0xFFFFFFF0] =	vst v12  }
0xd7: {  	[tilespmem:s15+$0x0] =	vst v5  }
0xd8: {  	[tilespmem:s15+$0x10] =	vst v16  }
0xd9: {  	[tilespmem:s15+$0x20] =	vst v17  }
0xda: {  	[tilespmem:s15+$0x30] =	vst v10  }
0xdb: {  	[tilespmem:s15+$0x40] =	vst v14  }
0xdc: {  	[tilespmem:s15+$0x50] =	vst v7  }
0xdd: {  	[tilespmem:s15+$0x60] =	vst v8  }
0xde: {  	[tilespmem:s15+$0x70] =	vst v15  }
0xdf: {  	[tilespmem:s15+$0x80] =	vst v13  }
.Ltmp4:
0xe0: {  	[tilespmem:s15+$0x90] =	vst v19;
	(pc) =	sbr.rel @p0 .LBB2_10-.Ltmp4, $4  }
0xe1: {  	[tilespmem:s15+$0xA0] =	vst v6  }
0xe2: {  	[tilespmem:s15+$0xB0] =	vst v9  }
0xe3: {  	s16 =	sadd.s32 $0x40, s16;
	[tilespmem:s15+$0xC0] =	vst v20  }
0xe4: {  	s17 =	sadd.s32 $0x10, s17;
	s19 =	sand.u32 $0xE00, s16;
	[tilespmem:s15+$0xD0] =	vst v11  }
0xe5: {  	s16 =	sand.u32 $0x70, s18;
	s17 =	sshrl.u32 s19, $0x2;
	[tilespmem:s15+$0xE0] =	vst v4  }
0xe6: {  	[tilespmem:s15+$0xF0] =	vst v3;
	s16 =	sor.u32 s16, s17  }
0xe7: {  	v3 =	vld [tilespmem:s16+$0x0];
	_ =	sdelay $0x4  }
0xe8: {  	v22 =	vbroadcast v3, $0x0;
	_ =	sdelay $0x1  }
0xe9: {  	s31 =	sadd.s32 $0x200, s15;
	v5 =	vbroadcast v3, $0x1;
	v6 =	vadd.s32 v1, v22  }
0xea: {  	v4 =	vadd.s32 v2, v22;
	[tilespmem:s31+$0xFFFFFF00] =	vst v6  }
0xeb: {  	v23 =	vbroadcast v3, $0x2;
	v7 =	vadd.s32 v1, v5;
	[tilespmem:s31+$0xFFFFFF10] =	vst v4  }
0xec: {  	v24 =	vadd.s32 v2, v5;
	[tilespmem:s31+$0xFFFFFF20] =	vst v7  }
0xed: {  	v25 =	vbroadcast v3, $0x3;
	v26 =	vadd.s32 v1, v23;
	[tilespmem:s31+$0xFFFFFF30] =	vst v24  }
0xee: {  	v27 =	vadd.s32 v2, v23;
	[tilespmem:s31+$0xFFFFFF40] =	vst v26  }
0xef: {  	v29 =	vbroadcast v3, $0x4;
	v28 =	vadd.s32 v1, v25;
	[tilespmem:s31+$0xFFFFFF50] =	vst v27  }
0xf0: {  	v30 =	vadd.s32 v2, v25;
	[tilespmem:s31+$0xFFFFFF60] =	vst v28  }
0xf1: {  	v31 =	vbroadcast v3, $0x5;
	v32 =	vadd.s32 v1, v29;
	[tilespmem:s31+$0xFFFFFF70] =	vst v30  }
0xf2: {  	v33 =	vadd.s32 v2, v29;
	[tilespmem:s31+$0xFFFFFF80] =	vst v32  }
0xf3: {  	v34 =	vbroadcast v3, $0x6;
	v35 =	vadd.s32 v1, v31;
	[tilespmem:s31+$0xFFFFFF90] =	vst v33  }
0xf4: {  	v36 =	vadd.s32 v2, v31;
	[tilespmem:s31+$0xFFFFFFA0] =	vst v35  }
0xf5: {  	v37 =	vbroadcast v3, $0x7;
	v38 =	vadd.s32 v1, v34;
	[tilespmem:s31+$0xFFFFFFB0] =	vst v36  }
0xf6: {  	v39 =	vadd.s32 v2, v34;
	[tilespmem:s31+$0xFFFFFFC0] =	vst v38  }
0xf7: {  	v41 =	vbroadcast v3, $0x8;
	v40 =	vadd.s32 v1, v37;
	[tilespmem:s31+$0xFFFFFFD0] =	vst v39  }
0xf8: {  	v42 =	vadd.s32 v2, v37;
	[tilespmem:s31+$0xFFFFFFE0] =	vst v40  }
0xf9: {  	v43 =	vbroadcast v3, $0x9;
	v44 =	vadd.s32 v1, v41;
	[tilespmem:s31+$0xFFFFFFF0] =	vst v42  }
0xfa: {  	v45 =	vadd.s32 v2, v41;
	[tilespmem:s31+$0x0] =	vst v44  }
0xfb: {  	v46 =	vbroadcast v3, $0xA;
	v47 =	vadd.s32 v1, v43;
	[tilespmem:s31+$0x10] =	vst v45  }
0xfc: {  	v48 =	vadd.s32 v2, v43;
	[tilespmem:s31+$0x20] =	vst v47  }
0xfd: {  	v49 =	vbroadcast v3, $0xB;
	v50 =	vadd.s32 v1, v46;
	[tilespmem:s31+$0x30] =	vst v48  }
0xfe: {  	v51 =	vadd.s32 v2, v46;
	[tilespmem:s31+$0x40] =	vst v50  }
0xff: {  	v53 =	vbroadcast v3, $0xC;
	v52 =	vadd.s32 v1, v49;
	[tilespmem:s31+$0x50] =	vst v51  }
0x100: {  	v54 =	vadd.s32 v2, v49;
	[tilespmem:s31+$0x60] =	vst v52  }
0x101: {  	v55 =	vbroadcast v3, $0xD;
	v56 =	vadd.s32 v1, v53;
	[tilespmem:s31+$0x70] =	vst v54  }
0x102: {  	v57 =	vadd.s32 v2, v53;
	[tilespmem:s31+$0x80] =	vst v56  }
0x103: {  	v58 =	vbroadcast v3, $0xE;
	v59 =	vadd.s32 v1, v55;
	[tilespmem:s31+$0x90] =	vst v57  }
0x104: {  	v60 =	vadd.s32 v2, v55;
	[tilespmem:s31+$0xA0] =	vst v59  }
0x105: {  	v3 =	vbroadcast v3, $0xF;
	v61 =	vadd.s32 v1, v58;
	[tilespmem:s31+$0xB0] =	vst v60  }
0x106: {  	v62 =	vadd.s32 v2, v58;
	[tilespmem:s31+$0xC0] =	vst v61  }
0x107: {  	v63 =	vadd.s32 v1, v3;
	[tilespmem:s31+$0xD0] =	vst v62  }
0x108: {  	v3 =	vadd.s32 v2, v3;
	[tilespmem:s31+$0xE0] =	vst v63  }
0x109: {  	s15 =	simm.s32 $0x0;
	[tilespmem:s31+$0xF0] =	vst v3  }
.LBB2_12:
0x10a: {  	p0 =	sne.s32 s15, $0xCE00  }
.Ltmp5:
0x10b: {  	_ = 	snop;
	(pc) =	sbr.rel @p0 .LBB2_12-.Ltmp5, $4  }
0x10c: {  	_ = 	snop  }
0x10d: {  	s16 =	sshra.s32 s15, $0x2  }
0x10e: {  	s15 =	sadd.s32 $0x200, s15;
	s17 =	sadd.s32 $0x3A80, s16;
	s16 =	sadd.s32 $0x680, s16  }
0x10f: {  	[tilespmem:s17], [sflag:$0x1] =	stream.indirect.gather [hbm4b:s2+s11], $0x1, s16, s11, $0xb8;
	[tilespmem:$0x6E80] =	vst v63  }
0x110: {  	_ =	swait.ge [sflag:s12], $0x80  }
0x111: {  	s15 =	simm.s32 $0x67;
	[sflag:s12] =	ssyncset.done $0x0  }
.LBB2_14:
0x112: {  	p0 =	sne.s32 s15, $0x1;
	s15 =	sadd.s32 $0xFFFFFFFF, s15;
	[sflag:s12] =	ssyncadd.s32 $0xFFFFFF80  }
.Ltmp6:
0x113: {  	(pc) =	sbr.rel @p0 .LBB2_14-.Ltmp6, $3  }
0x114: {  	_ =	sdelay $0x1  }
0x115: {  	_ =	swait.ge [sflag:s12], $0x80  }
0x116: {  	[sflag:s12] =	ssyncset.done $0x0  }
0x117: {  	[sflag:s12] =	ssyncadd.s32 $0xFFFFFF80;
	s15 =	simm.s32 $0xD00  }
0x118: {  	[hbm4b:s6+s3] =	stream.linear.scatter [tilespmem:s13], [sflag:$0x2], $0x3400, $0x38;
	[tilespmem:$0x6E80] =	vst v63  }
0x119: {  	s16 =	simm.s32 $0x340;
	s15 =	sand.u32 $0x1E00, s15;
	_ =	swait.ge [sflag:s10], $0x3400  }
0x11a: {  	s16 =	sand.u32 $0x70, s16;
	s15 =	sshrl.u32 s15, $0x2;
	[sflag:s10] =	ssyncset.done $0x0  }
0x11b: {  	s15 =	sor.u32 s16, s15;
	[sflag:s10] =	ssyncadd.s32 $0xFFFFCC00  }
0x11c: {  	v3 =	vld [tilespmem:s15+$0x0];
	_ =	sdelay $0x4  }
0x11d: {  	v4 =	vbroadcast v3, $0x0;
	_ =	sdelay $0x1  }
0x11e: {  	s15 =	simm.s32 $0x780;
	v5 =	vbroadcast v3, $0x1;
	v6 =	vadd.s32 v1, v4  }
0x11f: {  	v4 =	vadd.s32 v2, v4;
	[tilespmem:s15+$0xFFFFFF00] =	vst v6  }
0x120: {  	v7 =	vadd.s32 v1, v5;
	v6 =	vbroadcast v3, $0x2;
	[tilespmem:s15+$0xFFFFFF10] =	vst v4  }
0x121: {  	v4 =	vadd.s32 v2, v5;
	[tilespmem:s15+$0xFFFFFF20] =	vst v7  }
0x122: {  	v5 =	vbroadcast v3, $0x3;
	[tilespmem:s15+$0xFFFFFF30] =	vst v4;
	v7 =	vadd.s32 v1, v6  }
0x123: {  	v4 =	vadd.s32 v2, v6;
	[tilespmem:s15+$0xFFFFFF40] =	vst v7  }
0x124: {  	v6 =	vadd.s32 v1, v5;
	v7 =	vbroadcast v3, $0x4;
	[tilespmem:s15+$0xFFFFFF50] =	vst v4  }
0x125: {  	v4 =	vadd.s32 v2, v5;
	[tilespmem:s15+$0xFFFFFF60] =	vst v6  }
0x126: {  	v5 =	vbroadcast v3, $0x5;
	[tilespmem:s15+$0xFFFFFF70] =	vst v4;
	v6 =	vadd.s32 v1, v7  }
0x127: {  	v4 =	vadd.s32 v2, v7;
	[tilespmem:s15+$0xFFFFFF80] =	vst v6  }
0x128: {  	v7 =	vadd.s32 v1, v5;
	v6 =	vbroadcast v3, $0x6;
	[tilespmem:s15+$0xFFFFFF90] =	vst v4  }
0x129: {  	v4 =	vadd.s32 v2, v5;
	[tilespmem:s15+$0xFFFFFFA0] =	vst v7  }
0x12a: {  	v5 =	vbroadcast v3, $0x7;
	[tilespmem:s15+$0xFFFFFFB0] =	vst v4;
	v7 =	vadd.s32 v1, v6  }
0x12b: {  	v4 =	vadd.s32 v2, v6;
	[tilespmem:s15+$0xFFFFFFC0] =	vst v7  }
0x12c: {  	v6 =	vadd.s32 v1, v5;
	v7 =	vbroadcast v3, $0x8;
	[tilespmem:s15+$0xFFFFFFD0] =	vst v4  }
0x12d: {  	v4 =	vadd.s32 v2, v5;
	[tilespmem:s15+$0xFFFFFFE0] =	vst v6  }
0x12e: {  	v5 =	vbroadcast v3, $0x9;
	[tilespmem:s15+$0xFFFFFFF0] =	vst v4;
	v6 =	vadd.s32 v1, v7  }
0x12f: {  	v4 =	vadd.s32 v2, v7;
	[tilespmem:s15+$0x0] =	vst v6  }
0x130: {  	v7 =	vadd.s32 v1, v5;
	v6 =	vbroadcast v3, $0xA;
	[tilespmem:s15+$0x10] =	vst v4  }
0x131: {  	v4 =	vadd.s32 v2, v5;
	[tilespmem:s15+$0x20] =	vst v7  }
0x132: {  	v5 =	vbroadcast v3, $0xB;
	[tilespmem:s15+$0x30] =	vst v4;
	v7 =	vadd.s32 v1, v6  }
0x133: {  	v4 =	vadd.s32 v2, v6;
	[tilespmem:s15+$0x40] =	vst v7  }
0x134: {  	v6 =	vadd.s32 v1, v5;
	v7 =	vbroadcast v3, $0xC;
	[tilespmem:s15+$0x50] =	vst v4  }
0x135: {  	v4 =	vadd.s32 v2, v5;
	[tilespmem:s15+$0x60] =	vst v6  }
0x136: {  	v5 =	vbroadcast v3, $0xD;
	[tilespmem:s15+$0x70] =	vst v4;
	v6 =	vadd.s32 v1, v7  }
0x137: {  	v4 =	vadd.s32 v2, v7;
	[tilespmem:s15+$0x80] =	vst v6  }
0x138: {  	v7 =	vadd.s32 v1, v5;
	v6 =	vbroadcast v3, $0xE;
	[tilespmem:s15+$0x90] =	vst v4  }
0x139: {  	v4 =	vadd.s32 v2, v5;
	[tilespmem:s15+$0xA0] =	vst v7  }
0x13a: {  	v3 =	vbroadcast v3, $0xF;
	[tilespmem:s15+$0xB0] =	vst v4;
	v5 =	vadd.s32 v1, v6  }
0x13b: {  	s16 =	simm.s32 $0xD40;
	v6 =	vadd.s32 v2, v6;
	[tilespmem:s15+$0xC0] =	vst v5  }
0x13c: {  	s18 =	simm.s32 $0x350;
	s17 =	simm.s32 $0x360;
	s19 =	sand.u32 $0x1E00, s16;
	v4 =	vadd.s32 v1, v3;
	v3 =	vadd.s32 v2, v3;
	[tilespmem:s15+$0xD0] =	vst v6  }
.LBB2_16:
0x13d: {  	p0 =	sne.s32 s17, $0x4D0;
	s18 =	sand.u32 $0x70, s18;
	s19 =	sshrl.u32 s19, $0x2;
	[tilespmem:s15+$0xE0] =	vst v4  }
0x13e: {  	s19 =	sor.u32 s18, s19;
	[tilespmem:s15+$0xF0] =	vst v3;
	s18 =	smov.u32 s17  }
0x13f: {  	v3 =	vld [tilespmem:s19+$0x0];
	_ =	sdelay $0x4  }
0x140: {  	v4 =	vbroadcast v3, $0x0;
	v5 =	vbroadcast v3, $0x1  }
0x141: {  	v6 =	vbroadcast v3, $0x2;
	v7 =	vbroadcast v3, $0x3  }
0x142: {  	s15 =	sadd.s32 $0x200, s15;
	v8 =	vadd.s32 v1, v4;
	v4 =	vadd.s32 v2, v4;
	v9 =	vadd.s32 v1, v5  }
0x143: {  	v5 =	vadd.s32 v2, v5;
	[tilespmem:s15+$0xFFFFFF00] =	vst v8;
	v8 =	vadd.s32 v1, v6;
	v6 =	vadd.s32 v2, v6  }
0x144: {  	v10 =	vbroadcast v3, $0x4;
	[tilespmem:s15+$0xFFFFFF10] =	vst v4;
	v4 =	vadd.s32 v1, v7;
	v7 =	vadd.s32 v2, v7  }
0x145: {  	v11 =	vbroadcast v3, $0x6;
	[tilespmem:s15+$0xFFFFFF20] =	vst v9;
	v9 =	vbroadcast v3, $0x5  }
0x146: {  	v12 =	vbroadcast v3, $0x7;
	[tilespmem:s15+$0xFFFFFF30] =	vst v5;
	v5 =	vadd.s32 v1, v10;
	v10 =	vadd.s32 v2, v10  }
0x147: {  	v13 =	vadd.s32 v1, v11;
	[tilespmem:s15+$0xFFFFFF40] =	vst v8;
	v8 =	vadd.s32 v1, v9;
	v9 =	vadd.s32 v2, v9  }
0x148: {  	[tilespmem:s15+$0xFFFFFF50] =	vst v6;
	v6 =	vadd.s32 v2, v11;
	v11 =	vadd.s32 v1, v12;
	v12 =	vadd.s32 v2, v12  }
0x149: {  	v14 =	vbroadcast v3, $0x9;
	[tilespmem:s15+$0xFFFFFF60] =	vst v4;
	v4 =	vbroadcast v3, $0x8  }
0x14a: {  	v15 =	vbroadcast v3, $0xB;
	[tilespmem:s15+$0xFFFFFF70] =	vst v7;
	v7 =	vbroadcast v3, $0xA  }
0x14b: {  	v17 =	vadd.s32 v1, v14;
	[tilespmem:s15+$0xFFFFFF80] =	vst v5;
	v5 =	vadd.s32 v1, v4;
	v16 =	vadd.s32 v2, v4  }
0x14c: {  	[tilespmem:s15+$0xFFFFFF90] =	vst v10;
	v10 =	vadd.s32 v2, v14;
	v14 =	vadd.s32 v1, v7;
	v7 =	vadd.s32 v2, v7  }
0x14d: {  	v4 =	vbroadcast v3, $0xC;
	[tilespmem:s15+$0xFFFFFFA0] =	vst v8;
	v8 =	vadd.s32 v1, v15;
	v15 =	vadd.s32 v2, v15  }
0x14e: {  	v18 =	vbroadcast v3, $0xE;
	[tilespmem:s15+$0xFFFFFFB0] =	vst v9;
	v9 =	vbroadcast v3, $0xD  }
0x14f: {  	v19 =	vadd.s32 v2, v4;
	v3 =	vbroadcast v3, $0xF;
	[tilespmem:s15+$0xFFFFFFC0] =	vst v13;
	v13 =	vadd.s32 v1, v4  }
0x150: {  	v20 =	vadd.s32 v1, v18;
	[tilespmem:s15+$0xFFFFFFD0] =	vst v6;
	v6 =	vadd.s32 v1, v9;
	v9 =	vadd.s32 v2, v9  }
0x151: {  	v4 =	vadd.s32 v1, v3;
	v3 =	vadd.s32 v2, v3;
	[tilespmem:s15+$0xFFFFFFE0] =	vst v11;
	v11 =	vadd.s32 v2, v18  }
0x152: {  	[tilespmem:s15+$0xFFFFFFF0] =	vst v12  }
0x153: {  	[tilespmem:s15+$0x0] =	vst v5  }
0x154: {  	[tilespmem:s15+$0x10] =	vst v16  }
0x155: {  	[tilespmem:s15+$0x20] =	vst v17  }
0x156: {  	[tilespmem:s15+$0x30] =	vst v10  }
0x157: {  	[tilespmem:s15+$0x40] =	vst v14  }
0x158: {  	[tilespmem:s15+$0x50] =	vst v7  }
0x159: {  	[tilespmem:s15+$0x60] =	vst v8  }
0x15a: {  	[tilespmem:s15+$0x70] =	vst v15  }
0x15b: {  	[tilespmem:s15+$0x80] =	vst v13  }
.Ltmp7:
0x15c: {  	[tilespmem:s15+$0x90] =	vst v19;
	(pc) =	sbr.rel @p0 .LBB2_16-.Ltmp7, $4  }
0x15d: {  	[tilespmem:s15+$0xA0] =	vst v6  }
0x15e: {  	[tilespmem:s15+$0xB0] =	vst v9  }
0x15f: {  	s16 =	sadd.s32 $0x40, s16;
	[tilespmem:s15+$0xC0] =	vst v20  }
0x160: {  	s17 =	sadd.s32 $0x10, s17;
	s19 =	sand.u32 $0x1E00, s16;
	[tilespmem:s15+$0xD0] =	vst v11  }
0x161: {  	s16 =	sand.u32 $0x70, s18;
	s17 =	sshrl.u32 s19, $0x2;
	[tilespmem:s15+$0xE0] =	vst v4  }
0x162: {  	[tilespmem:s15+$0xF0] =	vst v3;
	s16 =	sor.u32 s16, s17  }
0x163: {  	v3 =	vld [tilespmem:s16+$0x0];
	_ =	sdelay $0x4  }
0x164: {  	v22 =	vbroadcast v3, $0x0;
	_ =	sdelay $0x1  }
0x165: {  	s31 =	sadd.s32 $0x200, s15;
	v5 =	vbroadcast v3, $0x1;
	v6 =	vadd.s32 v1, v22  }
0x166: {  	v4 =	vadd.s32 v2, v22;
	[tilespmem:s31+$0xFFFFFF00] =	vst v6  }
0x167: {  	v23 =	vbroadcast v3, $0x2;
	v7 =	vadd.s32 v1, v5;
	[tilespmem:s31+$0xFFFFFF10] =	vst v4  }
0x168: {  	v24 =	vadd.s32 v2, v5;
	[tilespmem:s31+$0xFFFFFF20] =	vst v7  }
0x169: {  	v25 =	vbroadcast v3, $0x3;
	v26 =	vadd.s32 v1, v23;
	[tilespmem:s31+$0xFFFFFF30] =	vst v24  }
0x16a: {  	v27 =	vadd.s32 v2, v23;
	[tilespmem:s31+$0xFFFFFF40] =	vst v26  }
0x16b: {  	v29 =	vbroadcast v3, $0x4;
	v28 =	vadd.s32 v1, v25;
	[tilespmem:s31+$0xFFFFFF50] =	vst v27  }
0x16c: {  	v30 =	vadd.s32 v2, v25;
	[tilespmem:s31+$0xFFFFFF60] =	vst v28  }
0x16d: {  	v31 =	vbroadcast v3, $0x5;
	v32 =	vadd.s32 v1, v29;
	[tilespmem:s31+$0xFFFFFF70] =	vst v30  }
0x16e: {  	v33 =	vadd.s32 v2, v29;
	[tilespmem:s31+$0xFFFFFF80] =	vst v32  }
0x16f: {  	v34 =	vbroadcast v3, $0x6;
	v35 =	vadd.s32 v1, v31;
	[tilespmem:s31+$0xFFFFFF90] =	vst v33  }
0x170: {  	v36 =	vadd.s32 v2, v31;
	[tilespmem:s31+$0xFFFFFFA0] =	vst v35  }
0x171: {  	v37 =	vbroadcast v3, $0x7;
	v38 =	vadd.s32 v1, v34;
	[tilespmem:s31+$0xFFFFFFB0] =	vst v36  }
0x172: {  	v39 =	vadd.s32 v2, v34;
	[tilespmem:s31+$0xFFFFFFC0] =	vst v38  }
0x173: {  	v41 =	vbroadcast v3, $0x8;
	v40 =	vadd.s32 v1, v37;
	[tilespmem:s31+$0xFFFFFFD0] =	vst v39  }
0x174: {  	v42 =	vadd.s32 v2, v37;
	[tilespmem:s31+$0xFFFFFFE0] =	vst v40  }
0x175: {  	v43 =	vbroadcast v3, $0x9;
	v44 =	vadd.s32 v1, v41;
	[tilespmem:s31+$0xFFFFFFF0] =	vst v42  }
0x176: {  	v45 =	vadd.s32 v2, v41;
	[tilespmem:s31+$0x0] =	vst v44  }
0x177: {  	v46 =	vbroadcast v3, $0xA;
	v47 =	vadd.s32 v1, v43;
	[tilespmem:s31+$0x10] =	vst v45  }
0x178: {  	v48 =	vadd.s32 v2, v43;
	[tilespmem:s31+$0x20] =	vst v47  }
0x179: {  	v49 =	vbroadcast v3, $0xB;
	v50 =	vadd.s32 v1, v46;
	[tilespmem:s31+$0x30] =	vst v48  }
0x17a: {  	v51 =	vadd.s32 v2, v46;
	[tilespmem:s31+$0x40] =	vst v50  }
0x17b: {  	v53 =	vbroadcast v3, $0xC;
	v52 =	vadd.s32 v1, v49;
	[tilespmem:s31+$0x50] =	vst v51  }
0x17c: {  	v54 =	vadd.s32 v2, v49;
	[tilespmem:s31+$0x60] =	vst v52  }
0x17d: {  	v55 =	vbroadcast v3, $0xD;
	v56 =	vadd.s32 v1, v53;
	[tilespmem:s31+$0x70] =	vst v54  }
0x17e: {  	v57 =	vadd.s32 v2, v53;
	[tilespmem:s31+$0x80] =	vst v56  }
0x17f: {  	v58 =	vbroadcast v3, $0xE;
	v59 =	vadd.s32 v1, v55;
	[tilespmem:s31+$0x90] =	vst v57  }
0x180: {  	v60 =	vadd.s32 v2, v55;
	[tilespmem:s31+$0xA0] =	vst v59  }
0x181: {  	v3 =	vbroadcast v3, $0xF;
	v61 =	vadd.s32 v1, v58;
	[tilespmem:s31+$0xB0] =	vst v60  }
0x182: {  	v62 =	vadd.s32 v2, v58;
	[tilespmem:s31+$0xC0] =	vst v61  }
0x183: {  	v63 =	vadd.s32 v1, v3;
	[tilespmem:s31+$0xD0] =	vst v62  }
0x184: {  	v3 =	vadd.s32 v2, v3;
	[tilespmem:s31+$0xE0] =	vst v63  }
0x185: {  	s15 =	simm.s32 $0x0;
	[tilespmem:s31+$0xF0] =	vst v3  }
.LBB2_18:
0x186: {  	p0 =	sne.s32 s15, $0xCE00  }
.Ltmp8:
0x187: {  	_ = 	snop;
	(pc) =	sbr.rel @p0 .LBB2_18-.Ltmp8, $4  }
0x188: {  	_ = 	snop  }
0x189: {  	s16 =	sshra.s32 s15, $0x2  }
0x18a: {  	s15 =	sadd.s32 $0x200, s15;
	s17 =	sadd.s32 $0x3A80, s16;
	s16 =	sadd.s32 $0x680, s16  }
0x18b: {  	[tilespmem:s17], [sflag:$0x1] =	stream.indirect.gather [hbm4b:s2+s11], $0x1, s16, s11, $0xb8;
	[tilespmem:$0x6E80] =	vst v63  }
0x18c: {  	_ =	swait.ge [sflag:s12], $0x80  }
0x18d: {  	s15 =	simm.s32 $0x67;
	[sflag:s12] =	ssyncset.done $0x0  }
.LBB2_20:
0x18e: {  	p0 =	sne.s32 s15, $0x1;
	s15 =	sadd.s32 $0xFFFFFFFF, s15;
	[sflag:s12] =	ssyncadd.s32 $0xFFFFFF80  }
.Ltmp9:
0x18f: {  	(pc) =	sbr.rel @p0 .LBB2_20-.Ltmp9, $3  }
0x190: {  	_ =	sdelay $0x1  }
0x191: {  	_ =	swait.ge [sflag:s12], $0x80  }
0x192: {  	[sflag:s12] =	ssyncset.done $0x0  }
0x193: {  	[sflag:s12] =	ssyncadd.s32 $0xFFFFFF80;
	s15 =	simm.s32 $0x1380  }
0x194: {  	[hbm4b:s7+s3] =	stream.linear.scatter [tilespmem:s13], [sflag:$0x2], $0x3400, $0x38;
	[tilespmem:$0x6E80] =	vst v63  }
0x195: {  	s16 =	simm.s32 $0x4E0;
	s15 =	sand.u32 $0x1E00, s15;
	_ =	swait.ge [sflag:s10], $0x3400  }
0x196: {  	s16 =	sand.u32 $0x70, s16;
	s15 =	sshrl.u32 s15, $0x2;
	[sflag:s10] =	ssyncset.done $0x0  }
0x197: {  	s15 =	sor.u32 s16, s15;
	[sflag:s10] =	ssyncadd.s32 $0xFFFFCC00  }
0x198: {  	v3 =	vld [tilespmem:s15+$0x0];
	_ =	sdelay $0x4  }
0x199: {  	v4 =	vbroadcast v3, $0x0;
	_ =	sdelay $0x1  }
0x19a: {  	s15 =	simm.s32 $0x780;
	v5 =	vbroadcast v3, $0x1;
	v6 =	vadd.s32 v1, v4  }
0x19b: {  	v4 =	vadd.s32 v2, v4;
	[tilespmem:s15+$0xFFFFFF00] =	vst v6  }
0x19c: {  	v7 =	vadd.s32 v1, v5;
	v6 =	vbroadcast v3, $0x2;
	[tilespmem:s15+$0xFFFFFF10] =	vst v4  }
0x19d: {  	v4 =	vadd.s32 v2, v5;
	[tilespmem:s15+$0xFFFFFF20] =	vst v7  }
0x19e: {  	v5 =	vbroadcast v3, $0x3;
	[tilespmem:s15+$0xFFFFFF30] =	vst v4;
	v7 =	vadd.s32 v1, v6  }
0x19f: {  	v4 =	vadd.s32 v2, v6;
	[tilespmem:s15+$0xFFFFFF40] =	vst v7  }
0x1a0: {  	v6 =	vadd.s32 v1, v5;
	v7 =	vbroadcast v3, $0x4;
	[tilespmem:s15+$0xFFFFFF50] =	vst v4  }
0x1a1: {  	v4 =	vadd.s32 v2, v5;
	[tilespmem:s15+$0xFFFFFF60] =	vst v6  }
0x1a2: {  	v5 =	vbroadcast v3, $0x5;
	[tilespmem:s15+$0xFFFFFF70] =	vst v4;
	v6 =	vadd.s32 v1, v7  }
0x1a3: {  	v4 =	vadd.s32 v2, v7;
	[tilespmem:s15+$0xFFFFFF80] =	vst v6  }
0x1a4: {  	v7 =	vadd.s32 v1, v5;
	v6 =	vbroadcast v3, $0x6;
	[tilespmem:s15+$0xFFFFFF90] =	vst v4  }
0x1a5: {  	v4 =	vadd.s32 v2, v5;
	[tilespmem:s15+$0xFFFFFFA0] =	vst v7  }
0x1a6: {  	v5 =	vbroadcast v3, $0x7;
	[tilespmem:s15+$0xFFFFFFB0] =	vst v4;
	v7 =	vadd.s32 v1, v6  }
0x1a7: {  	v4 =	vadd.s32 v2, v6;
	[tilespmem:s15+$0xFFFFFFC0] =	vst v7  }
0x1a8: {  	v6 =	vadd.s32 v1, v5;
	v7 =	vbroadcast v3, $0x8;
	[tilespmem:s15+$0xFFFFFFD0] =	vst v4  }
0x1a9: {  	v4 =	vadd.s32 v2, v5;
	[tilespmem:s15+$0xFFFFFFE0] =	vst v6  }
0x1aa: {  	v5 =	vbroadcast v3, $0x9;
	[tilespmem:s15+$0xFFFFFFF0] =	vst v4;
	v6 =	vadd.s32 v1, v7  }
0x1ab: {  	v4 =	vadd.s32 v2, v7;
	[tilespmem:s15+$0x0] =	vst v6  }
0x1ac: {  	v7 =	vadd.s32 v1, v5;
	v6 =	vbroadcast v3, $0xA;
	[tilespmem:s15+$0x10] =	vst v4  }
0x1ad: {  	v4 =	vadd.s32 v2, v5;
	[tilespmem:s15+$0x20] =	vst v7  }
0x1ae: {  	v5 =	vbroadcast v3, $0xB;
	[tilespmem:s15+$0x30] =	vst v4;
	v7 =	vadd.s32 v1, v6  }
0x1af: {  	v4 =	vadd.s32 v2, v6;
	[tilespmem:s15+$0x40] =	vst v7  }
0x1b0: {  	v6 =	vadd.s32 v1, v5;
	v7 =	vbroadcast v3, $0xC;
	[tilespmem:s15+$0x50] =	vst v4  }
0x1b1: {  	v4 =	vadd.s32 v2, v5;
	[tilespmem:s15+$0x60] =	vst v6  }
0x1b2: {  	v5 =	vbroadcast v3, $0xD;
	[tilespmem:s15+$0x70] =	vst v4;
	v6 =	vadd.s32 v1, v7  }
0x1b3: {  	v4 =	vadd.s32 v2, v7;
	[tilespmem:s15+$0x80] =	vst v6  }
0x1b4: {  	v7 =	vadd.s32 v1, v5;
	v6 =	vbroadcast v3, $0xE;
	[tilespmem:s15+$0x90] =	vst v4  }
0x1b5: {  	v4 =	vadd.s32 v2, v5;
	[tilespmem:s15+$0xA0] =	vst v7  }
0x1b6: {  	v3 =	vbroadcast v3, $0xF;
	[tilespmem:s15+$0xB0] =	vst v4;
	v5 =	vadd.s32 v1, v6  }
0x1b7: {  	s16 =	simm.s32 $0x13C0;
	v6 =	vadd.s32 v2, v6;
	[tilespmem:s15+$0xC0] =	vst v5  }
0x1b8: {  	s18 =	simm.s32 $0x4F0;
	s17 =	simm.s32 $0x500;
	s19 =	sand.u32 $0x1E00, s16;
	v4 =	vadd.s32 v1, v3;
	v3 =	vadd.s32 v2, v3;
	[tilespmem:s15+$0xD0] =	vst v6  }
.LBB2_22:
0x1b9: {  	p0 =	sne.s32 s17, $0x670;
	s18 =	sand.u32 $0x70, s18;
	s19 =	sshrl.u32 s19, $0x2;
	[tilespmem:s15+$0xE0] =	vst v4  }
0x1ba: {  	s19 =	sor.u32 s18, s19;
	[tilespmem:s15+$0xF0] =	vst v3;
	s18 =	smov.u32 s17  }
0x1bb: {  	v3 =	vld [tilespmem:s19+$0x0];
	_ =	sdelay $0x4  }
0x1bc: {  	v4 =	vbroadcast v3, $0x0;
	v5 =	vbroadcast v3, $0x1  }
0x1bd: {  	v6 =	vbroadcast v3, $0x2;
	v7 =	vbroadcast v3, $0x3  }
0x1be: {  	s15 =	sadd.s32 $0x200, s15;
	v8 =	vadd.s32 v1, v4;
	v4 =	vadd.s32 v2, v4;
	v9 =	vadd.s32 v1, v5  }
0x1bf: {  	v5 =	vadd.s32 v2, v5;
	[tilespmem:s15+$0xFFFFFF00] =	vst v8;
	v8 =	vadd.s32 v1, v6;
	v6 =	vadd.s32 v2, v6  }
0x1c0: {  	v10 =	vbroadcast v3, $0x4;
	[tilespmem:s15+$0xFFFFFF10] =	vst v4;
	v4 =	vadd.s32 v1, v7;
	v7 =	vadd.s32 v2, v7  }
0x1c1: {  	v11 =	vbroadcast v3, $0x6;
	[tilespmem:s15+$0xFFFFFF20] =	vst v9;
	v9 =	vbroadcast v3, $0x5  }
0x1c2: {  	v12 =	vbroadcast v3, $0x7;
	[tilespmem:s15+$0xFFFFFF30] =	vst v5;
	v5 =	vadd.s32 v1, v10;
	v10 =	vadd.s32 v2, v10  }
0x1c3: {  	v13 =	vadd.s32 v1, v11;
	[tilespmem:s15+$0xFFFFFF40] =	vst v8;
	v8 =	vadd.s32 v1, v9;
	v9 =	vadd.s32 v2, v9  }
0x1c4: {  	[tilespmem:s15+$0xFFFFFF50] =	vst v6;
	v6 =	vadd.s32 v2, v11;
	v11 =	vadd.s32 v1, v12;
	v12 =	vadd.s32 v2, v12  }
0x1c5: {  	v14 =	vbroadcast v3, $0x9;
	[tilespmem:s15+$0xFFFFFF60] =	vst v4;
	v4 =	vbroadcast v3, $0x8  }
0x1c6: {  	v15 =	vbroadcast v3, $0xB;
	[tilespmem:s15+$0xFFFFFF70] =	vst v7;
	v7 =	vbroadcast v3, $0xA  }
0x1c7: {  	v17 =	vadd.s32 v1, v14;
	[tilespmem:s15+$0xFFFFFF80] =	vst v5;
	v5 =	vadd.s32 v1, v4;
	v16 =	vadd.s32 v2, v4  }
0x1c8: {  	[tilespmem:s15+$0xFFFFFF90] =	vst v10;
	v10 =	vadd.s32 v2, v14;
	v14 =	vadd.s32 v1, v7;
	v7 =	vadd.s32 v2, v7  }
0x1c9: {  	v4 =	vbroadcast v3, $0xC;
	[tilespmem:s15+$0xFFFFFFA0] =	vst v8;
	v8 =	vadd.s32 v1, v15;
	v15 =	vadd.s32 v2, v15  }
0x1ca: {  	v18 =	vbroadcast v3, $0xE;
	[tilespmem:s15+$0xFFFFFFB0] =	vst v9;
	v9 =	vbroadcast v3, $0xD  }
0x1cb: {  	v19 =	vadd.s32 v2, v4;
	v3 =	vbroadcast v3, $0xF;
	[tilespmem:s15+$0xFFFFFFC0] =	vst v13;
	v13 =	vadd.s32 v1, v4  }
0x1cc: {  	v20 =	vadd.s32 v1, v18;
	[tilespmem:s15+$0xFFFFFFD0] =	vst v6;
	v6 =	vadd.s32 v1, v9;
	v9 =	vadd.s32 v2, v9  }
0x1cd: {  	v4 =	vadd.s32 v1, v3;
	v3 =	vadd.s32 v2, v3;
	[tilespmem:s15+$0xFFFFFFE0] =	vst v11;
	v11 =	vadd.s32 v2, v18  }
0x1ce: {  	[tilespmem:s15+$0xFFFFFFF0] =	vst v12  }
0x1cf: {  	[tilespmem:s15+$0x0] =	vst v5  }
0x1d0: {  	[tilespmem:s15+$0x10] =	vst v16  }
0x1d1: {  	[tilespmem:s15+$0x20] =	vst v17  }
0x1d2: {  	[tilespmem:s15+$0x30] =	vst v10  }
0x1d3: {  	[tilespmem:s15+$0x40] =	vst v14  }
0x1d4: {  	[tilespmem:s15+$0x50] =	vst v7  }
0x1d5: {  	[tilespmem:s15+$0x60] =	vst v8  }
0x1d6: {  	[tilespmem:s15+$0x70] =	vst v15  }
0x1d7: {  	[tilespmem:s15+$0x80] =	vst v13  }
.Ltmp10:
0x1d8: {  	[tilespmem:s15+$0x90] =	vst v19;
	(pc) =	sbr.rel @p0 .LBB2_22-.Ltmp10, $4  }
0x1d9: {  	[tilespmem:s15+$0xA0] =	vst v6  }
0x1da: {  	[tilespmem:s15+$0xB0] =	vst v9  }
0x1db: {  	s16 =	sadd.s32 $0x40, s16;
	[tilespmem:s15+$0xC0] =	vst v20  }
0x1dc: {  	s17 =	sadd.s32 $0x10, s17;
	s19 =	sand.u32 $0x1E00, s16;
	[tilespmem:s15+$0xD0] =	vst v11  }
0x1dd: {  	s16 =	sand.u32 $0x70, s18;
	s17 =	sshrl.u32 s19, $0x2;
	[tilespmem:s15+$0xE0] =	vst v4  }
0x1de: {  	[tilespmem:s15+$0xF0] =	vst v3;
	s16 =	sor.u32 s16, s17  }
0x1df: {  	v3 =	vld [tilespmem:s16+$0x0];
	_ =	sdelay $0x4  }
0x1e0: {  	v22 =	vbroadcast v3, $0x0;
	_ =	sdelay $0x1  }
0x1e1: {  	s31 =	sadd.s32 $0x200, s15;
	v5 =	vbroadcast v3, $0x1;
	v6 =	vadd.s32 v1, v22  }
0x1e2: {  	v4 =	vadd.s32 v2, v22;
	[tilespmem:s31+$0xFFFFFF00] =	vst v6  }
0x1e3: {  	v23 =	vbroadcast v3, $0x2;
	v7 =	vadd.s32 v1, v5;
	[tilespmem:s31+$0xFFFFFF10] =	vst v4  }
0x1e4: {  	v24 =	vadd.s32 v2, v5;
	[tilespmem:s31+$0xFFFFFF20] =	vst v7  }
0x1e5: {  	v25 =	vbroadcast v3, $0x3;
	v26 =	vadd.s32 v1, v23;
	[tilespmem:s31+$0xFFFFFF30] =	vst v24  }
0x1e6: {  	v27 =	vadd.s32 v2, v23;
	[tilespmem:s31+$0xFFFFFF40] =	vst v26  }
0x1e7: {  	v29 =	vbroadcast v3, $0x4;
	v28 =	vadd.s32 v1, v25;
	[tilespmem:s31+$0xFFFFFF50] =	vst v27  }
0x1e8: {  	v30 =	vadd.s32 v2, v25;
	[tilespmem:s31+$0xFFFFFF60] =	vst v28  }
0x1e9: {  	v31 =	vbroadcast v3, $0x5;
	v32 =	vadd.s32 v1, v29;
	[tilespmem:s31+$0xFFFFFF70] =	vst v30  }
0x1ea: {  	v33 =	vadd.s32 v2, v29;
	[tilespmem:s31+$0xFFFFFF80] =	vst v32  }
0x1eb: {  	v34 =	vbroadcast v3, $0x6;
	v35 =	vadd.s32 v1, v31;
	[tilespmem:s31+$0xFFFFFF90] =	vst v33  }
0x1ec: {  	v36 =	vadd.s32 v2, v31;
	[tilespmem:s31+$0xFFFFFFA0] =	vst v35  }
0x1ed: {  	v37 =	vbroadcast v3, $0x7;
	v38 =	vadd.s32 v1, v34;
	[tilespmem:s31+$0xFFFFFFB0] =	vst v36  }
0x1ee: {  	v39 =	vadd.s32 v2, v34;
	[tilespmem:s31+$0xFFFFFFC0] =	vst v38  }
0x1ef: {  	v41 =	vbroadcast v3, $0x8;
	v40 =	vadd.s32 v1, v37;
	[tilespmem:s31+$0xFFFFFFD0] =	vst v39  }
0x1f0: {  	v42 =	vadd.s32 v2, v37;
	[tilespmem:s31+$0xFFFFFFE0] =	vst v40  }
0x1f1: {  	v43 =	vbroadcast v3, $0x9;
	v44 =	vadd.s32 v1, v41;
	[tilespmem:s31+$0xFFFFFFF0] =	vst v42  }
0x1f2: {  	v45 =	vadd.s32 v2, v41;
	[tilespmem:s31+$0x0] =	vst v44  }
0x1f3: {  	v46 =	vbroadcast v3, $0xA;
	v47 =	vadd.s32 v1, v43;
	[tilespmem:s31+$0x10] =	vst v45  }
0x1f4: {  	v48 =	vadd.s32 v2, v43;
	[tilespmem:s31+$0x20] =	vst v47  }
0x1f5: {  	v49 =	vbroadcast v3, $0xB;
	v50 =	vadd.s32 v1, v46;
	[tilespmem:s31+$0x30] =	vst v48  }
0x1f6: {  	v51 =	vadd.s32 v2, v46;
	[tilespmem:s31+$0x40] =	vst v50  }
0x1f7: {  	v53 =	vbroadcast v3, $0xC;
	v52 =	vadd.s32 v1, v49;
	[tilespmem:s31+$0x50] =	vst v51  }
0x1f8: {  	v54 =	vadd.s32 v2, v49;
	[tilespmem:s31+$0x60] =	vst v52  }
0x1f9: {  	v55 =	vbroadcast v3, $0xD;
	v56 =	vadd.s32 v1, v53;
	[tilespmem:s31+$0x70] =	vst v54  }
0x1fa: {  	v57 =	vadd.s32 v2, v53;
	[tilespmem:s31+$0x80] =	vst v56  }
0x1fb: {  	v58 =	vbroadcast v3, $0xE;
	v59 =	vadd.s32 v1, v55;
	[tilespmem:s31+$0x90] =	vst v57  }
0x1fc: {  	v60 =	vadd.s32 v2, v55;
	[tilespmem:s31+$0xA0] =	vst v59  }
0x1fd: {  	v3 =	vbroadcast v3, $0xF;
	v61 =	vadd.s32 v1, v58;
	[tilespmem:s31+$0xB0] =	vst v60  }
0x1fe: {  	v62 =	vadd.s32 v2, v58;
	[tilespmem:s31+$0xC0] =	vst v61  }
0x1ff: {  	v63 =	vadd.s32 v1, v3;
	[tilespmem:s31+$0xD0] =	vst v62  }
0x200: {  	v3 =	vadd.s32 v2, v3;
	[tilespmem:s31+$0xE0] =	vst v63  }
0x201: {  	s15 =	simm.s32 $0x0;
	[tilespmem:s31+$0xF0] =	vst v3  }
.LBB2_24:
0x202: {  	p0 =	sne.s32 s15, $0xCE00  }
.Ltmp11:
0x203: {  	_ = 	snop;
	(pc) =	sbr.rel @p0 .LBB2_24-.Ltmp11, $4  }
0x204: {  	_ = 	snop  }
0x205: {  	s16 =	sshra.s32 s15, $0x2  }
0x206: {  	s15 =	sadd.s32 $0x200, s15;
	s17 =	sadd.s32 $0x3A80, s16;
	s16 =	sadd.s32 $0x680, s16  }
0x207: {  	[tilespmem:s17], [sflag:$0x1] =	stream.indirect.gather [hbm4b:s2+s11], $0x1, s16, s11, $0xb8;
	[tilespmem:$0x6E80] =	vst v63  }
0x208: {  	_ =	swait.ge [sflag:s12], $0x80  }
0x209: {  	s15 =	simm.s32 $0x67;
	[sflag:s12] =	ssyncset.done $0x0  }
.LBB2_26:
0x20a: {  	p0 =	sne.s32 s15, $0x1;
	s15 =	sadd.s32 $0xFFFFFFFF, s15;
	[sflag:s12] =	ssyncadd.s32 $0xFFFFFF80  }
.Ltmp12:
0x20b: {  	(pc) =	sbr.rel @p0 .LBB2_26-.Ltmp12, $3  }
0x20c: {  	_ =	sdelay $0x1  }
0x20d: {  	_ =	swait.ge [sflag:s12], $0x80  }
0x20e: {  	[sflag:s12] =	ssyncset.done $0x0  }
0x20f: {  	s14 =	sadd.s32 $0x1, s14  }
0x210: {  	p0 =	sne.s32 s14, s9  }
.Ltmp13:
0x211: {  	[sflag:s12] =	ssyncadd.s32 $0xFFFFFF80;
	(pc) =	sbr.rel @p0 .LBB2_1-.Ltmp13, $4  }
0x212: {  	[hbm4b:s8+s3] =	stream.linear.scatter [tilespmem:s13], [sflag:$0x2], $0x3400, $0x38;
	[tilespmem:$0x6E80] =	vst v63  }
0x213: {  	_ =	swait.ge [sflag:s10], $0x3400  }
0x214: {  	[sflag:s10] =	ssyncset.done $0x0  }
0x215: {  	[sflag:s10] =	ssyncadd.s32 $0xFFFFCC00  }
0x216: {  	_ =	sfence.sel $0x180000  }
0x217: {  	[bflag:$0x0] =	sbarrier.arrive $0xFFFF  }
0x218: {  	p0 =	sne.s32 s0, $0x0;
	_ =	strace $0x9000004A  }
0x219: {  	s0 =	sadd.s32 @!p0 $0x100000, s1;
	[bflag:$0x2] =	sbarrier.arrive $0xFFFF  }
0x21a: {  	[sflag:s0] =	ssyncadd.tile.s32 @!p0 $0x1;
	_ =	shalt  }
.Lfunc_end2:
_tile_overlayer_lowered:
.L_overlay_start_2:
0x21b: {  	(tag) =	ssettag $0x2  }
0x21c: {  	s0 =	rddreg [dreg:$0x0];
	s2 =	stileid.u32  }
0x21d: {  	s1 =	rddreg [dreg:$0x1];
	p0 =	sne.s32 s2, $0x0  }
0x21e: {  	s3 =	rddreg [dreg:$0x2];
	[bflag:$0x3] =	sbarrier.arrive $0xFFFF;
	s2 =	simm.s32 @!p0 $0x1C02  }
0x21f: {  	[timem:s3], [sflag:s2] =	dma.local @!p0 [hbm:s0], s1  }
0x220: {  	s0 =	simm.s32 @!p0 $0x2  }
0x221: {  	_ =	swait.ge @!p0 [sflag:s0], s1  }
0x222: {  	s1 =	ssub.s32 @!p0 $0x0, s1;
	[sflag:s0] =	ssyncset.done @!p0 $0x0  }
0x223: {  	[sflag:s0] =	ssyncadd.s32 @!p0 s1  }
0x224: {  	[bflag:$0x3] =	sbarrier.arrive $0xFFFF  }
0x225: {  	_ =	shalt  }

// kernel: _sc_gather2.7.cloned.1.call-start
scs
__scs_entry_jumppad:
0x0: {  	(pc) =	sbr.rel $0x88, $3  }
0x1: {  	(tag) =	ssettag $0x0;
	lr =	simm.s32 $0x1  }
0x2: {  	[smem:$0x3F9D] =	sst lr;
	_ =	strace $0xD0000000  }
0x3: {  	_ = 	snop  }
0x4: {  	_ = 	snop  }
0x5: {  	_ = 	snop  }
0x6: {  	_ = 	snop  }
0x7: {  	_ = 	snop  }
__scs_overlays_trampoline_lowered:
0x8: {  	[smem:$0x3FAC] =	sst s0  }
0x9: {  	[smem:$0x3FAD] =	sst s1  }
0xa: {  	[smem:$0x3FAE] =	sst s2  }
0xb: {  	[smem:$0x3FAF] =	sst s3  }
0xc: {  	[smem:$0x3FB0] =	sst s4  }
0xd: {  	[smem:$0x3FB1] =	sst s5  }
0xe: {  	[smem:$0x3FB2] =	sst s6  }
0xf: {  	[smem:$0x3FB3] =	sst s7  }
0x10: {  	[smem:$0x3FB4] =	sst s8  }
0x11: {  	[smem:$0x3FB5] =	sst s9;
	s0 =	simm.s32 @!p0 $0x0  }
0x12: {  	s1 =	sld [smem:$0x3F9B];
	s0 =	simm.s32 @p0 $0x1  }
0x13: {  	[smem:$0x3FB6] =	sst s0;
	s0 =	simm.s32 @!p1 $0x0  }
0x14: {  	s2 =	sld [smem:$0x3F9A];
	s0 =	simm.s32 @p1 $0x1  }
0x15: {  	[smem:$0x3FB7] =	sst s0;
	s0 =	simm.s32 @!p2 $0x0  }
0x16: {  	s3 =	sld [smem:$0x3FDB];
	s0 =	simm.s32 @p2 $0x1  }
0x17: {  	s4 =	simm.s32 $0x1BF5;
	[smem:$0x3FB9] =	sst s0  }
0x18: {  	s0 =	sld [smem:$0x3F9C];
	_ =	swait.ge [sflag:s4], $0x0  }
0x19: {  	s7 =	sld [smem:$0x3F9D]  }
0x1a: {  	s8 =	sadd.s32 $0xFFFFE003, lr  }
0x1b: {  	s9 =	sadd.s32 $0xFFFFFEF7, lr;
	s5 =	simm.s32 $0xFFFFFFFF;
	p2 =	slt.u32 s8, $0xFFFFF086  }
0x1c: {  	p1 =	slt.u32 s9, $0xF7A;
	s5 =	simm.s32 @!p2 $0x0  }
0x1d: {  	s5 =	simm.s32 @p1 $0x1;
	p0 =	seq.s32 s7, s2  }
0x1e: {  	s7 =	smul.u32 @!p0 $0xF7A, s2;
	p2 =	seq.s32 @!p0 s5, $0x0  }
0x1f: {  	s9 =	smul.u32 $0xF7A, s1;
	s8 =	simm.s32 @!p0 $0x1BF5;
	p2 =	por !p2, p0  }
0x20: {  	[sflag:s8] =	ssyncset.s32 @!p0 $0xFFFFF086;
	s6 =	sadd.s32 @!p0 s3, s7;
	s7 =	simm.s32 @!p0 $0x108  }
0x21: {  	s3 =	sadd.s32 s3, s9;
	s6 =	sadd.s32 @!p0 $0x88, s6;
	s7 =	simm.s32 @p2 $0x1082  }
0x22: {  	[simem:s7], [sflag:s8] =	dma.local @!p0 [hbm:s6], $0xF7A  }
0x23: {  	s9 =	sor.u32 $0xD0000000, s2;
	s6 =	simm.s32 $0x108;
	_ =	swait.ge @!p0 [sflag:s8], $0x0  }
0x24: {  	s3 =	sadd.s32 $0x88, s3;
	s6 =	simm.s32 @!p1 $0x1082;
	[sflag:s4] =	ssyncset.s32 $0xFFFFF086  }
0x25: {  	[simem:s6], [sflag:s4] =	dma.local [hbm:s3], $0xF7A  }
0x26: {  	[smem:$0x3F9D] =	sst s1;
	(tag) =	ssettag s2;
	_ =	strace s9  }
0x27: {  	s1 =	sld [smem:$0x3FAD]  }
0x28: {  	s2 =	sld [smem:$0x3FAE]  }
0x29: {  	s4 =	sld [smem:$0x3FB0]  }
0x2a: {  	p0 =	seq.s32 s5, $0x0;
	s5 =	sld [smem:$0x3FB1]  }
0x2b: {  	s6 =	sld [smem:$0x3FB2]  }
0x2c: {  	s7 =	sld [smem:$0x3FB3]  }
0x2d: {  	s3 =	simm.s32 $0x108;
	s8 =	sld [smem:$0x3FB4]  }
0x2e: {  	s3 =	simm.s32 @!p0 $0x1082;
	s9 =	sld [smem:$0x3FB5]  }
0x2f: {  	lr =	sadd.s32 s0, s3;
	s0 =	sld [smem:$0x3FAC]  }
0x30: {  	s3 =	sld [smem:$0x3FAF]  }
0x31: {  	[smem:$0x3FB8] =	sst s10  }
0x32: {  	s10 =	sld [smem:$0x3FB6];
	_ =	sdelay $0x3  }
0x33: {  	p0 =	seq.s32 s10, $0x1;
	s10 =	sld [smem:$0x3FB8];
	_ =	sdelay $0x3  }
0x34: {  	[smem:$0x3FB8] =	sst s10  }
0x35: {  	s10 =	sld [smem:$0x3FB7];
	_ =	sdelay $0x3  }
0x36: {  	p1 =	seq.s32 s10, $0x1;
	s10 =	sld [smem:$0x3FB8];
	_ =	sdelay $0x3  }
0x37: {  	[smem:$0x3FB8] =	sst s10  }
0x38: {  	s10 =	sld [smem:$0x3FB9]  }
0x39: {  	_ = 	snop;
	(pc) =	sbr.ind lr, $3  }
0x3a: {  	_ = 	snop  }
0x3b: {  	_ = 	snop  }
0x3c: {  	p2 =	seq.s32 s10, $0x1;
	s10 =	sld [smem:$0x3FB8]  }
0x3d: {  	_ =	shalt  }
0x3e: {  	_ =	shalt  }
0x3f: {  	_ =	shalt  }
0x40: {  	_ =	shalt  }
0x41: {  	_ =	shalt  }
0x42: {  	_ =	shalt  }
0x43: {  	_ =	shalt  }
0x44: {  	_ =	shalt  }
0x45: {  	_ =	shalt  }
0x46: {  	_ =	shalt  }
0x47: {  	_ =	shalt  }
0x48: {  	_ =	shalt  }
0x49: {  	_ =	shalt  }
0x4a: {  	_ =	shalt  }
0x4b: {  	_ =	shalt  }
0x4c: {  	_ =	shalt  }
0x4d: {  	_ =	shalt  }
0x4e: {  	_ =	shalt  }
0x4f: {  	_ =	shalt  }
0x50: {  	_ =	shalt  }
0x51: {  	_ =	shalt  }
0x52: {  	_ =	shalt  }
0x53: {  	_ =	shalt  }
0x54: {  	_ =	shalt  }
0x55: {  	_ =	shalt  }
0x56: {  	_ =	shalt  }
0x57: {  	_ =	shalt  }
0x58: {  	_ =	shalt  }
0x59: {  	_ =	shalt  }
0x5a: {  	_ =	shalt  }
0x5b: {  	_ =	shalt  }
0x5c: {  	_ =	shalt  }
0x5d: {  	_ =	shalt  }
0x5e: {  	_ =	shalt  }
0x5f: {  	_ =	shalt  }
0x60: {  	_ =	shalt  }
0x61: {  	_ =	shalt  }
0x62: {  	_ =	shalt  }
0x63: {  	_ =	shalt  }
0x64: {  	_ =	shalt  }
0x65: {  	_ =	shalt  }
0x66: {  	_ =	shalt  }
0x67: {  	_ =	shalt  }
0x68: {  	_ =	shalt  }
0x69: {  	_ =	shalt  }
0x6a: {  	_ =	shalt  }
0x6b: {  	_ =	shalt  }
0x6c: {  	_ =	shalt  }
0x6d: {  	_ =	shalt  }
0x6e: {  	_ =	shalt  }
0x6f: {  	_ =	shalt  }
0x70: {  	_ =	shalt  }
0x71: {  	_ =	shalt  }
0x72: {  	_ =	shalt  }
0x73: {  	_ =	shalt  }
0x74: {  	_ =	shalt  }
0x75: {  	_ =	shalt  }
0x76: {  	_ =	shalt  }
0x77: {  	_ =	shalt  }
0x78: {  	_ =	shalt  }
0x79: {  	_ =	shalt  }
0x7a: {  	_ =	shalt  }
0x7b: {  	_ =	shalt  }
0x7c: {  	_ =	shalt  }
0x7d: {  	_ =	shalt  }
0x7e: {  	_ =	shalt  }
0x7f: {  	_ =	shalt  }
0x80: {  	_ =	shalt  }
0x81: {  	_ =	shalt  }
0x82: {  	_ =	shalt  }
0x83: {  	_ =	shalt  }
0x84: {  	_ =	shalt  }
0x85: {  	_ =	shalt  }
0x86: {  	_ =	shalt  }
0x87: {  	_ =	shalt  }
.Lfunc_end0:
.L_simem_size_0:
called_computation.1_lowered:
.L_overlay_start_0:
0x88: {  	s2 =	sld [smem:$0x3FD9]  }
0x89: {  	s3 =	sld [smem:$0x3FFE];
	_ =	sdelay $0x1  }
0x8a: {  	s1 =	srdreg.scid  }
0x8b: {  	s0 =	sand.u32 $0x1, s1  }
0x8c: {  	s14 =	sshll.u32 s0, $0xA;
	s2 =	sadd.s32 s3, s2  }
0x8d: {  	s2 =	sadd.s32 s2, s14  }
0x8e: {  	[smem:$0x3FC4] =	sst s2  }
0x8f: {  	_ = 	snop  }
0x90: {  	s2 =	sld [smem:$0x3FD0];
	_ =	sdelay $0x2  }
0x91: {  	s4 =	simm.s32 $0xB;
	s5 =	simm.s32 $0x10;
	s15 =	sld [smem:$0x3FC6]  }
0x92: {  	[smem:s5], [sflag:s4] =	dma.local [hbm:s2], $0x1  }
0x93: {  	_ =	swait.eq [sflag:s4], $0x1  }
0x94: {  	[sflag:s4] =	ssyncset.done $0x0  }
0x95: {  	[sflag:s4] =	ssyncadd.s32 $0xFFFFFFFF  }
0x96: {  	s16 =	sld [smem:$0x11];
	(tm) =	ssettm $0x1  }
0x97: {  	s17 =	sld [smem:$0x3FFB];
	_ =	sdelay $0x3  }
0x98: {  	_ =	strace s17  }
0x99: {  	s4 =	sld [smem:$0x3FFC];
	_ =	sdelay $0x3  }
0x9a: {  	_ =	strace s4  }
0x9b: {  	s4 =	sld [smem:$0x3FFD];
	_ =	sdelay $0x3  }
0x9c: {  	_ =	strace s4  }
0x9d: {  	_ =	strace $0x8FFFFFFF  }
0x9e: {  	s18 =	sld [smem:$0x3FDB];
	_ =	sdelay $0x1  }
0x9f: {  	s19 =	simm.s32 $_scs_section_size  }
0xa0: {  	s6 =	simm.s32 $_size__tile_overlayer_lowered;
	s7 =	simm.s32 $_tile_overlayer_lowered  }
0xa1: {  	s22 =	simm.s32 $0x1BFF;
	s21 =	sshll.u32 s7, $0x1;
	s4 =	sadd.s32 s19, s18  }
0xa2: {  	s8 =	simm.s32 $0x0;
	s20 =	sshll.u32 s6, $0x1;
	s6 =	sadd.s32 s21, s4  }
0xa3: {  	[timem:s8], [sflag:s22] =	dma.local [hbm:s6], s20  }
0xa4: {  	_ =	swait.ge [sflag:s22], s20  }
0xa5: {  	s5 =	ssub.s32 $0x0, s20;
	[sflag:s22] =	ssyncset.done $0x0  }
0xa6: {  	[sflag:s22] =	ssyncadd.s32 s5;
	_ =	sdelay $0x1  }
0xa7: {  	s23 =	simm.s32 $0x1B8B  }
0xa8: {  	_ =	swait.ge [sflag:s23], $0x1  }
0xa9: {  	[sflag:s23] =	ssyncset.done $0x0  }
0xaa: {  	s25 =	simm.s32 $0x1B8E;
	s24 =	sld [smem:$0x3FFE];
	[sflag:s23] =	ssyncadd.s32 $0xFFFFFFFF  }
0xab: {  	s26 =	simm.s32 $execute0_lowered;
	[smem:$0x3FD2] =	sst s25  }
0xac: {  	s6 =	sshll.u32 s26, $0x1;
	_ =	strace $0x80000046;
	[dreg:$0x1] =	wrdreg $0xFFFFFFFF  }
0xad: {  	s28 =	simm.s32 $_size_execute0_lowered;
	s4 =	sadd.s32 s4, s6;
	[dreg:$0x0] =	wrdreg $0x0  }
0xae: {  	s6 =	sshll.u32 s28, $0x1;
	[dreg:$0x2] =	wrdreg s4  }
0xaf: {  	[dreg:$0x3] =	wrdreg s6  }
0xb0: {  	[dreg:$0x4] =	wrdreg $0xC0  }
0xb1: {  	_ =	task [dreg:s8], $0x5FFFF  }
0xb2: {  	[dreg:$0x1] =	wrdreg $0xFFFFFFFF  }
0xb3: {  	[dreg:$0x0] =	wrdreg $0x60  }
0xb4: {  	[dreg:$0x2] =	wrdreg s24  }
0xb5: {  	[dreg:$0x3] =	wrdreg s15  }
0xb6: {  	[dreg:$0x4] =	wrdreg s16  }
0xb7: {  	[dreg:$0x5] =	wrdreg $0xA  }
0xb8: {  	_ =	task.clear_ibuf [dreg:s8], $0x6FFFF;
	_ =	strace $0x90000046  }
0xb9: {  	s29 =	simm.s32 $0xA;
	_ =	strace $0x80000048  }
0xba: {  	_ =	swait.ge [sflag:s29], $0x1  }
0xbb: {  	[sflag:s29] =	ssyncadd.s32 $0xFFFFFFFF  }
0xbc: {  	_ =	strace $0x90000048  }
0xbd: {  	_ =	sfence  }
0xbe: {  	s30 =	sld [smem:$0x0];
	_ =	sdelay $0x2  }
0xbf: {  	s31 =	sshll.u32 s1, $0xD;
	s1 =	sshrl.u32 s1, $0x2  }
0xc0: {  	s3 =	sand.u32 $0x4000, s31;
	s1 =	sadd.s32 s1, s30  }
0xc1: {  	s0 =	sor.u32 s3, s0;
	s1 =	sshll.u32 s1, $0x11  }
0xc2: {  	s0 =	sor.u32 s1, s0  }
0xc3: {  	s0 =	sadd.s32 $0x8F2B, s0  }
0xc4: {  	[sflag:s0] =	ssyncadd.remote.s32 $0x1  }
0xc5: {  	_ =	sfence.sel $0xFFFF  }
0xc6: {  	[dreg:$0x0] =	wrdreg $0xFFFFFFFF;
	(pc) =	sbr.abs _section_cstart, $3  }
0xc7: {  	[dreg:$0x1] =	wrdreg $0xFFFFFFFF  }
0xc8: {  	_ =	task.clear_ibuf [dreg:s8], $0x2FFFF;
	_ =	strace $0x9FFFFFFF  }
0xc9: {  	(tm) =	ssettm $0x7FFFFFFF  }
tec
execute0_lowered:
.L_overlay_start_1:
0x0: {  	(tag) =	ssettag $0x1  }
0x1: {  	s4 =	rddreg [dreg:$0x0]  }
0x2: {  	s1 =	srdreg.scid;
	s2 =	rddreg [dreg:$0x1]  }
0x3: {  	s0 =	stileid.u32;
	s6 =	rddreg [dreg:$0x2];
	s3 =	simm.s32 $0x0  }
0x4: {  	s10 =	simm.s32 $0x2;
	s5 =	sand.u32 $0x1, s1;
	s30 =	sshll.u32 s0, $0x1  }
0x5: {  	s11 =	simm.s32 $0x80;
	s12 =	simm.s32 $0x1;
	s7 =	sor.u32 s5, s30  }
0x6: {  	s13 =	simm.s32 $0x3A80;
	s14 =	simm.s32 $0x0;
	s8 =	smul.u32 $0xD0, s7  }
0x7: {  	[smem:$0x7FF] =	sst s3;
	s5 =	ssub.s32 $0x2, s5;
	s7 =	smul.u32 $0xD000, s7  }
0x8: {  	v0 =	vlaneseq.u32;
	s1 =	rddreg [dreg:$0x3];
	_ =	strace $0x80000047;
	s31 =	sshrl.u32 s5, $0x1  }
0x9: {  	v1 =	vmul.u32 $0x186A0, v0;
	s9 =	ssub.s32 s5, s31;
	s4 =	sadd.s32 s8, s4;
	s7 =	sshrl.u32 s7, $0x3  }
0xa: {  	s9 =	smax.u32 s9, $0x1;
	s4 =	sadd.s32 $0xA00, s4;
	s5 =	sadd.s32 s6, s7  }
0xb: {  	v2 =	vadd.s32 $0x186A00, v1;
	s6 =	sadd.s32 $0x680, s5;
	s7 =	sadd.s32 $0xD00, s5;
	s8 =	sadd.s32 $0x1380, s5  }
.LBB2_1:
0xc: {  	v3 =	vor.u32 s3, v0  }
0xd: {  	v4 =	vmulhi.u32 $0x4EC4EC4F, v3  }
0xe: {  	[tilespmem:s3], [sflag:$0x2] =	stream.linear.gather [hbm4b:s4+s3], $0x680, $0x38;
	[tilespmem:$0x6E80] =	vst v63  }
0xf: {  	_ =	swait.ge [sflag:s10], $0x680;
	v4 =	vshrl.u32 v4, $0x2  }
0x10: {  	[sflag:s10] =	ssyncset.done $0x0;
	v4 =	vmul.u32 $0xD, v4  }
0x11: {  	s16 =	sand.u32 $0x7F0, s3;
	[sflag:s10] =	ssyncadd.s32 $0xFFFFF980  }
0x12: {  	v5 =	vsub.s32 v3, v4;
	v4 =	vld [tilespmem:s16+$0x0];
	_ =	sdelay $0x1  }
0x13: {  	s15 =	simm.s32 $0x10  }
0x14: {  	s17 =	simm.s32 $0x20;
	v3 =	vor.u32 s15, v0;
	v5 =	vmul.u32 $0x30D400, v5  }
.LBB2_2:
0x15: {  	p0 =	sne.s32 s17, $0x670;
	v6 =	vmulhi.u32 $0x4EC4EC4F, v3  }
0x16: {  	v4 =	vadd.s32 v5, v4  }
.Ltmp0:
0x17: {  	v5 =	vshrl.u32 v6, $0x2;
	[tilespmem:s16+$0x0] =	vst v4;
	s16 =	sand.u32 $0x7F0, s15;
	s15 =	smov.u32 s17;
	(pc) =	sbr.rel @p0 .LBB2_2-.Ltmp0, $3  }
0x18: {  	v5 =	vmul.u32 $0xD, v5;
	v4 =	vld [tilespmem:s16+$0x0];
	_ =	sdelay $0x1  }
0x19: {  	v5 =	vsub.s32 v3, v5  }
0x1a: {  	s17 =	sadd.s32 $0x10, s17;
	v3 =	vor.u32 s15, v0;
	v5 =	vmul.u32 $0x30D400, v5  }
0x1b: {  	v6 =	vmulhi.u32 $0x4EC4EC4F, v3  }
0x1c: {  	v4 =	vadd.s32 v5, v4  }
0x1d: {  	s17 =	sand.u32 $0x7F0, s15;
	v5 =	vshrl.u32 v6, $0x2;
	[tilespmem:s16+$0x0] =	vst v4  }
0x1e: {  	v4 =	vmul.u32 $0xD, v5;
	v5 =	vld [tilespmem:s17+$0x0];
	_ =	sdelay $0x1  }
0x1f: {  	v3 =	vsub.s32 v3, v4  }
0x20: {  	s15 =	simm.s32 $0x0;
	v3 =	vmul.u32 $0x30D400, v3  }
0x21: {  	s30 =	sand.u32 $0x600, s15  }
0x22: {  	s18 =	sand.u32 $0x70, s15;
	s16 =	sshrl.u32 s30, $0x2;
	v3 =	vadd.s32 v3, v5  }
0x23: {  	s16 =	sor.u32 s18, s16;
	[tilespmem:s17+$0x0] =	vst v3  }
0x24: {  	v3 =	vld [tilespmem:s16+$0x0];
	_ =	sdelay $0x4  }
0x25: {  	v4 =	vbroadcast v3, $0x0;
	_ =	sdelay $0x1  }
0x26: {  	s16 =	simm.s32 $0x780;
	v5 =	vbroadcast v3, $0x1;
	v6 =	vadd.s32 v1, v4  }
0x27: {  	v4 =	vadd.s32 v2, v4;
	[tilespmem:s16+$0xFFFFFF00] =	vst v6  }
0x28: {  	v7 =	vadd.s32 v1, v5;
	v6 =	vbroadcast v3, $0x2;
	[tilespmem:s16+$0xFFFFFF10] =	vst v4  }
0x29: {  	v4 =	vadd.s32 v2, v5;
	[tilespmem:s16+$0xFFFFFF20] =	vst v7  }
0x2a: {  	v5 =	vbroadcast v3, $0x3;
	[tilespmem:s16+$0xFFFFFF30] =	vst v4;
	v7 =	vadd.s32 v1, v6  }
0x2b: {  	v4 =	vadd.s32 v2, v6;
	[tilespmem:s16+$0xFFFFFF40] =	vst v7  }
0x2c: {  	v6 =	vadd.s32 v1, v5;
	v7 =	vbroadcast v3, $0x4;
	[tilespmem:s16+$0xFFFFFF50] =	vst v4  }
0x2d: {  	v4 =	vadd.s32 v2, v5;
	[tilespmem:s16+$0xFFFFFF60] =	vst v6  }
0x2e: {  	v5 =	vbroadcast v3, $0x5;
	[tilespmem:s16+$0xFFFFFF70] =	vst v4;
	v6 =	vadd.s32 v1, v7  }
0x2f: {  	v4 =	vadd.s32 v2, v7;
	[tilespmem:s16+$0xFFFFFF80] =	vst v6  }
0x30: {  	v7 =	vadd.s32 v1, v5;
	v6 =	vbroadcast v3, $0x6;
	[tilespmem:s16+$0xFFFFFF90] =	vst v4  }
0x31: {  	v4 =	vadd.s32 v2, v5;
	[tilespmem:s16+$0xFFFFFFA0] =	vst v7  }
0x32: {  	v5 =	vbroadcast v3, $0x7;
	[tilespmem:s16+$0xFFFFFFB0] =	vst v4;
	v7 =	vadd.s32 v1, v6  }
0x33: {  	v4 =	vadd.s32 v2, v6;
	[tilespmem:s16+$0xFFFFFFC0] =	vst v7  }
0x34: {  	v6 =	vadd.s32 v1, v5;
	v7 =	vbroadcast v3, $0x8;
	[tilespmem:s16+$0xFFFFFFD0] =	vst v4  }
0x35: {  	v4 =	vadd.s32 v2, v5;
	[tilespmem:s16+$0xFFFFFFE0] =	vst v6  }
0x36: {  	v5 =	vbroadcast v3, $0x9;
	[tilespmem:s16+$0xFFFFFFF0] =	vst v4;
	v6 =	vadd.s32 v1, v7  }
0x37: {  	v4 =	vadd.s32 v2, v7;
	[tilespmem:s16+$0x0] =	vst v6  }
0x38: {  	v7 =	vadd.s32 v1, v5;
	v6 =	vbroadcast v3, $0xA;
	[tilespmem:s16+$0x10] =	vst v4  }
0x39: {  	v4 =	vadd.s32 v2, v5;
	[tilespmem:s16+$0x20] =	vst v7  }
0x3a: {  	v5 =	vbroadcast v3, $0xB;
	[tilespmem:s16+$0x30] =	vst v4;
	v7 =	vadd.s32 v1, v6  }
0x3b: {  	v4 =	vadd.s32 v2, v6;
	[tilespmem:s16+$0x40] =	vst v7  }
0x3c: {  	v6 =	vadd.s32 v1, v5;
	v7 =	vbroadcast v3, $0xC;
	[tilespmem:s16+$0x50] =	vst v4  }
0x3d: {  	v4 =	vadd.s32 v2, v5;
	[tilespmem:s16+$0x60] =	vst v6  }
0x3e: {  	v5 =	vbroadcast v3, $0xD;
	[tilespmem:s16+$0x70] =	vst v4;
	v6 =	vadd.s32 v1, v7  }
0x3f: {  	v4 =	vadd.s32 v2, v7;
	[tilespmem:s16+$0x80] =	vst v6  }
0x40: {  	v7 =	vadd.s32 v1, v5;
	v6 =	vbroadcast v3, $0xE;
	[tilespmem:s16+$0x90] =	vst v4  }
0x41: {  	v4 =	vadd.s32 v2, v5;
	[tilespmem:s16+$0xA0] =	vst v7  }
0x42: {  	v3 =	vbroadcast v3, $0xF;
	[tilespmem:s16+$0xB0] =	vst v4;
	v5 =	vadd.s32 v1, v6  }
0x43: {  	s31 =	simm.s32 $0x40;
	v6 =	vadd.s32 v2, v6;
	[tilespmem:s16+$0xC0] =	vst v5  }
0x44: {  	s19 =	sand.u32 $0x600, s31;
	s18 =	simm.s32 $0x10;
	s17 =	simm.s32 $0x80;
	v4 =	vadd.s32 v1, v3;
	v3 =	vadd.s32 v2, v3;
	[tilespmem:s16+$0xD0] =	vst v6  }
.LBB2_4:
0x45: {  	p0 =	sne.s32 s17, $0x640;
	s20 =	sand.u32 $0x70, s18;
	s19 =	sshrl.u32 s19, $0x2;
	[tilespmem:s16+$0xE0] =	vst v4  }
0x46: {  	s19 =	sor.u32 s20, s19;
	[tilespmem:s16+$0xF0] =	vst v3  }
0x47: {  	v3 =	vld [tilespmem:s19+$0x0];
	_ =	sdelay $0x4  }
0x48: {  	v4 =	vbroadcast v3, $0x0;
	v5 =	vbroadcast v3, $0x1  }
0x49: {  	v6 =	vbroadcast v3, $0x2;
	v7 =	vbroadcast v3, $0x3  }
0x4a: {  	s16 =	sadd.s32 $0x200, s16;
	v8 =	vadd.s32 v1, v4;
	v4 =	vadd.s32 v2, v4;
	v9 =	vadd.s32 v1, v5  }
0x4b: {  	v5 =	vadd.s32 v2, v5;
	[tilespmem:s16+$0xFFFFFF00] =	vst v8;
	v8 =	vadd.s32 v1, v6;
	v6 =	vadd.s32 v2, v6  }
0x4c: {  	v10 =	vbroadcast v3, $0x4;
	[tilespmem:s16+$0xFFFFFF10] =	vst v4;
	v4 =	vadd.s32 v1, v7;
	v7 =	vadd.s32 v2, v7  }
0x4d: {  	v11 =	vbroadcast v3, $0x6;
	[tilespmem:s16+$0xFFFFFF20] =	vst v9;
	v9 =	vbroadcast v3, $0x5  }
0x4e: {  	v12 =	vbroadcast v3, $0x7;
	[tilespmem:s16+$0xFFFFFF30] =	vst v5;
	v5 =	vadd.s32 v1, v10;
	v10 =	vadd.s32 v2, v10  }
0x4f: {  	v13 =	vadd.s32 v1, v11;
	[tilespmem:s16+$0xFFFFFF40] =	vst v8;
	v8 =	vadd.s32 v1, v9;
	v9 =	vadd.s32 v2, v9  }
0x50: {  	[tilespmem:s16+$0xFFFFFF50] =	vst v6;
	v6 =	vadd.s32 v2, v11;
	v11 =	vadd.s32 v1, v12;
	v12 =	vadd.s32 v2, v12  }
0x51: {  	v14 =	vbroadcast v3, $0x9;
	[tilespmem:s16+$0xFFFFFF60] =	vst v4;
	v4 =	vbroadcast v3, $0x8  }
0x52: {  	v15 =	vbroadcast v3, $0xB;
	[tilespmem:s16+$0xFFFFFF70] =	vst v7;
	v7 =	vbroadcast v3, $0xA  }
0x53: {  	v17 =	vadd.s32 v1, v14;
	[tilespmem:s16+$0xFFFFFF80] =	vst v5;
	v5 =	vadd.s32 v1, v4;
	v16 =	vadd.s32 v2, v4  }
0x54: {  	[tilespmem:s16+$0xFFFFFF90] =	vst v10;
	v10 =	vadd.s32 v2, v14;
	v14 =	vadd.s32 v1, v7;
	v7 =	vadd.s32 v2, v7  }
0x55: {  	v4 =	vbroadcast v3, $0xC;
	[tilespmem:s16+$0xFFFFFFA0] =	vst v8;
	v8 =	vadd.s32 v1, v15;
	v15 =	vadd.s32 v2, v15  }
0x56: {  	v18 =	vbroadcast v3, $0xE;
	[tilespmem:s16+$0xFFFFFFB0] =	vst v9;
	v9 =	vbroadcast v3, $0xD  }
0x57: {  	v19 =	vadd.s32 v2, v4;
	v3 =	vbroadcast v3, $0xF;
	[tilespmem:s16+$0xFFFFFFC0] =	vst v13;
	v13 =	vadd.s32 v1, v4  }
0x58: {  	v20 =	vadd.s32 v1, v18;
	[tilespmem:s16+$0xFFFFFFD0] =	vst v6;
	v6 =	vadd.s32 v1, v9;
	v9 =	vadd.s32 v2, v9  }
0x59: {  	v4 =	vadd.s32 v1, v3;
	v3 =	vadd.s32 v2, v3;
	[tilespmem:s16+$0xFFFFFFE0] =	vst v11;
	v11 =	vadd.s32 v2, v18  }
0x5a: {  	[tilespmem:s16+$0xFFFFFFF0] =	vst v12  }
0x5b: {  	[tilespmem:s16+$0x0] =	vst v5  }
0x5c: {  	[tilespmem:s16+$0x10] =	vst v16  }
0x5d: {  	[tilespmem:s16+$0x20] =	vst v17  }
0x5e: {  	[tilespmem:s16+$0x30] =	vst v10  }
0x5f: {  	[tilespmem:s16+$0x40] =	vst v14  }
0x60: {  	[tilespmem:s16+$0x50] =	vst v7  }
0x61: {  	[tilespmem:s16+$0x60] =	vst v8  }
0x62: {  	[tilespmem:s16+$0x70] =	vst v15  }
0x63: {  	[tilespmem:s16+$0x80] =	vst v13  }
.Ltmp1:
0x64: {  	[tilespmem:s16+$0x90] =	vst v19;
	(pc) =	sbr.rel @p0 .LBB2_4-.Ltmp1, $4  }
0x65: {  	[tilespmem:s16+$0xA0] =	vst v6  }
0x66: {  	[tilespmem:s16+$0xB0] =	vst v9  }
0x67: {  	[tilespmem:s16+$0xC0] =	vst v20  }
0x68: {  	s18 =	sadd.s32 $0x10, s18;
	s19 =	sand.u32 $0x600, s17;
	s17 =	sadd.s32 $0x40, s17;
	[tilespmem:s16+$0xD0] =	vst v11  }
0x69: {  	s17 =	sand.u32 $0x70, s18;
	s30 =	sshrl.u32 s19, $0x2;
	[tilespmem:s16+$0xE0] =	vst v4  }
0x6a: {  	[tilespmem:s16+$0xF0] =	vst v3;
	s17 =	sor.u32 s17, s30  }
0x6b: {  	v3 =	vld [tilespmem:s17+$0x0];
	_ =	sdelay $0x4  }
0x6c: {  	v22 =	vbroadcast v3, $0x0;
	_ =	sdelay $0x1  }
0x6d: {  	s31 =	sadd.s32 $0x200, s16;
	v5 =	vbroadcast v3, $0x1;
	v6 =	vadd.s32 v1, v22  }
0x6e: {  	v4 =	vadd.s32 v2, v22;
	[tilespmem:s31+$0xFFFFFF00] =	vst v6  }
0x6f: {  	v23 =	vbroadcast v3, $0x2;
	v7 =	vadd.s32 v1, v5;
	[tilespmem:s31+$0xFFFFFF10] =	vst v4  }
0x70: {  	v24 =	vadd.s32 v2, v5;
	[tilespmem:s31+$0xFFFFFF20] =	vst v7  }
0x71: {  	v25 =	vbroadcast v3, $0x3;
	v26 =	vadd.s32 v1, v23;
	[tilespmem:s31+$0xFFFFFF30] =	vst v24  }
0x72: {  	v27 =	vadd.s32 v2, v23;
	[tilespmem:s31+$0xFFFFFF40] =	vst v26  }
0x73: {  	v29 =	vbroadcast v3, $0x4;
	v28 =	vadd.s32 v1, v25;
	[tilespmem:s31+$0xFFFFFF50] =	vst v27  }
0x74: {  	v30 =	vadd.s32 v2, v25;
	[tilespmem:s31+$0xFFFFFF60] =	vst v28  }
0x75: {  	v31 =	vbroadcast v3, $0x5;
	v32 =	vadd.s32 v1, v29;
	[tilespmem:s31+$0xFFFFFF70] =	vst v30  }
0x76: {  	v33 =	vadd.s32 v2, v29;
	[tilespmem:s31+$0xFFFFFF80] =	vst v32  }
0x77: {  	v34 =	vbroadcast v3, $0x6;
	v35 =	vadd.s32 v1, v31;
	[tilespmem:s31+$0xFFFFFF90] =	vst v33  }
0x78: {  	v36 =	vadd.s32 v2, v31;
	[tilespmem:s31+$0xFFFFFFA0] =	vst v35  }
0x79: {  	v37 =	vbroadcast v3, $0x7;
	v38 =	vadd.s32 v1, v34;
	[tilespmem:s31+$0xFFFFFFB0] =	vst v36  }
0x7a: {  	v39 =	vadd.s32 v2, v34;
	[tilespmem:s31+$0xFFFFFFC0] =	vst v38  }
0x7b: {  	v41 =	vbroadcast v3, $0x8;
	v40 =	vadd.s32 v1, v37;
	[tilespmem:s31+$0xFFFFFFD0] =	vst v39  }
0x7c: {  	v42 =	vadd.s32 v2, v37;
	[tilespmem:s31+$0xFFFFFFE0] =	vst v40  }
0x7d: {  	v43 =	vbroadcast v3, $0x9;
	v44 =	vadd.s32 v1, v41;
	[tilespmem:s31+$0xFFFFFFF0] =	vst v42  }
0x7e: {  	v45 =	vadd.s32 v2, v41;
	[tilespmem:s31+$0x0] =	vst v44  }
0x7f: {  	v46 =	vbroadcast v3, $0xA;
	v47 =	vadd.s32 v1, v43;
	[tilespmem:s31+$0x10] =	vst v45  }
0x80: {  	v48 =	vadd.s32 v2, v43;
	[tilespmem:s31+$0x20] =	vst v47  }
0x81: {  	v49 =	vbroadcast v3, $0xB;
	v50 =	vadd.s32 v1, v46;
	[tilespmem:s31+$0x30] =	vst v48  }
0x82: {  	v51 =	vadd.s32 v2, v46;
	[tilespmem:s31+$0x40] =	vst v50  }
0x83: {  	v53 =	vbroadcast v3, $0xC;
	v52 =	vadd.s32 v1, v49;
	[tilespmem:s31+$0x50] =	vst v51  }
0x84: {  	v54 =	vadd.s32 v2, v49;
	[tilespmem:s31+$0x60] =	vst v52  }
0x85: {  	v55 =	vbroadcast v3, $0xD;
	v56 =	vadd.s32 v1, v53;
	[tilespmem:s31+$0x70] =	vst v54  }
0x86: {  	v57 =	vadd.s32 v2, v53;
	[tilespmem:s31+$0x80] =	vst v56  }
0x87: {  	v58 =	vbroadcast v3, $0xE;
	v59 =	vadd.s32 v1, v55;
	[tilespmem:s31+$0x90] =	vst v57  }
0x88: {  	v60 =	vadd.s32 v2, v55;
	[tilespmem:s31+$0xA0] =	vst v59  }
0x89: {  	v3 =	vbroadcast v3, $0xF;
	v61 =	vadd.s32 v1, v58;
	[tilespmem:s31+$0xB0] =	vst v60  }
0x8a: {  	v62 =	vadd.s32 v2, v58;
	[tilespmem:s31+$0xC0] =	vst v61  }
0x8b: {  	v63 =	vadd.s32 v1, v3;
	[tilespmem:s31+$0xD0] =	vst v62  }
0x8c: {  	v3 =	vadd.s32 v2, v3;
	[tilespmem:s31+$0xE0] =	vst v63  }
0x8d: {  	[tilespmem:s31+$0xF0] =	vst v3  }
.LBB2_6:
0x8e: {  	p0 =	sne.s32 s15, $0xCE00  }
.Ltmp2:
0x8f: {  	_ = 	snop;
	(pc) =	sbr.rel @p0 .LBB2_6-.Ltmp2, $4  }
0x90: {  	_ = 	snop  }
0x91: {  	s16 =	sshra.s32 s15, $0x2  }
0x92: {  	s15 =	sadd.s32 $0x200, s15;
	s17 =	sadd.s32 $0x3A80, s16;
	s16 =	sadd.s32 $0x680, s16  }
0x93: {  	[tilespmem:s17], [sflag:$0x1] =	stream.indirect.gather [hbm4b:s2+s11], $0x1, s16, s11, $0xb8;
	[tilespmem:$0x6E80] =	vst v63  }
0x94: {  	_ =	swait.ge [sflag:s12], $0x80  }
0x95: {  	s15 =	simm.s32 $0x67;
	[sflag:s12] =	ssyncset.done $0x0  }
.LBB2_8:
0x96: {  	p0 =	sne.s32 s15, $0x1;
	s15 =	sadd.s32 $0xFFFFFFFF, s15;
	[sflag:s12] =	ssyncadd.s32 $0xFFFFFF80  }
.Ltmp3:
0x97: {  	(pc) =	sbr.rel @p0 .LBB2_8-.Ltmp3, $3  }
0x98: {  	_ =	sdelay $0x1  }
0x99: {  	_ =	swait.ge [sflag:s12], $0x80  }
0x9a: {  	[sflag:s12] =	ssyncset.done $0x0  }
0x9b: {  	[sflag:s12] =	ssyncadd.s32 $0xFFFFFF80;
	s15 =	simm.s32 $0x680  }
0x9c: {  	[hbm4b:s5+s3] =	stream.linear.scatter [tilespmem:s13], [sflag:$0x2], $0x3400, $0x38;
	[tilespmem:$0x6E80] =	vst v63  }
0x9d: {  	s16 =	simm.s32 $0x1A0;
	s15 =	sand.u32 $0xE00, s15;
	_ =	swait.ge [sflag:s10], $0x3400  }
0x9e: {  	s16 =	sand.u32 $0x70, s16;
	s15 =	sshrl.u32 s15, $0x2;
	[sflag:s10] =	ssyncset.done $0x0  }
0x9f: {  	s15 =	sor.u32 s16, s15;
	[sflag:s10] =	ssyncadd.s32 $0xFFFFCC00  }
0xa0: {  	v3 =	vld [tilespmem:s15+$0x0];
	_ =	sdelay $0x4  }
0xa1: {  	v4 =	vbroadcast v3, $0x0;
	_ =	sdelay $0x1  }
0xa2: {  	s15 =	simm.s32 $0x780;
	v5 =	vbroadcast v3, $0x1;
	v6 =	vadd.s32 v1, v4  }
0xa3: {  	v4 =	vadd.s32 v2, v4;
	[tilespmem:s15+$0xFFFFFF00] =	vst v6  }
0xa4: {  	v7 =	vadd.s32 v1, v5;
	v6 =	vbroadcast v3, $0x2;
	[tilespmem:s15+$0xFFFFFF10] =	vst v4  }
0xa5: {  	v4 =	vadd.s32 v2, v5;
	[tilespmem:s15+$0xFFFFFF20] =	vst v7  }
0xa6: {  	v5 =	vbroadcast v3, $0x3;
	[tilespmem:s15+$0xFFFFFF30] =	vst v4;
	v7 =	vadd.s32 v1, v6  }
0xa7: {  	v4 =	vadd.s32 v2, v6;
	[tilespmem:s15+$0xFFFFFF40] =	vst v7  }
0xa8: {  	v6 =	vadd.s32 v1, v5;
	v7 =	vbroadcast v3, $0x4;
	[tilespmem:s15+$0xFFFFFF50] =	vst v4  }
0xa9: {  	v4 =	vadd.s32 v2, v5;
	[tilespmem:s15+$0xFFFFFF60] =	vst v6  }
0xaa: {  	v5 =	vbroadcast v3, $0x5;
	[tilespmem:s15+$0xFFFFFF70] =	vst v4;
	v6 =	vadd.s32 v1, v7  }
0xab: {  	v4 =	vadd.s32 v2, v7;
	[tilespmem:s15+$0xFFFFFF80] =	vst v6  }
0xac: {  	v7 =	vadd.s32 v1, v5;
	v6 =	vbroadcast v3, $0x6;
	[tilespmem:s15+$0xFFFFFF90] =	vst v4  }
0xad: {  	v4 =	vadd.s32 v2, v5;
	[tilespmem:s15+$0xFFFFFFA0] =	vst v7  }
0xae: {  	v5 =	vbroadcast v3, $0x7;
	[tilespmem:s15+$0xFFFFFFB0] =	vst v4;
	v7 =	vadd.s32 v1, v6  }
0xaf: {  	v4 =	vadd.s32 v2, v6;
	[tilespmem:s15+$0xFFFFFFC0] =	vst v7  }
0xb0: {  	v6 =	vadd.s32 v1, v5;
	v7 =	vbroadcast v3, $0x8;
	[tilespmem:s15+$0xFFFFFFD0] =	vst v4  }
0xb1: {  	v4 =	vadd.s32 v2, v5;
	[tilespmem:s15+$0xFFFFFFE0] =	vst v6  }
0xb2: {  	v5 =	vbroadcast v3, $0x9;
	[tilespmem:s15+$0xFFFFFFF0] =	vst v4;
	v6 =	vadd.s32 v1, v7  }
0xb3: {  	v4 =	vadd.s32 v2, v7;
	[tilespmem:s15+$0x0] =	vst v6  }
0xb4: {  	v7 =	vadd.s32 v1, v5;
	v6 =	vbroadcast v3, $0xA;
	[tilespmem:s15+$0x10] =	vst v4  }
0xb5: {  	v4 =	vadd.s32 v2, v5;
	[tilespmem:s15+$0x20] =	vst v7  }
0xb6: {  	v5 =	vbroadcast v3, $0xB;
	[tilespmem:s15+$0x30] =	vst v4;
	v7 =	vadd.s32 v1, v6  }
0xb7: {  	v4 =	vadd.s32 v2, v6;
	[tilespmem:s15+$0x40] =	vst v7  }
0xb8: {  	v6 =	vadd.s32 v1, v5;
	v7 =	vbroadcast v3, $0xC;
	[tilespmem:s15+$0x50] =	vst v4  }
0xb9: {  	v4 =	vadd.s32 v2, v5;
	[tilespmem:s15+$0x60] =	vst v6  }
0xba: {  	v5 =	vbroadcast v3, $0xD;
	[tilespmem:s15+$0x70] =	vst v4;
	v6 =	vadd.s32 v1, v7  }
0xbb: {  	v4 =	vadd.s32 v2, v7;
	[tilespmem:s15+$0x80] =	vst v6  }
0xbc: {  	v7 =	vadd.s32 v1, v5;
	v6 =	vbroadcast v3, $0xE;
	[tilespmem:s15+$0x90] =	vst v4  }
0xbd: {  	v4 =	vadd.s32 v2, v5;
	[tilespmem:s15+$0xA0] =	vst v7  }
0xbe: {  	v3 =	vbroadcast v3, $0xF;
	[tilespmem:s15+$0xB0] =	vst v4;
	v5 =	vadd.s32 v1, v6  }
0xbf: {  	s16 =	simm.s32 $0x6C0;
	v6 =	vadd.s32 v2, v6;
	[tilespmem:s15+$0xC0] =	vst v5  }
0xc0: {  	s18 =	simm.s32 $0x1B0;
	s17 =	simm.s32 $0x1C0;
	s19 =	sand.u32 $0xE00, s16;
	v4 =	vadd.s32 v1, v3;
	v3 =	vadd.s32 v2, v3;
	[tilespmem:s15+$0xD0] =	vst v6  }
.LBB2_10:
0xc1: {  	p0 =	sne.s32 s17, $0x330;
	s18 =	sand.u32 $0x70, s18;
	s19 =	sshrl.u32 s19, $0x2;
	[tilespmem:s15+$0xE0] =	vst v4  }
0xc2: {  	s19 =	sor.u32 s18, s19;
	[tilespmem:s15+$0xF0] =	vst v3;
	s18 =	smov.u32 s17  }
0xc3: {  	v3 =	vld [tilespmem:s19+$0x0];
	_ =	sdelay $0x4  }
0xc4: {  	v4 =	vbroadcast v3, $0x0;
	v5 =	vbroadcast v3, $0x1  }
0xc5: {  	v6 =	vbroadcast v3, $0x2;
	v7 =	vbroadcast v3, $0x3  }
0xc6: {  	s15 =	sadd.s32 $0x200, s15;
	v8 =	vadd.s32 v1, v4;
	v4 =	vadd.s32 v2, v4;
	v9 =	vadd.s32 v1, v5  }
0xc7: {  	v5 =	vadd.s32 v2, v5;
	[tilespmem:s15+$0xFFFFFF00] =	vst v8;
	v8 =	vadd.s32 v1, v6;
	v6 =	vadd.s32 v2, v6  }
0xc8: {  	v10 =	vbroadcast v3, $0x4;
	[tilespmem:s15+$0xFFFFFF10] =	vst v4;
	v4 =	vadd.s32 v1, v7;
	v7 =	vadd.s32 v2, v7  }
0xc9: {  	v11 =	vbroadcast v3, $0x6;
	[tilespmem:s15+$0xFFFFFF20] =	vst v9;
	v9 =	vbroadcast v3, $0x5  }
0xca: {  	v12 =	vbroadcast v3, $0x7;
	[tilespmem:s15+$0xFFFFFF30] =	vst v5;
	v5 =	vadd.s32 v1, v10;
	v10 =	vadd.s32 v2, v10  }
0xcb: {  	v13 =	vadd.s32 v1, v11;
	[tilespmem:s15+$0xFFFFFF40] =	vst v8;
	v8 =	vadd.s32 v1, v9;
	v9 =	vadd.s32 v2, v9  }
0xcc: {  	[tilespmem:s15+$0xFFFFFF50] =	vst v6;
	v6 =	vadd.s32 v2, v11;
	v11 =	vadd.s32 v1, v12;
	v12 =	vadd.s32 v2, v12  }
0xcd: {  	v14 =	vbroadcast v3, $0x9;
	[tilespmem:s15+$0xFFFFFF60] =	vst v4;
	v4 =	vbroadcast v3, $0x8  }
0xce: {  	v15 =	vbroadcast v3, $0xB;
	[tilespmem:s15+$0xFFFFFF70] =	vst v7;
	v7 =	vbroadcast v3, $0xA  }
0xcf: {  	v17 =	vadd.s32 v1, v14;
	[tilespmem:s15+$0xFFFFFF80] =	vst v5;
	v5 =	vadd.s32 v1, v4;
	v16 =	vadd.s32 v2, v4  }
0xd0: {  	[tilespmem:s15+$0xFFFFFF90] =	vst v10;
	v10 =	vadd.s32 v2, v14;
	v14 =	vadd.s32 v1, v7;
	v7 =	vadd.s32 v2, v7  }
0xd1: {  	v4 =	vbroadcast v3, $0xC;
	[tilespmem:s15+$0xFFFFFFA0] =	vst v8;
	v8 =	vadd.s32 v1, v15;
	v15 =	vadd.s32 v2, v15  }
0xd2: {  	v18 =	vbroadcast v3, $0xE;
	[tilespmem:s15+$0xFFFFFFB0] =	vst v9;
	v9 =	vbroadcast v3, $0xD  }
0xd3: {  	v19 =	vadd.s32 v2, v4;
	v3 =	vbroadcast v3, $0xF;
	[tilespmem:s15+$0xFFFFFFC0] =	vst v13;
	v13 =	vadd.s32 v1, v4  }
0xd4: {  	v20 =	vadd.s32 v1, v18;
	[tilespmem:s15+$0xFFFFFFD0] =	vst v6;
	v6 =	vadd.s32 v1, v9;
	v9 =	vadd.s32 v2, v9  }
0xd5: {  	v4 =	vadd.s32 v1, v3;
	v3 =	vadd.s32 v2, v3;
	[tilespmem:s15+$0xFFFFFFE0] =	vst v11;
	v11 =	vadd.s32 v2, v18  }
0xd6: {  	[tilespmem:s15+$0xFFFFFFF0] =	vst v12  }
0xd7: {  	[tilespmem:s15+$0x0] =	vst v5  }
0xd8: {  	[tilespmem:s15+$0x10] =	vst v16  }
0xd9: {  	[tilespmem:s15+$0x20] =	vst v17  }
0xda: {  	[tilespmem:s15+$0x30] =	vst v10  }
0xdb: {  	[tilespmem:s15+$0x40] =	vst v14  }
0xdc: {  	[tilespmem:s15+$0x50] =	vst v7  }
0xdd: {  	[tilespmem:s15+$0x60] =	vst v8  }
0xde: {  	[tilespmem:s15+$0x70] =	vst v15  }
0xdf: {  	[tilespmem:s15+$0x80] =	vst v13  }
.Ltmp4:
0xe0: {  	[tilespmem:s15+$0x90] =	vst v19;
	(pc) =	sbr.rel @p0 .LBB2_10-.Ltmp4, $4  }
0xe1: {  	[tilespmem:s15+$0xA0] =	vst v6  }
0xe2: {  	[tilespmem:s15+$0xB0] =	vst v9  }
0xe3: {  	s16 =	sadd.s32 $0x40, s16;
	[tilespmem:s15+$0xC0] =	vst v20  }
0xe4: {  	s17 =	sadd.s32 $0x10, s17;
	s19 =	sand.u32 $0xE00, s16;
	[tilespmem:s15+$0xD0] =	vst v11  }
0xe5: {  	s16 =	sand.u32 $0x70, s18;
	s17 =	sshrl.u32 s19, $0x2;
	[tilespmem:s15+$0xE0] =	vst v4  }
0xe6: {  	[tilespmem:s15+$0xF0] =	vst v3;
	s16 =	sor.u32 s16, s17  }
0xe7: {  	v3 =	vld [tilespmem:s16+$0x0];
	_ =	sdelay $0x4  }
0xe8: {  	v22 =	vbroadcast v3, $0x0;
	_ =	sdelay $0x1  }
0xe9: {  	s31 =	sadd.s32 $0x200, s15;
	v5 =	vbroadcast v3, $0x1;
	v6 =	vadd.s32 v1, v22  }
0xea: {  	v4 =	vadd.s32 v2, v22;
	[tilespmem:s31+$0xFFFFFF00] =	vst v6  }
0xeb: {  	v23 =	vbroadcast v3, $0x2;
	v7 =	vadd.s32 v1, v5;
	[tilespmem:s31+$0xFFFFFF10] =	vst v4  }
0xec: {  	v24 =	vadd.s32 v2, v5;
	[tilespmem:s31+$0xFFFFFF20] =	vst v7  }
0xed: {  	v25 =	vbroadcast v3, $0x3;
	v26 =	vadd.s32 v1, v23;
	[tilespmem:s31+$0xFFFFFF30] =	vst v24  }
0xee: {  	v27 =	vadd.s32 v2, v23;
	[tilespmem:s31+$0xFFFFFF40] =	vst v26  }
0xef: {  	v29 =	vbroadcast v3, $0x4;
	v28 =	vadd.s32 v1, v25;
	[tilespmem:s31+$0xFFFFFF50] =	vst v27  }
0xf0: {  	v30 =	vadd.s32 v2, v25;
	[tilespmem:s31+$0xFFFFFF60] =	vst v28  }
0xf1: {  	v31 =	vbroadcast v3, $0x5;
	v32 =	vadd.s32 v1, v29;
	[tilespmem:s31+$0xFFFFFF70] =	vst v30  }
0xf2: {  	v33 =	vadd.s32 v2, v29;
	[tilespmem:s31+$0xFFFFFF80] =	vst v32  }
0xf3: {  	v34 =	vbroadcast v3, $0x6;
	v35 =	vadd.s32 v1, v31;
	[tilespmem:s31+$0xFFFFFF90] =	vst v33  }
0xf4: {  	v36 =	vadd.s32 v2, v31;
	[tilespmem:s31+$0xFFFFFFA0] =	vst v35  }
0xf5: {  	v37 =	vbroadcast v3, $0x7;
	v38 =	vadd.s32 v1, v34;
	[tilespmem:s31+$0xFFFFFFB0] =	vst v36  }
0xf6: {  	v39 =	vadd.s32 v2, v34;
	[tilespmem:s31+$0xFFFFFFC0] =	vst v38  }
0xf7: {  	v41 =	vbroadcast v3, $0x8;
	v40 =	vadd.s32 v1, v37;
	[tilespmem:s31+$0xFFFFFFD0] =	vst v39  }
0xf8: {  	v42 =	vadd.s32 v2, v37;
	[tilespmem:s31+$0xFFFFFFE0] =	vst v40  }
0xf9: {  	v43 =	vbroadcast v3, $0x9;
	v44 =	vadd.s32 v1, v41;
	[tilespmem:s31+$0xFFFFFFF0] =	vst v42  }
0xfa: {  	v45 =	vadd.s32 v2, v41;
	[tilespmem:s31+$0x0] =	vst v44  }
0xfb: {  	v46 =	vbroadcast v3, $0xA;
	v47 =	vadd.s32 v1, v43;
	[tilespmem:s31+$0x10] =	vst v45  }
0xfc: {  	v48 =	vadd.s32 v2, v43;
	[tilespmem:s31+$0x20] =	vst v47  }
0xfd: {  	v49 =	vbroadcast v3, $0xB;
	v50 =	vadd.s32 v1, v46;
	[tilespmem:s31+$0x30] =	vst v48  }
0xfe: {  	v51 =	vadd.s32 v2, v46;
	[tilespmem:s31+$0x40] =	vst v50  }
0xff: {  	v53 =	vbroadcast v3, $0xC;
	v52 =	vadd.s32 v1, v49;
	[tilespmem:s31+$0x50] =	vst v51  }
0x100: {  	v54 =	vadd.s32 v2, v49;
	[tilespmem:s31+$0x60] =	vst v52  }
0x101: {  	v55 =	vbroadcast v3, $0xD;
	v56 =	vadd.s32 v1, v53;
	[tilespmem:s31+$0x70] =	vst v54  }
0x102: {  	v57 =	vadd.s32 v2, v53;
	[tilespmem:s31+$0x80] =	vst v56  }
0x103: {  	v58 =	vbroadcast v3, $0xE;
	v59 =	vadd.s32 v1, v55;
	[tilespmem:s31+$0x90] =	vst v57  }
0x104: {  	v60 =	vadd.s32 v2, v55;
	[tilespmem:s31+$0xA0] =	vst v59  }
0x105: {  	v3 =	vbroadcast v3, $0xF;
	v61 =	vadd.s32 v1, v58;
	[tilespmem:s31+$0xB0] =	vst v60  }
0x106: {  	v62 =	vadd.s32 v2, v58;
	[tilespmem:s31+$0xC0] =	vst v61  }
0x107: {  	v63 =	vadd.s32 v1, v3;
	[tilespmem:s31+$0xD0] =	vst v62  }
0x108: {  	v3 =	vadd.s32 v2, v3;
	[tilespmem:s31+$0xE0] =	vst v63  }
0x109: {  	s15 =	simm.s32 $0x0;
	[tilespmem:s31+$0xF0] =	vst v3  }
.LBB2_12:
0x10a: {  	p0 =	sne.s32 s15, $0xCE00  }
.Ltmp5:
0x10b: {  	_ = 	snop;
	(pc) =	sbr.rel @p0 .LBB2_12-.Ltmp5, $4  }
0x10c: {  	_ = 	snop  }
0x10d: {  	s16 =	sshra.s32 s15, $0x2  }
0x10e: {  	s15 =	sadd.s32 $0x200, s15;
	s17 =	sadd.s32 $0x3A80, s16;
	s16 =	sadd.s32 $0x680, s16  }
0x10f: {  	[tilespmem:s17], [sflag:$0x1] =	stream.indirect.gather [hbm4b:s2+s11], $0x1, s16, s11, $0xb8;
	[tilespmem:$0x6E80] =	vst v63  }
0x110: {  	_ =	swait.ge [sflag:s12], $0x80  }
0x111: {  	s15 =	simm.s32 $0x67;
	[sflag:s12] =	ssyncset.done $0x0  }
.LBB2_14:
0x112: {  	p0 =	sne.s32 s15, $0x1;
	s15 =	sadd.s32 $0xFFFFFFFF, s15;
	[sflag:s12] =	ssyncadd.s32 $0xFFFFFF80  }
.Ltmp6:
0x113: {  	(pc) =	sbr.rel @p0 .LBB2_14-.Ltmp6, $3  }
0x114: {  	_ =	sdelay $0x1  }
0x115: {  	_ =	swait.ge [sflag:s12], $0x80  }
0x116: {  	[sflag:s12] =	ssyncset.done $0x0  }
0x117: {  	[sflag:s12] =	ssyncadd.s32 $0xFFFFFF80;
	s15 =	simm.s32 $0xD00  }
0x118: {  	[hbm4b:s6+s3] =	stream.linear.scatter [tilespmem:s13], [sflag:$0x2], $0x3400, $0x38;
	[tilespmem:$0x6E80] =	vst v63  }
0x119: {  	s16 =	simm.s32 $0x340;
	s15 =	sand.u32 $0x1E00, s15;
	_ =	swait.ge [sflag:s10], $0x3400  }
0x11a: {  	s16 =	sand.u32 $0x70, s16;
	s15 =	sshrl.u32 s15, $0x2;
	[sflag:s10] =	ssyncset.done $0x0  }
0x11b: {  	s15 =	sor.u32 s16, s15;
	[sflag:s10] =	ssyncadd.s32 $0xFFFFCC00  }
0x11c: {  	v3 =	vld [tilespmem:s15+$0x0];
	_ =	sdelay $0x4  }
0x11d: {  	v4 =	vbroadcast v3, $0x0;
	_ =	sdelay $0x1  }
0x11e: {  	s15 =	simm.s32 $0x780;
	v5 =	vbroadcast v3, $0x1;
	v6 =	vadd.s32 v1, v4  }
0x11f: {  	v4 =	vadd.s32 v2, v4;
	[tilespmem:s15+$0xFFFFFF00] =	vst v6  }
0x120: {  	v7 =	vadd.s32 v1, v5;
	v6 =	vbroadcast v3, $0x2;
	[tilespmem:s15+$0xFFFFFF10] =	vst v4  }
0x121: {  	v4 =	vadd.s32 v2, v5;
	[tilespmem:s15+$0xFFFFFF20] =	vst v7  }
0x122: {  	v5 =	vbroadcast v3, $0x3;
	[tilespmem:s15+$0xFFFFFF30] =	vst v4;
	v7 =	vadd.s32 v1, v6  }
0x123: {  	v4 =	vadd.s32 v2, v6;
	[tilespmem:s15+$0xFFFFFF40] =	vst v7  }
0x124: {  	v6 =	vadd.s32 v1, v5;
	v7 =	vbroadcast v3, $0x4;
	[tilespmem:s15+$0xFFFFFF50] =	vst v4  }
0x125: {  	v4 =	vadd.s32 v2, v5;
	[tilespmem:s15+$0xFFFFFF60] =	vst v6  }
0x126: {  	v5 =	vbroadcast v3, $0x5;
	[tilespmem:s15+$0xFFFFFF70] =	vst v4;
	v6 =	vadd.s32 v1, v7  }
0x127: {  	v4 =	vadd.s32 v2, v7;
	[tilespmem:s15+$0xFFFFFF80] =	vst v6  }
0x128: {  	v7 =	vadd.s32 v1, v5;
	v6 =	vbroadcast v3, $0x6;
	[tilespmem:s15+$0xFFFFFF90] =	vst v4  }
0x129: {  	v4 =	vadd.s32 v2, v5;
	[tilespmem:s15+$0xFFFFFFA0] =	vst v7  }
0x12a: {  	v5 =	vbroadcast v3, $0x7;
	[tilespmem:s15+$0xFFFFFFB0] =	vst v4;
	v7 =	vadd.s32 v1, v6  }
0x12b: {  	v4 =	vadd.s32 v2, v6;
	[tilespmem:s15+$0xFFFFFFC0] =	vst v7  }
0x12c: {  	v6 =	vadd.s32 v1, v5;
	v7 =	vbroadcast v3, $0x8;
	[tilespmem:s15+$0xFFFFFFD0] =	vst v4  }
0x12d: {  	v4 =	vadd.s32 v2, v5;
	[tilespmem:s15+$0xFFFFFFE0] =	vst v6  }
0x12e: {  	v5 =	vbroadcast v3, $0x9;
	[tilespmem:s15+$0xFFFFFFF0] =	vst v4;
	v6 =	vadd.s32 v1, v7  }
0x12f: {  	v4 =	vadd.s32 v2, v7;
	[tilespmem:s15+$0x0] =	vst v6  }
0x130: {  	v7 =	vadd.s32 v1, v5;
	v6 =	vbroadcast v3, $0xA;
	[tilespmem:s15+$0x10] =	vst v4  }
0x131: {  	v4 =	vadd.s32 v2, v5;
	[tilespmem:s15+$0x20] =	vst v7  }
0x132: {  	v5 =	vbroadcast v3, $0xB;
	[tilespmem:s15+$0x30] =	vst v4;
	v7 =	vadd.s32 v1, v6  }
0x133: {  	v4 =	vadd.s32 v2, v6;
	[tilespmem:s15+$0x40] =	vst v7  }
0x134: {  	v6 =	vadd.s32 v1, v5;
	v7 =	vbroadcast v3, $0xC;
	[tilespmem:s15+$0x50] =	vst v4  }
0x135: {  	v4 =	vadd.s32 v2, v5;
	[tilespmem:s15+$0x60] =	vst v6  }
0x136: {  	v5 =	vbroadcast v3, $0xD;
	[tilespmem:s15+$0x70] =	vst v4;
	v6 =	vadd.s32 v1, v7  }
0x137: {  	v4 =	vadd.s32 v2, v7;
	[tilespmem:s15+$0x80] =	vst v6  }
0x138: {  	v7 =	vadd.s32 v1, v5;
	v6 =	vbroadcast v3, $0xE;
	[tilespmem:s15+$0x90] =	vst v4  }
0x139: {  	v4 =	vadd.s32 v2, v5;
	[tilespmem:s15+$0xA0] =	vst v7  }
0x13a: {  	v3 =	vbroadcast v3, $0xF;
	[tilespmem:s15+$0xB0] =	vst v4;
	v5 =	vadd.s32 v1, v6  }
0x13b: {  	s16 =	simm.s32 $0xD40;
	v6 =	vadd.s32 v2, v6;
	[tilespmem:s15+$0xC0] =	vst v5  }
0x13c: {  	s18 =	simm.s32 $0x350;
	s17 =	simm.s32 $0x360;
	s19 =	sand.u32 $0x1E00, s16;
	v4 =	vadd.s32 v1, v3;
	v3 =	vadd.s32 v2, v3;
	[tilespmem:s15+$0xD0] =	vst v6  }
.LBB2_16:
0x13d: {  	p0 =	sne.s32 s17, $0x4D0;
	s18 =	sand.u32 $0x70, s18;
	s19 =	sshrl.u32 s19, $0x2;
	[tilespmem:s15+$0xE0] =	vst v4  }
0x13e: {  	s19 =	sor.u32 s18, s19;
	[tilespmem:s15+$0xF0] =	vst v3;
	s18 =	smov.u32 s17  }
0x13f: {  	v3 =	vld [tilespmem:s19+$0x0];
	_ =	sdelay $0x4  }
0x140: {  	v4 =	vbroadcast v3, $0x0;
	v5 =	vbroadcast v3, $0x1  }
0x141: {  	v6 =	vbroadcast v3, $0x2;
	v7 =	vbroadcast v3, $0x3  }
0x142: {  	s15 =	sadd.s32 $0x200, s15;
	v8 =	vadd.s32 v1, v4;
	v4 =	vadd.s32 v2, v4;
	v9 =	vadd.s32 v1, v5  }
0x143: {  	v5 =	vadd.s32 v2, v5;
	[tilespmem:s15+$0xFFFFFF00] =	vst v8;
	v8 =	vadd.s32 v1, v6;
	v6 =	vadd.s32 v2, v6  }
0x144: {  	v10 =	vbroadcast v3, $0x4;
	[tilespmem:s15+$0xFFFFFF10] =	vst v4;
	v4 =	vadd.s32 v1, v7;
	v7 =	vadd.s32 v2, v7  }
0x145: {  	v11 =	vbroadcast v3, $0x6;
	[tilespmem:s15+$0xFFFFFF20] =	vst v9;
	v9 =	vbroadcast v3, $0x5  }
0x146: {  	v12 =	vbroadcast v3, $0x7;
	[tilespmem:s15+$0xFFFFFF30] =	vst v5;
	v5 =	vadd.s32 v1, v10;
	v10 =	vadd.s32 v2, v10  }
0x147: {  	v13 =	vadd.s32 v1, v11;
	[tilespmem:s15+$0xFFFFFF40] =	vst v8;
	v8 =	vadd.s32 v1, v9;
	v9 =	vadd.s32 v2, v9  }
0x148: {  	[tilespmem:s15+$0xFFFFFF50] =	vst v6;
	v6 =	vadd.s32 v2, v11;
	v11 =	vadd.s32 v1, v12;
	v12 =	vadd.s32 v2, v12  }
0x149: {  	v14 =	vbroadcast v3, $0x9;
	[tilespmem:s15+$0xFFFFFF60] =	vst v4;
	v4 =	vbroadcast v3, $0x8  }
0x14a: {  	v15 =	vbroadcast v3, $0xB;
	[tilespmem:s15+$0xFFFFFF70] =	vst v7;
	v7 =	vbroadcast v3, $0xA  }
0x14b: {  	v17 =	vadd.s32 v1, v14;
	[tilespmem:s15+$0xFFFFFF80] =	vst v5;
	v5 =	vadd.s32 v1, v4;
	v16 =	vadd.s32 v2, v4  }
0x14c: {  	[tilespmem:s15+$0xFFFFFF90] =	vst v10;
	v10 =	vadd.s32 v2, v14;
	v14 =	vadd.s32 v1, v7;
	v7 =	vadd.s32 v2, v7  }
0x14d: {  	v4 =	vbroadcast v3, $0xC;
	[tilespmem:s15+$0xFFFFFFA0] =	vst v8;
	v8 =	vadd.s32 v1, v15;
	v15 =	vadd.s32 v2, v15  }
0x14e: {  	v18 =	vbroadcast v3, $0xE;
	[tilespmem:s15+$0xFFFFFFB0] =	vst v9;
	v9 =	vbroadcast v3, $0xD  }
0x14f: {  	v19 =	vadd.s32 v2, v4;
	v3 =	vbroadcast v3, $0xF;
	[tilespmem:s15+$0xFFFFFFC0] =	vst v13;
	v13 =	vadd.s32 v1, v4  }
0x150: {  	v20 =	vadd.s32 v1, v18;
	[tilespmem:s15+$0xFFFFFFD0] =	vst v6;
	v6 =	vadd.s32 v1, v9;
	v9 =	vadd.s32 v2, v9  }
0x151: {  	v4 =	vadd.s32 v1, v3;
	v3 =	vadd.s32 v2, v3;
	[tilespmem:s15+$0xFFFFFFE0] =	vst v11;
	v11 =	vadd.s32 v2, v18  }
0x152: {  	[tilespmem:s15+$0xFFFFFFF0] =	vst v12  }
0x153: {  	[tilespmem:s15+$0x0] =	vst v5  }
0x154: {  	[tilespmem:s15+$0x10] =	vst v16  }
0x155: {  	[tilespmem:s15+$0x20] =	vst v17  }
0x156: {  	[tilespmem:s15+$0x30] =	vst v10  }
0x157: {  	[tilespmem:s15+$0x40] =	vst v14  }
0x158: {  	[tilespmem:s15+$0x50] =	vst v7  }
0x159: {  	[tilespmem:s15+$0x60] =	vst v8  }
0x15a: {  	[tilespmem:s15+$0x70] =	vst v15  }
0x15b: {  	[tilespmem:s15+$0x80] =	vst v13  }
.Ltmp7:
0x15c: {  	[tilespmem:s15+$0x90] =	vst v19;
	(pc) =	sbr.rel @p0 .LBB2_16-.Ltmp7, $4  }
0x15d: {  	[tilespmem:s15+$0xA0] =	vst v6  }
0x15e: {  	[tilespmem:s15+$0xB0] =	vst v9  }
0x15f: {  	s16 =	sadd.s32 $0x40, s16;
	[tilespmem:s15+$0xC0] =	vst v20  }
0x160: {  	s17 =	sadd.s32 $0x10, s17;
	s19 =	sand.u32 $0x1E00, s16;
	[tilespmem:s15+$0xD0] =	vst v11  }
0x161: {  	s16 =	sand.u32 $0x70, s18;
	s17 =	sshrl.u32 s19, $0x2;
	[tilespmem:s15+$0xE0] =	vst v4  }
0x162: {  	[tilespmem:s15+$0xF0] =	vst v3;
	s16 =	sor.u32 s16, s17  }
0x163: {  	v3 =	vld [tilespmem:s16+$0x0];
	_ =	sdelay $0x4  }
0x164: {  	v22 =	vbroadcast v3, $0x0;
	_ =	sdelay $0x1  }
0x165: {  	s31 =	sadd.s32 $0x200, s15;
	v5 =	vbroadcast v3, $0x1;
	v6 =	vadd.s32 v1, v22  }
0x166: {  	v4 =	vadd.s32 v2, v22;
	[tilespmem:s31+$0xFFFFFF00] =	vst v6  }
0x167: {  	v23 =	vbroadcast v3, $0x2;
	v7 =	vadd.s32 v1, v5;
	[tilespmem:s31+$0xFFFFFF10] =	vst v4  }
0x168: {  	v24 =	vadd.s32 v2, v5;
	[tilespmem:s31+$0xFFFFFF20] =	vst v7  }
0x169: {  	v25 =	vbroadcast v3, $0x3;
	v26 =	vadd.s32 v1, v23;
	[tilespmem:s31+$0xFFFFFF30] =	vst v24  }
0x16a: {  	v27 =	vadd.s32 v2, v23;
	[tilespmem:s31+$0xFFFFFF40] =	vst v26  }
0x16b: {  	v29 =	vbroadcast v3, $0x4;
	v28 =	vadd.s32 v1, v25;
	[tilespmem:s31+$0xFFFFFF50] =	vst v27  }
0x16c: {  	v30 =	vadd.s32 v2, v25;
	[tilespmem:s31+$0xFFFFFF60] =	vst v28  }
0x16d: {  	v31 =	vbroadcast v3, $0x5;
	v32 =	vadd.s32 v1, v29;
	[tilespmem:s31+$0xFFFFFF70] =	vst v30  }
0x16e: {  	v33 =	vadd.s32 v2, v29;
	[tilespmem:s31+$0xFFFFFF80] =	vst v32  }
0x16f: {  	v34 =	vbroadcast v3, $0x6;
	v35 =	vadd.s32 v1, v31;
	[tilespmem:s31+$0xFFFFFF90] =	vst v33  }
0x170: {  	v36 =	vadd.s32 v2, v31;
	[tilespmem:s31+$0xFFFFFFA0] =	vst v35  }
0x171: {  	v37 =	vbroadcast v3, $0x7;
	v38 =	vadd.s32 v1, v34;
	[tilespmem:s31+$0xFFFFFFB0] =	vst v36  }
0x172: {  	v39 =	vadd.s32 v2, v34;
	[tilespmem:s31+$0xFFFFFFC0] =	vst v38  }
0x173: {  	v41 =	vbroadcast v3, $0x8;
	v40 =	vadd.s32 v1, v37;
	[tilespmem:s31+$0xFFFFFFD0] =	vst v39  }
0x174: {  	v42 =	vadd.s32 v2, v37;
	[tilespmem:s31+$0xFFFFFFE0] =	vst v40  }
0x175: {  	v43 =	vbroadcast v3, $0x9;
	v44 =	vadd.s32 v1, v41;
	[tilespmem:s31+$0xFFFFFFF0] =	vst v42  }
0x176: {  	v45 =	vadd.s32 v2, v41;
	[tilespmem:s31+$0x0] =	vst v44  }
0x177: {  	v46 =	vbroadcast v3, $0xA;
	v47 =	vadd.s32 v1, v43;
	[tilespmem:s31+$0x10] =	vst v45  }
0x178: {  	v48 =	vadd.s32 v2, v43;
	[tilespmem:s31+$0x20] =	vst v47  }
0x179: {  	v49 =	vbroadcast v3, $0xB;
	v50 =	vadd.s32 v1, v46;
	[tilespmem:s31+$0x30] =	vst v48  }
0x17a: {  	v51 =	vadd.s32 v2, v46;
	[tilespmem:s31+$0x40] =	vst v50  }
0x17b: {  	v53 =	vbroadcast v3, $0xC;
	v52 =	vadd.s32 v1, v49;
	[tilespmem:s31+$0x50] =	vst v51  }
0x17c: {  	v54 =	vadd.s32 v2, v49;
	[tilespmem:s31+$0x60] =	vst v52  }
0x17d: {  	v55 =	vbroadcast v3, $0xD;
	v56 =	vadd.s32 v1, v53;
	[tilespmem:s31+$0x70] =	vst v54  }
0x17e: {  	v57 =	vadd.s32 v2, v53;
	[tilespmem:s31+$0x80] =	vst v56  }
0x17f: {  	v58 =	vbroadcast v3, $0xE;
	v59 =	vadd.s32 v1, v55;
	[tilespmem:s31+$0x90] =	vst v57  }
0x180: {  	v60 =	vadd.s32 v2, v55;
	[tilespmem:s31+$0xA0] =	vst v59  }
0x181: {  	v3 =	vbroadcast v3, $0xF;
	v61 =	vadd.s32 v1, v58;
	[tilespmem:s31+$0xB0] =	vst v60  }
0x182: {  	v62 =	vadd.s32 v2, v58;
	[tilespmem:s31+$0xC0] =	vst v61  }
0x183: {  	v63 =	vadd.s32 v1, v3;
	[tilespmem:s31+$0xD0] =	vst v62  }
0x184: {  	v3 =	vadd.s32 v2, v3;
	[tilespmem:s31+$0xE0] =	vst v63  }
0x185: {  	s15 =	simm.s32 $0x0;
	[tilespmem:s31+$0xF0] =	vst v3  }
.LBB2_18:
0x186: {  	p0 =	sne.s32 s15, $0xCE00  }
.Ltmp8:
0x187: {  	_ = 	snop;
	(pc) =	sbr.rel @p0 .LBB2_18-.Ltmp8, $4  }
0x188: {  	_ = 	snop  }
0x189: {  	s16 =	sshra.s32 s15, $0x2  }
0x18a: {  	s15 =	sadd.s32 $0x200, s15;
	s17 =	sadd.s32 $0x3A80, s16;
	s16 =	sadd.s32 $0x680, s16  }
0x18b: {  	[tilespmem:s17], [sflag:$0x1] =	stream.indirect.gather [hbm4b:s2+s11], $0x1, s16, s11, $0xb8;
	[tilespmem:$0x6E80] =	vst v63  }
0x18c: {  	_ =	swait.ge [sflag:s12], $0x80  }
0x18d: {  	s15 =	simm.s32 $0x67;
	[sflag:s12] =	ssyncset.done $0x0  }
.LBB2_20:
0x18e: {  	p0 =	sne.s32 s15, $0x1;
	s15 =	sadd.s32 $0xFFFFFFFF, s15;
	[sflag:s12] =	ssyncadd.s32 $0xFFFFFF80  }
.Ltmp9:
0x18f: {  	(pc) =	sbr.rel @p0 .LBB2_20-.Ltmp9, $3  }
0x190: {  	_ =	sdelay $0x1  }
0x191: {  	_ =	swait.ge [sflag:s12], $0x80  }
0x192: {  	[sflag:s12] =	ssyncset.done $0x0  }
0x193: {  	[sflag:s12] =	ssyncadd.s32 $0xFFFFFF80;
	s15 =	simm.s32 $0x1380  }
0x194: {  	[hbm4b:s7+s3] =	stream.linear.scatter [tilespmem:s13], [sflag:$0x2], $0x3400, $0x38;
	[tilespmem:$0x6E80] =	vst v63  }
0x195: {  	s16 =	simm.s32 $0x4E0;
	s15 =	sand.u32 $0x1E00, s15;
	_ =	swait.ge [sflag:s10], $0x3400  }
0x196: {  	s16 =	sand.u32 $0x70, s16;
	s15 =	sshrl.u32 s15, $0x2;
	[sflag:s10] =	ssyncset.done $0x0  }
0x197: {  	s15 =	sor.u32 s16, s15;
	[sflag:s10] =	ssyncadd.s32 $0xFFFFCC00  }
0x198: {  	v3 =	vld [tilespmem:s15+$0x0];
	_ =	sdelay $0x4  }
0x199: {  	v4 =	vbroadcast v3, $0x0;
	_ =	sdelay $0x1  }
0x19a: {  	s15 =	simm.s32 $0x780;
	v5 =	vbroadcast v3, $0x1;
	v6 =	vadd.s32 v1, v4  }
0x19b: {  	v4 =	vadd.s32 v2, v4;
	[tilespmem:s15+$0xFFFFFF00] =	vst v6  }
0x19c: {  	v7 =	vadd.s32 v1, v5;
	v6 =	vbroadcast v3, $0x2;
	[tilespmem:s15+$0xFFFFFF10] =	vst v4  }
0x19d: {  	v4 =	vadd.s32 v2, v5;
	[tilespmem:s15+$0xFFFFFF20] =	vst v7  }
0x19e: {  	v5 =	vbroadcast v3, $0x3;
	[tilespmem:s15+$0xFFFFFF30] =	vst v4;
	v7 =	vadd.s32 v1, v6  }
0x19f: {  	v4 =	vadd.s32 v2, v6;
	[tilespmem:s15+$0xFFFFFF40] =	vst v7  }
0x1a0: {  	v6 =	vadd.s32 v1, v5;
	v7 =	vbroadcast v3, $0x4;
	[tilespmem:s15+$0xFFFFFF50] =	vst v4  }
0x1a1: {  	v4 =	vadd.s32 v2, v5;
	[tilespmem:s15+$0xFFFFFF60] =	vst v6  }
0x1a2: {  	v5 =	vbroadcast v3, $0x5;
	[tilespmem:s15+$0xFFFFFF70] =	vst v4;
	v6 =	vadd.s32 v1, v7  }
0x1a3: {  	v4 =	vadd.s32 v2, v7;
	[tilespmem:s15+$0xFFFFFF80] =	vst v6  }
0x1a4: {  	v7 =	vadd.s32 v1, v5;
	v6 =	vbroadcast v3, $0x6;
	[tilespmem:s15+$0xFFFFFF90] =	vst v4  }
0x1a5: {  	v4 =	vadd.s32 v2, v5;
	[tilespmem:s15+$0xFFFFFFA0] =	vst v7  }
0x1a6: {  	v5 =	vbroadcast v3, $0x7;
	[tilespmem:s15+$0xFFFFFFB0] =	vst v4;
	v7 =	vadd.s32 v1, v6  }
0x1a7: {  	v4 =	vadd.s32 v2, v6;
	[tilespmem:s15+$0xFFFFFFC0] =	vst v7  }
0x1a8: {  	v6 =	vadd.s32 v1, v5;
	v7 =	vbroadcast v3, $0x8;
	[tilespmem:s15+$0xFFFFFFD0] =	vst v4  }
0x1a9: {  	v4 =	vadd.s32 v2, v5;
	[tilespmem:s15+$0xFFFFFFE0] =	vst v6  }
0x1aa: {  	v5 =	vbroadcast v3, $0x9;
	[tilespmem:s15+$0xFFFFFFF0] =	vst v4;
	v6 =	vadd.s32 v1, v7  }
0x1ab: {  	v4 =	vadd.s32 v2, v7;
	[tilespmem:s15+$0x0] =	vst v6  }
0x1ac: {  	v7 =	vadd.s32 v1, v5;
	v6 =	vbroadcast v3, $0xA;
	[tilespmem:s15+$0x10] =	vst v4  }
0x1ad: {  	v4 =	vadd.s32 v2, v5;
	[tilespmem:s15+$0x20] =	vst v7  }
0x1ae: {  	v5 =	vbroadcast v3, $0xB;
	[tilespmem:s15+$0x30] =	vst v4;
	v7 =	vadd.s32 v1, v6  }
0x1af: {  	v4 =	vadd.s32 v2, v6;
	[tilespmem:s15+$0x40] =	vst v7  }
0x1b0: {  	v6 =	vadd.s32 v1, v5;
	v7 =	vbroadcast v3, $0xC;
	[tilespmem:s15+$0x50] =	vst v4  }
0x1b1: {  	v4 =	vadd.s32 v2, v5;
	[tilespmem:s15+$0x60] =	vst v6  }
0x1b2: {  	v5 =	vbroadcast v3, $0xD;
	[tilespmem:s15+$0x70] =	vst v4;
	v6 =	vadd.s32 v1, v7  }
0x1b3: {  	v4 =	vadd.s32 v2, v7;
	[tilespmem:s15+$0x80] =	vst v6  }
0x1b4: {  	v7 =	vadd.s32 v1, v5;
	v6 =	vbroadcast v3, $0xE;
	[tilespmem:s15+$0x90] =	vst v4  }
0x1b5: {  	v4 =	vadd.s32 v2, v5;
	[tilespmem:s15+$0xA0] =	vst v7  }
0x1b6: {  	v3 =	vbroadcast v3, $0xF;
	[tilespmem:s15+$0xB0] =	vst v4;
	v5 =	vadd.s32 v1, v6  }
0x1b7: {  	s16 =	simm.s32 $0x13C0;
	v6 =	vadd.s32 v2, v6;
	[tilespmem:s15+$0xC0] =	vst v5  }
0x1b8: {  	s18 =	simm.s32 $0x4F0;
	s17 =	simm.s32 $0x500;
	s19 =	sand.u32 $0x1E00, s16;
	v4 =	vadd.s32 v1, v3;
	v3 =	vadd.s32 v2, v3;
	[tilespmem:s15+$0xD0] =	vst v6  }
.LBB2_22:
0x1b9: {  	p0 =	sne.s32 s17, $0x670;
	s18 =	sand.u32 $0x70, s18;
	s19 =	sshrl.u32 s19, $0x2;
	[tilespmem:s15+$0xE0] =	vst v4  }
0x1ba: {  	s19 =	sor.u32 s18, s19;
	[tilespmem:s15+$0xF0] =	vst v3;
	s18 =	smov.u32 s17  }
0x1bb: {  	v3 =	vld [tilespmem:s19+$0x0];
	_ =	sdelay $0x4  }
0x1bc: {  	v4 =	vbroadcast v3, $0x0;
	v5 =	vbroadcast v3, $0x1  }
0x1bd: {  	v6 =	vbroadcast v3, $0x2;
	v7 =	vbroadcast v3, $0x3  }
0x1be: {  	s15 =	sadd.s32 $0x200, s15;
	v8 =	vadd.s32 v1, v4;
	v4 =	vadd.s32 v2, v4;
	v9 =	vadd.s32 v1, v5  }
0x1bf: {  	v5 =	vadd.s32 v2, v5;
	[tilespmem:s15+$0xFFFFFF00] =	vst v8;
	v8 =	vadd.s32 v1, v6;
	v6 =	vadd.s32 v2, v6  }
0x1c0: {  	v10 =	vbroadcast v3, $0x4;
	[tilespmem:s15+$0xFFFFFF10] =	vst v4;
	v4 =	vadd.s32 v1, v7;
	v7 =	vadd.s32 v2, v7  }
0x1c1: {  	v11 =	vbroadcast v3, $0x6;
	[tilespmem:s15+$0xFFFFFF20] =	vst v9;
	v9 =	vbroadcast v3, $0x5  }
0x1c2: {  	v12 =	vbroadcast v3, $0x7;
	[tilespmem:s15+$0xFFFFFF30] =	vst v5;
	v5 =	vadd.s32 v1, v10;
	v10 =	vadd.s32 v2, v10  }
0x1c3: {  	v13 =	vadd.s32 v1, v11;
	[tilespmem:s15+$0xFFFFFF40] =	vst v8;
	v8 =	vadd.s32 v1, v9;
	v9 =	vadd.s32 v2, v9  }
0x1c4: {  	[tilespmem:s15+$0xFFFFFF50] =	vst v6;
	v6 =	vadd.s32 v2, v11;
	v11 =	vadd.s32 v1, v12;
	v12 =	vadd.s32 v2, v12  }
0x1c5: {  	v14 =	vbroadcast v3, $0x9;
	[tilespmem:s15+$0xFFFFFF60] =	vst v4;
	v4 =	vbroadcast v3, $0x8  }
0x1c6: {  	v15 =	vbroadcast v3, $0xB;
	[tilespmem:s15+$0xFFFFFF70] =	vst v7;
	v7 =	vbroadcast v3, $0xA  }
0x1c7: {  	v17 =	vadd.s32 v1, v14;
	[tilespmem:s15+$0xFFFFFF80] =	vst v5;
	v5 =	vadd.s32 v1, v4;
	v16 =	vadd.s32 v2, v4  }
0x1c8: {  	[tilespmem:s15+$0xFFFFFF90] =	vst v10;
	v10 =	vadd.s32 v2, v14;
	v14 =	vadd.s32 v1, v7;
	v7 =	vadd.s32 v2, v7  }
0x1c9: {  	v4 =	vbroadcast v3, $0xC;
	[tilespmem:s15+$0xFFFFFFA0] =	vst v8;
	v8 =	vadd.s32 v1, v15;
	v15 =	vadd.s32 v2, v15  }
0x1ca: {  	v18 =	vbroadcast v3, $0xE;
	[tilespmem:s15+$0xFFFFFFB0] =	vst v9;
	v9 =	vbroadcast v3, $0xD  }
0x1cb: {  	v19 =	vadd.s32 v2, v4;
	v3 =	vbroadcast v3, $0xF;
	[tilespmem:s15+$0xFFFFFFC0] =	vst v13;
	v13 =	vadd.s32 v1, v4  }
0x1cc: {  	v20 =	vadd.s32 v1, v18;
	[tilespmem:s15+$0xFFFFFFD0] =	vst v6;
	v6 =	vadd.s32 v1, v9;
	v9 =	vadd.s32 v2, v9  }
0x1cd: {  	v4 =	vadd.s32 v1, v3;
	v3 =	vadd.s32 v2, v3;
	[tilespmem:s15+$0xFFFFFFE0] =	vst v11;
	v11 =	vadd.s32 v2, v18  }
0x1ce: {  	[tilespmem:s15+$0xFFFFFFF0] =	vst v12  }
0x1cf: {  	[tilespmem:s15+$0x0] =	vst v5  }
0x1d0: {  	[tilespmem:s15+$0x10] =	vst v16  }
0x1d1: {  	[tilespmem:s15+$0x20] =	vst v17  }
0x1d2: {  	[tilespmem:s15+$0x30] =	vst v10  }
0x1d3: {  	[tilespmem:s15+$0x40] =	vst v14  }
0x1d4: {  	[tilespmem:s15+$0x50] =	vst v7  }
0x1d5: {  	[tilespmem:s15+$0x60] =	vst v8  }
0x1d6: {  	[tilespmem:s15+$0x70] =	vst v15  }
0x1d7: {  	[tilespmem:s15+$0x80] =	vst v13  }
.Ltmp10:
0x1d8: {  	[tilespmem:s15+$0x90] =	vst v19;
	(pc) =	sbr.rel @p0 .LBB2_22-.Ltmp10, $4  }
0x1d9: {  	[tilespmem:s15+$0xA0] =	vst v6  }
0x1da: {  	[tilespmem:s15+$0xB0] =	vst v9  }
0x1db: {  	s16 =	sadd.s32 $0x40, s16;
	[tilespmem:s15+$0xC0] =	vst v20  }
0x1dc: {  	s17 =	sadd.s32 $0x10, s17;
	s19 =	sand.u32 $0x1E00, s16;
	[tilespmem:s15+$0xD0] =	vst v11  }
0x1dd: {  	s16 =	sand.u32 $0x70, s18;
	s17 =	sshrl.u32 s19, $0x2;
	[tilespmem:s15+$0xE0] =	vst v4  }
0x1de: {  	[tilespmem:s15+$0xF0] =	vst v3;
	s16 =	sor.u32 s16, s17  }
0x1df: {  	v3 =	vld [tilespmem:s16+$0x0];
	_ =	sdelay $0x4  }
0x1e0: {  	v22 =	vbroadcast v3, $0x0;
	_ =	sdelay $0x1  }
0x1e1: {  	s31 =	sadd.s32 $0x200, s15;
	v5 =	vbroadcast v3, $0x1;
	v6 =	vadd.s32 v1, v22  }
0x1e2: {  	v4 =	vadd.s32 v2, v22;
	[tilespmem:s31+$0xFFFFFF00] =	vst v6  }
0x1e3: {  	v23 =	vbroadcast v3, $0x2;
	v7 =	vadd.s32 v1, v5;
	[tilespmem:s31+$0xFFFFFF10] =	vst v4  }
0x1e4: {  	v24 =	vadd.s32 v2, v5;
	[tilespmem:s31+$0xFFFFFF20] =	vst v7  }
0x1e5: {  	v25 =	vbroadcast v3, $0x3;
	v26 =	vadd.s32 v1, v23;
	[tilespmem:s31+$0xFFFFFF30] =	vst v24  }
0x1e6: {  	v27 =	vadd.s32 v2, v23;
	[tilespmem:s31+$0xFFFFFF40] =	vst v26  }
0x1e7: {  	v29 =	vbroadcast v3, $0x4;
	v28 =	vadd.s32 v1, v25;
	[tilespmem:s31+$0xFFFFFF50] =	vst v27  }
0x1e8: {  	v30 =	vadd.s32 v2, v25;
	[tilespmem:s31+$0xFFFFFF60] =	vst v28  }
0x1e9: {  	v31 =	vbroadcast v3, $0x5;
	v32 =	vadd.s32 v1, v29;
	[tilespmem:s31+$0xFFFFFF70] =	vst v30  }
0x1ea: {  	v33 =	vadd.s32 v2, v29;
	[tilespmem:s31+$0xFFFFFF80] =	vst v32  }
0x1eb: {  	v34 =	vbroadcast v3, $0x6;
	v35 =	vadd.s32 v1, v31;
	[tilespmem:s31+$0xFFFFFF90] =	vst v33  }
0x1ec: {  	v36 =	vadd.s32 v2, v31;
	[tilespmem:s31+$0xFFFFFFA0] =	vst v35  }
0x1ed: {  	v37 =	vbroadcast v3, $0x7;
	v38 =	vadd.s32 v1, v34;
	[tilespmem:s31+$0xFFFFFFB0] =	vst v36  }
0x1ee: {  	v39 =	vadd.s32 v2, v34;
	[tilespmem:s31+$0xFFFFFFC0] =	vst v38  }
0x1ef: {  	v41 =	vbroadcast v3, $0x8;
	v40 =	vadd.s32 v1, v37;
	[tilespmem:s31+$0xFFFFFFD0] =	vst v39  }
0x1f0: {  	v42 =	vadd.s32 v2, v37;
	[tilespmem:s31+$0xFFFFFFE0] =	vst v40  }
0x1f1: {  	v43 =	vbroadcast v3, $0x9;
	v44 =	vadd.s32 v1, v41;
	[tilespmem:s31+$0xFFFFFFF0] =	vst v42  }
0x1f2: {  	v45 =	vadd.s32 v2, v41;
	[tilespmem:s31+$0x0] =	vst v44  }
0x1f3: {  	v46 =	vbroadcast v3, $0xA;
	v47 =	vadd.s32 v1, v43;
	[tilespmem:s31+$0x10] =	vst v45  }
0x1f4: {  	v48 =	vadd.s32 v2, v43;
	[tilespmem:s31+$0x20] =	vst v47  }
0x1f5: {  	v49 =	vbroadcast v3, $0xB;
	v50 =	vadd.s32 v1, v46;
	[tilespmem:s31+$0x30] =	vst v48  }
0x1f6: {  	v51 =	vadd.s32 v2, v46;
	[tilespmem:s31+$0x40] =	vst v50  }
0x1f7: {  	v53 =	vbroadcast v3, $0xC;
	v52 =	vadd.s32 v1, v49;
	[tilespmem:s31+$0x50] =	vst v51  }
0x1f8: {  	v54 =	vadd.s32 v2, v49;
	[tilespmem:s31+$0x60] =	vst v52  }
0x1f9: {  	v55 =	vbroadcast v3, $0xD;
	v56 =	vadd.s32 v1, v53;
	[tilespmem:s31+$0x70] =	vst v54  }
0x1fa: {  	v57 =	vadd.s32 v2, v53;
	[tilespmem:s31+$0x80] =	vst v56  }
0x1fb: {  	v58 =	vbroadcast v3, $0xE;
	v59 =	vadd.s32 v1, v55;
	[tilespmem:s31+$0x90] =	vst v57  }
0x1fc: {  	v60 =	vadd.s32 v2, v55;
	[tilespmem:s31+$0xA0] =	vst v59  }
0x1fd: {  	v3 =	vbroadcast v3, $0xF;
	v61 =	vadd.s32 v1, v58;
	[tilespmem:s31+$0xB0] =	vst v60  }
0x1fe: {  	v62 =	vadd.s32 v2, v58;
	[tilespmem:s31+$0xC0] =	vst v61  }
0x1ff: {  	v63 =	vadd.s32 v1, v3;
	[tilespmem:s31+$0xD0] =	vst v62  }
0x200: {  	v3 =	vadd.s32 v2, v3;
	[tilespmem:s31+$0xE0] =	vst v63  }
0x201: {  	s15 =	simm.s32 $0x0;
	[tilespmem:s31+$0xF0] =	vst v3  }
.LBB2_24:
0x202: {  	p0 =	sne.s32 s15, $0xCE00  }
.Ltmp11:
0x203: {  	_ = 	snop;
	(pc) =	sbr.rel @p0 .LBB2_24-.Ltmp11, $4  }
0x204: {  	_ = 	snop  }
0x205: {  	s16 =	sshra.s32 s15, $0x2  }
0x206: {  	s15 =	sadd.s32 $0x200, s15;
	s17 =	sadd.s32 $0x3A80, s16;
	s16 =	sadd.s32 $0x680, s16  }
0x207: {  	[tilespmem:s17], [sflag:$0x1] =	stream.indirect.gather [hbm4b:s2+s11], $0x1, s16, s11, $0xb8;
	[tilespmem:$0x6E80] =	vst v63  }
0x208: {  	_ =	swait.ge [sflag:s12], $0x80  }
0x209: {  	s15 =	simm.s32 $0x67;
	[sflag:s12] =	ssyncset.done $0x0  }
.LBB2_26:
0x20a: {  	p0 =	sne.s32 s15, $0x1;
	s15 =	sadd.s32 $0xFFFFFFFF, s15;
	[sflag:s12] =	ssyncadd.s32 $0xFFFFFF80  }
.Ltmp12:
0x20b: {  	(pc) =	sbr.rel @p0 .LBB2_26-.Ltmp12, $3  }
0x20c: {  	_ =	sdelay $0x1  }
0x20d: {  	_ =	swait.ge [sflag:s12], $0x80  }
0x20e: {  	[sflag:s12] =	ssyncset.done $0x0  }
0x20f: {  	s14 =	sadd.s32 $0x1, s14  }
0x210: {  	p0 =	sne.s32 s14, s9  }
.Ltmp13:
0x211: {  	[sflag:s12] =	ssyncadd.s32 $0xFFFFFF80;
	(pc) =	sbr.rel @p0 .LBB2_1-.Ltmp13, $4  }
0x212: {  	[hbm4b:s8+s3] =	stream.linear.scatter [tilespmem:s13], [sflag:$0x2], $0x3400, $0x38;
	[tilespmem:$0x6E80] =	vst v63  }
0x213: {  	_ =	swait.ge [sflag:s10], $0x3400  }
0x214: {  	[sflag:s10] =	ssyncset.done $0x0  }
0x215: {  	[sflag:s10] =	ssyncadd.s32 $0xFFFFCC00  }
0x216: {  	_ =	sfence.sel $0x180000  }
0x217: {  	[bflag:$0x0] =	sbarrier.arrive $0xFFFF  }
0x218: {  	p0 =	sne.s32 s0, $0x0;
	_ =	strace $0x90000047  }
0x219: {  	s0 =	sadd.s32 @!p0 $0x100000, s1;
	[bflag:$0x2] =	sbarrier.arrive $0xFFFF  }
0x21a: {  	[sflag:s0] =	ssyncadd.tile.s32 @!p0 $0x1;
	_ =	shalt  }
.Lfunc_end2:
_tile_overlayer_lowered:
.L_overlay_start_2:
0x21b: {  	(tag) =	ssettag $0x2  }
0x21c: {  	s0 =	rddreg [dreg:$0x0];
	s2 =	stileid.u32  }
0x21d: {  	s1 =	rddreg [dreg:$0x1];
	p0 =	sne.s32 s2, $0x0  }
0x21e: {  	s3 =	rddreg [dreg:$0x2];
	[bflag:$0x3] =	sbarrier.arrive $0xFFFF;
	s2 =	simm.s32 @!p0 $0x1C02  }
0x21f: {  	[timem:s3], [sflag:s2] =	dma.local @!p0 [hbm:s0], s1  }
0x220: {  	s0 =	simm.s32 @!p0 $0x2  }
0x221: {  	_ =	swait.ge @!p0 [sflag:s0], s1  }
0x222: {  	s1 =	ssub.s32 @!p0 $0x0, s1;
	[sflag:s0] =	ssyncset.done @!p0 $0x0  }
0x223: {  	[sflag:s0] =	ssyncadd.s32 @!p0 s1  }
0x224: {  	[bflag:$0x3] =	sbarrier.arrive $0xFFFF  }
0x225: {  	_ =	shalt  }

</sc_bundles>
